<compile_context>
chip_gen: v7x
topology: tpu7x:2x2x1
jax: 0.10.2.dev20260603
libtpu: 0.0.44.dev20260713+nightly
codegen_flags: <defaults>
</compile_context>

<pallas_src>
import functools

import jax
import jax.numpy as jnp
from jax import lax
from jax.experimental import pallas as pl
from jax.experimental.pallas import tpu as pltpu
from jax.experimental.pallas import tpu_sc as plsc

N = 10000
E = 320000
D = 128
DH = 64
NC = 2
NS = 16
L = 16

C = 128
G = 8
NCH = 160
NGR = NCH // G
EPT = NCH * C
EPAD = NS * EPT

RPT = 640
NPAD = NS * RPT
RC = 128
NRC = RPT // RC

_F32 = jnp.float32


def _rsqrt16(v):
    half = jnp.full((L,), 0.5, _F32)
    quart = jnp.full((L,), 0.25, _F32)
    four = jnp.full((L,), 4.0, _F32)
    three_half = jnp.full((L,), 1.5, _F32)
    c0 = jnp.full((L,), 1.1032, _F32)
    c1 = jnp.full((L,), 1.0 / 6.0, _F32)
    y = jnp.full((L,), 1.0, _F32)
    m = v
    for _ in range(10):
        big = m >= four
        y = jnp.where(big, y * half, y)
        m = jnp.where(big, m * quart, m)
    y = y * (c0 - c1 * m)
    for _ in range(4):
        y = y * (three_half - half * v * y * y)
    return y


def _scale_rows(nbuf, sref, base):
    def body(i, _):
        dv16 = sref[pl.ds(base + i, L)]
        dv = jnp.full((L,), dv16[0], _F32)
        for q in range(DH // L):
            sl = pl.ds(q * L, L)
            nbuf[i, sl] = nbuf[i, sl] * dv
        return 0
    lax.fori_loop(0, RC, body, 0)


def _fill(ref, n, val):
    vec = jnp.full((L,), val, ref.dtype)
    def body(k, _):
        ref[pl.ds(k * L, L)] = vec
        return 0
    lax.fori_loop(0, n // L, body, 0)


def _sc_body(xs, rowc, colc, out,
             y_sh, z_sh, deg_sh,
             col_v, row_v, gbuf, nbuf, degt, dtile, itile, ones_v, idxb,
             gs0, gs1, ss0, ss1, hsem, isem):
    c = lax.axis_index("c")
    s = lax.axis_index("s")
    gsems = (gs0, gs1)
    ssems = (ss0, ss1)

    _fill(ones_v, C, 1.0)
    _fill(degt, RPT, 1.0)
    pltpu.sync_copy(degt, deg_sh.at[pl.ds(s * RPT, RPT)])
    plsc.subcore_barrier()

    def _load_idx(g, slot, ref, src):
        return pltpu.async_copy(src.at[s, pl.ds(g * G, G)], ref.at[slot], isem)

    def _hist_group(slot):
        descs = [
            pltpu.async_copy(
                ones_v, deg_sh.at[col_v.at[slot, j]], hsem, add=True)
            for j in range(G)
        ]
        for dsc in descs:
            dsc.wait()

    _load_idx(0, 0, col_v, colc)
    def hist(h, _):
        g0 = 2 * h
        pltpu.make_async_copy(
            colc.at[s, pl.ds(g0 * G, G)], col_v.at[0], isem).wait()
        _load_idx(g0 + 1, 1, col_v, colc)
        _hist_group(0)
        pltpu.make_async_copy(
            colc.at[s, pl.ds(g0 * G, G)], col_v.at[1], isem).wait()
        @pl.when(h + 1 < NGR // 2)
        def _():
            _load_idx(g0 + 2, 0, col_v, colc)
        _hist_group(1)
        return 0
    lax.fori_loop(0, NGR // 2, hist, 0)
    plsc.subcore_barrier()

    pltpu.sync_copy(deg_sh.at[pl.ds(s * RPT, RPT)], degt)
    def dcalc(k, _):
        sl = pl.ds(k * L, L)
        y = _rsqrt16(degt[sl])
        dtile[sl] = y
        itile[sl] = y * y
        return 0
    lax.fori_loop(0, RPT // L, dcalc, 0)

    def _fill_idx(g0):
        def body(k, _):
            idxb[0, pl.ds(k * L, L)] = lax.iota(jnp.int32, L) + g0 + k * L
            return 0
        lax.fori_loop(0, RC // L, body, 0)

    def prescale(r, _):
        g0 = s * RPT + r * RC
        pltpu.sync_copy(xs.at[c, pl.ds(g0, RC), :], nbuf)
        _scale_rows(nbuf, dtile, r * RC)
        _fill_idx(g0)
        pltpu.sync_copy(nbuf, y_sh.at[idxb.at[0]])
        pltpu.sync_copy(nbuf, z_sh.at[idxb.at[0]])
        return 0
    lax.fori_loop(0, NRC, prescale, 0)
    plsc.subcore_barrier()

    def _edge_group(slot):
        gd = [None] * G
        sd = [None] * G
        gd[0] = pltpu.async_copy(y_sh.at[col_v.at[slot, 0]], gbuf.at[0], gs0)
        for j in range(G):
            b = j & 1
            gd[j].wait()
            sd[j] = pltpu.async_copy(
                gbuf.at[b], z_sh.at[row_v.at[slot, j]], ssems[b], add=True)
            if j + 1 < G:
                nb = (j + 1) & 1
                if j >= 1:
                    sd[j - 1].wait()
                gd[j + 1] = pltpu.async_copy(
                    y_sh.at[col_v.at[slot, j + 1]], gbuf.at[nb], gsems[nb])
        sd[G - 2].wait()
        sd[G - 1].wait()

    def _wait_idx(ref, slot):
        pltpu.make_async_copy(
            colc.at[s, pl.ds(0, G)], ref.at[slot], isem).wait()

    def _prefetch(g, slot):
        pltpu.async_copy(colc.at[s, pl.ds(g * G, G)], col_v.at[slot], isem)
        pltpu.async_copy(rowc.at[s, pl.ds(g * G, G)], row_v.at[slot], isem)

    def edges(h, _):
        g0 = 2 * h
        _wait_idx(col_v, 0)
        _wait_idx(row_v, 0)
        _prefetch(g0 + 1, 1)
        _edge_group(0)
        _wait_idx(col_v, 1)
        _wait_idx(row_v, 1)
        @pl.when(h + 1 < NGR // 2)
        def _():
            _prefetch(g0 + 2, 0)
        _edge_group(1)
        return 0

    _prefetch(0, 0)
    lax.fori_loop(0, NGR // 2, edges, 0)
    plsc.subcore_barrier()

    def midscale(r, _):
        g0 = s * RPT + r * RC
        pltpu.sync_copy(z_sh.at[pl.ds(g0, RC)], nbuf)
        _scale_rows(nbuf, itile, r * RC)
        _fill_idx(g0)
        pltpu.sync_copy(nbuf, y_sh.at[idxb.at[0]])
        pltpu.sync_copy(nbuf, z_sh.at[idxb.at[0]])
        return 0
    lax.fori_loop(0, NRC, midscale, 0)
    plsc.subcore_barrier()

    _prefetch(0, 0)
    lax.fori_loop(0, NGR // 2, edges, 0)
    plsc.subcore_barrier()

    def finalize(r, _):
        g0 = s * RPT + r * RC
        pltpu.sync_copy(z_sh.at[pl.ds(g0, RC)], nbuf)
        _scale_rows(nbuf, dtile, r * RC)
        pltpu.sync_copy(nbuf, out.at[c, pl.ds(g0, RC), :])
        return 0
    lax.fori_loop(0, NRC, finalize, 0)


def _mm_body(xa_ref, xb_ref, wa_ref, wb_ref, b_ref, o_ref):
    o_ref[...] = (
        jnp.dot(xa_ref[...], wa_ref[...], preferred_element_type=_F32)
        + jnp.dot(xb_ref[...], wb_ref[...], preferred_element_type=_F32)
        + b_ref[...]
    )


def kernel(x, edge_index, W, b):
    xs = x.reshape(N, NC, DH).transpose(1, 0, 2)
    xs = jnp.pad(xs, ((0, 0), (0, NPAD - N), (0, 0)))
    pad = jnp.full((EPAD - E,), N, jnp.int32)
    rowp = jnp.concatenate([edge_index[0], pad]).reshape(NS, NCH, C)
    colp = jnp.concatenate([edge_index[1], pad]).reshape(NS, NCH, C)

    mesh = plsc.VectorSubcoreMesh(
        core_axis_name="c", subcore_axis_name="s", num_cores=NC, num_subcores=NS
    )
    sc_fn = pl.kernel(
        _sc_body,
        out_type=jax.ShapeDtypeStruct((NC, NPAD, DH), _F32),
        mesh=mesh,
        compiler_params=pltpu.CompilerParams(
            needs_layout_passes=False, use_tc_tiling_on_sc=False
        ),
        scratch_types=[
            pltpu.VMEM_SHARED((NPAD, DH), _F32),
            pltpu.VMEM_SHARED((NPAD, DH), _F32),
            pltpu.VMEM_SHARED((NPAD,), _F32),
            pltpu.VMEM((2, G, C), jnp.int32),
            pltpu.VMEM((2, G, C), jnp.int32),
            pltpu.VMEM((2, C, DH), _F32),
            pltpu.VMEM((RC, DH), _F32),
            pltpu.VMEM((RPT,), _F32),
            pltpu.VMEM((RPT + L,), _F32),
            pltpu.VMEM((RPT + L,), _F32),
            pltpu.VMEM((C,), _F32),
            pltpu.VMEM((1, RC), jnp.int32),
            pltpu.SemaphoreType.DMA,
            pltpu.SemaphoreType.DMA,
            pltpu.SemaphoreType.DMA,
            pltpu.SemaphoreType.DMA,
            pltpu.SemaphoreType.DMA,
            pltpu.SemaphoreType.DMA,
        ],
    )
    x2s = sc_fn(xs, rowp, colp)

    wt = W.T.reshape(NC, DH, D)
    blk = 1000
    out = pl.pallas_call(
        _mm_body,
        grid=(N // blk,),
        in_specs=[
            pl.BlockSpec((blk, DH), lambda i: (i, 0)),
            pl.BlockSpec((blk, DH), lambda i: (i, 0)),
            pl.BlockSpec((DH, D), lambda i: (0, 0)),
            pl.BlockSpec((DH, D), lambda i: (0, 0)),
            pl.BlockSpec((1, D), lambda i: (0, 0)),
        ],
        out_specs=pl.BlockSpec((blk, D), lambda i: (i, 0)),
        out_shape=jax.ShapeDtypeStruct((N, D), _F32),
    )(x2s[0], x2s[1], wt[0], wt[1], b.reshape(1, D))
    return out

# --- scband reference (transcript-rebuilt; emitter-appended) ---
"""Pipeline reference for scband-sgc-74483322847409 (READ-ONLY COPY).

The authoritative reference and input builder live on the scoring server;
editing this copy changes nothing except your own understanding.
"""

import jax, jax.numpy as jnp
import numpy as np

N = 10000
E = 320000
D_IN = 128
D_OUT = 128
K = 2
ALPHA = 0.5


def setup_inputs(seed: int = 0) -> dict:
    key = jax.random.key(seed)
    k1, k2, k3, k4 = jax.random.split(key, 4)
    x = jax.random.normal(k1, (N, D_IN), dtype=jnp.float32)
    edge_index = jax.random.randint(k2, (2, E), 0, N, dtype=jnp.int32)
    W = jax.random.normal(k3, (D_OUT, D_IN), dtype=jnp.float32) * 0.05
    b = jax.random.normal(k4, (D_OUT,), dtype=jnp.float32) * 0.05
    return {"x": x, "edge_index": edge_index, "W": W, "b": b}


def reference(x, edge_index, W, b):
    num_nodes = x.shape[0]
    # add self loops
    loops = jnp.arange(num_nodes, dtype=edge_index.dtype)
    row = jnp.concatenate([edge_index[0], loops])
    col = jnp.concatenate([edge_index[1], loops])
    # degree of col nodes
    deg = jnp.bincount(col, length=num_nodes).astype(x.dtype)
    deg_inv_left = deg ** (-ALPHA)
    deg_inv_right = deg ** (ALPHA - 1.0)
    deg_inv_left = jnp.where(jnp.isinf(deg_inv_left), 0.0, deg_inv_left)
    deg_inv_right = jnp.where(jnp.isinf(deg_inv_right), 0.0, deg_inv_right)
    edge_weight = deg_inv_left[row] * deg_inv_right[col]
    for _ in range(K):
        msgs = edge_weight[:, None] * x[col]
        x = jnp.zeros_like(x).at[row].add(msgs)
    return x @ W.T + b

if __name__ == "__main__":
    import jax
    _d = setup_inputs()
    print(jax.jit(kernel)(*tuple(_d.values())))

</pallas_src>

<mosaic_0001>
#map = affine_map<(d0, d1) -> (0, 0, 0)>
module attributes {stable_mosaic.version = 14 : i64} {
  func.func @_sc_body(%arg0: i32, %arg1: i32, %arg2: memref<2x10240x64xf32, #tpu.memory_space<hbm>>, %arg3: memref<16x160x128xi32, #tpu.memory_space<hbm>>, %arg4: memref<16x160x128xi32, #tpu.memory_space<hbm>>, %arg5: memref<2x10240x64xf32, #tpu.memory_space<hbm>>, %arg6: memref<10240x64xf32, #tpu.memory_space<vmem_shared>>, %arg7: memref<10240x64xf32, #tpu.memory_space<vmem_shared>>, %arg8: memref<10240xf32, #tpu.memory_space<vmem_shared>>, %arg9: memref<2x8x128xi32, #tpu.memory_space<vmem>>, %arg10: memref<2x8x128xi32, #tpu.memory_space<vmem>>, %arg11: memref<2x128x64xf32, #tpu.memory_space<vmem>>, %arg12: memref<128x64xf32, #tpu.memory_space<vmem>>, %arg13: memref<640xf32, #tpu.memory_space<vmem>>, %arg14: memref<656xf32, #tpu.memory_space<vmem>>, %arg15: memref<656xf32, #tpu.memory_space<vmem>>, %arg16: memref<128xf32, #tpu.memory_space<vmem>>, %arg17: memref<1x128xi32, #tpu.memory_space<vmem>>, %arg18: memref<!tpu.dma_semaphore, #tpu.memory_space<semaphore_mem>>, %arg19: memref<!tpu.dma_semaphore, #tpu.memory_space<semaphore_mem>>, %arg20: memref<!tpu.dma_semaphore, #tpu.memory_space<semaphore_mem>>, %arg21: memref<!tpu.dma_semaphore, #tpu.memory_space<semaphore_mem>>, %arg22: memref<!tpu.dma_semaphore, #tpu.memory_space<semaphore_mem>>, %arg23: memref<!tpu.dma_semaphore, #tpu.memory_space<semaphore_mem>>) attributes {dimension_semantics = [#tpu.dimension_semantics<core_parallel>, #tpu.dimension_semantics<subcore_parallel>], iteration_bounds = array<i64: 2, 16>, scalar_prefetch = 0 : i64, scratch_operands = 18 : i64, tpu.core_type = #tpu.core_type<sc_vector_subcore>, window_params = [{transform_indices = #map}, {transform_indices = #map}, {transform_indices = #map}, {transform_indices = #map}]} {
    %broadcast_in_dim3A = arith.constant 1.000000e+00 : f32
    %broadcast_in_dim3A_0 = vector.broadcast %broadcast_in_dim3A : f32 to vector<16xf32>
    %scan3A = arith.constant 0 : i32
    %scan3A_1 = arith.constant 0 : i32
    %scan3A_2 = arith.constant 8 : i32
    %scan3A_3 = arith.addi %scan3A_1, %scan3A_2 : i32
    %scan3A_4 = arith.constant 1 : i32
    %scan3A_5 = scf.for %scan3A_157 = %scan3A_1 to %scan3A_3 step %scan3A_4 iter_args(%scan3A_158 = %scan3A) -> (i32)  : i32 {
      %mul3A_159 = arith.constant 16 : i32
      %mul3A_160 = arith.muli %scan3A_157, %mul3A_159 : i32
      %swap3A = arith.index_cast %mul3A_160 : i32 to index
      %swap3A_161 = tpu.vector_load %arg16[%swap3A] {strides = array<i32>} : memref<128xf32, #tpu.memory_space<vmem>>, vector<16xf32>,
      tpu.vector_store %arg16[%swap3A], %broadcast_in_dim3A_0 {strides = array<i32>} : memref<128xf32, #tpu.memory_space<vmem>>, vector<16xf32>,
      %scan3A_162 = arith.constant 0 : i32
      scf.yield %scan3A_162 : i32
    }
    %scan3A_6 = arith.constant 8 : i32
    %broadcast_in_dim3A_7 = arith.constant 1.000000e+00 : f32
    %broadcast_in_dim3A_8 = vector.broadcast %broadcast_in_dim3A_7 : f32 to vector<16xf32>
    %scan3A_9 = arith.constant 0 : i32
    %scan3A_10 = arith.constant 0 : i32
    %scan3A_11 = arith.constant 40 : i32
    %scan3A_12 = arith.addi %scan3A_10, %scan3A_11 : i32
    %scan3A_13 = arith.constant 1 : i32
    %scan3A_14 = scf.for %scan3A_157 = %scan3A_10 to %scan3A_12 step %scan3A_13 iter_args(%scan3A_158 = %scan3A_9) -> (i32)  : i32 {
      %mul3A_159 = arith.constant 16 : i32
      %mul3A_160 = arith.muli %scan3A_157, %mul3A_159 : i32
      %swap3A = arith.index_cast %mul3A_160 : i32 to index
      %swap3A_161 = tpu.vector_load %arg13[%swap3A] {strides = array<i32>} : memref<640xf32, #tpu.memory_space<vmem>>, vector<16xf32>,
      tpu.vector_store %arg13[%swap3A], %broadcast_in_dim3A_8 {strides = array<i32>} : memref<640xf32, #tpu.memory_space<vmem>>, vector<16xf32>,
      %scan3A_162 = arith.constant 0 : i32
      scf.yield %scan3A_162 : i32
    }
    %scan3A_15 = arith.constant 40 : i32
    %mul3A = arith.constant 640 : i32
    %mul3A_16 = arith.muli %arg1, %mul3A : i32
    "tpu.region"() ({
      %run_scoped3A = tpu.sem_alloc : memref<!tpu.dma_semaphore, #tpu.memory_space<semaphore_mem>>
      %dma_start3A_157 = tpu.memref_slice %arg8[%mul3A_16] : memref<10240xf32, #tpu.memory_space<vmem_shared>> -> memref<640xf32, #tpu.memory_space<vmem_shared>>
      %dma_start3A_158 = tpu.memref_slice %arg8[%mul3A_16] : memref<10240xf32, #tpu.memory_space<vmem_shared>> -> memref<640xf32, #tpu.memory_space<vmem_shared>>
      tpu.enqueue_dma source(%arg13 : memref<640xf32, #tpu.memory_space<vmem>>) target(%dma_start3A_158 : memref<640xf32, #tpu.memory_space<vmem_shared>>) target_semaphore(%run_scoped3A : memref<!tpu.dma_semaphore, #tpu.memory_space<semaphore_mem>>)
      %dma_wait3A = tpu.memref_slice %arg8[%mul3A_16] : memref<10240xf32, #tpu.memory_space<vmem_shared>> -> memref<640xf32, #tpu.memory_space<vmem_shared>>
      %dma_wait3A_159 = tpu.memref_slice %arg8[%mul3A_16] : memref<10240xf32, #tpu.memory_space<vmem_shared>> -> memref<640xf32, #tpu.memory_space<vmem_shared>>
      tpu.wait_dma2 semaphore(%run_scoped3A : memref<!tpu.dma_semaphore, #tpu.memory_space<semaphore_mem>>) src(%arg13 : memref<640xf32, #tpu.memory_space<vmem>>) dst(%dma_wait3A_159 : memref<640xf32, #tpu.memory_space<vmem_shared>>)
      tpu.yield
    }) : () -> ()
    %barrier3A = arith.constant 0 : index
    tpu.barrier barrier_id(%barrier3A)
    %dma_start3A = arith.constant 0 : i32
    %dma_start3A_17 = arith.constant 0 : i32
    %dma_start3A_18 = arith.constant 0 : i32
    %dma_start3A_19 = tpu.memref_slice %arg9[%dma_start3A, %dma_start3A_17, %dma_start3A_18] : memref<2x8x128xi32, #tpu.memory_space<vmem>> -> memref<1x8x128xi32, #tpu.memory_space<vmem>>
    %dma_start3A_20 = tpu.memref_squeeze %dma_start3A_19 : memref<1x8x128xi32, #tpu.memory_space<vmem>> -> memref<8x128xi32, #tpu.memory_space<vmem>>
    %dma_start3A_21 = arith.constant 0 : i32
    %dma_start3A_22 = arith.constant 0 : i32
    %dma_start3A_23 = tpu.memref_slice %arg4[%arg1, %dma_start3A_21, %dma_start3A_22] : memref<16x160x128xi32, #tpu.memory_space<hbm>> -> memref<1x8x128xi32, #tpu.memory_space<hbm>>
    %dma_start3A_24 = tpu.memref_squeeze %dma_start3A_23 : memref<1x8x128xi32, #tpu.memory_space<hbm>> -> memref<8x128xi32, #tpu.memory_space<hbm>>
    %dma_start3A_25 = arith.constant 0 : i32
    %dma_start3A_26 = arith.constant 0 : i32
    %dma_start3A_27 = tpu.memref_slice %arg9[%dma_start3A, %dma_start3A_25, %dma_start3A_26] : memref<2x8x128xi32, #tpu.memory_space<vmem>> -> memref<1x8x128xi32, #tpu.memory_space<vmem>>
    %dma_start3A_28 = tpu.memref_squeeze %dma_start3A_27 : memref<1x8x128xi32, #tpu.memory_space<vmem>> -> memref<8x128xi32, #tpu.memory_space<vmem>>
    %dma_start3A_29 = arith.constant 0 : i32
    %dma_start3A_30 = arith.constant 0 : i32
    %dma_start3A_31 = tpu.memref_slice %arg4[%arg1, %dma_start3A_29, %dma_start3A_30] : memref<16x160x128xi32, #tpu.memory_space<hbm>> -> memref<1x8x128xi32, #tpu.memory_space<hbm>>
    %dma_start3A_32 = tpu.memref_squeeze %dma_start3A_31 : memref<1x8x128xi32, #tpu.memory_space<hbm>> -> memref<8x128xi32, #tpu.memory_space<hbm>>
    tpu.enqueue_dma source(%dma_start3A_32 : memref<8x128xi32, #tpu.memory_space<hbm>>) target(%dma_start3A_28 : memref<8x128xi32, #tpu.memory_space<vmem>>) target_semaphore(%arg23 : memref<!tpu.dma_semaphore, #tpu.memory_space<semaphore_mem>>)
    %scan3A_33 = arith.constant 0 : i32
    %scan3A_34 = arith.constant 0 : i32
    %scan3A_35 = arith.constant 10 : i32
    %scan3A_36 = arith.addi %scan3A_34, %scan3A_35 : i32
    %scan3A_37 = arith.constant 1 : i32
    %scan3A_38 = scf.for %scan3A_157 = %scan3A_34 to %scan3A_36 step %scan3A_37 iter_args(%scan3A_158 = %scan3A_33) -> (i32)  : i32 {
      %mul3A_159 = arith.constant 2 : i32
      %mul3A_160 = arith.muli %mul3A_159, %scan3A_157 : i32
      %mul3A_161 = arith.constant 8 : i32
      %mul3A_162 = arith.muli %mul3A_160, %mul3A_161 : i32
      %dma_wait3A = arith.constant 0 : i32
      %dma_wait3A_163 = arith.constant 0 : i32
      %dma_wait3A_164 = arith.constant 0 : i32
      %dma_wait3A_165 = tpu.memref_slice %arg9[%dma_wait3A, %dma_wait3A_163, %dma_wait3A_164] : memref<2x8x128xi32, #tpu.memory_space<vmem>> -> memref<1x8x128xi32, #tpu.memory_space<vmem>>
      %dma_wait3A_166 = tpu.memref_squeeze %dma_wait3A_165 : memref<1x8x128xi32, #tpu.memory_space<vmem>> -> memref<8x128xi32, #tpu.memory_space<vmem>>
      %dma_wait3A_167 = arith.constant 0 : i32
      %dma_wait3A_168 = tpu.memref_slice %arg4[%arg1, %mul3A_162, %dma_wait3A_167] : memref<16x160x128xi32, #tpu.memory_space<hbm>> -> memref<1x8x128xi32, #tpu.memory_space<hbm>>
      %dma_wait3A_169 = tpu.memref_squeeze %dma_wait3A_168 : memref<1x8x128xi32, #tpu.memory_space<hbm>> -> memref<8x128xi32, #tpu.memory_space<hbm>>
      %dma_wait3A_170 = arith.constant 0 : i32
      %dma_wait3A_171 = arith.constant 0 : i32
      %dma_wait3A_172 = tpu.memref_slice %arg9[%dma_wait3A, %dma_wait3A_170, %dma_wait3A_171] : memref<2x8x128xi32, #tpu.memory_space<vmem>> -> memref<1x8x128xi32, #tpu.memory_space<vmem>>
      %dma_wait3A_173 = tpu.memref_squeeze %dma_wait3A_172 : memref<1x8x128xi32, #tpu.memory_space<vmem>> -> memref<8x128xi32, #tpu.memory_space<vmem>>
      %dma_wait3A_174 = arith.constant 0 : i32
      %dma_wait3A_175 = tpu.memref_slice %arg4[%arg1, %mul3A_162, %dma_wait3A_174] : memref<16x160x128xi32, #tpu.memory_space<hbm>> -> memref<1x8x128xi32, #tpu.memory_space<hbm>>
      %dma_wait3A_176 = tpu.memref_squeeze %dma_wait3A_175 : memref<1x8x128xi32, #tpu.memory_space<hbm>> -> memref<8x128xi32, #tpu.memory_space<hbm>>
      tpu.wait_dma2 semaphore(%arg23 : memref<!tpu.dma_semaphore, #tpu.memory_space<semaphore_mem>>) src(%dma_wait3A_176 : memref<8x128xi32, #tpu.memory_space<hbm>>) dst(%dma_wait3A_173 : memref<8x128xi32, #tpu.memory_space<vmem>>)
      %add3A = arith.constant 1 : i32
      %add3A_177 = arith.addi %mul3A_160, %add3A : i32
      %mul3A_178 = arith.constant 8 : i32
      %mul3A_179 = arith.muli %add3A_177, %mul3A_178 : i32
      %dma_start3A_180 = arith.constant 1 : i32
      %dma_start3A_181 = arith.constant 0 : i32
      %dma_start3A_182 = arith.constant 0 : i32
      %dma_start3A_183 = tpu.memref_slice %arg9[%dma_start3A_180, %dma_start3A_181, %dma_start3A_182] : memref<2x8x128xi32, #tpu.memory_space<vmem>> -> memref<1x8x128xi32, #tpu.memory_space<vmem>>
      %dma_start3A_184 = tpu.memref_squeeze %dma_start3A_183 : memref<1x8x128xi32, #tpu.memory_space<vmem>> -> memref<8x128xi32, #tpu.memory_space<vmem>>
      %dma_start3A_185 = arith.constant 0 : i32
      %dma_start3A_186 = tpu.memref_slice %arg4[%arg1, %mul3A_179, %dma_start3A_185] : memref<16x160x128xi32, #tpu.memory_space<hbm>> -> memref<1x8x128xi32, #tpu.memory_space<hbm>>
      %dma_start3A_187 = tpu.memref_squeeze %dma_start3A_186 : memref<1x8x128xi32, #tpu.memory_space<hbm>> -> memref<8x128xi32, #tpu.memory_space<hbm>>
      %dma_start3A_188 = arith.constant 0 : i32
      %dma_start3A_189 = arith.constant 0 : i32
      %dma_start3A_190 = tpu.memref_slice %arg9[%dma_start3A_180, %dma_start3A_188, %dma_start3A_189] : memref<2x8x128xi32, #tpu.memory_space<vmem>> -> memref<1x8x128xi32, #tpu.memory_space<vmem>>
      %dma_start3A_191 = tpu.memref_squeeze %dma_start3A_190 : memref<1x8x128xi32, #tpu.memory_space<vmem>> -> memref<8x128xi32, #tpu.memory_space<vmem>>
      %dma_start3A_192 = arith.constant 0 : i32
      %dma_start3A_193 = tpu.memref_slice %arg4[%arg1, %mul3A_179, %dma_start3A_192] : memref<16x160x128xi32, #tpu.memory_space<hbm>> -> memref<1x8x128xi32, #tpu.memory_space<hbm>>
      %dma_start3A_194 = tpu.memref_squeeze %dma_start3A_193 : memref<1x8x128xi32, #tpu.memory_space<hbm>> -> memref<8x128xi32, #tpu.memory_space<hbm>>
      tpu.enqueue_dma source(%dma_start3A_194 : memref<8x128xi32, #tpu.memory_space<hbm>>) target(%dma_start3A_191 : memref<8x128xi32, #tpu.memory_space<vmem>>) target_semaphore(%arg23 : memref<!tpu.dma_semaphore, #tpu.memory_space<semaphore_mem>>)
      %dma_start3A_195 = arith.constant 0 : i32
      %dma_start3A_196 = arith.constant 0 : i32
      %dma_start3A_197 = arith.constant 0 : i32
      %dma_start3A_198 = tpu.memref_slice %arg9[%dma_start3A_195, %dma_start3A_196, %dma_start3A_197] : memref<2x8x128xi32, #tpu.memory_space<vmem>> -> memref<1x1x128xi32, #tpu.memory_space<vmem>>
      %dma_start3A_199 = tpu.memref_squeeze %dma_start3A_198 : memref<1x1x128xi32, #tpu.memory_space<vmem>> -> memref<128xi32, #tpu.memory_space<vmem>>
      %dma_start3A_200 = arith.constant 0 : i32
      %dma_start3A_201 = tpu.memref_slice %arg8[%dma_start3A_200] : memref<10240xf32, #tpu.memory_space<vmem_shared>> -> memref<10240xf32, #tpu.memory_space<vmem_shared>>
      tpu.enqueue_indirect_dma source(%arg16 : memref<128xf32, #tpu.memory_space<vmem>>) target(%dma_start3A_201 : memref<10240xf32, #tpu.memory_space<vmem_shared>>) offsets(%dma_start3A_199 : memref<128xi32, #tpu.memory_space<vmem>>) semaphore(%arg22 : memref<!tpu.dma_semaphore, #tpu.memory_space<semaphore_mem>>) {add = true}
      %dma_start3A_202 = arith.constant 0 : i32
      %dma_start3A_203 = arith.constant 1 : i32
      %dma_start3A_204 = arith.constant 0 : i32
      %dma_start3A_205 = tpu.memref_slice %arg9[%dma_start3A_202, %dma_start3A_203, %dma_start3A_204] : memref<2x8x128xi32, #tpu.memory_space<vmem>> -> memref<1x1x128xi32, #tpu.memory_space<vmem>>
      %dma_start3A_206 = tpu.memref_squeeze %dma_start3A_205 : memref<1x1x128xi32, #tpu.memory_space<vmem>> -> memref<128xi32, #tpu.memory_space<vmem>>
      %dma_start3A_207 = arith.constant 0 : i32
      %dma_start3A_208 = tpu.memref_slice %arg8[%dma_start3A_207] : memref<10240xf32, #tpu.memory_space<vmem_shared>> -> memref<10240xf32, #tpu.memory_space<vmem_shared>>
      tpu.enqueue_indirect_dma source(%arg16 : memref<128xf32, #tpu.memory_space<vmem>>) target(%dma_start3A_208 : memref<10240xf32, #tpu.memory_space<vmem_shared>>) offsets(%dma_start3A_206 : memref<128xi32, #tpu.memory_space<vmem>>) semaphore(%arg22 : memref<!tpu.dma_semaphore, #tpu.memory_space<semaphore_mem>>) {add = true}
      %dma_start3A_209 = arith.constant 0 : i32
      %dma_start3A_210 = arith.constant 2 : i32
      %dma_start3A_211 = arith.constant 0 : i32
      %dma_start3A_212 = tpu.memref_slice %arg9[%dma_start3A_209, %dma_start3A_210, %dma_start3A_211] : memref<2x8x128xi32, #tpu.memory_space<vmem>> -> memref<1x1x128xi32, #tpu.memory_space<vmem>>
      %dma_start3A_213 = tpu.memref_squeeze %dma_start3A_212 : memref<1x1x128xi32, #tpu.memory_space<vmem>> -> memref<128xi32, #tpu.memory_space<vmem>>
      %dma_start3A_214 = arith.constant 0 : i32
      %dma_start3A_215 = tpu.memref_slice %arg8[%dma_start3A_214] : memref<10240xf32, #tpu.memory_space<vmem_shared>> -> memref<10240xf32, #tpu.memory_space<vmem_shared>>
      tpu.enqueue_indirect_dma source(%arg16 : memref<128xf32, #tpu.memory_space<vmem>>) target(%dma_start3A_215 : memref<10240xf32, #tpu.memory_space<vmem_shared>>) offsets(%dma_start3A_213 : memref<128xi32, #tpu.memory_space<vmem>>) semaphore(%arg22 : memref<!tpu.dma_semaphore, #tpu.memory_space<semaphore_mem>>) {add = true}
      %dma_start3A_216 = arith.constant 0 : i32
      %dma_start3A_217 = arith.constant 3 : i32
      %dma_start3A_218 = arith.constant 0 : i32
      %dma_start3A_219 = tpu.memref_slice %arg9[%dma_start3A_216, %dma_start3A_217, %dma_start3A_218] : memref<2x8x128xi32, #tpu.memory_space<vmem>> -> memref<1x1x128xi32, #tpu.memory_space<vmem>>
      %dma_start3A_220 = tpu.memref_squeeze %dma_start3A_219 : memref<1x1x128xi32, #tpu.memory_space<vmem>> -> memref<128xi32, #tpu.memory_space<vmem>>
      %dma_start3A_221 = arith.constant 0 : i32
      %dma_start3A_222 = tpu.memref_slice %arg8[%dma_start3A_221] : memref<10240xf32, #tpu.memory_space<vmem_shared>> -> memref<10240xf32, #tpu.memory_space<vmem_shared>>
      tpu.enqueue_indirect_dma source(%arg16 : memref<128xf32, #tpu.memory_space<vmem>>) target(%dma_start3A_222 : memref<10240xf32, #tpu.memory_space<vmem_shared>>) offsets(%dma_start3A_220 : memref<128xi32, #tpu.memory_space<vmem>>) semaphore(%arg22 : memref<!tpu.dma_semaphore, #tpu.memory_space<semaphore_mem>>) {add = true}
      %dma_start3A_223 = arith.constant 0 : i32
      %dma_start3A_224 = arith.constant 4 : i32
      %dma_start3A_225 = arith.constant 0 : i32
      %dma_start3A_226 = tpu.memref_slice %arg9[%dma_start3A_223, %dma_start3A_224, %dma_start3A_225] : memref<2x8x128xi32, #tpu.memory_space<vmem>> -> memref<1x1x128xi32, #tpu.memory_space<vmem>>
      %dma_start3A_227 = tpu.memref_squeeze %dma_start3A_226 : memref<1x1x128xi32, #tpu.memory_space<vmem>> -> memref<128xi32, #tpu.memory_space<vmem>>
      %dma_start3A_228 = arith.constant 0 : i32
      %dma_start3A_229 = tpu.memref_slice %arg8[%dma_start3A_228] : memref<10240xf32, #tpu.memory_space<vmem_shared>> -> memref<10240xf32, #tpu.memory_space<vmem_shared>>
      tpu.enqueue_indirect_dma source(%arg16 : memref<128xf32, #tpu.memory_space<vmem>>) target(%dma_start3A_229 : memref<10240xf32, #tpu.memory_space<vmem_shared>>) offsets(%dma_start3A_227 : memref<128xi32, #tpu.memory_space<vmem>>) semaphore(%arg22 : memref<!tpu.dma_semaphore, #tpu.memory_space<semaphore_mem>>) {add = true}
      %dma_start3A_230 = arith.constant 0 : i32
      %dma_start3A_231 = arith.constant 5 : i32
      %dma_start3A_232 = arith.constant 0 : i32
      %dma_start3A_233 = tpu.memref_slice %arg9[%dma_start3A_230, %dma_start3A_231, %dma_start3A_232] : memref<2x8x128xi32, #tpu.memory_space<vmem>> -> memref<1x1x128xi32, #tpu.memory_space<vmem>>
      %dma_start3A_234 = tpu.memref_squeeze %dma_start3A_233 : memref<1x1x128xi32, #tpu.memory_space<vmem>> -> memref<128xi32, #tpu.memory_space<vmem>>
      %dma_start3A_235 = arith.constant 0 : i32
      %dma_start3A_236 = tpu.memref_slice %arg8[%dma_start3A_235] : memref<10240xf32, #tpu.memory_space<vmem_shared>> -> memref<10240xf32, #tpu.memory_space<vmem_shared>>
      tpu.enqueue_indirect_dma source(%arg16 : memref<128xf32, #tpu.memory_space<vmem>>) target(%dma_start3A_236 : memref<10240xf32, #tpu.memory_space<vmem_shared>>) offsets(%dma_start3A_234 : memref<128xi32, #tpu.memory_space<vmem>>) semaphore(%arg22 : memref<!tpu.dma_semaphore, #tpu.memory_space<semaphore_mem>>) {add = true}
      %dma_start3A_237 = arith.constant 0 : i32
      %dma_start3A_238 = arith.constant 6 : i32
      %dma_start3A_239 = arith.constant 0 : i32
      %dma_start3A_240 = tpu.memref_slice %arg9[%dma_start3A_237, %dma_start3A_238, %dma_start3A_239] : memref<2x8x128xi32, #tpu.memory_space<vmem>> -> memref<1x1x128xi32, #tpu.memory_space<vmem>>
      %dma_start3A_241 = tpu.memref_squeeze %dma_start3A_240 : memref<1x1x128xi32, #tpu.memory_space<vmem>> -> memref<128xi32, #tpu.memory_space<vmem>>
      %dma_start3A_242 = arith.constant 0 : i32
      %dma_start3A_243 = tpu.memref_slice %arg8[%dma_start3A_242] : memref<10240xf32, #tpu.memory_space<vmem_shared>> -> memref<10240xf32, #tpu.memory_space<vmem_shared>>
      tpu.enqueue_indirect_dma source(%arg16 : memref<128xf32, #tpu.memory_space<vmem>>) target(%dma_start3A_243 : memref<10240xf32, #tpu.memory_space<vmem_shared>>) offsets(%dma_start3A_241 : memref<128xi32, #tpu.memory_space<vmem>>) semaphore(%arg22 : memref<!tpu.dma_semaphore, #tpu.memory_space<semaphore_mem>>) {add = true}
      %dma_start3A_244 = arith.constant 0 : i32
      %dma_start3A_245 = arith.constant 7 : i32
      %dma_start3A_246 = arith.constant 0 : i32
      %dma_start3A_247 = tpu.memref_slice %arg9[%dma_start3A_244, %dma_start3A_245, %dma_start3A_246] : memref<2x8x128xi32, #tpu.memory_space<vmem>> -> memref<1x1x128xi32, #tpu.memory_space<vmem>>
      %dma_start3A_248 = tpu.memref_squeeze %dma_start3A_247 : memref<1x1x128xi32, #tpu.memory_space<vmem>> -> memref<128xi32, #tpu.memory_space<vmem>>
      %dma_start3A_249 = arith.constant 0 : i32
      %dma_start3A_250 = tpu.memref_slice %arg8[%dma_start3A_249] : memref<10240xf32, #tpu.memory_space<vmem_shared>> -> memref<10240xf32, #tpu.memory_space<vmem_shared>>
      tpu.enqueue_indirect_dma source(%arg16 : memref<128xf32, #tpu.memory_space<vmem>>) target(%dma_start3A_250 : memref<10240xf32, #tpu.memory_space<vmem_shared>>) offsets(%dma_start3A_248 : memref<128xi32, #tpu.memory_space<vmem>>) semaphore(%arg22 : memref<!tpu.dma_semaphore, #tpu.memory_space<semaphore_mem>>) {add = true}
      %dma_wait3A_251 = arith.constant 0 : i32
      %dma_wait3A_252 = arith.constant 0 : i32
      %dma_wait3A_253 = arith.constant 0 : i32
      %dma_wait3A_254 = tpu.memref_slice %arg9[%dma_wait3A_251, %dma_wait3A_252, %dma_wait3A_253] : memref<2x8x128xi32, #tpu.memory_space<vmem>> -> memref<1x1x128xi32, #tpu.memory_space<vmem>>
      %dma_wait3A_255 = tpu.memref_squeeze %dma_wait3A_254 : memref<1x1x128xi32, #tpu.memory_space<vmem>> -> memref<128xi32, #tpu.memory_space<vmem>>
      %dma_wait3A_256 = arith.constant 0 : i32
      %dma_wait3A_257 = tpu.memref_slice %arg8[%dma_wait3A_256] : memref<10240xf32, #tpu.memory_space<vmem_shared>> -> memref<10240xf32, #tpu.memory_space<vmem_shared>>
      tpu.wait_indirect_dma semaphore(%arg22 : memref<!tpu.dma_semaphore, #tpu.memory_space<semaphore_mem>>) src(%arg16 : memref<128xf32, #tpu.memory_space<vmem>>) dst(%dma_wait3A_257 : memref<10240xf32, #tpu.memory_space<vmem_shared>>)
      %dma_wait3A_258 = arith.constant 0 : i32
      %dma_wait3A_259 = arith.constant 1 : i32
      %dma_wait3A_260 = arith.constant 0 : i32
      %dma_wait3A_261 = tpu.memref_slice %arg9[%dma_wait3A_258, %dma_wait3A_259, %dma_wait3A_260] : memref<2x8x128xi32, #tpu.memory_space<vmem>> -> memref<1x1x128xi32, #tpu.memory_space<vmem>>
      %dma_wait3A_262 = tpu.memref_squeeze %dma_wait3A_261 : memref<1x1x128xi32, #tpu.memory_space<vmem>> -> memref<128xi32, #tpu.memory_space<vmem>>
      %dma_wait3A_263 = arith.constant 0 : i32
      %dma_wait3A_264 = tpu.memref_slice %arg8[%dma_wait3A_263] : memref<10240xf32, #tpu.memory_space<vmem_shared>> -> memref<10240xf32, #tpu.memory_space<vmem_shared>>
      tpu.wait_indirect_dma semaphore(%arg22 : memref<!tpu.dma_semaphore, #tpu.memory_space<semaphore_mem>>) src(%arg16 : memref<128xf32, #tpu.memory_space<vmem>>) dst(%dma_wait3A_264 : memref<10240xf32, #tpu.memory_space<vmem_shared>>)
      %dma_wait3A_265 = arith.constant 0 : i32
      %dma_wait3A_266 = arith.constant 2 : i32
      %dma_wait3A_267 = arith.constant 0 : i32
      %dma_wait3A_268 = tpu.memref_slice %arg9[%dma_wait3A_265, %dma_wait3A_266, %dma_wait3A_267] : memref<2x8x128xi32, #tpu.memory_space<vmem>> -> memref<1x1x128xi32, #tpu.memory_space<vmem>>
      %dma_wait3A_269 = tpu.memref_squeeze %dma_wait3A_268 : memref<1x1x128xi32, #tpu.memory_space<vmem>> -> memref<128xi32, #tpu.memory_space<vmem>>
      %dma_wait3A_270 = arith.constant 0 : i32
      %dma_wait3A_271 = tpu.memref_slice %arg8[%dma_wait3A_270] : memref<10240xf32, #tpu.memory_space<vmem_shared>> -> memref<10240xf32, #tpu.memory_space<vmem_shared>>
      tpu.wait_indirect_dma semaphore(%arg22 : memref<!tpu.dma_semaphore, #tpu.memory_space<semaphore_mem>>) src(%arg16 : memref<128xf32, #tpu.memory_space<vmem>>) dst(%dma_wait3A_271 : memref<10240xf32, #tpu.memory_space<vmem_shared>>)
      %dma_wait3A_272 = arith.constant 0 : i32
      %dma_wait3A_273 = arith.constant 3 : i32
      %dma_wait3A_274 = arith.constant 0 : i32
      %dma_wait3A_275 = tpu.memref_slice %arg9[%dma_wait3A_272, %dma_wait3A_273, %dma_wait3A_274] : memref<2x8x128xi32, #tpu.memory_space<vmem>> -> memref<1x1x128xi32, #tpu.memory_space<vmem>>
      %dma_wait3A_276 = tpu.memref_squeeze %dma_wait3A_275 : memref<1x1x128xi32, #tpu.memory_space<vmem>> -> memref<128xi32, #tpu.memory_space<vmem>>
      %dma_wait3A_277 = arith.constant 0 : i32
      %dma_wait3A_278 = tpu.memref_slice %arg8[%dma_wait3A_277] : memref<10240xf32, #tpu.memory_space<vmem_shared>> -> memref<10240xf32, #tpu.memory_space<vmem_shared>>
      tpu.wait_indirect_dma semaphore(%arg22 : memref<!tpu.dma_semaphore, #tpu.memory_space<semaphore_mem>>) src(%arg16 : memref<128xf32, #tpu.memory_space<vmem>>) dst(%dma_wait3A_278 : memref<10240xf32, #tpu.memory_space<vmem_shared>>)
      %dma_wait3A_279 = arith.constant 0 : i32
      %dma_wait3A_280 = arith.constant 4 : i32
      %dma_wait3A_281 = arith.constant 0 : i32
      %dma_wait3A_282 = tpu.memref_slice %arg9[%dma_wait3A_279, %dma_wait3A_280, %dma_wait3A_281] : memref<2x8x128xi32, #tpu.memory_space<vmem>> -> memref<1x1x128xi32, #tpu.memory_space<vmem>>
      %dma_wait3A_283 = tpu.memref_squeeze %dma_wait3A_282 : memref<1x1x128xi32, #tpu.memory_space<vmem>> -> memref<128xi32, #tpu.memory_space<vmem>>
      %dma_wait3A_284 = arith.constant 0 : i32
      %dma_wait3A_285 = tpu.memref_slice %arg8[%dma_wait3A_284] : memref<10240xf32, #tpu.memory_space<vmem_shared>> -> memref<10240xf32, #tpu.memory_space<vmem_shared>>
      tpu.wait_indirect_dma semaphore(%arg22 : memref<!tpu.dma_semaphore, #tpu.memory_space<semaphore_mem>>) src(%arg16 : memref<128xf32, #tpu.memory_space<vmem>>) dst(%dma_wait3A_285 : memref<10240xf32, #tpu.memory_space<vmem_shared>>)
      %dma_wait3A_286 = arith.constant 0 : i32
      %dma_wait3A_287 = arith.constant 5 : i32
      %dma_wait3A_288 = arith.constant 0 : i32
      %dma_wait3A_289 = tpu.memref_slice %arg9[%dma_wait3A_286, %dma_wait3A_287, %dma_wait3A_288] : memref<2x8x128xi32, #tpu.memory_space<vmem>> -> memref<1x1x128xi32, #tpu.memory_space<vmem>>
      %dma_wait3A_290 = tpu.memref_squeeze %dma_wait3A_289 : memref<1x1x128xi32, #tpu.memory_space<vmem>> -> memref<128xi32, #tpu.memory_space<vmem>>
      %dma_wait3A_291 = arith.constant 0 : i32
      %dma_wait3A_292 = tpu.memref_slice %arg8[%dma_wait3A_291] : memref<10240xf32, #tpu.memory_space<vmem_shared>> -> memref<10240xf32, #tpu.memory_space<vmem_shared>>
      tpu.wait_indirect_dma semaphore(%arg22 : memref<!tpu.dma_semaphore, #tpu.memory_space<semaphore_mem>>) src(%arg16 : memref<128xf32, #tpu.memory_space<vmem>>) dst(%dma_wait3A_292 : memref<10240xf32, #tpu.memory_space<vmem_shared>>)
      %dma_wait3A_293 = arith.constant 0 : i32
      %dma_wait3A_294 = arith.constant 6 : i32
      %dma_wait3A_295 = arith.constant 0 : i32
      %dma_wait3A_296 = tpu.memref_slice %arg9[%dma_wait3A_293, %dma_wait3A_294, %dma_wait3A_295] : memref<2x8x128xi32, #tpu.memory_space<vmem>> -> memref<1x1x128xi32, #tpu.memory_space<vmem>>
      %dma_wait3A_297 = tpu.memref_squeeze %dma_wait3A_296 : memref<1x1x128xi32, #tpu.memory_space<vmem>> -> memref<128xi32, #tpu.memory_space<vmem>>
      %dma_wait3A_298 = arith.constant 0 : i32
      %dma_wait3A_299 = tpu.memref_slice %arg8[%dma_wait3A_298] : memref<10240xf32, #tpu.memory_space<vmem_shared>> -> memref<10240xf32, #tpu.memory_space<vmem_shared>>
      tpu.wait_indirect_dma semaphore(%arg22 : memref<!tpu.dma_semaphore, #tpu.memory_space<semaphore_mem>>) src(%arg16 : memref<128xf32, #tpu.memory_space<vmem>>) dst(%dma_wait3A_299 : memref<10240xf32, #tpu.memory_space<vmem_shared>>)
      %dma_wait3A_300 = arith.constant 0 : i32
      %dma_wait3A_301 = arith.constant 7 : i32
      %dma_wait3A_302 = arith.constant 0 : i32
      %dma_wait3A_303 = tpu.memref_slice %arg9[%dma_wait3A_300, %dma_wait3A_301, %dma_wait3A_302] : memref<2x8x128xi32, #tpu.memory_space<vmem>> -> memref<1x1x128xi32, #tpu.memory_space<vmem>>
      %dma_wait3A_304 = tpu.memref_squeeze %dma_wait3A_303 : memref<1x1x128xi32, #tpu.memory_space<vmem>> -> memref<128xi32, #tpu.memory_space<vmem>>
      %dma_wait3A_305 = arith.constant 0 : i32
      %dma_wait3A_306 = tpu.memref_slice %arg8[%dma_wait3A_305] : memref<10240xf32, #tpu.memory_space<vmem_shared>> -> memref<10240xf32, #tpu.memory_space<vmem_shared>>
      tpu.wait_indirect_dma semaphore(%arg22 : memref<!tpu.dma_semaphore, #tpu.memory_space<semaphore_mem>>) src(%arg16 : memref<128xf32, #tpu.memory_space<vmem>>) dst(%dma_wait3A_306 : memref<10240xf32, #tpu.memory_space<vmem_shared>>)
      %mul3A_307 = arith.constant 8 : i32
      %mul3A_308 = arith.muli %mul3A_160, %mul3A_307 : i32
      %dma_wait3A_309 = arith.constant 1 : i32
      %dma_wait3A_310 = arith.constant 0 : i32
      %dma_wait3A_311 = arith.constant 0 : i32
      %dma_wait3A_312 = tpu.memref_slice %arg9[%dma_wait3A_309, %dma_wait3A_310, %dma_wait3A_311] : memref<2x8x128xi32, #tpu.memory_space<vmem>> -> memref<1x8x128xi32, #tpu.memory_space<vmem>>
      %dma_wait3A_313 = tpu.memref_squeeze %dma_wait3A_312 : memref<1x8x128xi32, #tpu.memory_space<vmem>> -> memref<8x128xi32, #tpu.memory_space<vmem>>
      %dma_wait3A_314 = arith.constant 0 : i32
      %dma_wait3A_315 = tpu.memref_slice %arg4[%arg1, %mul3A_308, %dma_wait3A_314] : memref<16x160x128xi32, #tpu.memory_space<hbm>> -> memref<1x8x128xi32, #tpu.memory_space<hbm>>
      %dma_wait3A_316 = tpu.memref_squeeze %dma_wait3A_315 : memref<1x8x128xi32, #tpu.memory_space<hbm>> -> memref<8x128xi32, #tpu.memory_space<hbm>>
      %dma_wait3A_317 = arith.constant 0 : i32
      %dma_wait3A_318 = arith.constant 0 : i32
      %dma_wait3A_319 = tpu.memref_slice %arg9[%dma_wait3A_309, %dma_wait3A_317, %dma_wait3A_318] : memref<2x8x128xi32, #tpu.memory_space<vmem>> -> memref<1x8x128xi32, #tpu.memory_space<vmem>>
      %dma_wait3A_320 = tpu.memref_squeeze %dma_wait3A_319 : memref<1x8x128xi32, #tpu.memory_space<vmem>> -> memref<8x128xi32, #tpu.memory_space<vmem>>
      %dma_wait3A_321 = arith.constant 0 : i32
      %dma_wait3A_322 = tpu.memref_slice %arg4[%arg1, %mul3A_308, %dma_wait3A_321] : memref<16x160x128xi32, #tpu.memory_space<hbm>> -> memref<1x8x128xi32, #tpu.memory_space<hbm>>
      %dma_wait3A_323 = tpu.memref_squeeze %dma_wait3A_322 : memref<1x8x128xi32, #tpu.memory_space<hbm>> -> memref<8x128xi32, #tpu.memory_space<hbm>>
      tpu.wait_dma2 semaphore(%arg23 : memref<!tpu.dma_semaphore, #tpu.memory_space<semaphore_mem>>) src(%dma_wait3A_323 : memref<8x128xi32, #tpu.memory_space<hbm>>) dst(%dma_wait3A_320 : memref<8x128xi32, #tpu.memory_space<vmem>>)
      %add3A_324 = arith.constant 1 : i32
      %add3A_325 = arith.addi %scan3A_157, %add3A_324 : i32
      %lt3A = arith.constant 10 : i32
      %lt3A_326 = arith.cmpi slt, %add3A_325, %lt3A : i32
      %convert_element_type3A = arith.extui %lt3A_326 : i1 to i32
      %cond3A = arith.constant 0 : i32
      %cond3A_327 = arith.cmpi ne, %convert_element_type3A, %cond3A : i32
      scf.if %cond3A_327 {
        %add3A_441 = arith.constant 2 : i32
        %add3A_442 = arith.addi %mul3A_160, %add3A_441 : i32
        %mul3A_443 = arith.constant 8 : i32
        %mul3A_444 = arith.muli %add3A_442, %mul3A_443 : i32
        %dma_start3A_445 = arith.constant 0 : i32
        %dma_start3A_446 = arith.constant 0 : i32
        %dma_start3A_447 = arith.constant 0 : i32
        %dma_start3A_448 = tpu.memref_slice %arg9[%dma_start3A_445, %dma_start3A_446, %dma_start3A_447] : memref<2x8x128xi32, #tpu.memory_space<vmem>> -> memref<1x8x128xi32, #tpu.memory_space<vmem>>
        %dma_start3A_449 = tpu.memref_squeeze %dma_start3A_448 : memref<1x8x128xi32, #tpu.memory_space<vmem>> -> memref<8x128xi32, #tpu.memory_space<vmem>>
        %dma_start3A_450 = arith.constant 0 : i32
        %dma_start3A_451 = tpu.memref_slice %arg4[%arg1, %mul3A_444, %dma_start3A_450] : memref<16x160x128xi32, #tpu.memory_space<hbm>> -> memref<1x8x128xi32, #tpu.memory_space<hbm>>
        %dma_start3A_452 = tpu.memref_squeeze %dma_start3A_451 : memref<1x8x128xi32, #tpu.memory_space<hbm>> -> memref<8x128xi32, #tpu.memory_space<hbm>>
        %dma_start3A_453 = arith.constant 0 : i32
        %dma_start3A_454 = arith.constant 0 : i32
        %dma_start3A_455 = tpu.memref_slice %arg9[%dma_start3A_445, %dma_start3A_453, %dma_start3A_454] : memref<2x8x128xi32, #tpu.memory_space<vmem>> -> memref<1x8x128xi32, #tpu.memory_space<vmem>>
        %dma_start3A_456 = tpu.memref_squeeze %dma_start3A_455 : memref<1x8x128xi32, #tpu.memory_space<vmem>> -> memref<8x128xi32, #tpu.memory_space<vmem>>
        %dma_start3A_457 = arith.constant 0 : i32
        %dma_start3A_458 = tpu.memref_slice %arg4[%arg1, %mul3A_444, %dma_start3A_457] : memref<16x160x128xi32, #tpu.memory_space<hbm>> -> memref<1x8x128xi32, #tpu.memory_space<hbm>>
        %dma_start3A_459 = tpu.memref_squeeze %dma_start3A_458 : memref<1x8x128xi32, #tpu.memory_space<hbm>> -> memref<8x128xi32, #tpu.memory_space<hbm>>
        tpu.enqueue_dma source(%dma_start3A_459 : memref<8x128xi32, #tpu.memory_space<hbm>>) target(%dma_start3A_456 : memref<8x128xi32, #tpu.memory_space<vmem>>) target_semaphore(%arg23 : memref<!tpu.dma_semaphore, #tpu.memory_space<semaphore_mem>>)
      } else {
      }
      %dma_start3A_328 = arith.constant 1 : i32
      %dma_start3A_329 = arith.constant 0 : i32
      %dma_start3A_330 = arith.constant 0 : i32
      %dma_start3A_331 = tpu.memref_slice %arg9[%dma_start3A_328, %dma_start3A_329, %dma_start3A_330] : memref<2x8x128xi32, #tpu.memory_space<vmem>> -> memref<1x1x128xi32, #tpu.memory_space<vmem>>
      %dma_start3A_332 = tpu.memref_squeeze %dma_start3A_331 : memref<1x1x128xi32, #tpu.memory_space<vmem>> -> memref<128xi32, #tpu.memory_space<vmem>>
      %dma_start3A_333 = arith.constant 0 : i32
      %dma_start3A_334 = tpu.memref_slice %arg8[%dma_start3A_333] : memref<10240xf32, #tpu.memory_space<vmem_shared>> -> memref<10240xf32, #tpu.memory_space<vmem_shared>>
      tpu.enqueue_indirect_dma source(%arg16 : memref<128xf32, #tpu.memory_space<vmem>>) target(%dma_start3A_334 : memref<10240xf32, #tpu.memory_space<vmem_shared>>) offsets(%dma_start3A_332 : memref<128xi32, #tpu.memory_space<vmem>>) semaphore(%arg22 : memref<!tpu.dma_semaphore, #tpu.memory_space<semaphore_mem>>) {add = true}
      %dma_start3A_335 = arith.constant 1 : i32
      %dma_start3A_336 = arith.constant 1 : i32
      %dma_start3A_337 = arith.constant 0 : i32
      %dma_start3A_338 = tpu.memref_slice %arg9[%dma_start3A_335, %dma_start3A_336, %dma_start3A_337] : memref<2x8x128xi32, #tpu.memory_space<vmem>> -> memref<1x1x128xi32, #tpu.memory_space<vmem>>
      %dma_start3A_339 = tpu.memref_squeeze %dma_start3A_338 : memref<1x1x128xi32, #tpu.memory_space<vmem>> -> memref<128xi32, #tpu.memory_space<vmem>>
      %dma_start3A_340 = arith.constant 0 : i32
      %dma_start3A_341 = tpu.memref_slice %arg8[%dma_start3A_340] : memref<10240xf32, #tpu.memory_space<vmem_shared>> -> memref<10240xf32, #tpu.memory_space<vmem_shared>>
      tpu.enqueue_indirect_dma source(%arg16 : memref<128xf32, #tpu.memory_space<vmem>>) target(%dma_start3A_341 : memref<10240xf32, #tpu.memory_space<vmem_shared>>) offsets(%dma_start3A_339 : memref<128xi32, #tpu.memory_space<vmem>>) semaphore(%arg22 : memref<!tpu.dma_semaphore, #tpu.memory_space<semaphore_mem>>) {add = true}
      %dma_start3A_342 = arith.constant 1 : i32
      %dma_start3A_343 = arith.constant 2 : i32
      %dma_start3A_344 = arith.constant 0 : i32
      %dma_start3A_345 = tpu.memref_slice %arg9[%dma_start3A_342, %dma_start3A_343, %dma_start3A_344] : memref<2x8x128xi32, #tpu.memory_space<vmem>> -> memref<1x1x128xi32, #tpu.memory_space<vmem>>
      %dma_start3A_346 = tpu.memref_squeeze %dma_start3A_345 : memref<1x1x128xi32, #tpu.memory_space<vmem>> -> memref<128xi32, #tpu.memory_space<vmem>>
      %dma_start3A_347 = arith.constant 0 : i32
      %dma_start3A_348 = tpu.memref_slice %arg8[%dma_start3A_347] : memref<10240xf32, #tpu.memory_space<vmem_shared>> -> memref<10240xf32, #tpu.memory_space<vmem_shared>>
      tpu.enqueue_indirect_dma source(%arg16 : memref<128xf32, #tpu.memory_space<vmem>>) target(%dma_start3A_348 : memref<10240xf32, #tpu.memory_space<vmem_shared>>) offsets(%dma_start3A_346 : memref<128xi32, #tpu.memory_space<vmem>>) semaphore(%arg22 : memref<!tpu.dma_semaphore, #tpu.memory_space<semaphore_mem>>) {add = true}
      %dma_start3A_349 = arith.constant 1 : i32
      %dma_start3A_350 = arith.constant 3 : i32
      %dma_start3A_351 = arith.constant 0 : i32
      %dma_start3A_352 = tpu.memref_slice %arg9[%dma_start3A_349, %dma_start3A_350, %dma_start3A_351] : memref<2x8x128xi32, #tpu.memory_space<vmem>> -> memref<1x1x128xi32, #tpu.memory_space<vmem>>
      %dma_start3A_353 = tpu.memref_squeeze %dma_start3A_352 : memref<1x1x128xi32, #tpu.memory_space<vmem>> -> memref<128xi32, #tpu.memory_space<vmem>>
      %dma_start3A_354 = arith.constant 0 : i32
      %dma_start3A_355 = tpu.memref_slice %arg8[%dma_start3A_354] : memref<10240xf32, #tpu.memory_space<vmem_shared>> -> memref<10240xf32, #tpu.memory_space<vmem_shared>>
      tpu.enqueue_indirect_dma source(%arg16 : memref<128xf32, #tpu.memory_space<vmem>>) target(%dma_start3A_355 : memref<10240xf32, #tpu.memory_space<vmem_shared>>) offsets(%dma_start3A_353 : memref<128xi32, #tpu.memory_space<vmem>>) semaphore(%arg22 : memref<!tpu.dma_semaphore, #tpu.memory_space<semaphore_mem>>) {add = true}
      %dma_start3A_356 = arith.constant 1 : i32
      %dma_start3A_357 = arith.constant 4 : i32
      %dma_start3A_358 = arith.constant 0 : i32
      %dma_start3A_359 = tpu.memref_slice %arg9[%dma_start3A_356, %dma_start3A_357, %dma_start3A_358] : memref<2x8x128xi32, #tpu.memory_space<vmem>> -> memref<1x1x128xi32, #tpu.memory_space<vmem>>
      %dma_start3A_360 = tpu.memref_squeeze %dma_start3A_359 : memref<1x1x128xi32, #tpu.memory_space<vmem>> -> memref<128xi32, #tpu.memory_space<vmem>>
      %dma_start3A_361 = arith.constant 0 : i32
      %dma_start3A_362 = tpu.memref_slice %arg8[%dma_start3A_361] : memref<10240xf32, #tpu.memory_space<vmem_shared>> -> memref<10240xf32, #tpu.memory_space<vmem_shared>>
      tpu.enqueue_indirect_dma source(%arg16 : memref<128xf32, #tpu.memory_space<vmem>>) target(%dma_start3A_362 : memref<10240xf32, #tpu.memory_space<vmem_shared>>) offsets(%dma_start3A_360 : memref<128xi32, #tpu.memory_space<vmem>>) semaphore(%arg22 : memref<!tpu.dma_semaphore, #tpu.memory_space<semaphore_mem>>) {add = true}
      %dma_start3A_363 = arith.constant 1 : i32
      %dma_start3A_364 = arith.constant 5 : i32
      %dma_start3A_365 = arith.constant 0 : i32
      %dma_start3A_366 = tpu.memref_slice %arg9[%dma_start3A_363, %dma_start3A_364, %dma_start3A_365] : memref<2x8x128xi32, #tpu.memory_space<vmem>> -> memref<1x1x128xi32, #tpu.memory_space<vmem>>
      %dma_start3A_367 = tpu.memref_squeeze %dma_start3A_366 : memref<1x1x128xi32, #tpu.memory_space<vmem>> -> memref<128xi32, #tpu.memory_space<vmem>>
      %dma_start3A_368 = arith.constant 0 : i32
      %dma_start3A_369 = tpu.memref_slice %arg8[%dma_start3A_368] : memref<10240xf32, #tpu.memory_space<vmem_shared>> -> memref<10240xf32, #tpu.memory_space<vmem_shared>>
      tpu.enqueue_indirect_dma source(%arg16 : memref<128xf32, #tpu.memory_space<vmem>>) target(%dma_start3A_369 : memref<10240xf32, #tpu.memory_space<vmem_shared>>) offsets(%dma_start3A_367 : memref<128xi32, #tpu.memory_space<vmem>>) semaphore(%arg22 : memref<!tpu.dma_semaphore, #tpu.memory_space<semaphore_mem>>) {add = true}
      %dma_start3A_370 = arith.constant 1 : i32
      %dma_start3A_371 = arith.constant 6 : i32
      %dma_start3A_372 = arith.constant 0 : i32
      %dma_start3A_373 = tpu.memref_slice %arg9[%dma_start3A_370, %dma_start3A_371, %dma_start3A_372] : memref<2x8x128xi32, #tpu.memory_space<vmem>> -> memref<1x1x128xi32, #tpu.memory_space<vmem>>
      %dma_start3A_374 = tpu.memref_squeeze %dma_start3A_373 : memref<1x1x128xi32, #tpu.memory_space<vmem>> -> memref<128xi32, #tpu.memory_space<vmem>>
      %dma_start3A_375 = arith.constant 0 : i32
      %dma_start3A_376 = tpu.memref_slice %arg8[%dma_start3A_375] : memref<10240xf32, #tpu.memory_space<vmem_shared>> -> memref<10240xf32, #tpu.memory_space<vmem_shared>>
      tpu.enqueue_indirect_dma source(%arg16 : memref<128xf32, #tpu.memory_space<vmem>>) target(%dma_start3A_376 : memref<10240xf32, #tpu.memory_space<vmem_shared>>) offsets(%dma_start3A_374 : memref<128xi32, #tpu.memory_space<vmem>>) semaphore(%arg22 : memref<!tpu.dma_semaphore, #tpu.memory_space<semaphore_mem>>) {add = true}
      %dma_start3A_377 = arith.constant 1 : i32
      %dma_start3A_378 = arith.constant 7 : i32
      %dma_start3A_379 = arith.constant 0 : i32
      %dma_start3A_380 = tpu.memref_slice %arg9[%dma_start3A_377, %dma_start3A_378, %dma_start3A_379] : memref<2x8x128xi32, #tpu.memory_space<vmem>> -> memref<1x1x128xi32, #tpu.memory_space<vmem>>
      %dma_start3A_381 = tpu.memref_squeeze %dma_start3A_380 : memref<1x1x128xi32, #tpu.memory_space<vmem>> -> memref<128xi32, #tpu.memory_space<vmem>>
      %dma_start3A_382 = arith.constant 0 : i32
      %dma_start3A_383 = tpu.memref_slice %arg8[%dma_start3A_382] : memref<10240xf32, #tpu.memory_space<vmem_shared>> -> memref<10240xf32, #tpu.memory_space<vmem_shared>>
      tpu.enqueue_indirect_dma source(%arg16 : memref<128xf32, #tpu.memory_space<vmem>>) target(%dma_start3A_383 : memref<10240xf32, #tpu.memory_space<vmem_shared>>) offsets(%dma_start3A_381 : memref<128xi32, #tpu.memory_space<vmem>>) semaphore(%arg22 : memref<!tpu.dma_semaphore, #tpu.memory_space<semaphore_mem>>) {add = true}
      %dma_wait3A_384 = arith.constant 1 : i32
      %dma_wait3A_385 = arith.constant 0 : i32
      %dma_wait3A_386 = arith.constant 0 : i32
      %dma_wait3A_387 = tpu.memref_slice %arg9[%dma_wait3A_384, %dma_wait3A_385, %dma_wait3A_386] : memref<2x8x128xi32, #tpu.memory_space<vmem>> -> memref<1x1x128xi32, #tpu.memory_space<vmem>>
      %dma_wait3A_388 = tpu.memref_squeeze %dma_wait3A_387 : memref<1x1x128xi32, #tpu.memory_space<vmem>> -> memref<128xi32, #tpu.memory_space<vmem>>
      %dma_wait3A_389 = arith.constant 0 : i32
      %dma_wait3A_390 = tpu.memref_slice %arg8[%dma_wait3A_389] : memref<10240xf32, #tpu.memory_space<vmem_shared>> -> memref<10240xf32, #tpu.memory_space<vmem_shared>>
      tpu.wait_indirect_dma semaphore(%arg22 : memref<!tpu.dma_semaphore, #tpu.memory_space<semaphore_mem>>) src(%arg16 : memref<128xf32, #tpu.memory_space<vmem>>) dst(%dma_wait3A_390 : memref<10240xf32, #tpu.memory_space<vmem_shared>>)
      %dma_wait3A_391 = arith.constant 1 : i32
      %dma_wait3A_392 = arith.constant 1 : i32
      %dma_wait3A_393 = arith.constant 0 : i32
      %dma_wait3A_394 = tpu.memref_slice %arg9[%dma_wait3A_391, %dma_wait3A_392, %dma_wait3A_393] : memref<2x8x128xi32, #tpu.memory_space<vmem>> -> memref<1x1x128xi32, #tpu.memory_space<vmem>>
      %dma_wait3A_395 = tpu.memref_squeeze %dma_wait3A_394 : memref<1x1x128xi32, #tpu.memory_space<vmem>> -> memref<128xi32, #tpu.memory_space<vmem>>
      %dma_wait3A_396 = arith.constant 0 : i32
      %dma_wait3A_397 = tpu.memref_slice %arg8[%dma_wait3A_396] : memref<10240xf32, #tpu.memory_space<vmem_shared>> -> memref<10240xf32, #tpu.memory_space<vmem_shared>>
      tpu.wait_indirect_dma semaphore(%arg22 : memref<!tpu.dma_semaphore, #tpu.memory_space<semaphore_mem>>) src(%arg16 : memref<128xf32, #tpu.memory_space<vmem>>) dst(%dma_wait3A_397 : memref<10240xf32, #tpu.memory_space<vmem_shared>>)
      %dma_wait3A_398 = arith.constant 1 : i32
      %dma_wait3A_399 = arith.constant 2 : i32
      %dma_wait3A_400 = arith.constant 0 : i32
      %dma_wait3A_401 = tpu.memref_slice %arg9[%dma_wait3A_398, %dma_wait3A_399, %dma_wait3A_400] : memref<2x8x128xi32, #tpu.memory_space<vmem>> -> memref<1x1x128xi32, #tpu.memory_space<vmem>>
      %dma_wait3A_402 = tpu.memref_squeeze %dma_wait3A_401 : memref<1x1x128xi32, #tpu.memory_space<vmem>> -> memref<128xi32, #tpu.memory_space<vmem>>
      %dma_wait3A_403 = arith.constant 0 : i32
      %dma_wait3A_404 = tpu.memref_slice %arg8[%dma_wait3A_403] : memref<10240xf32, #tpu.memory_space<vmem_shared>> -> memref<10240xf32, #tpu.memory_space<vmem_shared>>
      tpu.wait_indirect_dma semaphore(%arg22 : memref<!tpu.dma_semaphore, #tpu.memory_space<semaphore_mem>>) src(%arg16 : memref<128xf32, #tpu.memory_space<vmem>>) dst(%dma_wait3A_404 : memref<10240xf32, #tpu.memory_space<vmem_shared>>)
      %dma_wait3A_405 = arith.constant 1 : i32
      %dma_wait3A_406 = arith.constant 3 : i32
      %dma_wait3A_407 = arith.constant 0 : i32
      %dma_wait3A_408 = tpu.memref_slice %arg9[%dma_wait3A_405, %dma_wait3A_406, %dma_wait3A_407] : memref<2x8x128xi32, #tpu.memory_space<vmem>> -> memref<1x1x128xi32, #tpu.memory_space<vmem>>
      %dma_wait3A_409 = tpu.memref_squeeze %dma_wait3A_408 : memref<1x1x128xi32, #tpu.memory_space<vmem>> -> memref<128xi32, #tpu.memory_space<vmem>>
      %dma_wait3A_410 = arith.constant 0 : i32
      %dma_wait3A_411 = tpu.memref_slice %arg8[%dma_wait3A_410] : memref<10240xf32, #tpu.memory_space<vmem_shared>> -> memref<10240xf32, #tpu.memory_space<vmem_shared>>
      tpu.wait_indirect_dma semaphore(%arg22 : memref<!tpu.dma_semaphore, #tpu.memory_space<semaphore_mem>>) src(%arg16 : memref<128xf32, #tpu.memory_space<vmem>>) dst(%dma_wait3A_411 : memref<10240xf32, #tpu.memory_space<vmem_shared>>)
      %dma_wait3A_412 = arith.constant 1 : i32
      %dma_wait3A_413 = arith.constant 4 : i32
      %dma_wait3A_414 = arith.constant 0 : i32
      %dma_wait3A_415 = tpu.memref_slice %arg9[%dma_wait3A_412, %dma_wait3A_413, %dma_wait3A_414] : memref<2x8x128xi32, #tpu.memory_space<vmem>> -> memref<1x1x128xi32, #tpu.memory_space<vmem>>
      %dma_wait3A_416 = tpu.memref_squeeze %dma_wait3A_415 : memref<1x1x128xi32, #tpu.memory_space<vmem>> -> memref<128xi32, #tpu.memory_space<vmem>>
      %dma_wait3A_417 = arith.constant 0 : i32
      %dma_wait3A_418 = tpu.memref_slice %arg8[%dma_wait3A_417] : memref<10240xf32, #tpu.memory_space<vmem_shared>> -> memref<10240xf32, #tpu.memory_space<vmem_shared>>
      tpu.wait_indirect_dma semaphore(%arg22 : memref<!tpu.dma_semaphore, #tpu.memory_space<semaphore_mem>>) src(%arg16 : memref<128xf32, #tpu.memory_space<vmem>>) dst(%dma_wait3A_418 : memref<10240xf32, #tpu.memory_space<vmem_shared>>)
      %dma_wait3A_419 = arith.constant 1 : i32
      %dma_wait3A_420 = arith.constant 5 : i32
      %dma_wait3A_421 = arith.constant 0 : i32
      %dma_wait3A_422 = tpu.memref_slice %arg9[%dma_wait3A_419, %dma_wait3A_420, %dma_wait3A_421] : memref<2x8x128xi32, #tpu.memory_space<vmem>> -> memref<1x1x128xi32, #tpu.memory_space<vmem>>
      %dma_wait3A_423 = tpu.memref_squeeze %dma_wait3A_422 : memref<1x1x128xi32, #tpu.memory_space<vmem>> -> memref<128xi32, #tpu.memory_space<vmem>>
      %dma_wait3A_424 = arith.constant 0 : i32
      %dma_wait3A_425 = tpu.memref_slice %arg8[%dma_wait3A_424] : memref<10240xf32, #tpu.memory_space<vmem_shared>> -> memref<10240xf32, #tpu.memory_space<vmem_shared>>
      tpu.wait_indirect_dma semaphore(%arg22 : memref<!tpu.dma_semaphore, #tpu.memory_space<semaphore_mem>>) src(%arg16 : memref<128xf32, #tpu.memory_space<vmem>>) dst(%dma_wait3A_425 : memref<10240xf32, #tpu.memory_space<vmem_shared>>)
      %dma_wait3A_426 = arith.constant 1 : i32
      %dma_wait3A_427 = arith.constant 6 : i32
      %dma_wait3A_428 = arith.constant 0 : i32
      %dma_wait3A_429 = tpu.memref_slice %arg9[%dma_wait3A_426, %dma_wait3A_427, %dma_wait3A_428] : memref<2x8x128xi32, #tpu.memory_space<vmem>> -> memref<1x1x128xi32, #tpu.memory_space<vmem>>
      %dma_wait3A_430 = tpu.memref_squeeze %dma_wait3A_429 : memref<1x1x128xi32, #tpu.memory_space<vmem>> -> memref<128xi32, #tpu.memory_space<vmem>>
      %dma_wait3A_431 = arith.constant 0 : i32
      %dma_wait3A_432 = tpu.memref_slice %arg8[%dma_wait3A_431] : memref<10240xf32, #tpu.memory_space<vmem_shared>> -> memref<10240xf32, #tpu.memory_space<vmem_shared>>
      tpu.wait_indirect_dma semaphore(%arg22 : memref<!tpu.dma_semaphore, #tpu.memory_space<semaphore_mem>>) src(%arg16 : memref<128xf32, #tpu.memory_space<vmem>>) dst(%dma_wait3A_432 : memref<10240xf32, #tpu.memory_space<vmem_shared>>)
      %dma_wait3A_433 = arith.constant 1 : i32
      %dma_wait3A_434 = arith.constant 7 : i32
      %dma_wait3A_435 = arith.constant 0 : i32
      %dma_wait3A_436 = tpu.memref_slice %arg9[%dma_wait3A_433, %dma_wait3A_434, %dma_wait3A_435] : memref<2x8x128xi32, #tpu.memory_space<vmem>> -> memref<1x1x128xi32, #tpu.memory_space<vmem>>
      %dma_wait3A_437 = tpu.memref_squeeze %dma_wait3A_436 : memref<1x1x128xi32, #tpu.memory_space<vmem>> -> memref<128xi32, #tpu.memory_space<vmem>>
      %dma_wait3A_438 = arith.constant 0 : i32
      %dma_wait3A_439 = tpu.memref_slice %arg8[%dma_wait3A_438] : memref<10240xf32, #tpu.memory_space<vmem_shared>> -> memref<10240xf32, #tpu.memory_space<vmem_shared>>
      tpu.wait_indirect_dma semaphore(%arg22 : memref<!tpu.dma_semaphore, #tpu.memory_space<semaphore_mem>>) src(%arg16 : memref<128xf32, #tpu.memory_space<vmem>>) dst(%dma_wait3A_439 : memref<10240xf32, #tpu.memory_space<vmem_shared>>)
      %scan3A_440 = arith.constant 0 : i32
      scf.yield %scan3A_440 : i32
    }
    %scan3A_39 = arith.constant 10 : i32
    %barrier3A_40 = arith.constant 0 : index
    tpu.barrier barrier_id(%barrier3A_40)
    %mul3A_41 = arith.constant 640 : i32
    %mul3A_42 = arith.muli %arg1, %mul3A_41 : i32
    "tpu.region"() ({
      %run_scoped3A = tpu.sem_alloc : memref<!tpu.dma_semaphore, #tpu.memory_space<semaphore_mem>>
      %dma_start3A_157 = tpu.memref_slice %arg8[%mul3A_42] : memref<10240xf32, #tpu.memory_space<vmem_shared>> -> memref<640xf32, #tpu.memory_space<vmem_shared>>
      %dma_start3A_158 = tpu.memref_slice %arg8[%mul3A_42] : memref<10240xf32, #tpu.memory_space<vmem_shared>> -> memref<640xf32, #tpu.memory_space<vmem_shared>>
      tpu.enqueue_dma source(%dma_start3A_158 : memref<640xf32, #tpu.memory_space<vmem_shared>>) target(%arg13 : memref<640xf32, #tpu.memory_space<vmem>>) target_semaphore(%run_scoped3A : memref<!tpu.dma_semaphore, #tpu.memory_space<semaphore_mem>>)
      %dma_wait3A = tpu.memref_slice %arg8[%mul3A_42] : memref<10240xf32, #tpu.memory_space<vmem_shared>> -> memref<640xf32, #tpu.memory_space<vmem_shared>>
      %dma_wait3A_159 = tpu.memref_slice %arg8[%mul3A_42] : memref<10240xf32, #tpu.memory_space<vmem_shared>> -> memref<640xf32, #tpu.memory_space<vmem_shared>>
      tpu.wait_dma2 semaphore(%run_scoped3A : memref<!tpu.dma_semaphore, #tpu.memory_space<semaphore_mem>>) src(%dma_wait3A_159 : memref<640xf32, #tpu.memory_space<vmem_shared>>) dst(%arg13 : memref<640xf32, #tpu.memory_space<vmem>>)
      tpu.yield
    }) : () -> ()
    %scan3A_43 = arith.constant 0 : i32
    %scan3A_44 = arith.constant 0 : i32
    %scan3A_45 = arith.constant 40 : i32
    %scan3A_46 = arith.addi %scan3A_44, %scan3A_45 : i32
    %scan3A_47 = arith.constant 1 : i32
    %scan3A_48 = scf.for %scan3A_157 = %scan3A_44 to %scan3A_46 step %scan3A_47 iter_args(%scan3A_158 = %scan3A_43) -> (i32)  : i32 {
      %mul3A_159 = arith.constant 16 : i32
      %mul3A_160 = arith.muli %scan3A_157, %mul3A_159 : i32
      %get3A = arith.index_cast %mul3A_160 : i32 to index
      %get3A_161 = tpu.vector_load %arg13[%get3A] {strides = array<i32>} : memref<640xf32, #tpu.memory_space<vmem>>, vector<16xf32>,
      %broadcast_in_dim3A_162 = arith.constant 5.000000e-01 : f32
      %broadcast_in_dim3A_163 = vector.broadcast %broadcast_in_dim3A_162 : f32 to vector<16xf32>
      %broadcast_in_dim3A_164 = arith.constant 2.500000e-01 : f32
      %broadcast_in_dim3A_165 = vector.broadcast %broadcast_in_dim3A_164 : f32 to vector<16xf32>
      %broadcast_in_dim3A_166 = arith.constant 4.000000e+00 : f32
      %broadcast_in_dim3A_167 = vector.broadcast %broadcast_in_dim3A_166 : f32 to vector<16xf32>
      %broadcast_in_dim3A_168 = arith.constant 1.500000e+00 : f32
      %broadcast_in_dim3A_169 = vector.broadcast %broadcast_in_dim3A_168 : f32 to vector<16xf32>
      %broadcast_in_dim3A_170 = arith.constant 1.103200e+00 : f32
      %broadcast_in_dim3A_171 = vector.broadcast %broadcast_in_dim3A_170 : f32 to vector<16xf32>
      %broadcast_in_dim3A_172 = arith.constant 0.166666672 : f32
      %broadcast_in_dim3A_173 = vector.broadcast %broadcast_in_dim3A_172 : f32 to vector<16xf32>
      %broadcast_in_dim3A_174 = arith.constant 1.000000e+00 : f32
      %broadcast_in_dim3A_175 = vector.broadcast %broadcast_in_dim3A_174 : f32 to vector<16xf32>
      %ge3A = arith.cmpf oge, %get3A_161, %broadcast_in_dim3A_167 : vector<16xf32>
      %mul3A_176 = arith.mulf %broadcast_in_dim3A_175, %broadcast_in_dim3A_163 : vector<16xf32>
      %select_n3A = arith.select %ge3A, %mul3A_176, %broadcast_in_dim3A_175 : vector<16xi1>, vector<16xf32>
      %mul3A_177 = arith.mulf %get3A_161, %broadcast_in_dim3A_165 : vector<16xf32>
      %select_n3A_178 = arith.select %ge3A, %mul3A_177, %get3A_161 : vector<16xi1>, vector<16xf32>
      %ge3A_179 = arith.cmpf oge, %select_n3A_178, %broadcast_in_dim3A_167 : vector<16xf32>
      %mul3A_180 = arith.mulf %select_n3A, %broadcast_in_dim3A_163 : vector<16xf32>
      %select_n3A_181 = arith.select %ge3A_179, %mul3A_180, %select_n3A : vector<16xi1>, vector<16xf32>
      %mul3A_182 = arith.mulf %select_n3A_178, %broadcast_in_dim3A_165 : vector<16xf32>
      %select_n3A_183 = arith.select %ge3A_179, %mul3A_182, %select_n3A_178 : vector<16xi1>, vector<16xf32>
      %ge3A_184 = arith.cmpf oge, %select_n3A_183, %broadcast_in_dim3A_167 : vector<16xf32>
      %mul3A_185 = arith.mulf %select_n3A_181, %broadcast_in_dim3A_163 : vector<16xf32>
      %select_n3A_186 = arith.select %ge3A_184, %mul3A_185, %select_n3A_181 : vector<16xi1>, vector<16xf32>
      %mul3A_187 = arith.mulf %select_n3A_183, %broadcast_in_dim3A_165 : vector<16xf32>
      %select_n3A_188 = arith.select %ge3A_184, %mul3A_187, %select_n3A_183 : vector<16xi1>, vector<16xf32>
      %ge3A_189 = arith.cmpf oge, %select_n3A_188, %broadcast_in_dim3A_167 : vector<16xf32>
      %mul3A_190 = arith.mulf %select_n3A_186, %broadcast_in_dim3A_163 : vector<16xf32>
      %select_n3A_191 = arith.select %ge3A_189, %mul3A_190, %select_n3A_186 : vector<16xi1>, vector<16xf32>
      %mul3A_192 = arith.mulf %select_n3A_188, %broadcast_in_dim3A_165 : vector<16xf32>
      %select_n3A_193 = arith.select %ge3A_189, %mul3A_192, %select_n3A_188 : vector<16xi1>, vector<16xf32>
      %ge3A_194 = arith.cmpf oge, %select_n3A_193, %broadcast_in_dim3A_167 : vector<16xf32>
      %mul3A_195 = arith.mulf %select_n3A_191, %broadcast_in_dim3A_163 : vector<16xf32>
      %select_n3A_196 = arith.select %ge3A_194, %mul3A_195, %select_n3A_191 : vector<16xi1>, vector<16xf32>
      %mul3A_197 = arith.mulf %select_n3A_193, %broadcast_in_dim3A_165 : vector<16xf32>
      %select_n3A_198 = arith.select %ge3A_194, %mul3A_197, %select_n3A_193 : vector<16xi1>, vector<16xf32>
      %ge3A_199 = arith.cmpf oge, %select_n3A_198, %broadcast_in_dim3A_167 : vector<16xf32>
      %mul3A_200 = arith.mulf %select_n3A_196, %broadcast_in_dim3A_163 : vector<16xf32>
      %select_n3A_201 = arith.select %ge3A_199, %mul3A_200, %select_n3A_196 : vector<16xi1>, vector<16xf32>
      %mul3A_202 = arith.mulf %select_n3A_198, %broadcast_in_dim3A_165 : vector<16xf32>
      %select_n3A_203 = arith.select %ge3A_199, %mul3A_202, %select_n3A_198 : vector<16xi1>, vector<16xf32>
      %ge3A_204 = arith.cmpf oge, %select_n3A_203, %broadcast_in_dim3A_167 : vector<16xf32>
      %mul3A_205 = arith.mulf %select_n3A_201, %broadcast_in_dim3A_163 : vector<16xf32>
      %select_n3A_206 = arith.select %ge3A_204, %mul3A_205, %select_n3A_201 : vector<16xi1>, vector<16xf32>
      %mul3A_207 = arith.mulf %select_n3A_203, %broadcast_in_dim3A_165 : vector<16xf32>
      %select_n3A_208 = arith.select %ge3A_204, %mul3A_207, %select_n3A_203 : vector<16xi1>, vector<16xf32>
      %ge3A_209 = arith.cmpf oge, %select_n3A_208, %broadcast_in_dim3A_167 : vector<16xf32>
      %mul3A_210 = arith.mulf %select_n3A_206, %broadcast_in_dim3A_163 : vector<16xf32>
      %select_n3A_211 = arith.select %ge3A_209, %mul3A_210, %select_n3A_206 : vector<16xi1>, vector<16xf32>
      %mul3A_212 = arith.mulf %select_n3A_208, %broadcast_in_dim3A_165 : vector<16xf32>
      %select_n3A_213 = arith.select %ge3A_209, %mul3A_212, %select_n3A_208 : vector<16xi1>, vector<16xf32>
      %ge3A_214 = arith.cmpf oge, %select_n3A_213, %broadcast_in_dim3A_167 : vector<16xf32>
      %mul3A_215 = arith.mulf %select_n3A_211, %broadcast_in_dim3A_163 : vector<16xf32>
      %select_n3A_216 = arith.select %ge3A_214, %mul3A_215, %select_n3A_211 : vector<16xi1>, vector<16xf32>
      %mul3A_217 = arith.mulf %select_n3A_213, %broadcast_in_dim3A_165 : vector<16xf32>
      %select_n3A_218 = arith.select %ge3A_214, %mul3A_217, %select_n3A_213 : vector<16xi1>, vector<16xf32>
      %ge3A_219 = arith.cmpf oge, %select_n3A_218, %broadcast_in_dim3A_167 : vector<16xf32>
      %mul3A_220 = arith.mulf %select_n3A_216, %broadcast_in_dim3A_163 : vector<16xf32>
      %select_n3A_221 = arith.select %ge3A_219, %mul3A_220, %select_n3A_216 : vector<16xi1>, vector<16xf32>
      %mul3A_222 = arith.mulf %select_n3A_218, %broadcast_in_dim3A_165 : vector<16xf32>
      %select_n3A_223 = arith.select %ge3A_219, %mul3A_222, %select_n3A_218 : vector<16xi1>, vector<16xf32>
      %mul3A_224 = arith.mulf %broadcast_in_dim3A_173, %select_n3A_223 : vector<16xf32>
      %sub3A = arith.subf %broadcast_in_dim3A_171, %mul3A_224 : vector<16xf32>
      %mul3A_225 = arith.mulf %select_n3A_221, %sub3A : vector<16xf32>
      %mul3A_226 = arith.mulf %broadcast_in_dim3A_163, %get3A_161 : vector<16xf32>
      %mul3A_227 = arith.mulf %mul3A_226, %mul3A_225 : vector<16xf32>
      %mul3A_228 = arith.mulf %mul3A_227, %mul3A_225 : vector<16xf32>
      %sub3A_229 = arith.subf %broadcast_in_dim3A_169, %mul3A_228 : vector<16xf32>
      %mul3A_230 = arith.mulf %mul3A_225, %sub3A_229 : vector<16xf32>
      %mul3A_231 = arith.mulf %broadcast_in_dim3A_163, %get3A_161 : vector<16xf32>
      %mul3A_232 = arith.mulf %mul3A_231, %mul3A_230 : vector<16xf32>
      %mul3A_233 = arith.mulf %mul3A_232, %mul3A_230 : vector<16xf32>
      %sub3A_234 = arith.subf %broadcast_in_dim3A_169, %mul3A_233 : vector<16xf32>
      %mul3A_235 = arith.mulf %mul3A_230, %sub3A_234 : vector<16xf32>
      %mul3A_236 = arith.mulf %broadcast_in_dim3A_163, %get3A_161 : vector<16xf32>
      %mul3A_237 = arith.mulf %mul3A_236, %mul3A_235 : vector<16xf32>
      %mul3A_238 = arith.mulf %mul3A_237, %mul3A_235 : vector<16xf32>
      %sub3A_239 = arith.subf %broadcast_in_dim3A_169, %mul3A_238 : vector<16xf32>
      %mul3A_240 = arith.mulf %mul3A_235, %sub3A_239 : vector<16xf32>
      %mul3A_241 = arith.mulf %broadcast_in_dim3A_163, %get3A_161 : vector<16xf32>
      %mul3A_242 = arith.mulf %mul3A_241, %mul3A_240 : vector<16xf32>
      %mul3A_243 = arith.mulf %mul3A_242, %mul3A_240 : vector<16xf32>
      %sub3A_244 = arith.subf %broadcast_in_dim3A_169, %mul3A_243 : vector<16xf32>
      %mul3A_245 = arith.mulf %mul3A_240, %sub3A_244 : vector<16xf32>
      %swap3A = arith.index_cast %mul3A_160 : i32 to index
      %swap3A_246 = tpu.vector_load %arg14[%swap3A] {strides = array<i32>} : memref<656xf32, #tpu.memory_space<vmem>>, vector<16xf32>,
      tpu.vector_store %arg14[%swap3A], %mul3A_245 {strides = array<i32>} : memref<656xf32, #tpu.memory_space<vmem>>, vector<16xf32>,
      %mul3A_247 = arith.mulf %mul3A_245, %mul3A_245 : vector<16xf32>
      %swap3A_248 = arith.index_cast %mul3A_160 : i32 to index
      %swap3A_249 = tpu.vector_load %arg15[%swap3A_248] {strides = array<i32>} : memref<656xf32, #tpu.memory_space<vmem>>, vector<16xf32>,
      tpu.vector_store %arg15[%swap3A_248], %mul3A_247 {strides = array<i32>} : memref<656xf32, #tpu.memory_space<vmem>>, vector<16xf32>,
      %scan3A_250 = arith.constant 0 : i32
      scf.yield %scan3A_250 : i32
    }
    %scan3A_49 = arith.constant 40 : i32
    %scan3A_50 = arith.constant 0 : i32
    %scan3A_51 = arith.constant 0 : i32
    %scan3A_52 = arith.constant 5 : i32
    %scan3A_53 = arith.addi %scan3A_51, %scan3A_52 : i32
    %scan3A_54 = arith.constant 1 : i32
    %scan3A_55 = scf.for %scan3A_157 = %scan3A_51 to %scan3A_53 step %scan3A_54 iter_args(%scan3A_158 = %scan3A_50) -> (i32)  : i32 {
      %mul3A_159 = arith.constant 640 : i32
      %mul3A_160 = arith.muli %arg1, %mul3A_159 : i32
      %mul3A_161 = arith.constant 128 : i32
      %mul3A_162 = arith.muli %scan3A_157, %mul3A_161 : i32
      %add3A = arith.addi %mul3A_160, %mul3A_162 : i32
      "tpu.region"() ({
        %run_scoped3A_181 = tpu.sem_alloc : memref<!tpu.dma_semaphore, #tpu.memory_space<semaphore_mem>>
        %dma_start3A_182 = arith.constant 0 : i32
        %dma_start3A_183 = tpu.memref_slice %arg2[%arg0, %add3A, %dma_start3A_182] : memref<2x10240x64xf32, #tpu.memory_space<hbm>> -> memref<1x128x64xf32, #tpu.memory_space<hbm>>
        %dma_start3A_184 = tpu.memref_squeeze %dma_start3A_183 : memref<1x128x64xf32, #tpu.memory_space<hbm>> -> memref<128x64xf32, #tpu.memory_space<hbm>>
        %dma_start3A_185 = arith.constant 0 : i32
        %dma_start3A_186 = tpu.memref_slice %arg2[%arg0, %add3A, %dma_start3A_185] : memref<2x10240x64xf32, #tpu.memory_space<hbm>> -> memref<1x128x64xf32, #tpu.memory_space<hbm>>
        %dma_start3A_187 = tpu.memref_squeeze %dma_start3A_186 : memref<1x128x64xf32, #tpu.memory_space<hbm>> -> memref<128x64xf32, #tpu.memory_space<hbm>>
        tpu.enqueue_dma source(%dma_start3A_187 : memref<128x64xf32, #tpu.memory_space<hbm>>) target(%arg12 : memref<128x64xf32, #tpu.memory_space<vmem>>) target_semaphore(%run_scoped3A_181 : memref<!tpu.dma_semaphore, #tpu.memory_space<semaphore_mem>>)
        %dma_wait3A = arith.constant 0 : i32
        %dma_wait3A_188 = tpu.memref_slice %arg2[%arg0, %add3A, %dma_wait3A] : memref<2x10240x64xf32, #tpu.memory_space<hbm>> -> memref<1x128x64xf32, #tpu.memory_space<hbm>>
        %dma_wait3A_189 = tpu.memref_squeeze %dma_wait3A_188 : memref<1x128x64xf32, #tpu.memory_space<hbm>> -> memref<128x64xf32, #tpu.memory_space<hbm>>
        %dma_wait3A_190 = arith.constant 0 : i32
        %dma_wait3A_191 = tpu.memref_slice %arg2[%arg0, %add3A, %dma_wait3A_190] : memref<2x10240x64xf32, #tpu.memory_space<hbm>> -> memref<1x128x64xf32, #tpu.memory_space<hbm>>
        %dma_wait3A_192 = tpu.memref_squeeze %dma_wait3A_191 : memref<1x128x64xf32, #tpu.memory_space<hbm>> -> memref<128x64xf32, #tpu.memory_space<hbm>>
        tpu.wait_dma2 semaphore(%run_scoped3A_181 : memref<!tpu.dma_semaphore, #tpu.memory_space<semaphore_mem>>) src(%dma_wait3A_192 : memref<128x64xf32, #tpu.memory_space<hbm>>) dst(%arg12 : memref<128x64xf32, #tpu.memory_space<vmem>>)
        tpu.yield
      }) : () -> ()
      %mul3A_163 = arith.constant 128 : i32
      %mul3A_164 = arith.muli %scan3A_157, %mul3A_163 : i32
      %scan3A_165 = arith.constant 0 : i32
      %scan3A_166 = arith.constant 0 : i32
      %scan3A_167 = arith.constant 128 : i32
      %scan3A_168 = arith.addi %scan3A_166, %scan3A_167 : i32
      %scan3A_169 = arith.constant 1 : i32
      %scan3A_170 = scf.for %scan3A_181 = %scan3A_166 to %scan3A_168 step %scan3A_169 iter_args(%scan3A_182 = %scan3A_165) -> (i32)  : i32 {
        %add3A_183 = arith.addi %mul3A_164, %scan3A_181 : i32
        %get3A = arith.index_cast %add3A_183 : i32 to index
        %get3A_184 = tpu.vector_load %arg14[%get3A] {strides = array<i32>} : memref<656xf32, #tpu.memory_space<vmem>>, vector<16xf32>,
        %slice3A = vector.extract_strided_slice %get3A_184 {offsets = [0], sizes = [1], strides = [1]} : vector<16xf32> to vector<1xf32>
        %squeeze3A = vector.extract %slice3A[0] : f32 from vector<1xf32>
        %broadcast_in_dim3A_185 = vector.broadcast %squeeze3A : f32 to vector<16xf32>
        %get3A_186 = arith.index_cast %scan3A_181 : i32 to index
        %get3A_187 = arith.constant 0 : index
        %get3A_188 = tpu.vector_load %arg12[%get3A_186, %get3A_187] {strides = array<i32>} : memref<128x64xf32, #tpu.memory_space<vmem>>, vector<16xf32>,
        %mul3A_189 = arith.mulf %get3A_188, %broadcast_in_dim3A_185 : vector<16xf32>
        %swap3A = arith.index_cast %scan3A_181 : i32 to index
        %swap3A_190 = arith.constant 0 : index
        %swap3A_191 = tpu.vector_load %arg12[%swap3A, %swap3A_190] {strides = array<i32>} : memref<128x64xf32, #tpu.memory_space<vmem>>, vector<16xf32>,
        tpu.vector_store %arg12[%swap3A, %swap3A_190], %mul3A_189 {strides = array<i32>} : memref<128x64xf32, #tpu.memory_space<vmem>>, vector<16xf32>,
        %get3A_192 = arith.index_cast %scan3A_181 : i32 to index
        %get3A_193 = arith.constant 16 : index
        %get3A_194 = tpu.vector_load %arg12[%get3A_192, %get3A_193] {strides = array<i32>} : memref<128x64xf32, #tpu.memory_space<vmem>>, vector<16xf32>,
        %mul3A_195 = arith.mulf %get3A_194, %broadcast_in_dim3A_185 : vector<16xf32>
        %swap3A_196 = arith.index_cast %scan3A_181 : i32 to index
        %swap3A_197 = arith.constant 16 : index
        %swap3A_198 = tpu.vector_load %arg12[%swap3A_196, %swap3A_197] {strides = array<i32>} : memref<128x64xf32, #tpu.memory_space<vmem>>, vector<16xf32>,
        tpu.vector_store %arg12[%swap3A_196, %swap3A_197], %mul3A_195 {strides = array<i32>} : memref<128x64xf32, #tpu.memory_space<vmem>>, vector<16xf32>,
        %get3A_199 = arith.index_cast %scan3A_181 : i32 to index
        %get3A_200 = arith.constant 32 : index
        %get3A_201 = tpu.vector_load %arg12[%get3A_199, %get3A_200] {strides = array<i32>} : memref<128x64xf32, #tpu.memory_space<vmem>>, vector<16xf32>,
        %mul3A_202 = arith.mulf %get3A_201, %broadcast_in_dim3A_185 : vector<16xf32>
        %swap3A_203 = arith.index_cast %scan3A_181 : i32 to index
        %swap3A_204 = arith.constant 32 : index
        %swap3A_205 = tpu.vector_load %arg12[%swap3A_203, %swap3A_204] {strides = array<i32>} : memref<128x64xf32, #tpu.memory_space<vmem>>, vector<16xf32>,
        tpu.vector_store %arg12[%swap3A_203, %swap3A_204], %mul3A_202 {strides = array<i32>} : memref<128x64xf32, #tpu.memory_space<vmem>>, vector<16xf32>,
        %get3A_206 = arith.index_cast %scan3A_181 : i32 to index
        %get3A_207 = arith.constant 48 : index
        %get3A_208 = tpu.vector_load %arg12[%get3A_206, %get3A_207] {strides = array<i32>} : memref<128x64xf32, #tpu.memory_space<vmem>>, vector<16xf32>,
        %mul3A_209 = arith.mulf %get3A_208, %broadcast_in_dim3A_185 : vector<16xf32>
        %swap3A_210 = arith.index_cast %scan3A_181 : i32 to index
        %swap3A_211 = arith.constant 48 : index
        %swap3A_212 = tpu.vector_load %arg12[%swap3A_210, %swap3A_211] {strides = array<i32>} : memref<128x64xf32, #tpu.memory_space<vmem>>, vector<16xf32>,
        tpu.vector_store %arg12[%swap3A_210, %swap3A_211], %mul3A_209 {strides = array<i32>} : memref<128x64xf32, #tpu.memory_space<vmem>>, vector<16xf32>,
        %scan3A_213 = arith.constant 0 : i32
        scf.yield %scan3A_213 : i32
      }
      %scan3A_171 = arith.constant 128 : i32
      %scan3A_172 = arith.constant 0 : i32
      %scan3A_173 = arith.constant 0 : i32
      %scan3A_174 = arith.constant 8 : i32
      %scan3A_175 = arith.addi %scan3A_173, %scan3A_174 : i32
      %scan3A_176 = arith.constant 1 : i32
      %scan3A_177 = scf.for %scan3A_181 = %scan3A_173 to %scan3A_175 step %scan3A_176 iter_args(%scan3A_182 = %scan3A_172) -> (i32)  : i32 {
        %iota3A = tpu.iota {dimensions = array<i32: 0>} : vector<16xi32>
        %add3A_183 = vector.broadcast %add3A : i32 to vector<16xi32>
        %add3A_184 = arith.addi %iota3A, %add3A_183 : vector<16xi32>
        %mul3A_185 = arith.constant 16 : i32
        %mul3A_186 = arith.muli %scan3A_181, %mul3A_185 : i32
        %add3A_187 = vector.broadcast %mul3A_186 : i32 to vector<16xi32>
        %add3A_188 = arith.addi %add3A_184, %add3A_187 : vector<16xi32>
        %mul3A_189 = arith.constant 16 : i32
        %mul3A_190 = arith.muli %scan3A_181, %mul3A_189 : i32
        %swap3A = arith.constant 0 : i32
        %swap3A_191 = arith.index_cast %swap3A : i32 to index
        %swap3A_192 = arith.index_cast %mul3A_190 : i32 to index
        %swap3A_193 = tpu.vector_load %arg17[%swap3A_191, %swap3A_192] {strides = array<i32>} : memref<1x128xi32, #tpu.memory_space<vmem>>, vector<16xi32>,
        tpu.vector_store %arg17[%swap3A_191, %swap3A_192], %add3A_188 {strides = array<i32>} : memref<1x128xi32, #tpu.memory_space<vmem>>, vector<16xi32>,
        %scan3A_194 = arith.constant 0 : i32
        scf.yield %scan3A_194 : i32
      }
      %scan3A_178 = arith.constant 8 : i32
      %run_scoped3A = arith.constant 0 : i32
      "tpu.region"() ({
        %run_scoped3A_181 = tpu.sem_alloc : memref<!tpu.dma_semaphore, #tpu.memory_space<semaphore_mem>>
        %dma_start3A_182 = arith.constant 0 : i32
        %dma_start3A_183 = tpu.memref_slice %arg17[%run_scoped3A, %dma_start3A_182] : memref<1x128xi32, #tpu.memory_space<vmem>> -> memref<1x128xi32, #tpu.memory_space<vmem>>
        %dma_start3A_184 = tpu.memref_squeeze %dma_start3A_183 : memref<1x128xi32, #tpu.memory_space<vmem>> -> memref<128xi32, #tpu.memory_space<vmem>>
        %dma_start3A_185 = arith.constant 0 : i32
        %dma_start3A_186 = arith.constant 0 : i32
        %dma_start3A_187 = tpu.memref_slice %arg6[%dma_start3A_185, %dma_start3A_186] : memref<10240x64xf32, #tpu.memory_space<vmem_shared>> -> memref<10240x64xf32, #tpu.memory_space<vmem_shared>>
        tpu.enqueue_indirect_dma source(%arg12 : memref<128x64xf32, #tpu.memory_space<vmem>>) target(%dma_start3A_187 : memref<10240x64xf32, #tpu.memory_space<vmem_shared>>) offsets(%dma_start3A_184 : memref<128xi32, #tpu.memory_space<vmem>>) semaphore(%run_scoped3A_181 : memref<!tpu.dma_semaphore, #tpu.memory_space<semaphore_mem>>)
        %dma_wait3A = arith.constant 0 : i32
        %dma_wait3A_188 = tpu.memref_slice %arg17[%run_scoped3A, %dma_wait3A] : memref<1x128xi32, #tpu.memory_space<vmem>> -> memref<1x128xi32, #tpu.memory_space<vmem>>
        %dma_wait3A_189 = tpu.memref_squeeze %dma_wait3A_188 : memref<1x128xi32, #tpu.memory_space<vmem>> -> memref<128xi32, #tpu.memory_space<vmem>>
        %dma_wait3A_190 = arith.constant 0 : i32
        %dma_wait3A_191 = arith.constant 0 : i32
        %dma_wait3A_192 = tpu.memref_slice %arg6[%dma_wait3A_190, %dma_wait3A_191] : memref<10240x64xf32, #tpu.memory_space<vmem_shared>> -> memref<10240x64xf32, #tpu.memory_space<vmem_shared>>
        tpu.wait_indirect_dma semaphore(%run_scoped3A_181 : memref<!tpu.dma_semaphore, #tpu.memory_space<semaphore_mem>>) src(%arg12 : memref<128x64xf32, #tpu.memory_space<vmem>>) dst(%dma_wait3A_192 : memref<10240x64xf32, #tpu.memory_space<vmem_shared>>)
        tpu.yield
      }) : () -> ()
      %run_scoped3A_179 = arith.constant 0 : i32
      "tpu.region"() ({
        %run_scoped3A_181 = tpu.sem_alloc : memref<!tpu.dma_semaphore, #tpu.memory_space<semaphore_mem>>
        %dma_start3A_182 = arith.constant 0 : i32
        %dma_start3A_183 = tpu.memref_slice %arg17[%run_scoped3A_179, %dma_start3A_182] : memref<1x128xi32, #tpu.memory_space<vmem>> -> memref<1x128xi32, #tpu.memory_space<vmem>>
        %dma_start3A_184 = tpu.memref_squeeze %dma_start3A_183 : memref<1x128xi32, #tpu.memory_space<vmem>> -> memref<128xi32, #tpu.memory_space<vmem>>
        %dma_start3A_185 = arith.constant 0 : i32
        %dma_start3A_186 = arith.constant 0 : i32
        %dma_start3A_187 = tpu.memref_slice %arg7[%dma_start3A_185, %dma_start3A_186] : memref<10240x64xf32, #tpu.memory_space<vmem_shared>> -> memref<10240x64xf32, #tpu.memory_space<vmem_shared>>
        tpu.enqueue_indirect_dma source(%arg12 : memref<128x64xf32, #tpu.memory_space<vmem>>) target(%dma_start3A_187 : memref<10240x64xf32, #tpu.memory_space<vmem_shared>>) offsets(%dma_start3A_184 : memref<128xi32, #tpu.memory_space<vmem>>) semaphore(%run_scoped3A_181 : memref<!tpu.dma_semaphore, #tpu.memory_space<semaphore_mem>>)
        %dma_wait3A = arith.constant 0 : i32
        %dma_wait3A_188 = tpu.memref_slice %arg17[%run_scoped3A_179, %dma_wait3A] : memref<1x128xi32, #tpu.memory_space<vmem>> -> memref<1x128xi32, #tpu.memory_space<vmem>>
        %dma_wait3A_189 = tpu.memref_squeeze %dma_wait3A_188 : memref<1x128xi32, #tpu.memory_space<vmem>> -> memref<128xi32, #tpu.memory_space<vmem>>
        %dma_wait3A_190 = arith.constant 0 : i32
        %dma_wait3A_191 = arith.constant 0 : i32
        %dma_wait3A_192 = tpu.memref_slice %arg7[%dma_wait3A_190, %dma_wait3A_191] : memref<10240x64xf32, #tpu.memory_space<vmem_shared>> -> memref<10240x64xf32, #tpu.memory_space<vmem_shared>>
        tpu.wait_indirect_dma semaphore(%run_scoped3A_181 : memref<!tpu.dma_semaphore, #tpu.memory_space<semaphore_mem>>) src(%arg12 : memref<128x64xf32, #tpu.memory_space<vmem>>) dst(%dma_wait3A_192 : memref<10240x64xf32, #tpu.memory_space<vmem_shared>>)
        tpu.yield
      }) : () -> ()
      %scan3A_180 = arith.constant 0 : i32
      scf.yield %scan3A_180 : i32
    }
    %scan3A_56 = arith.constant 5 : i32
    %barrier3A_57 = arith.constant 0 : index
    tpu.barrier barrier_id(%barrier3A_57)
    %dma_start3A_58 = arith.constant 0 : i32
    %dma_start3A_59 = arith.constant 0 : i32
    %dma_start3A_60 = arith.constant 0 : i32
    %dma_start3A_61 = tpu.memref_slice %arg9[%dma_start3A_58, %dma_start3A_59, %dma_start3A_60] : memref<2x8x128xi32, #tpu.memory_space<vmem>> -> memref<1x8x128xi32, #tpu.memory_space<vmem>>
    %dma_start3A_62 = tpu.memref_squeeze %dma_start3A_61 : memref<1x8x128xi32, #tpu.memory_space<vmem>> -> memref<8x128xi32, #tpu.memory_space<vmem>>
    %dma_start3A_63 = arith.constant 0 : i32
    %dma_start3A_64 = arith.constant 0 : i32
    %dma_start3A_65 = tpu.memref_slice %arg4[%arg1, %dma_start3A_63, %dma_start3A_64] : memref<16x160x128xi32, #tpu.memory_space<hbm>> -> memref<1x8x128xi32, #tpu.memory_space<hbm>>
    %dma_start3A_66 = tpu.memref_squeeze %dma_start3A_65 : memref<1x8x128xi32, #tpu.memory_space<hbm>> -> memref<8x128xi32, #tpu.memory_space<hbm>>
    %dma_start3A_67 = arith.constant 0 : i32
    %dma_start3A_68 = arith.constant 0 : i32
    %dma_start3A_69 = tpu.memref_slice %arg9[%dma_start3A_58, %dma_start3A_67, %dma_start3A_68] : memref<2x8x128xi32, #tpu.memory_space<vmem>> -> memref<1x8x128xi32, #tpu.memory_space<vmem>>
    %dma_start3A_70 = tpu.memref_squeeze %dma_start3A_69 : memref<1x8x128xi32, #tpu.memory_space<vmem>> -> memref<8x128xi32, #tpu.memory_space<vmem>>
    %dma_start3A_71 = arith.constant 0 : i32
    %dma_start3A_72 = arith.constant 0 : i32
    %dma_start3A_73 = tpu.memref_slice %arg4[%arg1, %dma_start3A_71, %dma_start3A_72] : memref<16x160x128xi32, #tpu.memory_space<hbm>> -> memref<1x8x128xi32, #tpu.memory_space<hbm>>
    %dma_start3A_74 = tpu.memref_squeeze %dma_start3A_73 : memref<1x8x128xi32, #tpu.memory_space<hbm>> -> memref<8x128xi32, #tpu.memory_space<hbm>>
    tpu.enqueue_dma source(%dma_start3A_74 : memref<8x128xi32, #tpu.memory_space<hbm>>) target(%dma_start3A_70 : memref<8x128xi32, #tpu.memory_space<vmem>>) target_semaphore(%arg23 : memref<!tpu.dma_semaphore, #tpu.memory_space<semaphore_mem>>)
    %dma_start3A_75 = arith.constant 0 : i32
    %dma_start3A_76 = arith.constant 0 : i32
    %dma_start3A_77 = arith.constant 0 : i32
    %dma_start3A_78 = tpu.memref_slice %arg10[%dma_start3A_75, %dma_start3A_76, %dma_start3A_77] : memref<2x8x128xi32, #tpu.memory_space<vmem>> -> memref<1x8x128xi32, #tpu.memory_space<vmem>>
    %dma_start3A_79 = tpu.memref_squeeze %dma_start3A_78 : memref<1x8x128xi32, #tpu.memory_space<vmem>> -> memref<8x128xi32, #tpu.memory_space<vmem>>
    %dma_start3A_80 = arith.constant 0 : i32
    %dma_start3A_81 = arith.constant 0 : i32
    %dma_start3A_82 = tpu.memref_slice %arg3[%arg1, %dma_start3A_80, %dma_start3A_81] : memref<16x160x128xi32, #tpu.memory_space<hbm>> -> memref<1x8x128xi32, #tpu.memory_space<hbm>>
    %dma_start3A_83 = tpu.memref_squeeze %dma_start3A_82 : memref<1x8x128xi32, #tpu.memory_space<hbm>> -> memref<8x128xi32, #tpu.memory_space<hbm>>
    %dma_start3A_84 = arith.constant 0 : i32
    %dma_start3A_85 = arith.constant 0 : i32
    %dma_start3A_86 = tpu.memref_slice %arg10[%dma_start3A_75, %dma_start3A_84, %dma_start3A_85] : memref<2x8x128xi32, #tpu.memory_space<vmem>> -> memref<1x8x128xi32, #tpu.memory_space<vmem>>
    %dma_start3A_87 = tpu.memref_squeeze %dma_start3A_86 : memref<1x8x128xi32, #tpu.memory_space<vmem>> -> memref<8x128xi32, #tpu.memory_space<vmem>>
    %dma_start3A_88 = arith.constant 0 : i32
    %dma_start3A_89 = arith.constant 0 : i32
    %dma_start3A_90 = tpu.memref_slice %arg3[%arg1, %dma_start3A_88, %dma_start3A_89] : memref<16x160x128xi32, #tpu.memory_space<hbm>> -> memref<1x8x128xi32, #tpu.memory_space<hbm>>
    %dma_start3A_91 = tpu.memref_squeeze %dma_start3A_90 : memref<1x8x128xi32, #tpu.memory_space<hbm>> -> memref<8x128xi32, #tpu.memory_space<hbm>>
    tpu.enqueue_dma source(%dma_start3A_91 : memref<8x128xi32, #tpu.memory_space<hbm>>) target(%dma_start3A_87 : memref<8x128xi32, #tpu.memory_space<vmem>>) target_semaphore(%arg23 : memref<!tpu.dma_semaphore, #tpu.memory_space<semaphore_mem>>)
    %scan3A_92 = arith.constant 0 : i32
    %scan3A_93 = arith.constant 0 : i32
    %scan3A_94 = arith.constant 10 : i32
    %scan3A_95 = arith.addi %scan3A_93, %scan3A_94 : i32
    %scan3A_96 = arith.constant 1 : i32
    %scan3A_97 = scf.for %scan3A_157 = %scan3A_93 to %scan3A_95 step %scan3A_96 iter_args(%scan3A_158 = %scan3A_92) -> (i32)  : i32 {
      %mul3A_159 = arith.constant 2 : i32
      %mul3A_160 = arith.muli %mul3A_159, %scan3A_157 : i32
      %dma_wait3A = arith.constant 0 : i32
      %dma_wait3A_161 = arith.constant 0 : i32
      %dma_wait3A_162 = arith.constant 0 : i32
      %dma_wait3A_163 = tpu.memref_slice %arg9[%dma_wait3A, %dma_wait3A_161, %dma_wait3A_162] : memref<2x8x128xi32, #tpu.memory_space<vmem>> -> memref<1x8x128xi32, #tpu.memory_space<vmem>>
      %dma_wait3A_164 = tpu.memref_squeeze %dma_wait3A_163 : memref<1x8x128xi32, #tpu.memory_space<vmem>> -> memref<8x128xi32, #tpu.memory_space<vmem>>
      %dma_wait3A_165 = arith.constant 0 : i32
      %dma_wait3A_166 = arith.constant 0 : i32
      %dma_wait3A_167 = tpu.memref_slice %arg4[%arg1, %dma_wait3A_165, %dma_wait3A_166] : memref<16x160x128xi32, #tpu.memory_space<hbm>> -> memref<1x8x128xi32, #tpu.memory_space<hbm>>
      %dma_wait3A_168 = tpu.memref_squeeze %dma_wait3A_167 : memref<1x8x128xi32, #tpu.memory_space<hbm>> -> memref<8x128xi32, #tpu.memory_space<hbm>>
      %dma_wait3A_169 = arith.constant 0 : i32
      %dma_wait3A_170 = arith.constant 0 : i32
      %dma_wait3A_171 = tpu.memref_slice %arg9[%dma_wait3A, %dma_wait3A_169, %dma_wait3A_170] : memref<2x8x128xi32, #tpu.memory_space<vmem>> -> memref<1x8x128xi32, #tpu.memory_space<vmem>>
      %dma_wait3A_172 = tpu.memref_squeeze %dma_wait3A_171 : memref<1x8x128xi32, #tpu.memory_space<vmem>> -> memref<8x128xi32, #tpu.memory_space<vmem>>
      %dma_wait3A_173 = arith.constant 0 : i32
      %dma_wait3A_174 = arith.constant 0 : i32
      %dma_wait3A_175 = tpu.memref_slice %arg4[%arg1, %dma_wait3A_173, %dma_wait3A_174] : memref<16x160x128xi32, #tpu.memory_space<hbm>> -> memref<1x8x128xi32, #tpu.memory_space<hbm>>
      %dma_wait3A_176 = tpu.memref_squeeze %dma_wait3A_175 : memref<1x8x128xi32, #tpu.memory_space<hbm>> -> memref<8x128xi32, #tpu.memory_space<hbm>>
      tpu.wait_dma2 semaphore(%arg23 : memref<!tpu.dma_semaphore, #tpu.memory_space<semaphore_mem>>) src(%dma_wait3A_176 : memref<8x128xi32, #tpu.memory_space<hbm>>) dst(%dma_wait3A_172 : memref<8x128xi32, #tpu.memory_space<vmem>>)
      %dma_wait3A_177 = arith.constant 0 : i32
      %dma_wait3A_178 = arith.constant 0 : i32
      %dma_wait3A_179 = arith.constant 0 : i32
      %dma_wait3A_180 = tpu.memref_slice %arg10[%dma_wait3A_177, %dma_wait3A_178, %dma_wait3A_179] : memref<2x8x128xi32, #tpu.memory_space<vmem>> -> memref<1x8x128xi32, #tpu.memory_space<vmem>>
      %dma_wait3A_181 = tpu.memref_squeeze %dma_wait3A_180 : memref<1x8x128xi32, #tpu.memory_space<vmem>> -> memref<8x128xi32, #tpu.memory_space<vmem>>
      %dma_wait3A_182 = arith.constant 0 : i32
      %dma_wait3A_183 = arith.constant 0 : i32
      %dma_wait3A_184 = tpu.memref_slice %arg4[%arg1, %dma_wait3A_182, %dma_wait3A_183] : memref<16x160x128xi32, #tpu.memory_space<hbm>> -> memref<1x8x128xi32, #tpu.memory_space<hbm>>
      %dma_wait3A_185 = tpu.memref_squeeze %dma_wait3A_184 : memref<1x8x128xi32, #tpu.memory_space<hbm>> -> memref<8x128xi32, #tpu.memory_space<hbm>>
      %dma_wait3A_186 = arith.constant 0 : i32
      %dma_wait3A_187 = arith.constant 0 : i32
      %dma_wait3A_188 = tpu.memref_slice %arg10[%dma_wait3A_177, %dma_wait3A_186, %dma_wait3A_187] : memref<2x8x128xi32, #tpu.memory_space<vmem>> -> memref<1x8x128xi32, #tpu.memory_space<vmem>>
      %dma_wait3A_189 = tpu.memref_squeeze %dma_wait3A_188 : memref<1x8x128xi32, #tpu.memory_space<vmem>> -> memref<8x128xi32, #tpu.memory_space<vmem>>
      %dma_wait3A_190 = arith.constant 0 : i32
      %dma_wait3A_191 = arith.constant 0 : i32
      %dma_wait3A_192 = tpu.memref_slice %arg4[%arg1, %dma_wait3A_190, %dma_wait3A_191] : memref<16x160x128xi32, #tpu.memory_space<hbm>> -> memref<1x8x128xi32, #tpu.memory_space<hbm>>
      %dma_wait3A_193 = tpu.memref_squeeze %dma_wait3A_192 : memref<1x8x128xi32, #tpu.memory_space<hbm>> -> memref<8x128xi32, #tpu.memory_space<hbm>>
      tpu.wait_dma2 semaphore(%arg23 : memref<!tpu.dma_semaphore, #tpu.memory_space<semaphore_mem>>) src(%dma_wait3A_193 : memref<8x128xi32, #tpu.memory_space<hbm>>) dst(%dma_wait3A_189 : memref<8x128xi32, #tpu.memory_space<vmem>>)
      %add3A = arith.constant 1 : i32
      %add3A_194 = arith.addi %mul3A_160, %add3A : i32
      %mul3A_195 = arith.constant 8 : i32
      %mul3A_196 = arith.muli %add3A_194, %mul3A_195 : i32
      %dma_start3A_197 = arith.constant 1 : i32
      %dma_start3A_198 = arith.constant 0 : i32
      %dma_start3A_199 = arith.constant 0 : i32
      %dma_start3A_200 = tpu.memref_slice %arg9[%dma_start3A_197, %dma_start3A_198, %dma_start3A_199] : memref<2x8x128xi32, #tpu.memory_space<vmem>> -> memref<1x8x128xi32, #tpu.memory_space<vmem>>
      %dma_start3A_201 = tpu.memref_squeeze %dma_start3A_200 : memref<1x8x128xi32, #tpu.memory_space<vmem>> -> memref<8x128xi32, #tpu.memory_space<vmem>>
      %dma_start3A_202 = arith.constant 0 : i32
      %dma_start3A_203 = tpu.memref_slice %arg4[%arg1, %mul3A_196, %dma_start3A_202] : memref<16x160x128xi32, #tpu.memory_space<hbm>> -> memref<1x8x128xi32, #tpu.memory_space<hbm>>
      %dma_start3A_204 = tpu.memref_squeeze %dma_start3A_203 : memref<1x8x128xi32, #tpu.memory_space<hbm>> -> memref<8x128xi32, #tpu.memory_space<hbm>>
      %dma_start3A_205 = arith.constant 0 : i32
      %dma_start3A_206 = arith.constant 0 : i32
      %dma_start3A_207 = tpu.memref_slice %arg9[%dma_start3A_197, %dma_start3A_205, %dma_start3A_206] : memref<2x8x128xi32, #tpu.memory_space<vmem>> -> memref<1x8x128xi32, #tpu.memory_space<vmem>>
      %dma_start3A_208 = tpu.memref_squeeze %dma_start3A_207 : memref<1x8x128xi32, #tpu.memory_space<vmem>> -> memref<8x128xi32, #tpu.memory_space<vmem>>
      %dma_start3A_209 = arith.constant 0 : i32
      %dma_start3A_210 = tpu.memref_slice %arg4[%arg1, %mul3A_196, %dma_start3A_209] : memref<16x160x128xi32, #tpu.memory_space<hbm>> -> memref<1x8x128xi32, #tpu.memory_space<hbm>>
      %dma_start3A_211 = tpu.memref_squeeze %dma_start3A_210 : memref<1x8x128xi32, #tpu.memory_space<hbm>> -> memref<8x128xi32, #tpu.memory_space<hbm>>
      tpu.enqueue_dma source(%dma_start3A_211 : memref<8x128xi32, #tpu.memory_space<hbm>>) target(%dma_start3A_208 : memref<8x128xi32, #tpu.memory_space<vmem>>) target_semaphore(%arg23 : memref<!tpu.dma_semaphore, #tpu.memory_space<semaphore_mem>>)
      %mul3A_212 = arith.constant 8 : i32
      %mul3A_213 = arith.muli %add3A_194, %mul3A_212 : i32
      %dma_start3A_214 = arith.constant 1 : i32
      %dma_start3A_215 = arith.constant 0 : i32
      %dma_start3A_216 = arith.constant 0 : i32
      %dma_start3A_217 = tpu.memref_slice %arg10[%dma_start3A_214, %dma_start3A_215, %dma_start3A_216] : memref<2x8x128xi32, #tpu.memory_space<vmem>> -> memref<1x8x128xi32, #tpu.memory_space<vmem>>
      %dma_start3A_218 = tpu.memref_squeeze %dma_start3A_217 : memref<1x8x128xi32, #tpu.memory_space<vmem>> -> memref<8x128xi32, #tpu.memory_space<vmem>>
      %dma_start3A_219 = arith.constant 0 : i32
      %dma_start3A_220 = tpu.memref_slice %arg3[%arg1, %mul3A_213, %dma_start3A_219] : memref<16x160x128xi32, #tpu.memory_space<hbm>> -> memref<1x8x128xi32, #tpu.memory_space<hbm>>
      %dma_start3A_221 = tpu.memref_squeeze %dma_start3A_220 : memref<1x8x128xi32, #tpu.memory_space<hbm>> -> memref<8x128xi32, #tpu.memory_space<hbm>>
      %dma_start3A_222 = arith.constant 0 : i32
      %dma_start3A_223 = arith.constant 0 : i32
      %dma_start3A_224 = tpu.memref_slice %arg10[%dma_start3A_214, %dma_start3A_222, %dma_start3A_223] : memref<2x8x128xi32, #tpu.memory_space<vmem>> -> memref<1x8x128xi32, #tpu.memory_space<vmem>>
      %dma_start3A_225 = tpu.memref_squeeze %dma_start3A_224 : memref<1x8x128xi32, #tpu.memory_space<vmem>> -> memref<8x128xi32, #tpu.memory_space<vmem>>
      %dma_start3A_226 = arith.constant 0 : i32
      %dma_start3A_227 = tpu.memref_slice %arg3[%arg1, %mul3A_213, %dma_start3A_226] : memref<16x160x128xi32, #tpu.memory_space<hbm>> -> memref<1x8x128xi32, #tpu.memory_space<hbm>>
      %dma_start3A_228 = tpu.memref_squeeze %dma_start3A_227 : memref<1x8x128xi32, #tpu.memory_space<hbm>> -> memref<8x128xi32, #tpu.memory_space<hbm>>
      tpu.enqueue_dma source(%dma_start3A_228 : memref<8x128xi32, #tpu.memory_space<hbm>>) target(%dma_start3A_225 : memref<8x128xi32, #tpu.memory_space<vmem>>) target_semaphore(%arg23 : memref<!tpu.dma_semaphore, #tpu.memory_space<semaphore_mem>>)
      %dma_start3A_229 = arith.constant 0 : i32
      %dma_start3A_230 = arith.constant 0 : i32
      %dma_start3A_231 = arith.constant 0 : i32
      %dma_start3A_232 = arith.constant 0 : i32
      %dma_start3A_233 = arith.constant 0 : i32
      %dma_start3A_234 = tpu.memref_slice %arg11[%dma_start3A_231, %dma_start3A_232, %dma_start3A_233] : memref<2x128x64xf32, #tpu.memory_space<vmem>> -> memref<1x128x64xf32, #tpu.memory_space<vmem>>
      %dma_start3A_235 = tpu.memref_squeeze %dma_start3A_234 : memref<1x128x64xf32, #tpu.memory_space<vmem>> -> memref<128x64xf32, #tpu.memory_space<vmem>>
      %dma_start3A_236 = arith.constant 0 : i32
      %dma_start3A_237 = tpu.memref_slice %arg9[%dma_start3A_229, %dma_start3A_230, %dma_start3A_236] : memref<2x8x128xi32, #tpu.memory_space<vmem>> -> memref<1x1x128xi32, #tpu.memory_space<vmem>>
      %dma_start3A_238 = tpu.memref_squeeze %dma_start3A_237 : memref<1x1x128xi32, #tpu.memory_space<vmem>> -> memref<128xi32, #tpu.memory_space<vmem>>
      %dma_start3A_239 = arith.constant 0 : i32
      %dma_start3A_240 = arith.constant 0 : i32
      %dma_start3A_241 = tpu.memref_slice %arg6[%dma_start3A_239, %dma_start3A_240] : memref<10240x64xf32, #tpu.memory_space<vmem_shared>> -> memref<10240x64xf32, #tpu.memory_space<vmem_shared>>
      tpu.enqueue_indirect_dma source(%dma_start3A_241 : memref<10240x64xf32, #tpu.memory_space<vmem_shared>>) target(%dma_start3A_235 : memref<128x64xf32, #tpu.memory_space<vmem>>) offsets(%dma_start3A_238 : memref<128xi32, #tpu.memory_space<vmem>>) semaphore(%arg18 : memref<!tpu.dma_semaphore, #tpu.memory_space<semaphore_mem>>)
      %dma_wait3A_242 = arith.constant 0 : i32
      %dma_wait3A_243 = arith.constant 0 : i32
      %dma_wait3A_244 = arith.constant 0 : i32
      %dma_wait3A_245 = arith.constant 0 : i32
      %dma_wait3A_246 = arith.constant 0 : i32
      %dma_wait3A_247 = tpu.memref_slice %arg11[%dma_wait3A_244, %dma_wait3A_245, %dma_wait3A_246] : memref<2x128x64xf32, #tpu.memory_space<vmem>> -> memref<1x128x64xf32, #tpu.memory_space<vmem>>
      %dma_wait3A_248 = tpu.memref_squeeze %dma_wait3A_247 : memref<1x128x64xf32, #tpu.memory_space<vmem>> -> memref<128x64xf32, #tpu.memory_space<vmem>>
      %dma_wait3A_249 = arith.constant 0 : i32
      %dma_wait3A_250 = tpu.memref_slice %arg9[%dma_wait3A_242, %dma_wait3A_243, %dma_wait3A_249] : memref<2x8x128xi32, #tpu.memory_space<vmem>> -> memref<1x1x128xi32, #tpu.memory_space<vmem>>
      %dma_wait3A_251 = tpu.memref_squeeze %dma_wait3A_250 : memref<1x1x128xi32, #tpu.memory_space<vmem>> -> memref<128xi32, #tpu.memory_space<vmem>>
      %dma_wait3A_252 = arith.constant 0 : i32
      %dma_wait3A_253 = arith.constant 0 : i32
      %dma_wait3A_254 = tpu.memref_slice %arg6[%dma_wait3A_252, %dma_wait3A_253] : memref<10240x64xf32, #tpu.memory_space<vmem_shared>> -> memref<10240x64xf32, #tpu.memory_space<vmem_shared>>
      tpu.wait_indirect_dma semaphore(%arg18 : memref<!tpu.dma_semaphore, #tpu.memory_space<semaphore_mem>>) src(%dma_wait3A_254 : memref<10240x64xf32, #tpu.memory_space<vmem_shared>>) dst(%dma_wait3A_248 : memref<128x64xf32, #tpu.memory_space<vmem>>)
      %dma_start3A_255 = arith.constant 0 : i32
      %dma_start3A_256 = arith.constant 0 : i32
      %dma_start3A_257 = arith.constant 0 : i32
      %dma_start3A_258 = arith.constant 0 : i32
      %dma_start3A_259 = arith.constant 0 : i32
      %dma_start3A_260 = tpu.memref_slice %arg11[%dma_start3A_255, %dma_start3A_258, %dma_start3A_259] : memref<2x128x64xf32, #tpu.memory_space<vmem>> -> memref<1x128x64xf32, #tpu.memory_space<vmem>>
      %dma_start3A_261 = tpu.memref_squeeze %dma_start3A_260 : memref<1x128x64xf32, #tpu.memory_space<vmem>> -> memref<128x64xf32, #tpu.memory_space<vmem>>
      %dma_start3A_262 = arith.constant 0 : i32
      %dma_start3A_263 = tpu.memref_slice %arg10[%dma_start3A_256, %dma_start3A_257, %dma_start3A_262] : memref<2x8x128xi32, #tpu.memory_space<vmem>> -> memref<1x1x128xi32, #tpu.memory_space<vmem>>
      %dma_start3A_264 = tpu.memref_squeeze %dma_start3A_263 : memref<1x1x128xi32, #tpu.memory_space<vmem>> -> memref<128xi32, #tpu.memory_space<vmem>>
      %dma_start3A_265 = arith.constant 0 : i32
      %dma_start3A_266 = arith.constant 0 : i32
      %dma_start3A_267 = tpu.memref_slice %arg7[%dma_start3A_265, %dma_start3A_266] : memref<10240x64xf32, #tpu.memory_space<vmem_shared>> -> memref<10240x64xf32, #tpu.memory_space<vmem_shared>>
      tpu.enqueue_indirect_dma source(%dma_start3A_261 : memref<128x64xf32, #tpu.memory_space<vmem>>) target(%dma_start3A_267 : memref<10240x64xf32, #tpu.memory_space<vmem_shared>>) offsets(%dma_start3A_264 : memref<128xi32, #tpu.memory_space<vmem>>) semaphore(%arg20 : memref<!tpu.dma_semaphore, #tpu.memory_space<semaphore_mem>>) {add = true}
      %dma_start3A_268 = arith.constant 0 : i32
      %dma_start3A_269 = arith.constant 1 : i32
      %dma_start3A_270 = arith.constant 1 : i32
      %dma_start3A_271 = arith.constant 0 : i32
      %dma_start3A_272 = arith.constant 0 : i32
      %dma_start3A_273 = tpu.memref_slice %arg11[%dma_start3A_270, %dma_start3A_271, %dma_start3A_272] : memref<2x128x64xf32, #tpu.memory_space<vmem>> -> memref<1x128x64xf32, #tpu.memory_space<vmem>>
      %dma_start3A_274 = tpu.memref_squeeze %dma_start3A_273 : memref<1x128x64xf32, #tpu.memory_space<vmem>> -> memref<128x64xf32, #tpu.memory_space<vmem>>
      %dma_start3A_275 = arith.constant 0 : i32
      %dma_start3A_276 = tpu.memref_slice %arg9[%dma_start3A_268, %dma_start3A_269, %dma_start3A_275] : memref<2x8x128xi32, #tpu.memory_space<vmem>> -> memref<1x1x128xi32, #tpu.memory_space<vmem>>
      %dma_start3A_277 = tpu.memref_squeeze %dma_start3A_276 : memref<1x1x128xi32, #tpu.memory_space<vmem>> -> memref<128xi32, #tpu.memory_space<vmem>>
      %dma_start3A_278 = arith.constant 0 : i32
      %dma_start3A_279 = arith.constant 0 : i32
      %dma_start3A_280 = tpu.memref_slice %arg6[%dma_start3A_278, %dma_start3A_279] : memref<10240x64xf32, #tpu.memory_space<vmem_shared>> -> memref<10240x64xf32, #tpu.memory_space<vmem_shared>>
      tpu.enqueue_indirect_dma source(%dma_start3A_280 : memref<10240x64xf32, #tpu.memory_space<vmem_shared>>) target(%dma_start3A_274 : memref<128x64xf32, #tpu.memory_space<vmem>>) offsets(%dma_start3A_277 : memref<128xi32, #tpu.memory_space<vmem>>) semaphore(%arg19 : memref<!tpu.dma_semaphore, #tpu.memory_space<semaphore_mem>>)
      %dma_wait3A_281 = arith.constant 0 : i32
      %dma_wait3A_282 = arith.constant 1 : i32
      %dma_wait3A_283 = arith.constant 1 : i32
      %dma_wait3A_284 = arith.constant 0 : i32
      %dma_wait3A_285 = arith.constant 0 : i32
      %dma_wait3A_286 = tpu.memref_slice %arg11[%dma_wait3A_283, %dma_wait3A_284, %dma_wait3A_285] : memref<2x128x64xf32, #tpu.memory_space<vmem>> -> memref<1x128x64xf32, #tpu.memory_space<vmem>>
      %dma_wait3A_287 = tpu.memref_squeeze %dma_wait3A_286 : memref<1x128x64xf32, #tpu.memory_space<vmem>> -> memref<128x64xf32, #tpu.memory_space<vmem>>
      %dma_wait3A_288 = arith.constant 0 : i32
      %dma_wait3A_289 = tpu.memref_slice %arg9[%dma_wait3A_281, %dma_wait3A_282, %dma_wait3A_288] : memref<2x8x128xi32, #tpu.memory_space<vmem>> -> memref<1x1x128xi32, #tpu.memory_space<vmem>>
      %dma_wait3A_290 = tpu.memref_squeeze %dma_wait3A_289 : memref<1x1x128xi32, #tpu.memory_space<vmem>> -> memref<128xi32, #tpu.memory_space<vmem>>
      %dma_wait3A_291 = arith.constant 0 : i32
      %dma_wait3A_292 = arith.constant 0 : i32
      %dma_wait3A_293 = tpu.memref_slice %arg6[%dma_wait3A_291, %dma_wait3A_292] : memref<10240x64xf32, #tpu.memory_space<vmem_shared>> -> memref<10240x64xf32, #tpu.memory_space<vmem_shared>>
      tpu.wait_indirect_dma semaphore(%arg19 : memref<!tpu.dma_semaphore, #tpu.memory_space<semaphore_mem>>) src(%dma_wait3A_293 : memref<10240x64xf32, #tpu.memory_space<vmem_shared>>) dst(%dma_wait3A_287 : memref<128x64xf32, #tpu.memory_space<vmem>>)
      %dma_start3A_294 = arith.constant 1 : i32
      %dma_start3A_295 = arith.constant 0 : i32
      %dma_start3A_296 = arith.constant 1 : i32
      %dma_start3A_297 = arith.constant 0 : i32
      %dma_start3A_298 = arith.constant 0 : i32
      %dma_start3A_299 = tpu.memref_slice %arg11[%dma_start3A_294, %dma_start3A_297, %dma_start3A_298] : memref<2x128x64xf32, #tpu.memory_space<vmem>> -> memref<1x128x64xf32, #tpu.memory_space<vmem>>
      %dma_start3A_300 = tpu.memref_squeeze %dma_start3A_299 : memref<1x128x64xf32, #tpu.memory_space<vmem>> -> memref<128x64xf32, #tpu.memory_space<vmem>>
      %dma_start3A_301 = arith.constant 0 : i32
      %dma_start3A_302 = tpu.memref_slice %arg10[%dma_start3A_295, %dma_start3A_296, %dma_start3A_301] : memref<2x8x128xi32, #tpu.memory_space<vmem>> -> memref<1x1x128xi32, #tpu.memory_space<vmem>>
      %dma_start3A_303 = tpu.memref_squeeze %dma_start3A_302 : memref<1x1x128xi32, #tpu.memory_space<vmem>> -> memref<128xi32, #tpu.memory_space<vmem>>
      %dma_start3A_304 = arith.constant 0 : i32
      %dma_start3A_305 = arith.constant 0 : i32
      %dma_start3A_306 = tpu.memref_slice %arg7[%dma_start3A_304, %dma_start3A_305] : memref<10240x64xf32, #tpu.memory_space<vmem_shared>> -> memref<10240x64xf32, #tpu.memory_space<vmem_shared>>
      tpu.enqueue_indirect_dma source(%dma_start3A_300 : memref<128x64xf32, #tpu.memory_space<vmem>>) target(%dma_start3A_306 : memref<10240x64xf32, #tpu.memory_space<vmem_shared>>) offsets(%dma_start3A_303 : memref<128xi32, #tpu.memory_space<vmem>>) semaphore(%arg21 : memref<!tpu.dma_semaphore, #tpu.memory_space<semaphore_mem>>) {add = true}
      %dma_wait3A_307 = arith.constant 0 : i32
      %dma_wait3A_308 = arith.constant 0 : i32
      %dma_wait3A_309 = arith.constant 0 : i32
      %dma_wait3A_310 = arith.constant 0 : i32
      %dma_wait3A_311 = arith.constant 0 : i32
      %dma_wait3A_312 = tpu.memref_slice %arg11[%dma_wait3A_307, %dma_wait3A_310, %dma_wait3A_311] : memref<2x128x64xf32, #tpu.memory_space<vmem>> -> memref<1x128x64xf32, #tpu.memory_space<vmem>>
      %dma_wait3A_313 = tpu.memref_squeeze %dma_wait3A_312 : memref<1x128x64xf32, #tpu.memory_space<vmem>> -> memref<128x64xf32, #tpu.memory_space<vmem>>
      %dma_wait3A_314 = arith.constant 0 : i32
      %dma_wait3A_315 = tpu.memref_slice %arg10[%dma_wait3A_308, %dma_wait3A_309, %dma_wait3A_314] : memref<2x8x128xi32, #tpu.memory_space<vmem>> -> memref<1x1x128xi32, #tpu.memory_space<vmem>>
      %dma_wait3A_316 = tpu.memref_squeeze %dma_wait3A_315 : memref<1x1x128xi32, #tpu.memory_space<vmem>> -> memref<128xi32, #tpu.memory_space<vmem>>
      %dma_wait3A_317 = arith.constant 0 : i32
      %dma_wait3A_318 = arith.constant 0 : i32
      %dma_wait3A_319 = tpu.memref_slice %arg7[%dma_wait3A_317, %dma_wait3A_318] : memref<10240x64xf32, #tpu.memory_space<vmem_shared>> -> memref<10240x64xf32, #tpu.memory_space<vmem_shared>>
      tpu.wait_indirect_dma semaphore(%arg20 : memref<!tpu.dma_semaphore, #tpu.memory_space<semaphore_mem>>) src(%dma_wait3A_313 : memref<128x64xf32, #tpu.memory_space<vmem>>) dst(%dma_wait3A_319 : memref<10240x64xf32, #tpu.memory_space<vmem_shared>>)
      %dma_start3A_320 = arith.constant 0 : i32
      %dma_start3A_321 = arith.constant 2 : i32
      %dma_start3A_322 = arith.constant 0 : i32
      %dma_start3A_323 = arith.constant 0 : i32
      %dma_start3A_324 = arith.constant 0 : i32
      %dma_start3A_325 = tpu.memref_slice %arg11[%dma_start3A_322, %dma_start3A_323, %dma_start3A_324] : memref<2x128x64xf32, #tpu.memory_space<vmem>> -> memref<1x128x64xf32, #tpu.memory_space<vmem>>
      %dma_start3A_326 = tpu.memref_squeeze %dma_start3A_325 : memref<1x128x64xf32, #tpu.memory_space<vmem>> -> memref<128x64xf32, #tpu.memory_space<vmem>>
      %dma_start3A_327 = arith.constant 0 : i32
      %dma_start3A_328 = tpu.memref_slice %arg9[%dma_start3A_320, %dma_start3A_321, %dma_start3A_327] : memref<2x8x128xi32, #tpu.memory_space<vmem>> -> memref<1x1x128xi32, #tpu.memory_space<vmem>>
      %dma_start3A_329 = tpu.memref_squeeze %dma_start3A_328 : memref<1x1x128xi32, #tpu.memory_space<vmem>> -> memref<128xi32, #tpu.memory_space<vmem>>
      %dma_start3A_330 = arith.constant 0 : i32
      %dma_start3A_331 = arith.constant 0 : i32
      %dma_start3A_332 = tpu.memref_slice %arg6[%dma_start3A_330, %dma_start3A_331] : memref<10240x64xf32, #tpu.memory_space<vmem_shared>> -> memref<10240x64xf32, #tpu.memory_space<vmem_shared>>
      tpu.enqueue_indirect_dma source(%dma_start3A_332 : memref<10240x64xf32, #tpu.memory_space<vmem_shared>>) target(%dma_start3A_326 : memref<128x64xf32, #tpu.memory_space<vmem>>) offsets(%dma_start3A_329 : memref<128xi32, #tpu.memory_space<vmem>>) semaphore(%arg18 : memref<!tpu.dma_semaphore, #tpu.memory_space<semaphore_mem>>)
      %dma_wait3A_333 = arith.constant 0 : i32
      %dma_wait3A_334 = arith.constant 2 : i32
      %dma_wait3A_335 = arith.constant 0 : i32
      %dma_wait3A_336 = arith.constant 0 : i32
      %dma_wait3A_337 = arith.constant 0 : i32
      %dma_wait3A_338 = tpu.memref_slice %arg11[%dma_wait3A_335, %dma_wait3A_336, %dma_wait3A_337] : memref<2x128x64xf32, #tpu.memory_space<vmem>> -> memref<1x128x64xf32, #tpu.memory_space<vmem>>
      %dma_wait3A_339 = tpu.memref_squeeze %dma_wait3A_338 : memref<1x128x64xf32, #tpu.memory_space<vmem>> -> memref<128x64xf32, #tpu.memory_space<vmem>>
      %dma_wait3A_340 = arith.constant 0 : i32
      %dma_wait3A_341 = tpu.memref_slice %arg9[%dma_wait3A_333, %dma_wait3A_334, %dma_wait3A_340] : memref<2x8x128xi32, #tpu.memory_space<vmem>> -> memref<1x1x128xi32, #tpu.memory_space<vmem>>
      %dma_wait3A_342 = tpu.memref_squeeze %dma_wait3A_341 : memref<1x1x128xi32, #tpu.memory_space<vmem>> -> memref<128xi32, #tpu.memory_space<vmem>>
      %dma_wait3A_343 = arith.constant 0 : i32
      %dma_wait3A_344 = arith.constant 0 : i32
      %dma_wait3A_345 = tpu.memref_slice %arg6[%dma_wait3A_343, %dma_wait3A_344] : memref<10240x64xf32, #tpu.memory_space<vmem_shared>> -> memref<10240x64xf32, #tpu.memory_space<vmem_shared>>
      tpu.wait_indirect_dma semaphore(%arg18 : memref<!tpu.dma_semaphore, #tpu.memory_space<semaphore_mem>>) src(%dma_wait3A_345 : memref<10240x64xf32, #tpu.memory_space<vmem_shared>>) dst(%dma_wait3A_339 : memref<128x64xf32, #tpu.memory_space<vmem>>)
      %dma_start3A_346 = arith.constant 0 : i32
      %dma_start3A_347 = arith.constant 0 : i32
      %dma_start3A_348 = arith.constant 2 : i32
      %dma_start3A_349 = arith.constant 0 : i32
      %dma_start3A_350 = arith.constant 0 : i32
      %dma_start3A_351 = tpu.memref_slice %arg11[%dma_start3A_346, %dma_start3A_349, %dma_start3A_350] : memref<2x128x64xf32, #tpu.memory_space<vmem>> -> memref<1x128x64xf32, #tpu.memory_space<vmem>>
      %dma_start3A_352 = tpu.memref_squeeze %dma_start3A_351 : memref<1x128x64xf32, #tpu.memory_space<vmem>> -> memref<128x64xf32, #tpu.memory_space<vmem>>
      %dma_start3A_353 = arith.constant 0 : i32
      %dma_start3A_354 = tpu.memref_slice %arg10[%dma_start3A_347, %dma_start3A_348, %dma_start3A_353] : memref<2x8x128xi32, #tpu.memory_space<vmem>> -> memref<1x1x128xi32, #tpu.memory_space<vmem>>
      %dma_start3A_355 = tpu.memref_squeeze %dma_start3A_354 : memref<1x1x128xi32, #tpu.memory_space<vmem>> -> memref<128xi32, #tpu.memory_space<vmem>>
      %dma_start3A_356 = arith.constant 0 : i32
      %dma_start3A_357 = arith.constant 0 : i32
      %dma_start3A_358 = tpu.memref_slice %arg7[%dma_start3A_356, %dma_start3A_357] : memref<10240x64xf32, #tpu.memory_space<vmem_shared>> -> memref<10240x64xf32, #tpu.memory_space<vmem_shared>>
      tpu.enqueue_indirect_dma source(%dma_start3A_352 : memref<128x64xf32, #tpu.memory_space<vmem>>) target(%dma_start3A_358 : memref<10240x64xf32, #tpu.memory_space<vmem_shared>>) offsets(%dma_start3A_355 : memref<128xi32, #tpu.memory_space<vmem>>) semaphore(%arg20 : memref<!tpu.dma_semaphore, #tpu.memory_space<semaphore_mem>>) {add = true}
      %dma_wait3A_359 = arith.constant 1 : i32
      %dma_wait3A_360 = arith.constant 0 : i32
      %dma_wait3A_361 = arith.constant 1 : i32
      %dma_wait3A_362 = arith.constant 0 : i32
      %dma_wait3A_363 = arith.constant 0 : i32
      %dma_wait3A_364 = tpu.memref_slice %arg11[%dma_wait3A_359, %dma_wait3A_362, %dma_wait3A_363] : memref<2x128x64xf32, #tpu.memory_space<vmem>> -> memref<1x128x64xf32, #tpu.memory_space<vmem>>
      %dma_wait3A_365 = tpu.memref_squeeze %dma_wait3A_364 : memref<1x128x64xf32, #tpu.memory_space<vmem>> -> memref<128x64xf32, #tpu.memory_space<vmem>>
      %dma_wait3A_366 = arith.constant 0 : i32
      %dma_wait3A_367 = tpu.memref_slice %arg10[%dma_wait3A_360, %dma_wait3A_361, %dma_wait3A_366] : memref<2x8x128xi32, #tpu.memory_space<vmem>> -> memref<1x1x128xi32, #tpu.memory_space<vmem>>
      %dma_wait3A_368 = tpu.memref_squeeze %dma_wait3A_367 : memref<1x1x128xi32, #tpu.memory_space<vmem>> -> memref<128xi32, #tpu.memory_space<vmem>>
      %dma_wait3A_369 = arith.constant 0 : i32
      %dma_wait3A_370 = arith.constant 0 : i32
      %dma_wait3A_371 = tpu.memref_slice %arg7[%dma_wait3A_369, %dma_wait3A_370] : memref<10240x64xf32, #tpu.memory_space<vmem_shared>> -> memref<10240x64xf32, #tpu.memory_space<vmem_shared>>
      tpu.wait_indirect_dma semaphore(%arg21 : memref<!tpu.dma_semaphore, #tpu.memory_space<semaphore_mem>>) src(%dma_wait3A_365 : memref<128x64xf32, #tpu.memory_space<vmem>>) dst(%dma_wait3A_371 : memref<10240x64xf32, #tpu.memory_space<vmem_shared>>)
      %dma_start3A_372 = arith.constant 0 : i32
      %dma_start3A_373 = arith.constant 3 : i32
      %dma_start3A_374 = arith.constant 1 : i32
      %dma_start3A_375 = arith.constant 0 : i32
      %dma_start3A_376 = arith.constant 0 : i32
      %dma_start3A_377 = tpu.memref_slice %arg11[%dma_start3A_374, %dma_start3A_375, %dma_start3A_376] : memref<2x128x64xf32, #tpu.memory_space<vmem>> -> memref<1x128x64xf32, #tpu.memory_space<vmem>>
      %dma_start3A_378 = tpu.memref_squeeze %dma_start3A_377 : memref<1x128x64xf32, #tpu.memory_space<vmem>> -> memref<128x64xf32, #tpu.memory_space<vmem>>
      %dma_start3A_379 = arith.constant 0 : i32
      %dma_start3A_380 = tpu.memref_slice %arg9[%dma_start3A_372, %dma_start3A_373, %dma_start3A_379] : memref<2x8x128xi32, #tpu.memory_space<vmem>> -> memref<1x1x128xi32, #tpu.memory_space<vmem>>
      %dma_start3A_381 = tpu.memref_squeeze %dma_start3A_380 : memref<1x1x128xi32, #tpu.memory_space<vmem>> -> memref<128xi32, #tpu.memory_space<vmem>>
      %dma_start3A_382 = arith.constant 0 : i32
      %dma_start3A_383 = arith.constant 0 : i32
      %dma_start3A_384 = tpu.memref_slice %arg6[%dma_start3A_382, %dma_start3A_383] : memref<10240x64xf32, #tpu.memory_space<vmem_shared>> -> memref<10240x64xf32, #tpu.memory_space<vmem_shared>>
      tpu.enqueue_indirect_dma source(%dma_start3A_384 : memref<10240x64xf32, #tpu.memory_space<vmem_shared>>) target(%dma_start3A_378 : memref<128x64xf32, #tpu.memory_space<vmem>>) offsets(%dma_start3A_381 : memref<128xi32, #tpu.memory_space<vmem>>) semaphore(%arg19 : memref<!tpu.dma_semaphore, #tpu.memory_space<semaphore_mem>>)
      %dma_wait3A_385 = arith.constant 0 : i32
      %dma_wait3A_386 = arith.constant 3 : i32
      %dma_wait3A_387 = arith.constant 1 : i32
      %dma_wait3A_388 = arith.constant 0 : i32
      %dma_wait3A_389 = arith.constant 0 : i32
      %dma_wait3A_390 = tpu.memref_slice %arg11[%dma_wait3A_387, %dma_wait3A_388, %dma_wait3A_389] : memref<2x128x64xf32, #tpu.memory_space<vmem>> -> memref<1x128x64xf32, #tpu.memory_space<vmem>>
      %dma_wait3A_391 = tpu.memref_squeeze %dma_wait3A_390 : memref<1x128x64xf32, #tpu.memory_space<vmem>> -> memref<128x64xf32, #tpu.memory_space<vmem>>
      %dma_wait3A_392 = arith.constant 0 : i32
      %dma_wait3A_393 = tpu.memref_slice %arg9[%dma_wait3A_385, %dma_wait3A_386, %dma_wait3A_392] : memref<2x8x128xi32, #tpu.memory_space<vmem>> -> memref<1x1x128xi32, #tpu.memory_space<vmem>>
      %dma_wait3A_394 = tpu.memref_squeeze %dma_wait3A_393 : memref<1x1x128xi32, #tpu.memory_space<vmem>> -> memref<128xi32, #tpu.memory_space<vmem>>
      %dma_wait3A_395 = arith.constant 0 : i32
      %dma_wait3A_396 = arith.constant 0 : i32
      %dma_wait3A_397 = tpu.memref_slice %arg6[%dma_wait3A_395, %dma_wait3A_396] : memref<10240x64xf32, #tpu.memory_space<vmem_shared>> -> memref<10240x64xf32, #tpu.memory_space<vmem_shared>>
      tpu.wait_indirect_dma semaphore(%arg19 : memref<!tpu.dma_semaphore, #tpu.memory_space<semaphore_mem>>) src(%dma_wait3A_397 : memref<10240x64xf32, #tpu.memory_space<vmem_shared>>) dst(%dma_wait3A_391 : memref<128x64xf32, #tpu.memory_space<vmem>>)
      %dma_start3A_398 = arith.constant 1 : i32
      %dma_start3A_399 = arith.constant 0 : i32
      %dma_start3A_400 = arith.constant 3 : i32
      %dma_start3A_401 = arith.constant 0 : i32
      %dma_start3A_402 = arith.constant 0 : i32
      %dma_start3A_403 = tpu.memref_slice %arg11[%dma_start3A_398, %dma_start3A_401, %dma_start3A_402] : memref<2x128x64xf32, #tpu.memory_space<vmem>> -> memref<1x128x64xf32, #tpu.memory_space<vmem>>
      %dma_start3A_404 = tpu.memref_squeeze %dma_start3A_403 : memref<1x128x64xf32, #tpu.memory_space<vmem>> -> memref<128x64xf32, #tpu.memory_space<vmem>>
      %dma_start3A_405 = arith.constant 0 : i32
      %dma_start3A_406 = tpu.memref_slice %arg10[%dma_start3A_399, %dma_start3A_400, %dma_start3A_405] : memref<2x8x128xi32, #tpu.memory_space<vmem>> -> memref<1x1x128xi32, #tpu.memory_space<vmem>>
      %dma_start3A_407 = tpu.memref_squeeze %dma_start3A_406 : memref<1x1x128xi32, #tpu.memory_space<vmem>> -> memref<128xi32, #tpu.memory_space<vmem>>
      %dma_start3A_408 = arith.constant 0 : i32
      %dma_start3A_409 = arith.constant 0 : i32
      %dma_start3A_410 = tpu.memref_slice %arg7[%dma_start3A_408, %dma_start3A_409] : memref<10240x64xf32, #tpu.memory_space<vmem_shared>> -> memref<10240x64xf32, #tpu.memory_space<vmem_shared>>
      tpu.enqueue_indirect_dma source(%dma_start3A_404 : memref<128x64xf32, #tpu.memory_space<vmem>>) target(%dma_start3A_410 : memref<10240x64xf32, #tpu.memory_space<vmem_shared>>) offsets(%dma_start3A_407 : memref<128xi32, #tpu.memory_space<vmem>>) semaphore(%arg21 : memref<!tpu.dma_semaphore, #tpu.memory_space<semaphore_mem>>) {add = true}
      %dma_wait3A_411 = arith.constant 0 : i32
      %dma_wait3A_412 = arith.constant 0 : i32
      %dma_wait3A_413 = arith.constant 2 : i32
      %dma_wait3A_414 = arith.constant 0 : i32
      %dma_wait3A_415 = arith.constant 0 : i32
      %dma_wait3A_416 = tpu.memref_slice %arg11[%dma_wait3A_411, %dma_wait3A_414, %dma_wait3A_415] : memref<2x128x64xf32, #tpu.memory_space<vmem>> -> memref<1x128x64xf32, #tpu.memory_space<vmem>>
      %dma_wait3A_417 = tpu.memref_squeeze %dma_wait3A_416 : memref<1x128x64xf32, #tpu.memory_space<vmem>> -> memref<128x64xf32, #tpu.memory_space<vmem>>
      %dma_wait3A_418 = arith.constant 0 : i32
      %dma_wait3A_419 = tpu.memref_slice %arg10[%dma_wait3A_412, %dma_wait3A_413, %dma_wait3A_418] : memref<2x8x128xi32, #tpu.memory_space<vmem>> -> memref<1x1x128xi32, #tpu.memory_space<vmem>>
      %dma_wait3A_420 = tpu.memref_squeeze %dma_wait3A_419 : memref<1x1x128xi32, #tpu.memory_space<vmem>> -> memref<128xi32, #tpu.memory_space<vmem>>
      %dma_wait3A_421 = arith.constant 0 : i32
      %dma_wait3A_422 = arith.constant 0 : i32
      %dma_wait3A_423 = tpu.memref_slice %arg7[%dma_wait3A_421, %dma_wait3A_422] : memref<10240x64xf32, #tpu.memory_space<vmem_shared>> -> memref<10240x64xf32, #tpu.memory_space<vmem_shared>>
      tpu.wait_indirect_dma semaphore(%arg20 : memref<!tpu.dma_semaphore, #tpu.memory_space<semaphore_mem>>) src(%dma_wait3A_417 : memref<128x64xf32, #tpu.memory_space<vmem>>) dst(%dma_wait3A_423 : memref<10240x64xf32, #tpu.memory_space<vmem_shared>>)
      %dma_start3A_424 = arith.constant 0 : i32
      %dma_start3A_425 = arith.constant 4 : i32
      %dma_start3A_426 = arith.constant 0 : i32
      %dma_start3A_427 = arith.constant 0 : i32
      %dma_start3A_428 = arith.constant 0 : i32
      %dma_start3A_429 = tpu.memref_slice %arg11[%dma_start3A_426, %dma_start3A_427, %dma_start3A_428] : memref<2x128x64xf32, #tpu.memory_space<vmem>> -> memref<1x128x64xf32, #tpu.memory_space<vmem>>
      %dma_start3A_430 = tpu.memref_squeeze %dma_start3A_429 : memref<1x128x64xf32, #tpu.memory_space<vmem>> -> memref<128x64xf32, #tpu.memory_space<vmem>>
      %dma_start3A_431 = arith.constant 0 : i32
      %dma_start3A_432 = tpu.memref_slice %arg9[%dma_start3A_424, %dma_start3A_425, %dma_start3A_431] : memref<2x8x128xi32, #tpu.memory_space<vmem>> -> memref<1x1x128xi32, #tpu.memory_space<vmem>>
      %dma_start3A_433 = tpu.memref_squeeze %dma_start3A_432 : memref<1x1x128xi32, #tpu.memory_space<vmem>> -> memref<128xi32, #tpu.memory_space<vmem>>
      %dma_start3A_434 = arith.constant 0 : i32
      %dma_start3A_435 = arith.constant 0 : i32
      %dma_start3A_436 = tpu.memref_slice %arg6[%dma_start3A_434, %dma_start3A_435] : memref<10240x64xf32, #tpu.memory_space<vmem_shared>> -> memref<10240x64xf32, #tpu.memory_space<vmem_shared>>
      tpu.enqueue_indirect_dma source(%dma_start3A_436 : memref<10240x64xf32, #tpu.memory_space<vmem_shared>>) target(%dma_start3A_430 : memref<128x64xf32, #tpu.memory_space<vmem>>) offsets(%dma_start3A_433 : memref<128xi32, #tpu.memory_space<vmem>>) semaphore(%arg18 : memref<!tpu.dma_semaphore, #tpu.memory_space<semaphore_mem>>)
      %dma_wait3A_437 = arith.constant 0 : i32
      %dma_wait3A_438 = arith.constant 4 : i32
      %dma_wait3A_439 = arith.constant 0 : i32
      %dma_wait3A_440 = arith.constant 0 : i32
      %dma_wait3A_441 = arith.constant 0 : i32
      %dma_wait3A_442 = tpu.memref_slice %arg11[%dma_wait3A_439, %dma_wait3A_440, %dma_wait3A_441] : memref<2x128x64xf32, #tpu.memory_space<vmem>> -> memref<1x128x64xf32, #tpu.memory_space<vmem>>
      %dma_wait3A_443 = tpu.memref_squeeze %dma_wait3A_442 : memref<1x128x64xf32, #tpu.memory_space<vmem>> -> memref<128x64xf32, #tpu.memory_space<vmem>>
      %dma_wait3A_444 = arith.constant 0 : i32
      %dma_wait3A_445 = tpu.memref_slice %arg9[%dma_wait3A_437, %dma_wait3A_438, %dma_wait3A_444] : memref<2x8x128xi32, #tpu.memory_space<vmem>> -> memref<1x1x128xi32, #tpu.memory_space<vmem>>
      %dma_wait3A_446 = tpu.memref_squeeze %dma_wait3A_445 : memref<1x1x128xi32, #tpu.memory_space<vmem>> -> memref<128xi32, #tpu.memory_space<vmem>>
      %dma_wait3A_447 = arith.constant 0 : i32
      %dma_wait3A_448 = arith.constant 0 : i32
      %dma_wait3A_449 = tpu.memref_slice %arg6[%dma_wait3A_447, %dma_wait3A_448] : memref<10240x64xf32, #tpu.memory_space<vmem_shared>> -> memref<10240x64xf32, #tpu.memory_space<vmem_shared>>
      tpu.wait_indirect_dma semaphore(%arg18 : memref<!tpu.dma_semaphore, #tpu.memory_space<semaphore_mem>>) src(%dma_wait3A_449 : memref<10240x64xf32, #tpu.memory_space<vmem_shared>>) dst(%dma_wait3A_443 : memref<128x64xf32, #tpu.memory_space<vmem>>)
      %dma_start3A_450 = arith.constant 0 : i32
      %dma_start3A_451 = arith.constant 0 : i32
      %dma_start3A_452 = arith.constant 4 : i32
      %dma_start3A_453 = arith.constant 0 : i32
      %dma_start3A_454 = arith.constant 0 : i32
      %dma_start3A_455 = tpu.memref_slice %arg11[%dma_start3A_450, %dma_start3A_453, %dma_start3A_454] : memref<2x128x64xf32, #tpu.memory_space<vmem>> -> memref<1x128x64xf32, #tpu.memory_space<vmem>>
      %dma_start3A_456 = tpu.memref_squeeze %dma_start3A_455 : memref<1x128x64xf32, #tpu.memory_space<vmem>> -> memref<128x64xf32, #tpu.memory_space<vmem>>
      %dma_start3A_457 = arith.constant 0 : i32
      %dma_start3A_458 = tpu.memref_slice %arg10[%dma_start3A_451, %dma_start3A_452, %dma_start3A_457] : memref<2x8x128xi32, #tpu.memory_space<vmem>> -> memref<1x1x128xi32, #tpu.memory_space<vmem>>
      %dma_start3A_459 = tpu.memref_squeeze %dma_start3A_458 : memref<1x1x128xi32, #tpu.memory_space<vmem>> -> memref<128xi32, #tpu.memory_space<vmem>>
      %dma_start3A_460 = arith.constant 0 : i32
      %dma_start3A_461 = arith.constant 0 : i32
      %dma_start3A_462 = tpu.memref_slice %arg7[%dma_start3A_460, %dma_start3A_461] : memref<10240x64xf32, #tpu.memory_space<vmem_shared>> -> memref<10240x64xf32, #tpu.memory_space<vmem_shared>>
      tpu.enqueue_indirect_dma source(%dma_start3A_456 : memref<128x64xf32, #tpu.memory_space<vmem>>) target(%dma_start3A_462 : memref<10240x64xf32, #tpu.memory_space<vmem_shared>>) offsets(%dma_start3A_459 : memref<128xi32, #tpu.memory_space<vmem>>) semaphore(%arg20 : memref<!tpu.dma_semaphore, #tpu.memory_space<semaphore_mem>>) {add = true}
      %dma_wait3A_463 = arith.constant 1 : i32
      %dma_wait3A_464 = arith.constant 0 : i32
      %dma_wait3A_465 = arith.constant 3 : i32
      %dma_wait3A_466 = arith.constant 0 : i32
      %dma_wait3A_467 = arith.constant 0 : i32
      %dma_wait3A_468 = tpu.memref_slice %arg11[%dma_wait3A_463, %dma_wait3A_466, %dma_wait3A_467] : memref<2x128x64xf32, #tpu.memory_space<vmem>> -> memref<1x128x64xf32, #tpu.memory_space<vmem>>
      %dma_wait3A_469 = tpu.memref_squeeze %dma_wait3A_468 : memref<1x128x64xf32, #tpu.memory_space<vmem>> -> memref<128x64xf32, #tpu.memory_space<vmem>>
      %dma_wait3A_470 = arith.constant 0 : i32
      %dma_wait3A_471 = tpu.memref_slice %arg10[%dma_wait3A_464, %dma_wait3A_465, %dma_wait3A_470] : memref<2x8x128xi32, #tpu.memory_space<vmem>> -> memref<1x1x128xi32, #tpu.memory_space<vmem>>
      %dma_wait3A_472 = tpu.memref_squeeze %dma_wait3A_471 : memref<1x1x128xi32, #tpu.memory_space<vmem>> -> memref<128xi32, #tpu.memory_space<vmem>>
      %dma_wait3A_473 = arith.constant 0 : i32
      %dma_wait3A_474 = arith.constant 0 : i32
      %dma_wait3A_475 = tpu.memref_slice %arg7[%dma_wait3A_473, %dma_wait3A_474] : memref<10240x64xf32, #tpu.memory_space<vmem_shared>> -> memref<10240x64xf32, #tpu.memory_space<vmem_shared>>
      tpu.wait_indirect_dma semaphore(%arg21 : memref<!tpu.dma_semaphore, #tpu.memory_space<semaphore_mem>>) src(%dma_wait3A_469 : memref<128x64xf32, #tpu.memory_space<vmem>>) dst(%dma_wait3A_475 : memref<10240x64xf32, #tpu.memory_space<vmem_shared>>)
      %dma_start3A_476 = arith.constant 0 : i32
      %dma_start3A_477 = arith.constant 5 : i32
      %dma_start3A_478 = arith.constant 1 : i32
      %dma_start3A_479 = arith.constant 0 : i32
      %dma_start3A_480 = arith.constant 0 : i32
      %dma_start3A_481 = tpu.memref_slice %arg11[%dma_start3A_478, %dma_start3A_479, %dma_start3A_480] : memref<2x128x64xf32, #tpu.memory_space<vmem>> -> memref<1x128x64xf32, #tpu.memory_space<vmem>>
      %dma_start3A_482 = tpu.memref_squeeze %dma_start3A_481 : memref<1x128x64xf32, #tpu.memory_space<vmem>> -> memref<128x64xf32, #tpu.memory_space<vmem>>
      %dma_start3A_483 = arith.constant 0 : i32
      %dma_start3A_484 = tpu.memref_slice %arg9[%dma_start3A_476, %dma_start3A_477, %dma_start3A_483] : memref<2x8x128xi32, #tpu.memory_space<vmem>> -> memref<1x1x128xi32, #tpu.memory_space<vmem>>
      %dma_start3A_485 = tpu.memref_squeeze %dma_start3A_484 : memref<1x1x128xi32, #tpu.memory_space<vmem>> -> memref<128xi32, #tpu.memory_space<vmem>>
      %dma_start3A_486 = arith.constant 0 : i32
      %dma_start3A_487 = arith.constant 0 : i32
      %dma_start3A_488 = tpu.memref_slice %arg6[%dma_start3A_486, %dma_start3A_487] : memref<10240x64xf32, #tpu.memory_space<vmem_shared>> -> memref<10240x64xf32, #tpu.memory_space<vmem_shared>>
      tpu.enqueue_indirect_dma source(%dma_start3A_488 : memref<10240x64xf32, #tpu.memory_space<vmem_shared>>) target(%dma_start3A_482 : memref<128x64xf32, #tpu.memory_space<vmem>>) offsets(%dma_start3A_485 : memref<128xi32, #tpu.memory_space<vmem>>) semaphore(%arg19 : memref<!tpu.dma_semaphore, #tpu.memory_space<semaphore_mem>>)
      %dma_wait3A_489 = arith.constant 0 : i32
      %dma_wait3A_490 = arith.constant 5 : i32
      %dma_wait3A_491 = arith.constant 1 : i32
      %dma_wait3A_492 = arith.constant 0 : i32
      %dma_wait3A_493 = arith.constant 0 : i32
      %dma_wait3A_494 = tpu.memref_slice %arg11[%dma_wait3A_491, %dma_wait3A_492, %dma_wait3A_493] : memref<2x128x64xf32, #tpu.memory_space<vmem>> -> memref<1x128x64xf32, #tpu.memory_space<vmem>>
      %dma_wait3A_495 = tpu.memref_squeeze %dma_wait3A_494 : memref<1x128x64xf32, #tpu.memory_space<vmem>> -> memref<128x64xf32, #tpu.memory_space<vmem>>
      %dma_wait3A_496 = arith.constant 0 : i32
      %dma_wait3A_497 = tpu.memref_slice %arg9[%dma_wait3A_489, %dma_wait3A_490, %dma_wait3A_496] : memref<2x8x128xi32, #tpu.memory_space<vmem>> -> memref<1x1x128xi32, #tpu.memory_space<vmem>>
      %dma_wait3A_498 = tpu.memref_squeeze %dma_wait3A_497 : memref<1x1x128xi32, #tpu.memory_space<vmem>> -> memref<128xi32, #tpu.memory_space<vmem>>
      %dma_wait3A_499 = arith.constant 0 : i32
      %dma_wait3A_500 = arith.constant 0 : i32
      %dma_wait3A_501 = tpu.memref_slice %arg6[%dma_wait3A_499, %dma_wait3A_500] : memref<10240x64xf32, #tpu.memory_space<vmem_shared>> -> memref<10240x64xf32, #tpu.memory_space<vmem_shared>>
      tpu.wait_indirect_dma semaphore(%arg19 : memref<!tpu.dma_semaphore, #tpu.memory_space<semaphore_mem>>) src(%dma_wait3A_501 : memref<10240x64xf32, #tpu.memory_space<vmem_shared>>) dst(%dma_wait3A_495 : memref<128x64xf32, #tpu.memory_space<vmem>>)
      %dma_start3A_502 = arith.constant 1 : i32
      %dma_start3A_503 = arith.constant 0 : i32
      %dma_start3A_504 = arith.constant 5 : i32
      %dma_start3A_505 = arith.constant 0 : i32
      %dma_start3A_506 = arith.constant 0 : i32
      %dma_start3A_507 = tpu.memref_slice %arg11[%dma_start3A_502, %dma_start3A_505, %dma_start3A_506] : memref<2x128x64xf32, #tpu.memory_space<vmem>> -> memref<1x128x64xf32, #tpu.memory_space<vmem>>
      %dma_start3A_508 = tpu.memref_squeeze %dma_start3A_507 : memref<1x128x64xf32, #tpu.memory_space<vmem>> -> memref<128x64xf32, #tpu.memory_space<vmem>>
      %dma_start3A_509 = arith.constant 0 : i32
      %dma_start3A_510 = tpu.memref_slice %arg10[%dma_start3A_503, %dma_start3A_504, %dma_start3A_509] : memref<2x8x128xi32, #tpu.memory_space<vmem>> -> memref<1x1x128xi32, #tpu.memory_space<vmem>>
      %dma_start3A_511 = tpu.memref_squeeze %dma_start3A_510 : memref<1x1x128xi32, #tpu.memory_space<vmem>> -> memref<128xi32, #tpu.memory_space<vmem>>
      %dma_start3A_512 = arith.constant 0 : i32
      %dma_start3A_513 = arith.constant 0 : i32
      %dma_start3A_514 = tpu.memref_slice %arg7[%dma_start3A_512, %dma_start3A_513] : memref<10240x64xf32, #tpu.memory_space<vmem_shared>> -> memref<10240x64xf32, #tpu.memory_space<vmem_shared>>
      tpu.enqueue_indirect_dma source(%dma_start3A_508 : memref<128x64xf32, #tpu.memory_space<vmem>>) target(%dma_start3A_514 : memref<10240x64xf32, #tpu.memory_space<vmem_shared>>) offsets(%dma_start3A_511 : memref<128xi32, #tpu.memory_space<vmem>>) semaphore(%arg21 : memref<!tpu.dma_semaphore, #tpu.memory_space<semaphore_mem>>) {add = true}
      %dma_wait3A_515 = arith.constant 0 : i32
      %dma_wait3A_516 = arith.constant 0 : i32
      %dma_wait3A_517 = arith.constant 4 : i32
      %dma_wait3A_518 = arith.constant 0 : i32
      %dma_wait3A_519 = arith.constant 0 : i32
      %dma_wait3A_520 = tpu.memref_slice %arg11[%dma_wait3A_515, %dma_wait3A_518, %dma_wait3A_519] : memref<2x128x64xf32, #tpu.memory_space<vmem>> -> memref<1x128x64xf32, #tpu.memory_space<vmem>>
      %dma_wait3A_521 = tpu.memref_squeeze %dma_wait3A_520 : memref<1x128x64xf32, #tpu.memory_space<vmem>> -> memref<128x64xf32, #tpu.memory_space<vmem>>
      %dma_wait3A_522 = arith.constant 0 : i32
      %dma_wait3A_523 = tpu.memref_slice %arg10[%dma_wait3A_516, %dma_wait3A_517, %dma_wait3A_522] : memref<2x8x128xi32, #tpu.memory_space<vmem>> -> memref<1x1x128xi32, #tpu.memory_space<vmem>>
      %dma_wait3A_524 = tpu.memref_squeeze %dma_wait3A_523 : memref<1x1x128xi32, #tpu.memory_space<vmem>> -> memref<128xi32, #tpu.memory_space<vmem>>
      %dma_wait3A_525 = arith.constant 0 : i32
      %dma_wait3A_526 = arith.constant 0 : i32
      %dma_wait3A_527 = tpu.memref_slice %arg7[%dma_wait3A_525, %dma_wait3A_526] : memref<10240x64xf32, #tpu.memory_space<vmem_shared>> -> memref<10240x64xf32, #tpu.memory_space<vmem_shared>>
      tpu.wait_indirect_dma semaphore(%arg20 : memref<!tpu.dma_semaphore, #tpu.memory_space<semaphore_mem>>) src(%dma_wait3A_521 : memref<128x64xf32, #tpu.memory_space<vmem>>) dst(%dma_wait3A_527 : memref<10240x64xf32, #tpu.memory_space<vmem_shared>>)
      %dma_start3A_528 = arith.constant 0 : i32
      %dma_start3A_529 = arith.constant 6 : i32
      %dma_start3A_530 = arith.constant 0 : i32
      %dma_start3A_531 = arith.constant 0 : i32
      %dma_start3A_532 = arith.constant 0 : i32
      %dma_start3A_533 = tpu.memref_slice %arg11[%dma_start3A_530, %dma_start3A_531, %dma_start3A_532] : memref<2x128x64xf32, #tpu.memory_space<vmem>> -> memref<1x128x64xf32, #tpu.memory_space<vmem>>
      %dma_start3A_534 = tpu.memref_squeeze %dma_start3A_533 : memref<1x128x64xf32, #tpu.memory_space<vmem>> -> memref<128x64xf32, #tpu.memory_space<vmem>>
      %dma_start3A_535 = arith.constant 0 : i32
      %dma_start3A_536 = tpu.memref_slice %arg9[%dma_start3A_528, %dma_start3A_529, %dma_start3A_535] : memref<2x8x128xi32, #tpu.memory_space<vmem>> -> memref<1x1x128xi32, #tpu.memory_space<vmem>>
      %dma_start3A_537 = tpu.memref_squeeze %dma_start3A_536 : memref<1x1x128xi32, #tpu.memory_space<vmem>> -> memref<128xi32, #tpu.memory_space<vmem>>
      %dma_start3A_538 = arith.constant 0 : i32
      %dma_start3A_539 = arith.constant 0 : i32
      %dma_start3A_540 = tpu.memref_slice %arg6[%dma_start3A_538, %dma_start3A_539] : memref<10240x64xf32, #tpu.memory_space<vmem_shared>> -> memref<10240x64xf32, #tpu.memory_space<vmem_shared>>
      tpu.enqueue_indirect_dma source(%dma_start3A_540 : memref<10240x64xf32, #tpu.memory_space<vmem_shared>>) target(%dma_start3A_534 : memref<128x64xf32, #tpu.memory_space<vmem>>) offsets(%dma_start3A_537 : memref<128xi32, #tpu.memory_space<vmem>>) semaphore(%arg18 : memref<!tpu.dma_semaphore, #tpu.memory_space<semaphore_mem>>)
      %dma_wait3A_541 = arith.constant 0 : i32
      %dma_wait3A_542 = arith.constant 6 : i32
      %dma_wait3A_543 = arith.constant 0 : i32
      %dma_wait3A_544 = arith.constant 0 : i32
      %dma_wait3A_545 = arith.constant 0 : i32
      %dma_wait3A_546 = tpu.memref_slice %arg11[%dma_wait3A_543, %dma_wait3A_544, %dma_wait3A_545] : memref<2x128x64xf32, #tpu.memory_space<vmem>> -> memref<1x128x64xf32, #tpu.memory_space<vmem>>
      %dma_wait3A_547 = tpu.memref_squeeze %dma_wait3A_546 : memref<1x128x64xf32, #tpu.memory_space<vmem>> -> memref<128x64xf32, #tpu.memory_space<vmem>>
      %dma_wait3A_548 = arith.constant 0 : i32
      %dma_wait3A_549 = tpu.memref_slice %arg9[%dma_wait3A_541, %dma_wait3A_542, %dma_wait3A_548] : memref<2x8x128xi32, #tpu.memory_space<vmem>> -> memref<1x1x128xi32, #tpu.memory_space<vmem>>
      %dma_wait3A_550 = tpu.memref_squeeze %dma_wait3A_549 : memref<1x1x128xi32, #tpu.memory_space<vmem>> -> memref<128xi32, #tpu.memory_space<vmem>>
      %dma_wait3A_551 = arith.constant 0 : i32
      %dma_wait3A_552 = arith.constant 0 : i32
      %dma_wait3A_553 = tpu.memref_slice %arg6[%dma_wait3A_551, %dma_wait3A_552] : memref<10240x64xf32, #tpu.memory_space<vmem_shared>> -> memref<10240x64xf32, #tpu.memory_space<vmem_shared>>
      tpu.wait_indirect_dma semaphore(%arg18 : memref<!tpu.dma_semaphore, #tpu.memory_space<semaphore_mem>>) src(%dma_wait3A_553 : memref<10240x64xf32, #tpu.memory_space<vmem_shared>>) dst(%dma_wait3A_547 : memref<128x64xf32, #tpu.memory_space<vmem>>)
      %dma_start3A_554 = arith.constant 0 : i32
      %dma_start3A_555 = arith.constant 0 : i32
      %dma_start3A_556 = arith.constant 6 : i32
      %dma_start3A_557 = arith.constant 0 : i32
      %dma_start3A_558 = arith.constant 0 : i32
      %dma_start3A_559 = tpu.memref_slice %arg11[%dma_start3A_554, %dma_start3A_557, %dma_start3A_558] : memref<2x128x64xf32, #tpu.memory_space<vmem>> -> memref<1x128x64xf32, #tpu.memory_space<vmem>>
      %dma_start3A_560 = tpu.memref_squeeze %dma_start3A_559 : memref<1x128x64xf32, #tpu.memory_space<vmem>> -> memref<128x64xf32, #tpu.memory_space<vmem>>
      %dma_start3A_561 = arith.constant 0 : i32
      %dma_start3A_562 = tpu.memref_slice %arg10[%dma_start3A_555, %dma_start3A_556, %dma_start3A_561] : memref<2x8x128xi32, #tpu.memory_space<vmem>> -> memref<1x1x128xi32, #tpu.memory_space<vmem>>
      %dma_start3A_563 = tpu.memref_squeeze %dma_start3A_562 : memref<1x1x128xi32, #tpu.memory_space<vmem>> -> memref<128xi32, #tpu.memory_space<vmem>>
      %dma_start3A_564 = arith.constant 0 : i32
      %dma_start3A_565 = arith.constant 0 : i32
      %dma_start3A_566 = tpu.memref_slice %arg7[%dma_start3A_564, %dma_start3A_565] : memref<10240x64xf32, #tpu.memory_space<vmem_shared>> -> memref<10240x64xf32, #tpu.memory_space<vmem_shared>>
      tpu.enqueue_indirect_dma source(%dma_start3A_560 : memref<128x64xf32, #tpu.memory_space<vmem>>) target(%dma_start3A_566 : memref<10240x64xf32, #tpu.memory_space<vmem_shared>>) offsets(%dma_start3A_563 : memref<128xi32, #tpu.memory_space<vmem>>) semaphore(%arg20 : memref<!tpu.dma_semaphore, #tpu.memory_space<semaphore_mem>>) {add = true}
      %dma_wait3A_567 = arith.constant 1 : i32
      %dma_wait3A_568 = arith.constant 0 : i32
      %dma_wait3A_569 = arith.constant 5 : i32
      %dma_wait3A_570 = arith.constant 0 : i32
      %dma_wait3A_571 = arith.constant 0 : i32
      %dma_wait3A_572 = tpu.memref_slice %arg11[%dma_wait3A_567, %dma_wait3A_570, %dma_wait3A_571] : memref<2x128x64xf32, #tpu.memory_space<vmem>> -> memref<1x128x64xf32, #tpu.memory_space<vmem>>
      %dma_wait3A_573 = tpu.memref_squeeze %dma_wait3A_572 : memref<1x128x64xf32, #tpu.memory_space<vmem>> -> memref<128x64xf32, #tpu.memory_space<vmem>>
      %dma_wait3A_574 = arith.constant 0 : i32
      %dma_wait3A_575 = tpu.memref_slice %arg10[%dma_wait3A_568, %dma_wait3A_569, %dma_wait3A_574] : memref<2x8x128xi32, #tpu.memory_space<vmem>> -> memref<1x1x128xi32, #tpu.memory_space<vmem>>
      %dma_wait3A_576 = tpu.memref_squeeze %dma_wait3A_575 : memref<1x1x128xi32, #tpu.memory_space<vmem>> -> memref<128xi32, #tpu.memory_space<vmem>>
      %dma_wait3A_577 = arith.constant 0 : i32
      %dma_wait3A_578 = arith.constant 0 : i32
      %dma_wait3A_579 = tpu.memref_slice %arg7[%dma_wait3A_577, %dma_wait3A_578] : memref<10240x64xf32, #tpu.memory_space<vmem_shared>> -> memref<10240x64xf32, #tpu.memory_space<vmem_shared>>
      tpu.wait_indirect_dma semaphore(%arg21 : memref<!tpu.dma_semaphore, #tpu.memory_space<semaphore_mem>>) src(%dma_wait3A_573 : memref<128x64xf32, #tpu.memory_space<vmem>>) dst(%dma_wait3A_579 : memref<10240x64xf32, #tpu.memory_space<vmem_shared>>)
      %dma_start3A_580 = arith.constant 0 : i32
      %dma_start3A_581 = arith.constant 7 : i32
      %dma_start3A_582 = arith.constant 1 : i32
      %dma_start3A_583 = arith.constant 0 : i32
      %dma_start3A_584 = arith.constant 0 : i32
      %dma_start3A_585 = tpu.memref_slice %arg11[%dma_start3A_582, %dma_start3A_583, %dma_start3A_584] : memref<2x128x64xf32, #tpu.memory_space<vmem>> -> memref<1x128x64xf32, #tpu.memory_space<vmem>>
      %dma_start3A_586 = tpu.memref_squeeze %dma_start3A_585 : memref<1x128x64xf32, #tpu.memory_space<vmem>> -> memref<128x64xf32, #tpu.memory_space<vmem>>
      %dma_start3A_587 = arith.constant 0 : i32
      %dma_start3A_588 = tpu.memref_slice %arg9[%dma_start3A_580, %dma_start3A_581, %dma_start3A_587] : memref<2x8x128xi32, #tpu.memory_space<vmem>> -> memref<1x1x128xi32, #tpu.memory_space<vmem>>
      %dma_start3A_589 = tpu.memref_squeeze %dma_start3A_588 : memref<1x1x128xi32, #tpu.memory_space<vmem>> -> memref<128xi32, #tpu.memory_space<vmem>>
      %dma_start3A_590 = arith.constant 0 : i32
      %dma_start3A_591 = arith.constant 0 : i32
      %dma_start3A_592 = tpu.memref_slice %arg6[%dma_start3A_590, %dma_start3A_591] : memref<10240x64xf32, #tpu.memory_space<vmem_shared>> -> memref<10240x64xf32, #tpu.memory_space<vmem_shared>>
      tpu.enqueue_indirect_dma source(%dma_start3A_592 : memref<10240x64xf32, #tpu.memory_space<vmem_shared>>) target(%dma_start3A_586 : memref<128x64xf32, #tpu.memory_space<vmem>>) offsets(%dma_start3A_589 : memref<128xi32, #tpu.memory_space<vmem>>) semaphore(%arg19 : memref<!tpu.dma_semaphore, #tpu.memory_space<semaphore_mem>>)
      %dma_wait3A_593 = arith.constant 0 : i32
      %dma_wait3A_594 = arith.constant 7 : i32
      %dma_wait3A_595 = arith.constant 1 : i32
      %dma_wait3A_596 = arith.constant 0 : i32
      %dma_wait3A_597 = arith.constant 0 : i32
      %dma_wait3A_598 = tpu.memref_slice %arg11[%dma_wait3A_595, %dma_wait3A_596, %dma_wait3A_597] : memref<2x128x64xf32, #tpu.memory_space<vmem>> -> memref<1x128x64xf32, #tpu.memory_space<vmem>>
      %dma_wait3A_599 = tpu.memref_squeeze %dma_wait3A_598 : memref<1x128x64xf32, #tpu.memory_space<vmem>> -> memref<128x64xf32, #tpu.memory_space<vmem>>
      %dma_wait3A_600 = arith.constant 0 : i32
      %dma_wait3A_601 = tpu.memref_slice %arg9[%dma_wait3A_593, %dma_wait3A_594, %dma_wait3A_600] : memref<2x8x128xi32, #tpu.memory_space<vmem>> -> memref<1x1x128xi32, #tpu.memory_space<vmem>>
      %dma_wait3A_602 = tpu.memref_squeeze %dma_wait3A_601 : memref<1x1x128xi32, #tpu.memory_space<vmem>> -> memref<128xi32, #tpu.memory_space<vmem>>
      %dma_wait3A_603 = arith.constant 0 : i32
      %dma_wait3A_604 = arith.constant 0 : i32
      %dma_wait3A_605 = tpu.memref_slice %arg6[%dma_wait3A_603, %dma_wait3A_604] : memref<10240x64xf32, #tpu.memory_space<vmem_shared>> -> memref<10240x64xf32, #tpu.memory_space<vmem_shared>>
      tpu.wait_indirect_dma semaphore(%arg19 : memref<!tpu.dma_semaphore, #tpu.memory_space<semaphore_mem>>) src(%dma_wait3A_605 : memref<10240x64xf32, #tpu.memory_space<vmem_shared>>) dst(%dma_wait3A_599 : memref<128x64xf32, #tpu.memory_space<vmem>>)
      %dma_start3A_606 = arith.constant 1 : i32
      %dma_start3A_607 = arith.constant 0 : i32
      %dma_start3A_608 = arith.constant 7 : i32
      %dma_start3A_609 = arith.constant 0 : i32
      %dma_start3A_610 = arith.constant 0 : i32
      %dma_start3A_611 = tpu.memref_slice %arg11[%dma_start3A_606, %dma_start3A_609, %dma_start3A_610] : memref<2x128x64xf32, #tpu.memory_space<vmem>> -> memref<1x128x64xf32, #tpu.memory_space<vmem>>
      %dma_start3A_612 = tpu.memref_squeeze %dma_start3A_611 : memref<1x128x64xf32, #tpu.memory_space<vmem>> -> memref<128x64xf32, #tpu.memory_space<vmem>>
      %dma_start3A_613 = arith.constant 0 : i32
      %dma_start3A_614 = tpu.memref_slice %arg10[%dma_start3A_607, %dma_start3A_608, %dma_start3A_613] : memref<2x8x128xi32, #tpu.memory_space<vmem>> -> memref<1x1x128xi32, #tpu.memory_space<vmem>>
      %dma_start3A_615 = tpu.memref_squeeze %dma_start3A_614 : memref<1x1x128xi32, #tpu.memory_space<vmem>> -> memref<128xi32, #tpu.memory_space<vmem>>
      %dma_start3A_616 = arith.constant 0 : i32
      %dma_start3A_617 = arith.constant 0 : i32
      %dma_start3A_618 = tpu.memref_slice %arg7[%dma_start3A_616, %dma_start3A_617] : memref<10240x64xf32, #tpu.memory_space<vmem_shared>> -> memref<10240x64xf32, #tpu.memory_space<vmem_shared>>
      tpu.enqueue_indirect_dma source(%dma_start3A_612 : memref<128x64xf32, #tpu.memory_space<vmem>>) target(%dma_start3A_618 : memref<10240x64xf32, #tpu.memory_space<vmem_shared>>) offsets(%dma_start3A_615 : memref<128xi32, #tpu.memory_space<vmem>>) semaphore(%arg21 : memref<!tpu.dma_semaphore, #tpu.memory_space<semaphore_mem>>) {add = true}
      %dma_wait3A_619 = arith.constant 0 : i32
      %dma_wait3A_620 = arith.constant 0 : i32
      %dma_wait3A_621 = arith.constant 6 : i32
      %dma_wait3A_622 = arith.constant 0 : i32
      %dma_wait3A_623 = arith.constant 0 : i32
      %dma_wait3A_624 = tpu.memref_slice %arg11[%dma_wait3A_619, %dma_wait3A_622, %dma_wait3A_623] : memref<2x128x64xf32, #tpu.memory_space<vmem>> -> memref<1x128x64xf32, #tpu.memory_space<vmem>>
      %dma_wait3A_625 = tpu.memref_squeeze %dma_wait3A_624 : memref<1x128x64xf32, #tpu.memory_space<vmem>> -> memref<128x64xf32, #tpu.memory_space<vmem>>
      %dma_wait3A_626 = arith.constant 0 : i32
      %dma_wait3A_627 = tpu.memref_slice %arg10[%dma_wait3A_620, %dma_wait3A_621, %dma_wait3A_626] : memref<2x8x128xi32, #tpu.memory_space<vmem>> -> memref<1x1x128xi32, #tpu.memory_space<vmem>>
      %dma_wait3A_628 = tpu.memref_squeeze %dma_wait3A_627 : memref<1x1x128xi32, #tpu.memory_space<vmem>> -> memref<128xi32, #tpu.memory_space<vmem>>
      %dma_wait3A_629 = arith.constant 0 : i32
      %dma_wait3A_630 = arith.constant 0 : i32
      %dma_wait3A_631 = tpu.memref_slice %arg7[%dma_wait3A_629, %dma_wait3A_630] : memref<10240x64xf32, #tpu.memory_space<vmem_shared>> -> memref<10240x64xf32, #tpu.memory_space<vmem_shared>>
      tpu.wait_indirect_dma semaphore(%arg20 : memref<!tpu.dma_semaphore, #tpu.memory_space<semaphore_mem>>) src(%dma_wait3A_625 : memref<128x64xf32, #tpu.memory_space<vmem>>) dst(%dma_wait3A_631 : memref<10240x64xf32, #tpu.memory_space<vmem_shared>>)
      %dma_wait3A_632 = arith.constant 1 : i32
      %dma_wait3A_633 = arith.constant 0 : i32
      %dma_wait3A_634 = arith.constant 7 : i32
      %dma_wait3A_635 = arith.constant 0 : i32
      %dma_wait3A_636 = arith.constant 0 : i32
      %dma_wait3A_637 = tpu.memref_slice %arg11[%dma_wait3A_632, %dma_wait3A_635, %dma_wait3A_636] : memref<2x128x64xf32, #tpu.memory_space<vmem>> -> memref<1x128x64xf32, #tpu.memory_space<vmem>>
      %dma_wait3A_638 = tpu.memref_squeeze %dma_wait3A_637 : memref<1x128x64xf32, #tpu.memory_space<vmem>> -> memref<128x64xf32, #tpu.memory_space<vmem>>
      %dma_wait3A_639 = arith.constant 0 : i32
      %dma_wait3A_640 = tpu.memref_slice %arg10[%dma_wait3A_633, %dma_wait3A_634, %dma_wait3A_639] : memref<2x8x128xi32, #tpu.memory_space<vmem>> -> memref<1x1x128xi32, #tpu.memory_space<vmem>>
      %dma_wait3A_641 = tpu.memref_squeeze %dma_wait3A_640 : memref<1x1x128xi32, #tpu.memory_space<vmem>> -> memref<128xi32, #tpu.memory_space<vmem>>
      %dma_wait3A_642 = arith.constant 0 : i32
      %dma_wait3A_643 = arith.constant 0 : i32
      %dma_wait3A_644 = tpu.memref_slice %arg7[%dma_wait3A_642, %dma_wait3A_643] : memref<10240x64xf32, #tpu.memory_space<vmem_shared>> -> memref<10240x64xf32, #tpu.memory_space<vmem_shared>>
      tpu.wait_indirect_dma semaphore(%arg21 : memref<!tpu.dma_semaphore, #tpu.memory_space<semaphore_mem>>) src(%dma_wait3A_638 : memref<128x64xf32, #tpu.memory_space<vmem>>) dst(%dma_wait3A_644 : memref<10240x64xf32, #tpu.memory_space<vmem_shared>>)
      %dma_wait3A_645 = arith.constant 1 : i32
      %dma_wait3A_646 = arith.constant 0 : i32
      %dma_wait3A_647 = arith.constant 0 : i32
      %dma_wait3A_648 = tpu.memref_slice %arg9[%dma_wait3A_645, %dma_wait3A_646, %dma_wait3A_647] : memref<2x8x128xi32, #tpu.memory_space<vmem>> -> memref<1x8x128xi32, #tpu.memory_space<vmem>>
      %dma_wait3A_649 = tpu.memref_squeeze %dma_wait3A_648 : memref<1x8x128xi32, #tpu.memory_space<vmem>> -> memref<8x128xi32, #tpu.memory_space<vmem>>
      %dma_wait3A_650 = arith.constant 0 : i32
      %dma_wait3A_651 = arith.constant 0 : i32
      %dma_wait3A_652 = tpu.memref_slice %arg4[%arg1, %dma_wait3A_650, %dma_wait3A_651] : memref<16x160x128xi32, #tpu.memory_space<hbm>> -> memref<1x8x128xi32, #tpu.memory_space<hbm>>
      %dma_wait3A_653 = tpu.memref_squeeze %dma_wait3A_652 : memref<1x8x128xi32, #tpu.memory_space<hbm>> -> memref<8x128xi32, #tpu.memory_space<hbm>>
      %dma_wait3A_654 = arith.constant 0 : i32
      %dma_wait3A_655 = arith.constant 0 : i32
      %dma_wait3A_656 = tpu.memref_slice %arg9[%dma_wait3A_645, %dma_wait3A_654, %dma_wait3A_655] : memref<2x8x128xi32, #tpu.memory_space<vmem>> -> memref<1x8x128xi32, #tpu.memory_space<vmem>>
      %dma_wait3A_657 = tpu.memref_squeeze %dma_wait3A_656 : memref<1x8x128xi32, #tpu.memory_space<vmem>> -> memref<8x128xi32, #tpu.memory_space<vmem>>
      %dma_wait3A_658 = arith.constant 0 : i32
      %dma_wait3A_659 = arith.constant 0 : i32
      %dma_wait3A_660 = tpu.memref_slice %arg4[%arg1, %dma_wait3A_658, %dma_wait3A_659] : memref<16x160x128xi32, #tpu.memory_space<hbm>> -> memref<1x8x128xi32, #tpu.memory_space<hbm>>
      %dma_wait3A_661 = tpu.memref_squeeze %dma_wait3A_660 : memref<1x8x128xi32, #tpu.memory_space<hbm>> -> memref<8x128xi32, #tpu.memory_space<hbm>>
      tpu.wait_dma2 semaphore(%arg23 : memref<!tpu.dma_semaphore, #tpu.memory_space<semaphore_mem>>) src(%dma_wait3A_661 : memref<8x128xi32, #tpu.memory_space<hbm>>) dst(%dma_wait3A_657 : memref<8x128xi32, #tpu.memory_space<vmem>>)
      %dma_wait3A_662 = arith.constant 1 : i32
      %dma_wait3A_663 = arith.constant 0 : i32
      %dma_wait3A_664 = arith.constant 0 : i32
      %dma_wait3A_665 = tpu.memref_slice %arg10[%dma_wait3A_662, %dma_wait3A_663, %dma_wait3A_664] : memref<2x8x128xi32, #tpu.memory_space<vmem>> -> memref<1x8x128xi32, #tpu.memory_space<vmem>>
      %dma_wait3A_666 = tpu.memref_squeeze %dma_wait3A_665 : memref<1x8x128xi32, #tpu.memory_space<vmem>> -> memref<8x128xi32, #tpu.memory_space<vmem>>
      %dma_wait3A_667 = arith.constant 0 : i32
      %dma_wait3A_668 = arith.constant 0 : i32
      %dma_wait3A_669 = tpu.memref_slice %arg4[%arg1, %dma_wait3A_667, %dma_wait3A_668] : memref<16x160x128xi32, #tpu.memory_space<hbm>> -> memref<1x8x128xi32, #tpu.memory_space<hbm>>
      %dma_wait3A_670 = tpu.memref_squeeze %dma_wait3A_669 : memref<1x8x128xi32, #tpu.memory_space<hbm>> -> memref<8x128xi32, #tpu.memory_space<hbm>>
      %dma_wait3A_671 = arith.constant 0 : i32
      %dma_wait3A_672 = arith.constant 0 : i32
      %dma_wait3A_673 = tpu.memref_slice %arg10[%dma_wait3A_662, %dma_wait3A_671, %dma_wait3A_672] : memref<2x8x128xi32, #tpu.memory_space<vmem>> -> memref<1x8x128xi32, #tpu.memory_space<vmem>>
      %dma_wait3A_674 = tpu.memref_squeeze %dma_wait3A_673 : memref<1x8x128xi32, #tpu.memory_space<vmem>> -> memref<8x128xi32, #tpu.memory_space<vmem>>
      %dma_wait3A_675 = arith.constant 0 : i32
      %dma_wait3A_676 = arith.constant 0 : i32
      %dma_wait3A_677 = tpu.memref_slice %arg4[%arg1, %dma_wait3A_675, %dma_wait3A_676] : memref<16x160x128xi32, #tpu.memory_space<hbm>> -> memref<1x8x128xi32, #tpu.memory_space<hbm>>
      %dma_wait3A_678 = tpu.memref_squeeze %dma_wait3A_677 : memref<1x8x128xi32, #tpu.memory_space<hbm>> -> memref<8x128xi32, #tpu.memory_space<hbm>>
      tpu.wait_dma2 semaphore(%arg23 : memref<!tpu.dma_semaphore, #tpu.memory_space<semaphore_mem>>) src(%dma_wait3A_678 : memref<8x128xi32, #tpu.memory_space<hbm>>) dst(%dma_wait3A_674 : memref<8x128xi32, #tpu.memory_space<vmem>>)
      %add3A_679 = arith.constant 1 : i32
      %add3A_680 = arith.addi %scan3A_157, %add3A_679 : i32
      %lt3A = arith.constant 10 : i32
      %lt3A_681 = arith.cmpi slt, %add3A_680, %lt3A : i32
      %convert_element_type3A = arith.extui %lt3A_681 : i1 to i32
      %cond3A = arith.constant 0 : i32
      %cond3A_682 = arith.cmpi ne, %convert_element_type3A, %cond3A : i32
      scf.if %cond3A_682 {
        %add3A_1100 = arith.constant 2 : i32
        %add3A_1101 = arith.addi %mul3A_160, %add3A_1100 : i32
        %mul3A_1102 = arith.constant 8 : i32
        %mul3A_1103 = arith.muli %add3A_1101, %mul3A_1102 : i32
        %dma_start3A_1104 = arith.constant 0 : i32
        %dma_start3A_1105 = arith.constant 0 : i32
        %dma_start3A_1106 = arith.constant 0 : i32
        %dma_start3A_1107 = tpu.memref_slice %arg9[%dma_start3A_1104, %dma_start3A_1105, %dma_start3A_1106] : memref<2x8x128xi32, #tpu.memory_space<vmem>> -> memref<1x8x128xi32, #tpu.memory_space<vmem>>
        %dma_start3A_1108 = tpu.memref_squeeze %dma_start3A_1107 : memref<1x8x128xi32, #tpu.memory_space<vmem>> -> memref<8x128xi32, #tpu.memory_space<vmem>>
        %dma_start3A_1109 = arith.constant 0 : i32
        %dma_start3A_1110 = tpu.memref_slice %arg4[%arg1, %mul3A_1103, %dma_start3A_1109] : memref<16x160x128xi32, #tpu.memory_space<hbm>> -> memref<1x8x128xi32, #tpu.memory_space<hbm>>
        %dma_start3A_1111 = tpu.memref_squeeze %dma_start3A_1110 : memref<1x8x128xi32, #tpu.memory_space<hbm>> -> memref<8x128xi32, #tpu.memory_space<hbm>>
        %dma_start3A_1112 = arith.constant 0 : i32
        %dma_start3A_1113 = arith.constant 0 : i32
        %dma_start3A_1114 = tpu.memref_slice %arg9[%dma_start3A_1104, %dma_start3A_1112, %dma_start3A_1113] : memref<2x8x128xi32, #tpu.memory_space<vmem>> -> memref<1x8x128xi32, #tpu.memory_space<vmem>>
        %dma_start3A_1115 = tpu.memref_squeeze %dma_start3A_1114 : memref<1x8x128xi32, #tpu.memory_space<vmem>> -> memref<8x128xi32, #tpu.memory_space<vmem>>
        %dma_start3A_1116 = arith.constant 0 : i32
        %dma_start3A_1117 = tpu.memref_slice %arg4[%arg1, %mul3A_1103, %dma_start3A_1116] : memref<16x160x128xi32, #tpu.memory_space<hbm>> -> memref<1x8x128xi32, #tpu.memory_space<hbm>>
        %dma_start3A_1118 = tpu.memref_squeeze %dma_start3A_1117 : memref<1x8x128xi32, #tpu.memory_space<hbm>> -> memref<8x128xi32, #tpu.memory_space<hbm>>
        tpu.enqueue_dma source(%dma_start3A_1118 : memref<8x128xi32, #tpu.memory_space<hbm>>) target(%dma_start3A_1115 : memref<8x128xi32, #tpu.memory_space<vmem>>) target_semaphore(%arg23 : memref<!tpu.dma_semaphore, #tpu.memory_space<semaphore_mem>>)
        %mul3A_1119 = arith.constant 8 : i32
        %mul3A_1120 = arith.muli %add3A_1101, %mul3A_1119 : i32
        %dma_start3A_1121 = arith.constant 0 : i32
        %dma_start3A_1122 = arith.constant 0 : i32
        %dma_start3A_1123 = arith.constant 0 : i32
        %dma_start3A_1124 = tpu.memref_slice %arg10[%dma_start3A_1121, %dma_start3A_1122, %dma_start3A_1123] : memref<2x8x128xi32, #tpu.memory_space<vmem>> -> memref<1x8x128xi32, #tpu.memory_space<vmem>>
        %dma_start3A_1125 = tpu.memref_squeeze %dma_start3A_1124 : memref<1x8x128xi32, #tpu.memory_space<vmem>> -> memref<8x128xi32, #tpu.memory_space<vmem>>
        %dma_start3A_1126 = arith.constant 0 : i32
        %dma_start3A_1127 = tpu.memref_slice %arg3[%arg1, %mul3A_1120, %dma_start3A_1126] : memref<16x160x128xi32, #tpu.memory_space<hbm>> -> memref<1x8x128xi32, #tpu.memory_space<hbm>>
        %dma_start3A_1128 = tpu.memref_squeeze %dma_start3A_1127 : memref<1x8x128xi32, #tpu.memory_space<hbm>> -> memref<8x128xi32, #tpu.memory_space<hbm>>
        %dma_start3A_1129 = arith.constant 0 : i32
        %dma_start3A_1130 = arith.constant 0 : i32
        %dma_start3A_1131 = tpu.memref_slice %arg10[%dma_start3A_1121, %dma_start3A_1129, %dma_start3A_1130] : memref<2x8x128xi32, #tpu.memory_space<vmem>> -> memref<1x8x128xi32, #tpu.memory_space<vmem>>
        %dma_start3A_1132 = tpu.memref_squeeze %dma_start3A_1131 : memref<1x8x128xi32, #tpu.memory_space<vmem>> -> memref<8x128xi32, #tpu.memory_space<vmem>>
        %dma_start3A_1133 = arith.constant 0 : i32
        %dma_start3A_1134 = tpu.memref_slice %arg3[%arg1, %mul3A_1120, %dma_start3A_1133] : memref<16x160x128xi32, #tpu.memory_space<hbm>> -> memref<1x8x128xi32, #tpu.memory_space<hbm>>
        %dma_start3A_1135 = tpu.memref_squeeze %dma_start3A_1134 : memref<1x8x128xi32, #tpu.memory_space<hbm>> -> memref<8x128xi32, #tpu.memory_space<hbm>>
        tpu.enqueue_dma source(%dma_start3A_1135 : memref<8x128xi32, #tpu.memory_space<hbm>>) target(%dma_start3A_1132 : memref<8x128xi32, #tpu.memory_space<vmem>>) target_semaphore(%arg23 : memref<!tpu.dma_semaphore, #tpu.memory_space<semaphore_mem>>)
      } else {
      }
      %dma_start3A_683 = arith.constant 1 : i32
      %dma_start3A_684 = arith.constant 0 : i32
      %dma_start3A_685 = arith.constant 0 : i32
      %dma_start3A_686 = arith.constant 0 : i32
      %dma_start3A_687 = arith.constant 0 : i32
      %dma_start3A_688 = tpu.memref_slice %arg11[%dma_start3A_685, %dma_start3A_686, %dma_start3A_687] : memref<2x128x64xf32, #tpu.memory_space<vmem>> -> memref<1x128x64xf32, #tpu.memory_space<vmem>>
      %dma_start3A_689 = tpu.memref_squeeze %dma_start3A_688 : memref<1x128x64xf32, #tpu.memory_space<vmem>> -> memref<128x64xf32, #tpu.memory_space<vmem>>
      %dma_start3A_690 = arith.constant 0 : i32
      %dma_start3A_691 = tpu.memref_slice %arg9[%dma_start3A_683, %dma_start3A_684, %dma_start3A_690] : memref<2x8x128xi32, #tpu.memory_space<vmem>> -> memref<1x1x128xi32, #tpu.memory_space<vmem>>
      %dma_start3A_692 = tpu.memref_squeeze %dma_start3A_691 : memref<1x1x128xi32, #tpu.memory_space<vmem>> -> memref<128xi32, #tpu.memory_space<vmem>>
      %dma_start3A_693 = arith.constant 0 : i32
      %dma_start3A_694 = arith.constant 0 : i32
      %dma_start3A_695 = tpu.memref_slice %arg6[%dma_start3A_693, %dma_start3A_694] : memref<10240x64xf32, #tpu.memory_space<vmem_shared>> -> memref<10240x64xf32, #tpu.memory_space<vmem_shared>>
      tpu.enqueue_indirect_dma source(%dma_start3A_695 : memref<10240x64xf32, #tpu.memory_space<vmem_shared>>) target(%dma_start3A_689 : memref<128x64xf32, #tpu.memory_space<vmem>>) offsets(%dma_start3A_692 : memref<128xi32, #tpu.memory_space<vmem>>) semaphore(%arg18 : memref<!tpu.dma_semaphore, #tpu.memory_space<semaphore_mem>>)
      %dma_wait3A_696 = arith.constant 1 : i32
      %dma_wait3A_697 = arith.constant 0 : i32
      %dma_wait3A_698 = arith.constant 0 : i32
      %dma_wait3A_699 = arith.constant 0 : i32
      %dma_wait3A_700 = arith.constant 0 : i32
      %dma_wait3A_701 = tpu.memref_slice %arg11[%dma_wait3A_698, %dma_wait3A_699, %dma_wait3A_700] : memref<2x128x64xf32, #tpu.memory_space<vmem>> -> memref<1x128x64xf32, #tpu.memory_space<vmem>>
      %dma_wait3A_702 = tpu.memref_squeeze %dma_wait3A_701 : memref<1x128x64xf32, #tpu.memory_space<vmem>> -> memref<128x64xf32, #tpu.memory_space<vmem>>
      %dma_wait3A_703 = arith.constant 0 : i32
      %dma_wait3A_704 = tpu.memref_slice %arg9[%dma_wait3A_696, %dma_wait3A_697, %dma_wait3A_703] : memref<2x8x128xi32, #tpu.memory_space<vmem>> -> memref<1x1x128xi32, #tpu.memory_space<vmem>>
      %dma_wait3A_705 = tpu.memref_squeeze %dma_wait3A_704 : memref<1x1x128xi32, #tpu.memory_space<vmem>> -> memref<128xi32, #tpu.memory_space<vmem>>
      %dma_wait3A_706 = arith.constant 0 : i32
      %dma_wait3A_707 = arith.constant 0 : i32
      %dma_wait3A_708 = tpu.memref_slice %arg6[%dma_wait3A_706, %dma_wait3A_707] : memref<10240x64xf32, #tpu.memory_space<vmem_shared>> -> memref<10240x64xf32, #tpu.memory_space<vmem_shared>>
      tpu.wait_indirect_dma semaphore(%arg18 : memref<!tpu.dma_semaphore, #tpu.memory_space<semaphore_mem>>) src(%dma_wait3A_708 : memref<10240x64xf32, #tpu.memory_space<vmem_shared>>) dst(%dma_wait3A_702 : memref<128x64xf32, #tpu.memory_space<vmem>>)
      %dma_start3A_709 = arith.constant 0 : i32
      %dma_start3A_710 = arith.constant 1 : i32
      %dma_start3A_711 = arith.constant 0 : i32
      %dma_start3A_712 = arith.constant 0 : i32
      %dma_start3A_713 = arith.constant 0 : i32
      %dma_start3A_714 = tpu.memref_slice %arg11[%dma_start3A_709, %dma_start3A_712, %dma_start3A_713] : memref<2x128x64xf32, #tpu.memory_space<vmem>> -> memref<1x128x64xf32, #tpu.memory_space<vmem>>
      %dma_start3A_715 = tpu.memref_squeeze %dma_start3A_714 : memref<1x128x64xf32, #tpu.memory_space<vmem>> -> memref<128x64xf32, #tpu.memory_space<vmem>>
      %dma_start3A_716 = arith.constant 0 : i32
      %dma_start3A_717 = tpu.memref_slice %arg10[%dma_start3A_710, %dma_start3A_711, %dma_start3A_716] : memref<2x8x128xi32, #tpu.memory_space<vmem>> -> memref<1x1x128xi32, #tpu.memory_space<vmem>>
      %dma_start3A_718 = tpu.memref_squeeze %dma_start3A_717 : memref<1x1x128xi32, #tpu.memory_space<vmem>> -> memref<128xi32, #tpu.memory_space<vmem>>
      %dma_start3A_719 = arith.constant 0 : i32
      %dma_start3A_720 = arith.constant 0 : i32
      %dma_start3A_721 = tpu.memref_slice %arg7[%dma_start3A_719, %dma_start3A_720] : memref<10240x64xf32, #tpu.memory_space<vmem_shared>> -> memref<10240x64xf32, #tpu.memory_space<vmem_shared>>
      tpu.enqueue_indirect_dma source(%dma_start3A_715 : memref<128x64xf32, #tpu.memory_space<vmem>>) target(%dma_start3A_721 : memref<10240x64xf32, #tpu.memory_space<vmem_shared>>) offsets(%dma_start3A_718 : memref<128xi32, #tpu.memory_space<vmem>>) semaphore(%arg20 : memref<!tpu.dma_semaphore, #tpu.memory_space<semaphore_mem>>) {add = true}
      %dma_start3A_722 = arith.constant 1 : i32
      %dma_start3A_723 = arith.constant 1 : i32
      %dma_start3A_724 = arith.constant 1 : i32
      %dma_start3A_725 = arith.constant 0 : i32
      %dma_start3A_726 = arith.constant 0 : i32
      %dma_start3A_727 = tpu.memref_slice %arg11[%dma_start3A_724, %dma_start3A_725, %dma_start3A_726] : memref<2x128x64xf32, #tpu.memory_space<vmem>> -> memref<1x128x64xf32, #tpu.memory_space<vmem>>
      %dma_start3A_728 = tpu.memref_squeeze %dma_start3A_727 : memref<1x128x64xf32, #tpu.memory_space<vmem>> -> memref<128x64xf32, #tpu.memory_space<vmem>>
      %dma_start3A_729 = arith.constant 0 : i32
      %dma_start3A_730 = tpu.memref_slice %arg9[%dma_start3A_722, %dma_start3A_723, %dma_start3A_729] : memref<2x8x128xi32, #tpu.memory_space<vmem>> -> memref<1x1x128xi32, #tpu.memory_space<vmem>>
      %dma_start3A_731 = tpu.memref_squeeze %dma_start3A_730 : memref<1x1x128xi32, #tpu.memory_space<vmem>> -> memref<128xi32, #tpu.memory_space<vmem>>
      %dma_start3A_732 = arith.constant 0 : i32
      %dma_start3A_733 = arith.constant 0 : i32
      %dma_start3A_734 = tpu.memref_slice %arg6[%dma_start3A_732, %dma_start3A_733] : memref<10240x64xf32, #tpu.memory_space<vmem_shared>> -> memref<10240x64xf32, #tpu.memory_space<vmem_shared>>
      tpu.enqueue_indirect_dma source(%dma_start3A_734 : memref<10240x64xf32, #tpu.memory_space<vmem_shared>>) target(%dma_start3A_728 : memref<128x64xf32, #tpu.memory_space<vmem>>) offsets(%dma_start3A_731 : memref<128xi32, #tpu.memory_space<vmem>>) semaphore(%arg19 : memref<!tpu.dma_semaphore, #tpu.memory_space<semaphore_mem>>)
      %dma_wait3A_735 = arith.constant 1 : i32
      %dma_wait3A_736 = arith.constant 1 : i32
      %dma_wait3A_737 = arith.constant 1 : i32
      %dma_wait3A_738 = arith.constant 0 : i32
      %dma_wait3A_739 = arith.constant 0 : i32
      %dma_wait3A_740 = tpu.memref_slice %arg11[%dma_wait3A_737, %dma_wait3A_738, %dma_wait3A_739] : memref<2x128x64xf32, #tpu.memory_space<vmem>> -> memref<1x128x64xf32, #tpu.memory_space<vmem>>
      %dma_wait3A_741 = tpu.memref_squeeze %dma_wait3A_740 : memref<1x128x64xf32, #tpu.memory_space<vmem>> -> memref<128x64xf32, #tpu.memory_space<vmem>>
      %dma_wait3A_742 = arith.constant 0 : i32
      %dma_wait3A_743 = tpu.memref_slice %arg9[%dma_wait3A_735, %dma_wait3A_736, %dma_wait3A_742] : memref<2x8x128xi32, #tpu.memory_space<vmem>> -> memref<1x1x128xi32, #tpu.memory_space<vmem>>
      %dma_wait3A_744 = tpu.memref_squeeze %dma_wait3A_743 : memref<1x1x128xi32, #tpu.memory_space<vmem>> -> memref<128xi32, #tpu.memory_space<vmem>>
      %dma_wait3A_745 = arith.constant 0 : i32
      %dma_wait3A_746 = arith.constant 0 : i32
      %dma_wait3A_747 = tpu.memref_slice %arg6[%dma_wait3A_745, %dma_wait3A_746] : memref<10240x64xf32, #tpu.memory_space<vmem_shared>> -> memref<10240x64xf32, #tpu.memory_space<vmem_shared>>
      tpu.wait_indirect_dma semaphore(%arg19 : memref<!tpu.dma_semaphore, #tpu.memory_space<semaphore_mem>>) src(%dma_wait3A_747 : memref<10240x64xf32, #tpu.memory_space<vmem_shared>>) dst(%dma_wait3A_741 : memref<128x64xf32, #tpu.memory_space<vmem>>)
      %dma_start3A_748 = arith.constant 1 : i32
      %dma_start3A_749 = arith.constant 1 : i32
      %dma_start3A_750 = arith.constant 1 : i32
      %dma_start3A_751 = arith.constant 0 : i32
      %dma_start3A_752 = arith.constant 0 : i32
      %dma_start3A_753 = tpu.memref_slice %arg11[%dma_start3A_748, %dma_start3A_751, %dma_start3A_752] : memref<2x128x64xf32, #tpu.memory_space<vmem>> -> memref<1x128x64xf32, #tpu.memory_space<vmem>>
      %dma_start3A_754 = tpu.memref_squeeze %dma_start3A_753 : memref<1x128x64xf32, #tpu.memory_space<vmem>> -> memref<128x64xf32, #tpu.memory_space<vmem>>
      %dma_start3A_755 = arith.constant 0 : i32
      %dma_start3A_756 = tpu.memref_slice %arg10[%dma_start3A_749, %dma_start3A_750, %dma_start3A_755] : memref<2x8x128xi32, #tpu.memory_space<vmem>> -> memref<1x1x128xi32, #tpu.memory_space<vmem>>
      %dma_start3A_757 = tpu.memref_squeeze %dma_start3A_756 : memref<1x1x128xi32, #tpu.memory_space<vmem>> -> memref<128xi32, #tpu.memory_space<vmem>>
      %dma_start3A_758 = arith.constant 0 : i32
      %dma_start3A_759 = arith.constant 0 : i32
      %dma_start3A_760 = tpu.memref_slice %arg7[%dma_start3A_758, %dma_start3A_759] : memref<10240x64xf32, #tpu.memory_space<vmem_shared>> -> memref<10240x64xf32, #tpu.memory_space<vmem_shared>>
      tpu.enqueue_indirect_dma source(%dma_start3A_754 : memref<128x64xf32, #tpu.memory_space<vmem>>) target(%dma_start3A_760 : memref<10240x64xf32, #tpu.memory_space<vmem_shared>>) offsets(%dma_start3A_757 : memref<128xi32, #tpu.memory_space<vmem>>) semaphore(%arg21 : memref<!tpu.dma_semaphore, #tpu.memory_space<semaphore_mem>>) {add = true}
      %dma_wait3A_761 = arith.constant 0 : i32
      %dma_wait3A_762 = arith.constant 1 : i32
      %dma_wait3A_763 = arith.constant 0 : i32
      %dma_wait3A_764 = arith.constant 0 : i32
      %dma_wait3A_765 = arith.constant 0 : i32
      %dma_wait3A_766 = tpu.memref_slice %arg11[%dma_wait3A_761, %dma_wait3A_764, %dma_wait3A_765] : memref<2x128x64xf32, #tpu.memory_space<vmem>> -> memref<1x128x64xf32, #tpu.memory_space<vmem>>
      %dma_wait3A_767 = tpu.memref_squeeze %dma_wait3A_766 : memref<1x128x64xf32, #tpu.memory_space<vmem>> -> memref<128x64xf32, #tpu.memory_space<vmem>>
      %dma_wait3A_768 = arith.constant 0 : i32
      %dma_wait3A_769 = tpu.memref_slice %arg10[%dma_wait3A_762, %dma_wait3A_763, %dma_wait3A_768] : memref<2x8x128xi32, #tpu.memory_space<vmem>> -> memref<1x1x128xi32, #tpu.memory_space<vmem>>
      %dma_wait3A_770 = tpu.memref_squeeze %dma_wait3A_769 : memref<1x1x128xi32, #tpu.memory_space<vmem>> -> memref<128xi32, #tpu.memory_space<vmem>>
      %dma_wait3A_771 = arith.constant 0 : i32
      %dma_wait3A_772 = arith.constant 0 : i32
      %dma_wait3A_773 = tpu.memref_slice %arg7[%dma_wait3A_771, %dma_wait3A_772] : memref<10240x64xf32, #tpu.memory_space<vmem_shared>> -> memref<10240x64xf32, #tpu.memory_space<vmem_shared>>
      tpu.wait_indirect_dma semaphore(%arg20 : memref<!tpu.dma_semaphore, #tpu.memory_space<semaphore_mem>>) src(%dma_wait3A_767 : memref<128x64xf32, #tpu.memory_space<vmem>>) dst(%dma_wait3A_773 : memref<10240x64xf32, #tpu.memory_space<vmem_shared>>)
      %dma_start3A_774 = arith.constant 1 : i32
      %dma_start3A_775 = arith.constant 2 : i32
      %dma_start3A_776 = arith.constant 0 : i32
      %dma_start3A_777 = arith.constant 0 : i32
      %dma_start3A_778 = arith.constant 0 : i32
      %dma_start3A_779 = tpu.memref_slice %arg11[%dma_start3A_776, %dma_start3A_777, %dma_start3A_778] : memref<2x128x64xf32, #tpu.memory_space<vmem>> -> memref<1x128x64xf32, #tpu.memory_space<vmem>>
      %dma_start3A_780 = tpu.memref_squeeze %dma_start3A_779 : memref<1x128x64xf32, #tpu.memory_space<vmem>> -> memref<128x64xf32, #tpu.memory_space<vmem>>
      %dma_start3A_781 = arith.constant 0 : i32
      %dma_start3A_782 = tpu.memref_slice %arg9[%dma_start3A_774, %dma_start3A_775, %dma_start3A_781] : memref<2x8x128xi32, #tpu.memory_space<vmem>> -> memref<1x1x128xi32, #tpu.memory_space<vmem>>
      %dma_start3A_783 = tpu.memref_squeeze %dma_start3A_782 : memref<1x1x128xi32, #tpu.memory_space<vmem>> -> memref<128xi32, #tpu.memory_space<vmem>>
      %dma_start3A_784 = arith.constant 0 : i32
      %dma_start3A_785 = arith.constant 0 : i32
      %dma_start3A_786 = tpu.memref_slice %arg6[%dma_start3A_784, %dma_start3A_785] : memref<10240x64xf32, #tpu.memory_space<vmem_shared>> -> memref<10240x64xf32, #tpu.memory_space<vmem_shared>>
      tpu.enqueue_indirect_dma source(%dma_start3A_786 : memref<10240x64xf32, #tpu.memory_space<vmem_shared>>) target(%dma_start3A_780 : memref<128x64xf32, #tpu.memory_space<vmem>>) offsets(%dma_start3A_783 : memref<128xi32, #tpu.memory_space<vmem>>) semaphore(%arg18 : memref<!tpu.dma_semaphore, #tpu.memory_space<semaphore_mem>>)
      %dma_wait3A_787 = arith.constant 1 : i32
      %dma_wait3A_788 = arith.constant 2 : i32
      %dma_wait3A_789 = arith.constant 0 : i32
      %dma_wait3A_790 = arith.constant 0 : i32
      %dma_wait3A_791 = arith.constant 0 : i32
      %dma_wait3A_792 = tpu.memref_slice %arg11[%dma_wait3A_789, %dma_wait3A_790, %dma_wait3A_791] : memref<2x128x64xf32, #tpu.memory_space<vmem>> -> memref<1x128x64xf32, #tpu.memory_space<vmem>>
      %dma_wait3A_793 = tpu.memref_squeeze %dma_wait3A_792 : memref<1x128x64xf32, #tpu.memory_space<vmem>> -> memref<128x64xf32, #tpu.memory_space<vmem>>
      %dma_wait3A_794 = arith.constant 0 : i32
      %dma_wait3A_795 = tpu.memref_slice %arg9[%dma_wait3A_787, %dma_wait3A_788, %dma_wait3A_794] : memref<2x8x128xi32, #tpu.memory_space<vmem>> -> memref<1x1x128xi32, #tpu.memory_space<vmem>>
      %dma_wait3A_796 = tpu.memref_squeeze %dma_wait3A_795 : memref<1x1x128xi32, #tpu.memory_space<vmem>> -> memref<128xi32, #tpu.memory_space<vmem>>
      %dma_wait3A_797 = arith.constant 0 : i32
      %dma_wait3A_798 = arith.constant 0 : i32
      %dma_wait3A_799 = tpu.memref_slice %arg6[%dma_wait3A_797, %dma_wait3A_798] : memref<10240x64xf32, #tpu.memory_space<vmem_shared>> -> memref<10240x64xf32, #tpu.memory_space<vmem_shared>>
      tpu.wait_indirect_dma semaphore(%arg18 : memref<!tpu.dma_semaphore, #tpu.memory_space<semaphore_mem>>) src(%dma_wait3A_799 : memref<10240x64xf32, #tpu.memory_space<vmem_shared>>) dst(%dma_wait3A_793 : memref<128x64xf32, #tpu.memory_space<vmem>>)
      %dma_start3A_800 = arith.constant 0 : i32
      %dma_start3A_801 = arith.constant 1 : i32
      %dma_start3A_802 = arith.constant 2 : i32
      %dma_start3A_803 = arith.constant 0 : i32
      %dma_start3A_804 = arith.constant 0 : i32
      %dma_start3A_805 = tpu.memref_slice %arg11[%dma_start3A_800, %dma_start3A_803, %dma_start3A_804] : memref<2x128x64xf32, #tpu.memory_space<vmem>> -> memref<1x128x64xf32, #tpu.memory_space<vmem>>
      %dma_start3A_806 = tpu.memref_squeeze %dma_start3A_805 : memref<1x128x64xf32, #tpu.memory_space<vmem>> -> memref<128x64xf32, #tpu.memory_space<vmem>>
      %dma_start3A_807 = arith.constant 0 : i32
      %dma_start3A_808 = tpu.memref_slice %arg10[%dma_start3A_801, %dma_start3A_802, %dma_start3A_807] : memref<2x8x128xi32, #tpu.memory_space<vmem>> -> memref<1x1x128xi32, #tpu.memory_space<vmem>>
      %dma_start3A_809 = tpu.memref_squeeze %dma_start3A_808 : memref<1x1x128xi32, #tpu.memory_space<vmem>> -> memref<128xi32, #tpu.memory_space<vmem>>
      %dma_start3A_810 = arith.constant 0 : i32
      %dma_start3A_811 = arith.constant 0 : i32
      %dma_start3A_812 = tpu.memref_slice %arg7[%dma_start3A_810, %dma_start3A_811] : memref<10240x64xf32, #tpu.memory_space<vmem_shared>> -> memref<10240x64xf32, #tpu.memory_space<vmem_shared>>
      tpu.enqueue_indirect_dma source(%dma_start3A_806 : memref<128x64xf32, #tpu.memory_space<vmem>>) target(%dma_start3A_812 : memref<10240x64xf32, #tpu.memory_space<vmem_shared>>) offsets(%dma_start3A_809 : memref<128xi32, #tpu.memory_space<vmem>>) semaphore(%arg20 : memref<!tpu.dma_semaphore, #tpu.memory_space<semaphore_mem>>) {add = true}
      %dma_wait3A_813 = arith.constant 1 : i32
      %dma_wait3A_814 = arith.constant 1 : i32
      %dma_wait3A_815 = arith.constant 1 : i32
      %dma_wait3A_816 = arith.constant 0 : i32
      %dma_wait3A_817 = arith.constant 0 : i32
      %dma_wait3A_818 = tpu.memref_slice %arg11[%dma_wait3A_813, %dma_wait3A_816, %dma_wait3A_817] : memref<2x128x64xf32, #tpu.memory_space<vmem>> -> memref<1x128x64xf32, #tpu.memory_space<vmem>>
      %dma_wait3A_819 = tpu.memref_squeeze %dma_wait3A_818 : memref<1x128x64xf32, #tpu.memory_space<vmem>> -> memref<128x64xf32, #tpu.memory_space<vmem>>
      %dma_wait3A_820 = arith.constant 0 : i32
      %dma_wait3A_821 = tpu.memref_slice %arg10[%dma_wait3A_814, %dma_wait3A_815, %dma_wait3A_820] : memref<2x8x128xi32, #tpu.memory_space<vmem>> -> memref<1x1x128xi32, #tpu.memory_space<vmem>>
      %dma_wait3A_822 = tpu.memref_squeeze %dma_wait3A_821 : memref<1x1x128xi32, #tpu.memory_space<vmem>> -> memref<128xi32, #tpu.memory_space<vmem>>
      %dma_wait3A_823 = arith.constant 0 : i32
      %dma_wait3A_824 = arith.constant 0 : i32
      %dma_wait3A_825 = tpu.memref_slice %arg7[%dma_wait3A_823, %dma_wait3A_824] : memref<10240x64xf32, #tpu.memory_space<vmem_shared>> -> memref<10240x64xf32, #tpu.memory_space<vmem_shared>>
      tpu.wait_indirect_dma semaphore(%arg21 : memref<!tpu.dma_semaphore, #tpu.memory_space<semaphore_mem>>) src(%dma_wait3A_819 : memref<128x64xf32, #tpu.memory_space<vmem>>) dst(%dma_wait3A_825 : memref<10240x64xf32, #tpu.memory_space<vmem_shared>>)
      %dma_start3A_826 = arith.constant 1 : i32
      %dma_start3A_827 = arith.constant 3 : i32
      %dma_start3A_828 = arith.constant 1 : i32
      %dma_start3A_829 = arith.constant 0 : i32
      %dma_start3A_830 = arith.constant 0 : i32
      %dma_start3A_831 = tpu.memref_slice %arg11[%dma_start3A_828, %dma_start3A_829, %dma_start3A_830] : memref<2x128x64xf32, #tpu.memory_space<vmem>> -> memref<1x128x64xf32, #tpu.memory_space<vmem>>
      %dma_start3A_832 = tpu.memref_squeeze %dma_start3A_831 : memref<1x128x64xf32, #tpu.memory_space<vmem>> -> memref<128x64xf32, #tpu.memory_space<vmem>>
      %dma_start3A_833 = arith.constant 0 : i32
      %dma_start3A_834 = tpu.memref_slice %arg9[%dma_start3A_826, %dma_start3A_827, %dma_start3A_833] : memref<2x8x128xi32, #tpu.memory_space<vmem>> -> memref<1x1x128xi32, #tpu.memory_space<vmem>>
      %dma_start3A_835 = tpu.memref_squeeze %dma_start3A_834 : memref<1x1x128xi32, #tpu.memory_space<vmem>> -> memref<128xi32, #tpu.memory_space<vmem>>
      %dma_start3A_836 = arith.constant 0 : i32
      %dma_start3A_837 = arith.constant 0 : i32
      %dma_start3A_838 = tpu.memref_slice %arg6[%dma_start3A_836, %dma_start3A_837] : memref<10240x64xf32, #tpu.memory_space<vmem_shared>> -> memref<10240x64xf32, #tpu.memory_space<vmem_shared>>
      tpu.enqueue_indirect_dma source(%dma_start3A_838 : memref<10240x64xf32, #tpu.memory_space<vmem_shared>>) target(%dma_start3A_832 : memref<128x64xf32, #tpu.memory_space<vmem>>) offsets(%dma_start3A_835 : memref<128xi32, #tpu.memory_space<vmem>>) semaphore(%arg19 : memref<!tpu.dma_semaphore, #tpu.memory_space<semaphore_mem>>)
      %dma_wait3A_839 = arith.constant 1 : i32
      %dma_wait3A_840 = arith.constant 3 : i32
      %dma_wait3A_841 = arith.constant 1 : i32
      %dma_wait3A_842 = arith.constant 0 : i32
      %dma_wait3A_843 = arith.constant 0 : i32
      %dma_wait3A_844 = tpu.memref_slice %arg11[%dma_wait3A_841, %dma_wait3A_842, %dma_wait3A_843] : memref<2x128x64xf32, #tpu.memory_space<vmem>> -> memref<1x128x64xf32, #tpu.memory_space<vmem>>
      %dma_wait3A_845 = tpu.memref_squeeze %dma_wait3A_844 : memref<1x128x64xf32, #tpu.memory_space<vmem>> -> memref<128x64xf32, #tpu.memory_space<vmem>>
      %dma_wait3A_846 = arith.constant 0 : i32
      %dma_wait3A_847 = tpu.memref_slice %arg9[%dma_wait3A_839, %dma_wait3A_840, %dma_wait3A_846] : memref<2x8x128xi32, #tpu.memory_space<vmem>> -> memref<1x1x128xi32, #tpu.memory_space<vmem>>
      %dma_wait3A_848 = tpu.memref_squeeze %dma_wait3A_847 : memref<1x1x128xi32, #tpu.memory_space<vmem>> -> memref<128xi32, #tpu.memory_space<vmem>>
      %dma_wait3A_849 = arith.constant 0 : i32
      %dma_wait3A_850 = arith.constant 0 : i32
      %dma_wait3A_851 = tpu.memref_slice %arg6[%dma_wait3A_849, %dma_wait3A_850] : memref<10240x64xf32, #tpu.memory_space<vmem_shared>> -> memref<10240x64xf32, #tpu.memory_space<vmem_shared>>
      tpu.wait_indirect_dma semaphore(%arg19 : memref<!tpu.dma_semaphore, #tpu.memory_space<semaphore_mem>>) src(%dma_wait3A_851 : memref<10240x64xf32, #tpu.memory_space<vmem_shared>>) dst(%dma_wait3A_845 : memref<128x64xf32, #tpu.memory_space<vmem>>)
      %dma_start3A_852 = arith.constant 1 : i32
      %dma_start3A_853 = arith.constant 1 : i32
      %dma_start3A_854 = arith.constant 3 : i32
      %dma_start3A_855 = arith.constant 0 : i32
      %dma_start3A_856 = arith.constant 0 : i32
      %dma_start3A_857 = tpu.memref_slice %arg11[%dma_start3A_852, %dma_start3A_855, %dma_start3A_856] : memref<2x128x64xf32, #tpu.memory_space<vmem>> -> memref<1x128x64xf32, #tpu.memory_space<vmem>>
      %dma_start3A_858 = tpu.memref_squeeze %dma_start3A_857 : memref<1x128x64xf32, #tpu.memory_space<vmem>> -> memref<128x64xf32, #tpu.memory_space<vmem>>
      %dma_start3A_859 = arith.constant 0 : i32
      %dma_start3A_860 = tpu.memref_slice %arg10[%dma_start3A_853, %dma_start3A_854, %dma_start3A_859] : memref<2x8x128xi32, #tpu.memory_space<vmem>> -> memref<1x1x128xi32, #tpu.memory_space<vmem>>
      %dma_start3A_861 = tpu.memref_squeeze %dma_start3A_860 : memref<1x1x128xi32, #tpu.memory_space<vmem>> -> memref<128xi32, #tpu.memory_space<vmem>>
      %dma_start3A_862 = arith.constant 0 : i32
      %dma_start3A_863 = arith.constant 0 : i32
      %dma_start3A_864 = tpu.memref_slice %arg7[%dma_start3A_862, %dma_start3A_863] : memref<10240x64xf32, #tpu.memory_space<vmem_shared>> -> memref<10240x64xf32, #tpu.memory_space<vmem_shared>>
      tpu.enqueue_indirect_dma source(%dma_start3A_858 : memref<128x64xf32, #tpu.memory_space<vmem>>) target(%dma_start3A_864 : memref<10240x64xf32, #tpu.memory_space<vmem_shared>>) offsets(%dma_start3A_861 : memref<128xi32, #tpu.memory_space<vmem>>) semaphore(%arg21 : memref<!tpu.dma_semaphore, #tpu.memory_space<semaphore_mem>>) {add = true}
      %dma_wait3A_865 = arith.constant 0 : i32
      %dma_wait3A_866 = arith.constant 1 : i32
      %dma_wait3A_867 = arith.constant 2 : i32
      %dma_wait3A_868 = arith.constant 0 : i32
      %dma_wait3A_869 = arith.constant 0 : i32
      %dma_wait3A_870 = tpu.memref_slice %arg11[%dma_wait3A_865, %dma_wait3A_868, %dma_wait3A_869] : memref<2x128x64xf32, #tpu.memory_space<vmem>> -> memref<1x128x64xf32, #tpu.memory_space<vmem>>
      %dma_wait3A_871 = tpu.memref_squeeze %dma_wait3A_870 : memref<1x128x64xf32, #tpu.memory_space<vmem>> -> memref<128x64xf32, #tpu.memory_space<vmem>>
      %dma_wait3A_872 = arith.constant 0 : i32
      %dma_wait3A_873 = tpu.memref_slice %arg10[%dma_wait3A_866, %dma_wait3A_867, %dma_wait3A_872] : memref<2x8x128xi32, #tpu.memory_space<vmem>> -> memref<1x1x128xi32, #tpu.memory_space<vmem>>
      %dma_wait3A_874 = tpu.memref_squeeze %dma_wait3A_873 : memref<1x1x128xi32, #tpu.memory_space<vmem>> -> memref<128xi32, #tpu.memory_space<vmem>>
      %dma_wait3A_875 = arith.constant 0 : i32
      %dma_wait3A_876 = arith.constant 0 : i32
      %dma_wait3A_877 = tpu.memref_slice %arg7[%dma_wait3A_875, %dma_wait3A_876] : memref<10240x64xf32, #tpu.memory_space<vmem_shared>> -> memref<10240x64xf32, #tpu.memory_space<vmem_shared>>
      tpu.wait_indirect_dma semaphore(%arg20 : memref<!tpu.dma_semaphore, #tpu.memory_space<semaphore_mem>>) src(%dma_wait3A_871 : memref<128x64xf32, #tpu.memory_space<vmem>>) dst(%dma_wait3A_877 : memref<10240x64xf32, #tpu.memory_space<vmem_shared>>)
      %dma_start3A_878 = arith.constant 1 : i32
      %dma_start3A_879 = arith.constant 4 : i32
      %dma_start3A_880 = arith.constant 0 : i32
      %dma_start3A_881 = arith.constant 0 : i32
      %dma_start3A_882 = arith.constant 0 : i32
      %dma_start3A_883 = tpu.memref_slice %arg11[%dma_start3A_880, %dma_start3A_881, %dma_start3A_882] : memref<2x128x64xf32, #tpu.memory_space<vmem>> -> memref<1x128x64xf32, #tpu.memory_space<vmem>>
      %dma_start3A_884 = tpu.memref_squeeze %dma_start3A_883 : memref<1x128x64xf32, #tpu.memory_space<vmem>> -> memref<128x64xf32, #tpu.memory_space<vmem>>
      %dma_start3A_885 = arith.constant 0 : i32
      %dma_start3A_886 = tpu.memref_slice %arg9[%dma_start3A_878, %dma_start3A_879, %dma_start3A_885] : memref<2x8x128xi32, #tpu.memory_space<vmem>> -> memref<1x1x128xi32, #tpu.memory_space<vmem>>
      %dma_start3A_887 = tpu.memref_squeeze %dma_start3A_886 : memref<1x1x128xi32, #tpu.memory_space<vmem>> -> memref<128xi32, #tpu.memory_space<vmem>>
      %dma_start3A_888 = arith.constant 0 : i32
      %dma_start3A_889 = arith.constant 0 : i32
      %dma_start3A_890 = tpu.memref_slice %arg6[%dma_start3A_888, %dma_start3A_889] : memref<10240x64xf32, #tpu.memory_space<vmem_shared>> -> memref<10240x64xf32, #tpu.memory_space<vmem_shared>>
      tpu.enqueue_indirect_dma source(%dma_start3A_890 : memref<10240x64xf32, #tpu.memory_space<vmem_shared>>) target(%dma_start3A_884 : memref<128x64xf32, #tpu.memory_space<vmem>>) offsets(%dma_start3A_887 : memref<128xi32, #tpu.memory_space<vmem>>) semaphore(%arg18 : memref<!tpu.dma_semaphore, #tpu.memory_space<semaphore_mem>>)
      %dma_wait3A_891 = arith.constant 1 : i32
      %dma_wait3A_892 = arith.constant 4 : i32
      %dma_wait3A_893 = arith.constant 0 : i32
      %dma_wait3A_894 = arith.constant 0 : i32
      %dma_wait3A_895 = arith.constant 0 : i32
      %dma_wait3A_896 = tpu.memref_slice %arg11[%dma_wait3A_893, %dma_wait3A_894, %dma_wait3A_895] : memref<2x128x64xf32, #tpu.memory_space<vmem>> -> memref<1x128x64xf32, #tpu.memory_space<vmem>>
      %dma_wait3A_897 = tpu.memref_squeeze %dma_wait3A_896 : memref<1x128x64xf32, #tpu.memory_space<vmem>> -> memref<128x64xf32, #tpu.memory_space<vmem>>
      %dma_wait3A_898 = arith.constant 0 : i32
      %dma_wait3A_899 = tpu.memref_slice %arg9[%dma_wait3A_891, %dma_wait3A_892, %dma_wait3A_898] : memref<2x8x128xi32, #tpu.memory_space<vmem>> -> memref<1x1x128xi32, #tpu.memory_space<vmem>>
      %dma_wait3A_900 = tpu.memref_squeeze %dma_wait3A_899 : memref<1x1x128xi32, #tpu.memory_space<vmem>> -> memref<128xi32, #tpu.memory_space<vmem>>
      %dma_wait3A_901 = arith.constant 0 : i32
      %dma_wait3A_902 = arith.constant 0 : i32
      %dma_wait3A_903 = tpu.memref_slice %arg6[%dma_wait3A_901, %dma_wait3A_902] : memref<10240x64xf32, #tpu.memory_space<vmem_shared>> -> memref<10240x64xf32, #tpu.memory_space<vmem_shared>>
      tpu.wait_indirect_dma semaphore(%arg18 : memref<!tpu.dma_semaphore, #tpu.memory_space<semaphore_mem>>) src(%dma_wait3A_903 : memref<10240x64xf32, #tpu.memory_space<vmem_shared>>) dst(%dma_wait3A_897 : memref<128x64xf32, #tpu.memory_space<vmem>>)
      %dma_start3A_904 = arith.constant 0 : i32
      %dma_start3A_905 = arith.constant 1 : i32
      %dma_start3A_906 = arith.constant 4 : i32
      %dma_start3A_907 = arith.constant 0 : i32
      %dma_start3A_908 = arith.constant 0 : i32
      %dma_start3A_909 = tpu.memref_slice %arg11[%dma_start3A_904, %dma_start3A_907, %dma_start3A_908] : memref<2x128x64xf32, #tpu.memory_space<vmem>> -> memref<1x128x64xf32, #tpu.memory_space<vmem>>
      %dma_start3A_910 = tpu.memref_squeeze %dma_start3A_909 : memref<1x128x64xf32, #tpu.memory_space<vmem>> -> memref<128x64xf32, #tpu.memory_space<vmem>>
      %dma_start3A_911 = arith.constant 0 : i32
      %dma_start3A_912 = tpu.memref_slice %arg10[%dma_start3A_905, %dma_start3A_906, %dma_start3A_911] : memref<2x8x128xi32, #tpu.memory_space<vmem>> -> memref<1x1x128xi32, #tpu.memory_space<vmem>>
      %dma_start3A_913 = tpu.memref_squeeze %dma_start3A_912 : memref<1x1x128xi32, #tpu.memory_space<vmem>> -> memref<128xi32, #tpu.memory_space<vmem>>
      %dma_start3A_914 = arith.constant 0 : i32
      %dma_start3A_915 = arith.constant 0 : i32
      %dma_start3A_916 = tpu.memref_slice %arg7[%dma_start3A_914, %dma_start3A_915] : memref<10240x64xf32, #tpu.memory_space<vmem_shared>> -> memref<10240x64xf32, #tpu.memory_space<vmem_shared>>
      tpu.enqueue_indirect_dma source(%dma_start3A_910 : memref<128x64xf32, #tpu.memory_space<vmem>>) target(%dma_start3A_916 : memref<10240x64xf32, #tpu.memory_space<vmem_shared>>) offsets(%dma_start3A_913 : memref<128xi32, #tpu.memory_space<vmem>>) semaphore(%arg20 : memref<!tpu.dma_semaphore, #tpu.memory_space<semaphore_mem>>) {add = true}
      %dma_wait3A_917 = arith.constant 1 : i32
      %dma_wait3A_918 = arith.constant 1 : i32
      %dma_wait3A_919 = arith.constant 3 : i32
      %dma_wait3A_920 = arith.constant 0 : i32
      %dma_wait3A_921 = arith.constant 0 : i32
      %dma_wait3A_922 = tpu.memref_slice %arg11[%dma_wait3A_917, %dma_wait3A_920, %dma_wait3A_921] : memref<2x128x64xf32, #tpu.memory_space<vmem>> -> memref<1x128x64xf32, #tpu.memory_space<vmem>>
      %dma_wait3A_923 = tpu.memref_squeeze %dma_wait3A_922 : memref<1x128x64xf32, #tpu.memory_space<vmem>> -> memref<128x64xf32, #tpu.memory_space<vmem>>
      %dma_wait3A_924 = arith.constant 0 : i32
      %dma_wait3A_925 = tpu.memref_slice %arg10[%dma_wait3A_918, %dma_wait3A_919, %dma_wait3A_924] : memref<2x8x128xi32, #tpu.memory_space<vmem>> -> memref<1x1x128xi32, #tpu.memory_space<vmem>>
      %dma_wait3A_926 = tpu.memref_squeeze %dma_wait3A_925 : memref<1x1x128xi32, #tpu.memory_space<vmem>> -> memref<128xi32, #tpu.memory_space<vmem>>
      %dma_wait3A_927 = arith.constant 0 : i32
      %dma_wait3A_928 = arith.constant 0 : i32
      %dma_wait3A_929 = tpu.memref_slice %arg7[%dma_wait3A_927, %dma_wait3A_928] : memref<10240x64xf32, #tpu.memory_space<vmem_shared>> -> memref<10240x64xf32, #tpu.memory_space<vmem_shared>>
      tpu.wait_indirect_dma semaphore(%arg21 : memref<!tpu.dma_semaphore, #tpu.memory_space<semaphore_mem>>) src(%dma_wait3A_923 : memref<128x64xf32, #tpu.memory_space<vmem>>) dst(%dma_wait3A_929 : memref<10240x64xf32, #tpu.memory_space<vmem_shared>>)
      %dma_start3A_930 = arith.constant 1 : i32
      %dma_start3A_931 = arith.constant 5 : i32
      %dma_start3A_932 = arith.constant 1 : i32
      %dma_start3A_933 = arith.constant 0 : i32
      %dma_start3A_934 = arith.constant 0 : i32
      %dma_start3A_935 = tpu.memref_slice %arg11[%dma_start3A_932, %dma_start3A_933, %dma_start3A_934] : memref<2x128x64xf32, #tpu.memory_space<vmem>> -> memref<1x128x64xf32, #tpu.memory_space<vmem>>
      %dma_start3A_936 = tpu.memref_squeeze %dma_start3A_935 : memref<1x128x64xf32, #tpu.memory_space<vmem>> -> memref<128x64xf32, #tpu.memory_space<vmem>>
      %dma_start3A_937 = arith.constant 0 : i32
      %dma_start3A_938 = tpu.memref_slice %arg9[%dma_start3A_930, %dma_start3A_931, %dma_start3A_937] : memref<2x8x128xi32, #tpu.memory_space<vmem>> -> memref<1x1x128xi32, #tpu.memory_space<vmem>>
      %dma_start3A_939 = tpu.memref_squeeze %dma_start3A_938 : memref<1x1x128xi32, #tpu.memory_space<vmem>> -> memref<128xi32, #tpu.memory_space<vmem>>
      %dma_start3A_940 = arith.constant 0 : i32
      %dma_start3A_941 = arith.constant 0 : i32
      %dma_start3A_942 = tpu.memref_slice %arg6[%dma_start3A_940, %dma_start3A_941] : memref<10240x64xf32, #tpu.memory_space<vmem_shared>> -> memref<10240x64xf32, #tpu.memory_space<vmem_shared>>
      tpu.enqueue_indirect_dma source(%dma_start3A_942 : memref<10240x64xf32, #tpu.memory_space<vmem_shared>>) target(%dma_start3A_936 : memref<128x64xf32, #tpu.memory_space<vmem>>) offsets(%dma_start3A_939 : memref<128xi32, #tpu.memory_space<vmem>>) semaphore(%arg19 : memref<!tpu.dma_semaphore, #tpu.memory_space<semaphore_mem>>)
      %dma_wait3A_943 = arith.constant 1 : i32
      %dma_wait3A_944 = arith.constant 5 : i32
      %dma_wait3A_945 = arith.constant 1 : i32
      %dma_wait3A_946 = arith.constant 0 : i32
      %dma_wait3A_947 = arith.constant 0 : i32
      %dma_wait3A_948 = tpu.memref_slice %arg11[%dma_wait3A_945, %dma_wait3A_946, %dma_wait3A_947] : memref<2x128x64xf32, #tpu.memory_space<vmem>> -> memref<1x128x64xf32, #tpu.memory_space<vmem>>
      %dma_wait3A_949 = tpu.memref_squeeze %dma_wait3A_948 : memref<1x128x64xf32, #tpu.memory_space<vmem>> -> memref<128x64xf32, #tpu.memory_space<vmem>>
      %dma_wait3A_950 = arith.constant 0 : i32
      %dma_wait3A_951 = tpu.memref_slice %arg9[%dma_wait3A_943, %dma_wait3A_944, %dma_wait3A_950] : memref<2x8x128xi32, #tpu.memory_space<vmem>> -> memref<1x1x128xi32, #tpu.memory_space<vmem>>
      %dma_wait3A_952 = tpu.memref_squeeze %dma_wait3A_951 : memref<1x1x128xi32, #tpu.memory_space<vmem>> -> memref<128xi32, #tpu.memory_space<vmem>>
      %dma_wait3A_953 = arith.constant 0 : i32
      %dma_wait3A_954 = arith.constant 0 : i32
      %dma_wait3A_955 = tpu.memref_slice %arg6[%dma_wait3A_953, %dma_wait3A_954] : memref<10240x64xf32, #tpu.memory_space<vmem_shared>> -> memref<10240x64xf32, #tpu.memory_space<vmem_shared>>
      tpu.wait_indirect_dma semaphore(%arg19 : memref<!tpu.dma_semaphore, #tpu.memory_space<semaphore_mem>>) src(%dma_wait3A_955 : memref<10240x64xf32, #tpu.memory_space<vmem_shared>>) dst(%dma_wait3A_949 : memref<128x64xf32, #tpu.memory_space<vmem>>)
      %dma_start3A_956 = arith.constant 1 : i32
      %dma_start3A_957 = arith.constant 1 : i32
      %dma_start3A_958 = arith.constant 5 : i32
      %dma_start3A_959 = arith.constant 0 : i32
      %dma_start3A_960 = arith.constant 0 : i32
      %dma_start3A_961 = tpu.memref_slice %arg11[%dma_start3A_956, %dma_start3A_959, %dma_start3A_960] : memref<2x128x64xf32, #tpu.memory_space<vmem>> -> memref<1x128x64xf32, #tpu.memory_space<vmem>>
      %dma_start3A_962 = tpu.memref_squeeze %dma_start3A_961 : memref<1x128x64xf32, #tpu.memory_space<vmem>> -> memref<128x64xf32, #tpu.memory_space<vmem>>
      %dma_start3A_963 = arith.constant 0 : i32
      %dma_start3A_964 = tpu.memref_slice %arg10[%dma_start3A_957, %dma_start3A_958, %dma_start3A_963] : memref<2x8x128xi32, #tpu.memory_space<vmem>> -> memref<1x1x128xi32, #tpu.memory_space<vmem>>
      %dma_start3A_965 = tpu.memref_squeeze %dma_start3A_964 : memref<1x1x128xi32, #tpu.memory_space<vmem>> -> memref<128xi32, #tpu.memory_space<vmem>>
      %dma_start3A_966 = arith.constant 0 : i32
      %dma_start3A_967 = arith.constant 0 : i32
      %dma_start3A_968 = tpu.memref_slice %arg7[%dma_start3A_966, %dma_start3A_967] : memref<10240x64xf32, #tpu.memory_space<vmem_shared>> -> memref<10240x64xf32, #tpu.memory_space<vmem_shared>>
      tpu.enqueue_indirect_dma source(%dma_start3A_962 : memref<128x64xf32, #tpu.memory_space<vmem>>) target(%dma_start3A_968 : memref<10240x64xf32, #tpu.memory_space<vmem_shared>>) offsets(%dma_start3A_965 : memref<128xi32, #tpu.memory_space<vmem>>) semaphore(%arg21 : memref<!tpu.dma_semaphore, #tpu.memory_space<semaphore_mem>>) {add = true}
      %dma_wait3A_969 = arith.constant 0 : i32
      %dma_wait3A_970 = arith.constant 1 : i32
      %dma_wait3A_971 = arith.constant 4 : i32
      %dma_wait3A_972 = arith.constant 0 : i32
      %dma_wait3A_973 = arith.constant 0 : i32
      %dma_wait3A_974 = tpu.memref_slice %arg11[%dma_wait3A_969, %dma_wait3A_972, %dma_wait3A_973] : memref<2x128x64xf32, #tpu.memory_space<vmem>> -> memref<1x128x64xf32, #tpu.memory_space<vmem>>
      %dma_wait3A_975 = tpu.memref_squeeze %dma_wait3A_974 : memref<1x128x64xf32, #tpu.memory_space<vmem>> -> memref<128x64xf32, #tpu.memory_space<vmem>>
      %dma_wait3A_976 = arith.constant 0 : i32
      %dma_wait3A_977 = tpu.memref_slice %arg10[%dma_wait3A_970, %dma_wait3A_971, %dma_wait3A_976] : memref<2x8x128xi32, #tpu.memory_space<vmem>> -> memref<1x1x128xi32, #tpu.memory_space<vmem>>
      %dma_wait3A_978 = tpu.memref_squeeze %dma_wait3A_977 : memref<1x1x128xi32, #tpu.memory_space<vmem>> -> memref<128xi32, #tpu.memory_space<vmem>>
      %dma_wait3A_979 = arith.constant 0 : i32
      %dma_wait3A_980 = arith.constant 0 : i32
      %dma_wait3A_981 = tpu.memref_slice %arg7[%dma_wait3A_979, %dma_wait3A_980] : memref<10240x64xf32, #tpu.memory_space<vmem_shared>> -> memref<10240x64xf32, #tpu.memory_space<vmem_shared>>
      tpu.wait_indirect_dma semaphore(%arg20 : memref<!tpu.dma_semaphore, #tpu.memory_space<semaphore_mem>>) src(%dma_wait3A_975 : memref<128x64xf32, #tpu.memory_space<vmem>>) dst(%dma_wait3A_981 : memref<10240x64xf32, #tpu.memory_space<vmem_shared>>)
      %dma_start3A_982 = arith.constant 1 : i32
      %dma_start3A_983 = arith.constant 6 : i32
      %dma_start3A_984 = arith.constant 0 : i32
      %dma_start3A_985 = arith.constant 0 : i32
      %dma_start3A_986 = arith.constant 0 : i32
      %dma_start3A_987 = tpu.memref_slice %arg11[%dma_start3A_984, %dma_start3A_985, %dma_start3A_986] : memref<2x128x64xf32, #tpu.memory_space<vmem>> -> memref<1x128x64xf32, #tpu.memory_space<vmem>>
      %dma_start3A_988 = tpu.memref_squeeze %dma_start3A_987 : memref<1x128x64xf32, #tpu.memory_space<vmem>> -> memref<128x64xf32, #tpu.memory_space<vmem>>
      %dma_start3A_989 = arith.constant 0 : i32
      %dma_start3A_990 = tpu.memref_slice %arg9[%dma_start3A_982, %dma_start3A_983, %dma_start3A_989] : memref<2x8x128xi32, #tpu.memory_space<vmem>> -> memref<1x1x128xi32, #tpu.memory_space<vmem>>
      %dma_start3A_991 = tpu.memref_squeeze %dma_start3A_990 : memref<1x1x128xi32, #tpu.memory_space<vmem>> -> memref<128xi32, #tpu.memory_space<vmem>>
      %dma_start3A_992 = arith.constant 0 : i32
      %dma_start3A_993 = arith.constant 0 : i32
      %dma_start3A_994 = tpu.memref_slice %arg6[%dma_start3A_992, %dma_start3A_993] : memref<10240x64xf32, #tpu.memory_space<vmem_shared>> -> memref<10240x64xf32, #tpu.memory_space<vmem_shared>>
      tpu.enqueue_indirect_dma source(%dma_start3A_994 : memref<10240x64xf32, #tpu.memory_space<vmem_shared>>) target(%dma_start3A_988 : memref<128x64xf32, #tpu.memory_space<vmem>>) offsets(%dma_start3A_991 : memref<128xi32, #tpu.memory_space<vmem>>) semaphore(%arg18 : memref<!tpu.dma_semaphore, #tpu.memory_space<semaphore_mem>>)
      %dma_wait3A_995 = arith.constant 1 : i32
      %dma_wait3A_996 = arith.constant 6 : i32
      %dma_wait3A_997 = arith.constant 0 : i32
      %dma_wait3A_998 = arith.constant 0 : i32
      %dma_wait3A_999 = arith.constant 0 : i32
      %dma_wait3A_1000 = tpu.memref_slice %arg11[%dma_wait3A_997, %dma_wait3A_998, %dma_wait3A_999] : memref<2x128x64xf32, #tpu.memory_space<vmem>> -> memref<1x128x64xf32, #tpu.memory_space<vmem>>
      %dma_wait3A_1001 = tpu.memref_squeeze %dma_wait3A_1000 : memref<1x128x64xf32, #tpu.memory_space<vmem>> -> memref<128x64xf32, #tpu.memory_space<vmem>>
      %dma_wait3A_1002 = arith.constant 0 : i32
      %dma_wait3A_1003 = tpu.memref_slice %arg9[%dma_wait3A_995, %dma_wait3A_996, %dma_wait3A_1002] : memref<2x8x128xi32, #tpu.memory_space<vmem>> -> memref<1x1x128xi32, #tpu.memory_space<vmem>>
      %dma_wait3A_1004 = tpu.memref_squeeze %dma_wait3A_1003 : memref<1x1x128xi32, #tpu.memory_space<vmem>> -> memref<128xi32, #tpu.memory_space<vmem>>
      %dma_wait3A_1005 = arith.constant 0 : i32
      %dma_wait3A_1006 = arith.constant 0 : i32
      %dma_wait3A_1007 = tpu.memref_slice %arg6[%dma_wait3A_1005, %dma_wait3A_1006] : memref<10240x64xf32, #tpu.memory_space<vmem_shared>> -> memref<10240x64xf32, #tpu.memory_space<vmem_shared>>
      tpu.wait_indirect_dma semaphore(%arg18 : memref<!tpu.dma_semaphore, #tpu.memory_space<semaphore_mem>>) src(%dma_wait3A_1007 : memref<10240x64xf32, #tpu.memory_space<vmem_shared>>) dst(%dma_wait3A_1001 : memref<128x64xf32, #tpu.memory_space<vmem>>)
      %dma_start3A_1008 = arith.constant 0 : i32
      %dma_start3A_1009 = arith.constant 1 : i32
      %dma_start3A_1010 = arith.constant 6 : i32
      %dma_start3A_1011 = arith.constant 0 : i32
      %dma_start3A_1012 = arith.constant 0 : i32
      %dma_start3A_1013 = tpu.memref_slice %arg11[%dma_start3A_1008, %dma_start3A_1011, %dma_start3A_1012] : memref<2x128x64xf32, #tpu.memory_space<vmem>> -> memref<1x128x64xf32, #tpu.memory_space<vmem>>
      %dma_start3A_1014 = tpu.memref_squeeze %dma_start3A_1013 : memref<1x128x64xf32, #tpu.memory_space<vmem>> -> memref<128x64xf32, #tpu.memory_space<vmem>>
      %dma_start3A_1015 = arith.constant 0 : i32
      %dma_start3A_1016 = tpu.memref_slice %arg10[%dma_start3A_1009, %dma_start3A_1010, %dma_start3A_1015] : memref<2x8x128xi32, #tpu.memory_space<vmem>> -> memref<1x1x128xi32, #tpu.memory_space<vmem>>
      %dma_start3A_1017 = tpu.memref_squeeze %dma_start3A_1016 : memref<1x1x128xi32, #tpu.memory_space<vmem>> -> memref<128xi32, #tpu.memory_space<vmem>>
      %dma_start3A_1018 = arith.constant 0 : i32
      %dma_start3A_1019 = arith.constant 0 : i32
      %dma_start3A_1020 = tpu.memref_slice %arg7[%dma_start3A_1018, %dma_start3A_1019] : memref<10240x64xf32, #tpu.memory_space<vmem_shared>> -> memref<10240x64xf32, #tpu.memory_space<vmem_shared>>
      tpu.enqueue_indirect_dma source(%dma_start3A_1014 : memref<128x64xf32, #tpu.memory_space<vmem>>) target(%dma_start3A_1020 : memref<10240x64xf32, #tpu.memory_space<vmem_shared>>) offsets(%dma_start3A_1017 : memref<128xi32, #tpu.memory_space<vmem>>) semaphore(%arg20 : memref<!tpu.dma_semaphore, #tpu.memory_space<semaphore_mem>>) {add = true}
      %dma_wait3A_1021 = arith.constant 1 : i32
      %dma_wait3A_1022 = arith.constant 1 : i32
      %dma_wait3A_1023 = arith.constant 5 : i32
      %dma_wait3A_1024 = arith.constant 0 : i32
      %dma_wait3A_1025 = arith.constant 0 : i32
      %dma_wait3A_1026 = tpu.memref_slice %arg11[%dma_wait3A_1021, %dma_wait3A_1024, %dma_wait3A_1025] : memref<2x128x64xf32, #tpu.memory_space<vmem>> -> memref<1x128x64xf32, #tpu.memory_space<vmem>>
      %dma_wait3A_1027 = tpu.memref_squeeze %dma_wait3A_1026 : memref<1x128x64xf32, #tpu.memory_space<vmem>> -> memref<128x64xf32, #tpu.memory_space<vmem>>
      %dma_wait3A_1028 = arith.constant 0 : i32
      %dma_wait3A_1029 = tpu.memref_slice %arg10[%dma_wait3A_1022, %dma_wait3A_1023, %dma_wait3A_1028] : memref<2x8x128xi32, #tpu.memory_space<vmem>> -> memref<1x1x128xi32, #tpu.memory_space<vmem>>
      %dma_wait3A_1030 = tpu.memref_squeeze %dma_wait3A_1029 : memref<1x1x128xi32, #tpu.memory_space<vmem>> -> memref<128xi32, #tpu.memory_space<vmem>>
      %dma_wait3A_1031 = arith.constant 0 : i32
      %dma_wait3A_1032 = arith.constant 0 : i32
      %dma_wait3A_1033 = tpu.memref_slice %arg7[%dma_wait3A_1031, %dma_wait3A_1032] : memref<10240x64xf32, #tpu.memory_space<vmem_shared>> -> memref<10240x64xf32, #tpu.memory_space<vmem_shared>>
      tpu.wait_indirect_dma semaphore(%arg21 : memref<!tpu.dma_semaphore, #tpu.memory_space<semaphore_mem>>) src(%dma_wait3A_1027 : memref<128x64xf32, #tpu.memory_space<vmem>>) dst(%dma_wait3A_1033 : memref<10240x64xf32, #tpu.memory_space<vmem_shared>>)
      %dma_start3A_1034 = arith.constant 1 : i32
      %dma_start3A_1035 = arith.constant 7 : i32
      %dma_start3A_1036 = arith.constant 1 : i32
      %dma_start3A_1037 = arith.constant 0 : i32
      %dma_start3A_1038 = arith.constant 0 : i32
      %dma_start3A_1039 = tpu.memref_slice %arg11[%dma_start3A_1036, %dma_start3A_1037, %dma_start3A_1038] : memref<2x128x64xf32, #tpu.memory_space<vmem>> -> memref<1x128x64xf32, #tpu.memory_space<vmem>>
      %dma_start3A_1040 = tpu.memref_squeeze %dma_start3A_1039 : memref<1x128x64xf32, #tpu.memory_space<vmem>> -> memref<128x64xf32, #tpu.memory_space<vmem>>
      %dma_start3A_1041 = arith.constant 0 : i32
      %dma_start3A_1042 = tpu.memref_slice %arg9[%dma_start3A_1034, %dma_start3A_1035, %dma_start3A_1041] : memref<2x8x128xi32, #tpu.memory_space<vmem>> -> memref<1x1x128xi32, #tpu.memory_space<vmem>>
      %dma_start3A_1043 = tpu.memref_squeeze %dma_start3A_1042 : memref<1x1x128xi32, #tpu.memory_space<vmem>> -> memref<128xi32, #tpu.memory_space<vmem>>
      %dma_start3A_1044 = arith.constant 0 : i32
      %dma_start3A_1045 = arith.constant 0 : i32
      %dma_start3A_1046 = tpu.memref_slice %arg6[%dma_start3A_1044, %dma_start3A_1045] : memref<10240x64xf32, #tpu.memory_space<vmem_shared>> -> memref<10240x64xf32, #tpu.memory_space<vmem_shared>>
      tpu.enqueue_indirect_dma source(%dma_start3A_1046 : memref<10240x64xf32, #tpu.memory_space<vmem_shared>>) target(%dma_start3A_1040 : memref<128x64xf32, #tpu.memory_space<vmem>>) offsets(%dma_start3A_1043 : memref<128xi32, #tpu.memory_space<vmem>>) semaphore(%arg19 : memref<!tpu.dma_semaphore, #tpu.memory_space<semaphore_mem>>)
      %dma_wait3A_1047 = arith.constant 1 : i32
      %dma_wait3A_1048 = arith.constant 7 : i32
      %dma_wait3A_1049 = arith.constant 1 : i32
      %dma_wait3A_1050 = arith.constant 0 : i32
      %dma_wait3A_1051 = arith.constant 0 : i32
      %dma_wait3A_1052 = tpu.memref_slice %arg11[%dma_wait3A_1049, %dma_wait3A_1050, %dma_wait3A_1051] : memref<2x128x64xf32, #tpu.memory_space<vmem>> -> memref<1x128x64xf32, #tpu.memory_space<vmem>>
      %dma_wait3A_1053 = tpu.memref_squeeze %dma_wait3A_1052 : memref<1x128x64xf32, #tpu.memory_space<vmem>> -> memref<128x64xf32, #tpu.memory_space<vmem>>
      %dma_wait3A_1054 = arith.constant 0 : i32
      %dma_wait3A_1055 = tpu.memref_slice %arg9[%dma_wait3A_1047, %dma_wait3A_1048, %dma_wait3A_1054] : memref<2x8x128xi32, #tpu.memory_space<vmem>> -> memref<1x1x128xi32, #tpu.memory_space<vmem>>
      %dma_wait3A_1056 = tpu.memref_squeeze %dma_wait3A_1055 : memref<1x1x128xi32, #tpu.memory_space<vmem>> -> memref<128xi32, #tpu.memory_space<vmem>>
      %dma_wait3A_1057 = arith.constant 0 : i32
      %dma_wait3A_1058 = arith.constant 0 : i32
      %dma_wait3A_1059 = tpu.memref_slice %arg6[%dma_wait3A_1057, %dma_wait3A_1058] : memref<10240x64xf32, #tpu.memory_space<vmem_shared>> -> memref<10240x64xf32, #tpu.memory_space<vmem_shared>>
      tpu.wait_indirect_dma semaphore(%arg19 : memref<!tpu.dma_semaphore, #tpu.memory_space<semaphore_mem>>) src(%dma_wait3A_1059 : memref<10240x64xf32, #tpu.memory_space<vmem_shared>>) dst(%dma_wait3A_1053 : memref<128x64xf32, #tpu.memory_space<vmem>>)
      %dma_start3A_1060 = arith.constant 1 : i32
      %dma_start3A_1061 = arith.constant 1 : i32
      %dma_start3A_1062 = arith.constant 7 : i32
      %dma_start3A_1063 = arith.constant 0 : i32
      %dma_start3A_1064 = arith.constant 0 : i32
      %dma_start3A_1065 = tpu.memref_slice %arg11[%dma_start3A_1060, %dma_start3A_1063, %dma_start3A_1064] : memref<2x128x64xf32, #tpu.memory_space<vmem>> -> memref<1x128x64xf32, #tpu.memory_space<vmem>>
      %dma_start3A_1066 = tpu.memref_squeeze %dma_start3A_1065 : memref<1x128x64xf32, #tpu.memory_space<vmem>> -> memref<128x64xf32, #tpu.memory_space<vmem>>
      %dma_start3A_1067 = arith.constant 0 : i32
      %dma_start3A_1068 = tpu.memref_slice %arg10[%dma_start3A_1061, %dma_start3A_1062, %dma_start3A_1067] : memref<2x8x128xi32, #tpu.memory_space<vmem>> -> memref<1x1x128xi32, #tpu.memory_space<vmem>>
      %dma_start3A_1069 = tpu.memref_squeeze %dma_start3A_1068 : memref<1x1x128xi32, #tpu.memory_space<vmem>> -> memref<128xi32, #tpu.memory_space<vmem>>
      %dma_start3A_1070 = arith.constant 0 : i32
      %dma_start3A_1071 = arith.constant 0 : i32
      %dma_start3A_1072 = tpu.memref_slice %arg7[%dma_start3A_1070, %dma_start3A_1071] : memref<10240x64xf32, #tpu.memory_space<vmem_shared>> -> memref<10240x64xf32, #tpu.memory_space<vmem_shared>>
      tpu.enqueue_indirect_dma source(%dma_start3A_1066 : memref<128x64xf32, #tpu.memory_space<vmem>>) target(%dma_start3A_1072 : memref<10240x64xf32, #tpu.memory_space<vmem_shared>>) offsets(%dma_start3A_1069 : memref<128xi32, #tpu.memory_space<vmem>>) semaphore(%arg21 : memref<!tpu.dma_semaphore, #tpu.memory_space<semaphore_mem>>) {add = true}
      %dma_wait3A_1073 = arith.constant 0 : i32
      %dma_wait3A_1074 = arith.constant 1 : i32
      %dma_wait3A_1075 = arith.constant 6 : i32
      %dma_wait3A_1076 = arith.constant 0 : i32
      %dma_wait3A_1077 = arith.constant 0 : i32
      %dma_wait3A_1078 = tpu.memref_slice %arg11[%dma_wait3A_1073, %dma_wait3A_1076, %dma_wait3A_1077] : memref<2x128x64xf32, #tpu.memory_space<vmem>> -> memref<1x128x64xf32, #tpu.memory_space<vmem>>
      %dma_wait3A_1079 = tpu.memref_squeeze %dma_wait3A_1078 : memref<1x128x64xf32, #tpu.memory_space<vmem>> -> memref<128x64xf32, #tpu.memory_space<vmem>>
      %dma_wait3A_1080 = arith.constant 0 : i32
      %dma_wait3A_1081 = tpu.memref_slice %arg10[%dma_wait3A_1074, %dma_wait3A_1075, %dma_wait3A_1080] : memref<2x8x128xi32, #tpu.memory_space<vmem>> -> memref<1x1x128xi32, #tpu.memory_space<vmem>>
      %dma_wait3A_1082 = tpu.memref_squeeze %dma_wait3A_1081 : memref<1x1x128xi32, #tpu.memory_space<vmem>> -> memref<128xi32, #tpu.memory_space<vmem>>
      %dma_wait3A_1083 = arith.constant 0 : i32
      %dma_wait3A_1084 = arith.constant 0 : i32
      %dma_wait3A_1085 = tpu.memref_slice %arg7[%dma_wait3A_1083, %dma_wait3A_1084] : memref<10240x64xf32, #tpu.memory_space<vmem_shared>> -> memref<10240x64xf32, #tpu.memory_space<vmem_shared>>
      tpu.wait_indirect_dma semaphore(%arg20 : memref<!tpu.dma_semaphore, #tpu.memory_space<semaphore_mem>>) src(%dma_wait3A_1079 : memref<128x64xf32, #tpu.memory_space<vmem>>) dst(%dma_wait3A_1085 : memref<10240x64xf32, #tpu.memory_space<vmem_shared>>)
      %dma_wait3A_1086 = arith.constant 1 : i32
      %dma_wait3A_1087 = arith.constant 1 : i32
      %dma_wait3A_1088 = arith.constant 7 : i32
      %dma_wait3A_1089 = arith.constant 0 : i32
      %dma_wait3A_1090 = arith.constant 0 : i32
      %dma_wait3A_1091 = tpu.memref_slice %arg11[%dma_wait3A_1086, %dma_wait3A_1089, %dma_wait3A_1090] : memref<2x128x64xf32, #tpu.memory_space<vmem>> -> memref<1x128x64xf32, #tpu.memory_space<vmem>>
      %dma_wait3A_1092 = tpu.memref_squeeze %dma_wait3A_1091 : memref<1x128x64xf32, #tpu.memory_space<vmem>> -> memref<128x64xf32, #tpu.memory_space<vmem>>
      %dma_wait3A_1093 = arith.constant 0 : i32
      %dma_wait3A_1094 = tpu.memref_slice %arg10[%dma_wait3A_1087, %dma_wait3A_1088, %dma_wait3A_1093] : memref<2x8x128xi32, #tpu.memory_space<vmem>> -> memref<1x1x128xi32, #tpu.memory_space<vmem>>
      %dma_wait3A_1095 = tpu.memref_squeeze %dma_wait3A_1094 : memref<1x1x128xi32, #tpu.memory_space<vmem>> -> memref<128xi32, #tpu.memory_space<vmem>>
      %dma_wait3A_1096 = arith.constant 0 : i32
      %dma_wait3A_1097 = arith.constant 0 : i32
      %dma_wait3A_1098 = tpu.memref_slice %arg7[%dma_wait3A_1096, %dma_wait3A_1097] : memref<10240x64xf32, #tpu.memory_space<vmem_shared>> -> memref<10240x64xf32, #tpu.memory_space<vmem_shared>>
      tpu.wait_indirect_dma semaphore(%arg21 : memref<!tpu.dma_semaphore, #tpu.memory_space<semaphore_mem>>) src(%dma_wait3A_1092 : memref<128x64xf32, #tpu.memory_space<vmem>>) dst(%dma_wait3A_1098 : memref<10240x64xf32, #tpu.memory_space<vmem_shared>>)
      %scan3A_1099 = arith.constant 0 : i32
      scf.yield %scan3A_1099 : i32
    }
    %scan3A_98 = arith.constant 10 : i32
    %barrier3A_99 = arith.constant 0 : index
    tpu.barrier barrier_id(%barrier3A_99)
    %scan3A_100 = arith.constant 0 : i32
    %scan3A_101 = arith.constant 0 : i32
    %scan3A_102 = arith.constant 5 : i32
    %scan3A_103 = arith.addi %scan3A_101, %scan3A_102 : i32
    %scan3A_104 = arith.constant 1 : i32
    %scan3A_105 = scf.for %scan3A_157 = %scan3A_101 to %scan3A_103 step %scan3A_104 iter_args(%scan3A_158 = %scan3A_100) -> (i32)  : i32 {
      %mul3A_159 = arith.constant 640 : i32
      %mul3A_160 = arith.muli %arg1, %mul3A_159 : i32
      %mul3A_161 = arith.constant 128 : i32
      %mul3A_162 = arith.muli %scan3A_157, %mul3A_161 : i32
      %add3A = arith.addi %mul3A_160, %mul3A_162 : i32
      "tpu.region"() ({
        %run_scoped3A_181 = tpu.sem_alloc : memref<!tpu.dma_semaphore, #tpu.memory_space<semaphore_mem>>
        %dma_start3A_182 = arith.constant 0 : i32
        %dma_start3A_183 = tpu.memref_slice %arg7[%add3A, %dma_start3A_182] : memref<10240x64xf32, #tpu.memory_space<vmem_shared>> -> memref<128x64xf32, #tpu.memory_space<vmem_shared>>
        %dma_start3A_184 = arith.constant 0 : i32
        %dma_start3A_185 = tpu.memref_slice %arg7[%add3A, %dma_start3A_184] : memref<10240x64xf32, #tpu.memory_space<vmem_shared>> -> memref<128x64xf32, #tpu.memory_space<vmem_shared>>
        tpu.enqueue_dma source(%dma_start3A_185 : memref<128x64xf32, #tpu.memory_space<vmem_shared>>) target(%arg12 : memref<128x64xf32, #tpu.memory_space<vmem>>) target_semaphore(%run_scoped3A_181 : memref<!tpu.dma_semaphore, #tpu.memory_space<semaphore_mem>>)
        %dma_wait3A = arith.constant 0 : i32
        %dma_wait3A_186 = tpu.memref_slice %arg7[%add3A, %dma_wait3A] : memref<10240x64xf32, #tpu.memory_space<vmem_shared>> -> memref<128x64xf32, #tpu.memory_space<vmem_shared>>
        %dma_wait3A_187 = arith.constant 0 : i32
        %dma_wait3A_188 = tpu.memref_slice %arg7[%add3A, %dma_wait3A_187] : memref<10240x64xf32, #tpu.memory_space<vmem_shared>> -> memref<128x64xf32, #tpu.memory_space<vmem_shared>>
        tpu.wait_dma2 semaphore(%run_scoped3A_181 : memref<!tpu.dma_semaphore, #tpu.memory_space<semaphore_mem>>) src(%dma_wait3A_188 : memref<128x64xf32, #tpu.memory_space<vmem_shared>>) dst(%arg12 : memref<128x64xf32, #tpu.memory_space<vmem>>)
        tpu.yield
      }) : () -> ()
      %mul3A_163 = arith.constant 128 : i32
      %mul3A_164 = arith.muli %scan3A_157, %mul3A_163 : i32
      %scan3A_165 = arith.constant 0 : i32
      %scan3A_166 = arith.constant 0 : i32
      %scan3A_167 = arith.constant 128 : i32
      %scan3A_168 = arith.addi %scan3A_166, %scan3A_167 : i32
      %scan3A_169 = arith.constant 1 : i32
      %scan3A_170 = scf.for %scan3A_181 = %scan3A_166 to %scan3A_168 step %scan3A_169 iter_args(%scan3A_182 = %scan3A_165) -> (i32)  : i32 {
        %add3A_183 = arith.addi %mul3A_164, %scan3A_181 : i32
        %get3A = arith.index_cast %add3A_183 : i32 to index
        %get3A_184 = tpu.vector_load %arg15[%get3A] {strides = array<i32>} : memref<656xf32, #tpu.memory_space<vmem>>, vector<16xf32>,
        %slice3A = vector.extract_strided_slice %get3A_184 {offsets = [0], sizes = [1], strides = [1]} : vector<16xf32> to vector<1xf32>
        %squeeze3A = vector.extract %slice3A[0] : f32 from vector<1xf32>
        %broadcast_in_dim3A_185 = vector.broadcast %squeeze3A : f32 to vector<16xf32>
        %get3A_186 = arith.index_cast %scan3A_181 : i32 to index
        %get3A_187 = arith.constant 0 : index
        %get3A_188 = tpu.vector_load %arg12[%get3A_186, %get3A_187] {strides = array<i32>} : memref<128x64xf32, #tpu.memory_space<vmem>>, vector<16xf32>,
        %mul3A_189 = arith.mulf %get3A_188, %broadcast_in_dim3A_185 : vector<16xf32>
        %swap3A = arith.index_cast %scan3A_181 : i32 to index
        %swap3A_190 = arith.constant 0 : index
        %swap3A_191 = tpu.vector_load %arg12[%swap3A, %swap3A_190] {strides = array<i32>} : memref<128x64xf32, #tpu.memory_space<vmem>>, vector<16xf32>,
        tpu.vector_store %arg12[%swap3A, %swap3A_190], %mul3A_189 {strides = array<i32>} : memref<128x64xf32, #tpu.memory_space<vmem>>, vector<16xf32>,
        %get3A_192 = arith.index_cast %scan3A_181 : i32 to index
        %get3A_193 = arith.constant 16 : index
        %get3A_194 = tpu.vector_load %arg12[%get3A_192, %get3A_193] {strides = array<i32>} : memref<128x64xf32, #tpu.memory_space<vmem>>, vector<16xf32>,
        %mul3A_195 = arith.mulf %get3A_194, %broadcast_in_dim3A_185 : vector<16xf32>
        %swap3A_196 = arith.index_cast %scan3A_181 : i32 to index
        %swap3A_197 = arith.constant 16 : index
        %swap3A_198 = tpu.vector_load %arg12[%swap3A_196, %swap3A_197] {strides = array<i32>} : memref<128x64xf32, #tpu.memory_space<vmem>>, vector<16xf32>,
        tpu.vector_store %arg12[%swap3A_196, %swap3A_197], %mul3A_195 {strides = array<i32>} : memref<128x64xf32, #tpu.memory_space<vmem>>, vector<16xf32>,
        %get3A_199 = arith.index_cast %scan3A_181 : i32 to index
        %get3A_200 = arith.constant 32 : index
        %get3A_201 = tpu.vector_load %arg12[%get3A_199, %get3A_200] {strides = array<i32>} : memref<128x64xf32, #tpu.memory_space<vmem>>, vector<16xf32>,
        %mul3A_202 = arith.mulf %get3A_201, %broadcast_in_dim3A_185 : vector<16xf32>
        %swap3A_203 = arith.index_cast %scan3A_181 : i32 to index
        %swap3A_204 = arith.constant 32 : index
        %swap3A_205 = tpu.vector_load %arg12[%swap3A_203, %swap3A_204] {strides = array<i32>} : memref<128x64xf32, #tpu.memory_space<vmem>>, vector<16xf32>,
        tpu.vector_store %arg12[%swap3A_203, %swap3A_204], %mul3A_202 {strides = array<i32>} : memref<128x64xf32, #tpu.memory_space<vmem>>, vector<16xf32>,
        %get3A_206 = arith.index_cast %scan3A_181 : i32 to index
        %get3A_207 = arith.constant 48 : index
        %get3A_208 = tpu.vector_load %arg12[%get3A_206, %get3A_207] {strides = array<i32>} : memref<128x64xf32, #tpu.memory_space<vmem>>, vector<16xf32>,
        %mul3A_209 = arith.mulf %get3A_208, %broadcast_in_dim3A_185 : vector<16xf32>
        %swap3A_210 = arith.index_cast %scan3A_181 : i32 to index
        %swap3A_211 = arith.constant 48 : index
        %swap3A_212 = tpu.vector_load %arg12[%swap3A_210, %swap3A_211] {strides = array<i32>} : memref<128x64xf32, #tpu.memory_space<vmem>>, vector<16xf32>,
        tpu.vector_store %arg12[%swap3A_210, %swap3A_211], %mul3A_209 {strides = array<i32>} : memref<128x64xf32, #tpu.memory_space<vmem>>, vector<16xf32>,
        %scan3A_213 = arith.constant 0 : i32
        scf.yield %scan3A_213 : i32
      }
      %scan3A_171 = arith.constant 128 : i32
      %scan3A_172 = arith.constant 0 : i32
      %scan3A_173 = arith.constant 0 : i32
      %scan3A_174 = arith.constant 8 : i32
      %scan3A_175 = arith.addi %scan3A_173, %scan3A_174 : i32
      %scan3A_176 = arith.constant 1 : i32
      %scan3A_177 = scf.for %scan3A_181 = %scan3A_173 to %scan3A_175 step %scan3A_176 iter_args(%scan3A_182 = %scan3A_172) -> (i32)  : i32 {
        %iota3A = tpu.iota {dimensions = array<i32: 0>} : vector<16xi32>
        %add3A_183 = vector.broadcast %add3A : i32 to vector<16xi32>
        %add3A_184 = arith.addi %iota3A, %add3A_183 : vector<16xi32>
        %mul3A_185 = arith.constant 16 : i32
        %mul3A_186 = arith.muli %scan3A_181, %mul3A_185 : i32
        %add3A_187 = vector.broadcast %mul3A_186 : i32 to vector<16xi32>
        %add3A_188 = arith.addi %add3A_184, %add3A_187 : vector<16xi32>
        %mul3A_189 = arith.constant 16 : i32
        %mul3A_190 = arith.muli %scan3A_181, %mul3A_189 : i32
        %swap3A = arith.constant 0 : i32
        %swap3A_191 = arith.index_cast %swap3A : i32 to index
        %swap3A_192 = arith.index_cast %mul3A_190 : i32 to index
        %swap3A_193 = tpu.vector_load %arg17[%swap3A_191, %swap3A_192] {strides = array<i32>} : memref<1x128xi32, #tpu.memory_space<vmem>>, vector<16xi32>,
        tpu.vector_store %arg17[%swap3A_191, %swap3A_192], %add3A_188 {strides = array<i32>} : memref<1x128xi32, #tpu.memory_space<vmem>>, vector<16xi32>,
        %scan3A_194 = arith.constant 0 : i32
        scf.yield %scan3A_194 : i32
      }
      %scan3A_178 = arith.constant 8 : i32
      %run_scoped3A = arith.constant 0 : i32
      "tpu.region"() ({
        %run_scoped3A_181 = tpu.sem_alloc : memref<!tpu.dma_semaphore, #tpu.memory_space<semaphore_mem>>
        %dma_start3A_182 = arith.constant 0 : i32
        %dma_start3A_183 = tpu.memref_slice %arg17[%run_scoped3A, %dma_start3A_182] : memref<1x128xi32, #tpu.memory_space<vmem>> -> memref<1x128xi32, #tpu.memory_space<vmem>>
        %dma_start3A_184 = tpu.memref_squeeze %dma_start3A_183 : memref<1x128xi32, #tpu.memory_space<vmem>> -> memref<128xi32, #tpu.memory_space<vmem>>
        %dma_start3A_185 = arith.constant 0 : i32
        %dma_start3A_186 = arith.constant 0 : i32
        %dma_start3A_187 = tpu.memref_slice %arg6[%dma_start3A_185, %dma_start3A_186] : memref<10240x64xf32, #tpu.memory_space<vmem_shared>> -> memref<10240x64xf32, #tpu.memory_space<vmem_shared>>
        tpu.enqueue_indirect_dma source(%arg12 : memref<128x64xf32, #tpu.memory_space<vmem>>) target(%dma_start3A_187 : memref<10240x64xf32, #tpu.memory_space<vmem_shared>>) offsets(%dma_start3A_184 : memref<128xi32, #tpu.memory_space<vmem>>) semaphore(%run_scoped3A_181 : memref<!tpu.dma_semaphore, #tpu.memory_space<semaphore_mem>>)
        %dma_wait3A = arith.constant 0 : i32
        %dma_wait3A_188 = tpu.memref_slice %arg17[%run_scoped3A, %dma_wait3A] : memref<1x128xi32, #tpu.memory_space<vmem>> -> memref<1x128xi32, #tpu.memory_space<vmem>>
        %dma_wait3A_189 = tpu.memref_squeeze %dma_wait3A_188 : memref<1x128xi32, #tpu.memory_space<vmem>> -> memref<128xi32, #tpu.memory_space<vmem>>
        %dma_wait3A_190 = arith.constant 0 : i32
        %dma_wait3A_191 = arith.constant 0 : i32
        %dma_wait3A_192 = tpu.memref_slice %arg6[%dma_wait3A_190, %dma_wait3A_191] : memref<10240x64xf32, #tpu.memory_space<vmem_shared>> -> memref<10240x64xf32, #tpu.memory_space<vmem_shared>>
        tpu.wait_indirect_dma semaphore(%run_scoped3A_181 : memref<!tpu.dma_semaphore, #tpu.memory_space<semaphore_mem>>) src(%arg12 : memref<128x64xf32, #tpu.memory_space<vmem>>) dst(%dma_wait3A_192 : memref<10240x64xf32, #tpu.memory_space<vmem_shared>>)
        tpu.yield
      }) : () -> ()
      %run_scoped3A_179 = arith.constant 0 : i32
      "tpu.region"() ({
        %run_scoped3A_181 = tpu.sem_alloc : memref<!tpu.dma_semaphore, #tpu.memory_space<semaphore_mem>>
        %dma_start3A_182 = arith.constant 0 : i32
        %dma_start3A_183 = tpu.memref_slice %arg17[%run_scoped3A_179, %dma_start3A_182] : memref<1x128xi32, #tpu.memory_space<vmem>> -> memref<1x128xi32, #tpu.memory_space<vmem>>
        %dma_start3A_184 = tpu.memref_squeeze %dma_start3A_183 : memref<1x128xi32, #tpu.memory_space<vmem>> -> memref<128xi32, #tpu.memory_space<vmem>>
        %dma_start3A_185 = arith.constant 0 : i32
        %dma_start3A_186 = arith.constant 0 : i32
        %dma_start3A_187 = tpu.memref_slice %arg7[%dma_start3A_185, %dma_start3A_186] : memref<10240x64xf32, #tpu.memory_space<vmem_shared>> -> memref<10240x64xf32, #tpu.memory_space<vmem_shared>>
        tpu.enqueue_indirect_dma source(%arg12 : memref<128x64xf32, #tpu.memory_space<vmem>>) target(%dma_start3A_187 : memref<10240x64xf32, #tpu.memory_space<vmem_shared>>) offsets(%dma_start3A_184 : memref<128xi32, #tpu.memory_space<vmem>>) semaphore(%run_scoped3A_181 : memref<!tpu.dma_semaphore, #tpu.memory_space<semaphore_mem>>)
        %dma_wait3A = arith.constant 0 : i32
        %dma_wait3A_188 = tpu.memref_slice %arg17[%run_scoped3A_179, %dma_wait3A] : memref<1x128xi32, #tpu.memory_space<vmem>> -> memref<1x128xi32, #tpu.memory_space<vmem>>
        %dma_wait3A_189 = tpu.memref_squeeze %dma_wait3A_188 : memref<1x128xi32, #tpu.memory_space<vmem>> -> memref<128xi32, #tpu.memory_space<vmem>>
        %dma_wait3A_190 = arith.constant 0 : i32
        %dma_wait3A_191 = arith.constant 0 : i32
        %dma_wait3A_192 = tpu.memref_slice %arg7[%dma_wait3A_190, %dma_wait3A_191] : memref<10240x64xf32, #tpu.memory_space<vmem_shared>> -> memref<10240x64xf32, #tpu.memory_space<vmem_shared>>
        tpu.wait_indirect_dma semaphore(%run_scoped3A_181 : memref<!tpu.dma_semaphore, #tpu.memory_space<semaphore_mem>>) src(%arg12 : memref<128x64xf32, #tpu.memory_space<vmem>>) dst(%dma_wait3A_192 : memref<10240x64xf32, #tpu.memory_space<vmem_shared>>)
        tpu.yield
      }) : () -> ()
      %scan3A_180 = arith.constant 0 : i32
      scf.yield %scan3A_180 : i32
    }
    %scan3A_106 = arith.constant 5 : i32
    %barrier3A_107 = arith.constant 0 : index
    tpu.barrier barrier_id(%barrier3A_107)
    %dma_start3A_108 = arith.constant 0 : i32
    %dma_start3A_109 = arith.constant 0 : i32
    %dma_start3A_110 = arith.constant 0 : i32
    %dma_start3A_111 = tpu.memref_slice %arg9[%dma_start3A_108, %dma_start3A_109, %dma_start3A_110] : memref<2x8x128xi32, #tpu.memory_space<vmem>> -> memref<1x8x128xi32, #tpu.memory_space<vmem>>
    %dma_start3A_112 = tpu.memref_squeeze %dma_start3A_111 : memref<1x8x128xi32, #tpu.memory_space<vmem>> -> memref<8x128xi32, #tpu.memory_space<vmem>>
    %dma_start3A_113 = arith.constant 0 : i32
    %dma_start3A_114 = arith.constant 0 : i32
    %dma_start3A_115 = tpu.memref_slice %arg4[%arg1, %dma_start3A_113, %dma_start3A_114] : memref<16x160x128xi32, #tpu.memory_space<hbm>> -> memref<1x8x128xi32, #tpu.memory_space<hbm>>
    %dma_start3A_116 = tpu.memref_squeeze %dma_start3A_115 : memref<1x8x128xi32, #tpu.memory_space<hbm>> -> memref<8x128xi32, #tpu.memory_space<hbm>>
    %dma_start3A_117 = arith.constant 0 : i32
    %dma_start3A_118 = arith.constant 0 : i32
    %dma_start3A_119 = tpu.memref_slice %arg9[%dma_start3A_108, %dma_start3A_117, %dma_start3A_118] : memref<2x8x128xi32, #tpu.memory_space<vmem>> -> memref<1x8x128xi32, #tpu.memory_space<vmem>>
    %dma_start3A_120 = tpu.memref_squeeze %dma_start3A_119 : memref<1x8x128xi32, #tpu.memory_space<vmem>> -> memref<8x128xi32, #tpu.memory_space<vmem>>
    %dma_start3A_121 = arith.constant 0 : i32
    %dma_start3A_122 = arith.constant 0 : i32
    %dma_start3A_123 = tpu.memref_slice %arg4[%arg1, %dma_start3A_121, %dma_start3A_122] : memref<16x160x128xi32, #tpu.memory_space<hbm>> -> memref<1x8x128xi32, #tpu.memory_space<hbm>>
    %dma_start3A_124 = tpu.memref_squeeze %dma_start3A_123 : memref<1x8x128xi32, #tpu.memory_space<hbm>> -> memref<8x128xi32, #tpu.memory_space<hbm>>
    tpu.enqueue_dma source(%dma_start3A_124 : memref<8x128xi32, #tpu.memory_space<hbm>>) target(%dma_start3A_120 : memref<8x128xi32, #tpu.memory_space<vmem>>) target_semaphore(%arg23 : memref<!tpu.dma_semaphore, #tpu.memory_space<semaphore_mem>>)
    %dma_start3A_125 = arith.constant 0 : i32
    %dma_start3A_126 = arith.constant 0 : i32
    %dma_start3A_127 = arith.constant 0 : i32
    %dma_start3A_128 = tpu.memref_slice %arg10[%dma_start3A_125, %dma_start3A_126, %dma_start3A_127] : memref<2x8x128xi32, #tpu.memory_space<vmem>> -> memref<1x8x128xi32, #tpu.memory_space<vmem>>
    %dma_start3A_129 = tpu.memref_squeeze %dma_start3A_128 : memref<1x8x128xi32, #tpu.memory_space<vmem>> -> memref<8x128xi32, #tpu.memory_space<vmem>>
    %dma_start3A_130 = arith.constant 0 : i32
    %dma_start3A_131 = arith.constant 0 : i32
    %dma_start3A_132 = tpu.memref_slice %arg3[%arg1, %dma_start3A_130, %dma_start3A_131] : memref<16x160x128xi32, #tpu.memory_space<hbm>> -> memref<1x8x128xi32, #tpu.memory_space<hbm>>
    %dma_start3A_133 = tpu.memref_squeeze %dma_start3A_132 : memref<1x8x128xi32, #tpu.memory_space<hbm>> -> memref<8x128xi32, #tpu.memory_space<hbm>>
    %dma_start3A_134 = arith.constant 0 : i32
    %dma_start3A_135 = arith.constant 0 : i32
    %dma_start3A_136 = tpu.memref_slice %arg10[%dma_start3A_125, %dma_start3A_134, %dma_start3A_135] : memref<2x8x128xi32, #tpu.memory_space<vmem>> -> memref<1x8x128xi32, #tpu.memory_space<vmem>>
    %dma_start3A_137 = tpu.memref_squeeze %dma_start3A_136 : memref<1x8x128xi32, #tpu.memory_space<vmem>> -> memref<8x128xi32, #tpu.memory_space<vmem>>
    %dma_start3A_138 = arith.constant 0 : i32
    %dma_start3A_139 = arith.constant 0 : i32
    %dma_start3A_140 = tpu.memref_slice %arg3[%arg1, %dma_start3A_138, %dma_start3A_139] : memref<16x160x128xi32, #tpu.memory_space<hbm>> -> memref<1x8x128xi32, #tpu.memory_space<hbm>>
    %dma_start3A_141 = tpu.memref_squeeze %dma_start3A_140 : memref<1x8x128xi32, #tpu.memory_space<hbm>> -> memref<8x128xi32, #tpu.memory_space<hbm>>
    tpu.enqueue_dma source(%dma_start3A_141 : memref<8x128xi32, #tpu.memory_space<hbm>>) target(%dma_start3A_137 : memref<8x128xi32, #tpu.memory_space<vmem>>) target_semaphore(%arg23 : memref<!tpu.dma_semaphore, #tpu.memory_space<semaphore_mem>>)
    %scan3A_142 = arith.constant 0 : i32
    %scan3A_143 = arith.constant 0 : i32
    %scan3A_144 = arith.constant 10 : i32
    %scan3A_145 = arith.addi %scan3A_143, %scan3A_144 : i32
    %scan3A_146 = arith.constant 1 : i32
    %scan3A_147 = scf.for %scan3A_157 = %scan3A_143 to %scan3A_145 step %scan3A_146 iter_args(%scan3A_158 = %scan3A_142) -> (i32)  : i32 {
      %mul3A_159 = arith.constant 2 : i32
      %mul3A_160 = arith.muli %mul3A_159, %scan3A_157 : i32
      %dma_wait3A = arith.constant 0 : i32
      %dma_wait3A_161 = arith.constant 0 : i32
      %dma_wait3A_162 = arith.constant 0 : i32
      %dma_wait3A_163 = tpu.memref_slice %arg9[%dma_wait3A, %dma_wait3A_161, %dma_wait3A_162] : memref<2x8x128xi32, #tpu.memory_space<vmem>> -> memref<1x8x128xi32, #tpu.memory_space<vmem>>
      %dma_wait3A_164 = tpu.memref_squeeze %dma_wait3A_163 : memref<1x8x128xi32, #tpu.memory_space<vmem>> -> memref<8x128xi32, #tpu.memory_space<vmem>>
      %dma_wait3A_165 = arith.constant 0 : i32
      %dma_wait3A_166 = arith.constant 0 : i32
      %dma_wait3A_167 = tpu.memref_slice %arg4[%arg1, %dma_wait3A_165, %dma_wait3A_166] : memref<16x160x128xi32, #tpu.memory_space<hbm>> -> memref<1x8x128xi32, #tpu.memory_space<hbm>>
      %dma_wait3A_168 = tpu.memref_squeeze %dma_wait3A_167 : memref<1x8x128xi32, #tpu.memory_space<hbm>> -> memref<8x128xi32, #tpu.memory_space<hbm>>
      %dma_wait3A_169 = arith.constant 0 : i32
      %dma_wait3A_170 = arith.constant 0 : i32
      %dma_wait3A_171 = tpu.memref_slice %arg9[%dma_wait3A, %dma_wait3A_169, %dma_wait3A_170] : memref<2x8x128xi32, #tpu.memory_space<vmem>> -> memref<1x8x128xi32, #tpu.memory_space<vmem>>
      %dma_wait3A_172 = tpu.memref_squeeze %dma_wait3A_171 : memref<1x8x128xi32, #tpu.memory_space<vmem>> -> memref<8x128xi32, #tpu.memory_space<vmem>>
      %dma_wait3A_173 = arith.constant 0 : i32
      %dma_wait3A_174 = arith.constant 0 : i32
      %dma_wait3A_175 = tpu.memref_slice %arg4[%arg1, %dma_wait3A_173, %dma_wait3A_174] : memref<16x160x128xi32, #tpu.memory_space<hbm>> -> memref<1x8x128xi32, #tpu.memory_space<hbm>>
      %dma_wait3A_176 = tpu.memref_squeeze %dma_wait3A_175 : memref<1x8x128xi32, #tpu.memory_space<hbm>> -> memref<8x128xi32, #tpu.memory_space<hbm>>
      tpu.wait_dma2 semaphore(%arg23 : memref<!tpu.dma_semaphore, #tpu.memory_space<semaphore_mem>>) src(%dma_wait3A_176 : memref<8x128xi32, #tpu.memory_space<hbm>>) dst(%dma_wait3A_172 : memref<8x128xi32, #tpu.memory_space<vmem>>)
      %dma_wait3A_177 = arith.constant 0 : i32
      %dma_wait3A_178 = arith.constant 0 : i32
      %dma_wait3A_179 = arith.constant 0 : i32
      %dma_wait3A_180 = tpu.memref_slice %arg10[%dma_wait3A_177, %dma_wait3A_178, %dma_wait3A_179] : memref<2x8x128xi32, #tpu.memory_space<vmem>> -> memref<1x8x128xi32, #tpu.memory_space<vmem>>
      %dma_wait3A_181 = tpu.memref_squeeze %dma_wait3A_180 : memref<1x8x128xi32, #tpu.memory_space<vmem>> -> memref<8x128xi32, #tpu.memory_space<vmem>>
      %dma_wait3A_182 = arith.constant 0 : i32
      %dma_wait3A_183 = arith.constant 0 : i32
      %dma_wait3A_184 = tpu.memref_slice %arg4[%arg1, %dma_wait3A_182, %dma_wait3A_183] : memref<16x160x128xi32, #tpu.memory_space<hbm>> -> memref<1x8x128xi32, #tpu.memory_space<hbm>>
      %dma_wait3A_185 = tpu.memref_squeeze %dma_wait3A_184 : memref<1x8x128xi32, #tpu.memory_space<hbm>> -> memref<8x128xi32, #tpu.memory_space<hbm>>
      %dma_wait3A_186 = arith.constant 0 : i32
      %dma_wait3A_187 = arith.constant 0 : i32
      %dma_wait3A_188 = tpu.memref_slice %arg10[%dma_wait3A_177, %dma_wait3A_186, %dma_wait3A_187] : memref<2x8x128xi32, #tpu.memory_space<vmem>> -> memref<1x8x128xi32, #tpu.memory_space<vmem>>
      %dma_wait3A_189 = tpu.memref_squeeze %dma_wait3A_188 : memref<1x8x128xi32, #tpu.memory_space<vmem>> -> memref<8x128xi32, #tpu.memory_space<vmem>>
      %dma_wait3A_190 = arith.constant 0 : i32
      %dma_wait3A_191 = arith.constant 0 : i32
      %dma_wait3A_192 = tpu.memref_slice %arg4[%arg1, %dma_wait3A_190, %dma_wait3A_191] : memref<16x160x128xi32, #tpu.memory_space<hbm>> -> memref<1x8x128xi32, #tpu.memory_space<hbm>>
      %dma_wait3A_193 = tpu.memref_squeeze %dma_wait3A_192 : memref<1x8x128xi32, #tpu.memory_space<hbm>> -> memref<8x128xi32, #tpu.memory_space<hbm>>
      tpu.wait_dma2 semaphore(%arg23 : memref<!tpu.dma_semaphore, #tpu.memory_space<semaphore_mem>>) src(%dma_wait3A_193 : memref<8x128xi32, #tpu.memory_space<hbm>>) dst(%dma_wait3A_189 : memref<8x128xi32, #tpu.memory_space<vmem>>)
      %add3A = arith.constant 1 : i32
      %add3A_194 = arith.addi %mul3A_160, %add3A : i32
      %mul3A_195 = arith.constant 8 : i32
      %mul3A_196 = arith.muli %add3A_194, %mul3A_195 : i32
      %dma_start3A_197 = arith.constant 1 : i32
      %dma_start3A_198 = arith.constant 0 : i32
      %dma_start3A_199 = arith.constant 0 : i32
      %dma_start3A_200 = tpu.memref_slice %arg9[%dma_start3A_197, %dma_start3A_198, %dma_start3A_199] : memref<2x8x128xi32, #tpu.memory_space<vmem>> -> memref<1x8x128xi32, #tpu.memory_space<vmem>>
      %dma_start3A_201 = tpu.memref_squeeze %dma_start3A_200 : memref<1x8x128xi32, #tpu.memory_space<vmem>> -> memref<8x128xi32, #tpu.memory_space<vmem>>
      %dma_start3A_202 = arith.constant 0 : i32
      %dma_start3A_203 = tpu.memref_slice %arg4[%arg1, %mul3A_196, %dma_start3A_202] : memref<16x160x128xi32, #tpu.memory_space<hbm>> -> memref<1x8x128xi32, #tpu.memory_space<hbm>>
      %dma_start3A_204 = tpu.memref_squeeze %dma_start3A_203 : memref<1x8x128xi32, #tpu.memory_space<hbm>> -> memref<8x128xi32, #tpu.memory_space<hbm>>
      %dma_start3A_205 = arith.constant 0 : i32
      %dma_start3A_206 = arith.constant 0 : i32
      %dma_start3A_207 = tpu.memref_slice %arg9[%dma_start3A_197, %dma_start3A_205, %dma_start3A_206] : memref<2x8x128xi32, #tpu.memory_space<vmem>> -> memref<1x8x128xi32, #tpu.memory_space<vmem>>
      %dma_start3A_208 = tpu.memref_squeeze %dma_start3A_207 : memref<1x8x128xi32, #tpu.memory_space<vmem>> -> memref<8x128xi32, #tpu.memory_space<vmem>>
      %dma_start3A_209 = arith.constant 0 : i32
      %dma_start3A_210 = tpu.memref_slice %arg4[%arg1, %mul3A_196, %dma_start3A_209] : memref<16x160x128xi32, #tpu.memory_space<hbm>> -> memref<1x8x128xi32, #tpu.memory_space<hbm>>
      %dma_start3A_211 = tpu.memref_squeeze %dma_start3A_210 : memref<1x8x128xi32, #tpu.memory_space<hbm>> -> memref<8x128xi32, #tpu.memory_space<hbm>>
      tpu.enqueue_dma source(%dma_start3A_211 : memref<8x128xi32, #tpu.memory_space<hbm>>) target(%dma_start3A_208 : memref<8x128xi32, #tpu.memory_space<vmem>>) target_semaphore(%arg23 : memref<!tpu.dma_semaphore, #tpu.memory_space<semaphore_mem>>)
      %mul3A_212 = arith.constant 8 : i32
      %mul3A_213 = arith.muli %add3A_194, %mul3A_212 : i32
      %dma_start3A_214 = arith.constant 1 : i32
      %dma_start3A_215 = arith.constant 0 : i32
      %dma_start3A_216 = arith.constant 0 : i32
      %dma_start3A_217 = tpu.memref_slice %arg10[%dma_start3A_214, %dma_start3A_215, %dma_start3A_216] : memref<2x8x128xi32, #tpu.memory_space<vmem>> -> memref<1x8x128xi32, #tpu.memory_space<vmem>>
      %dma_start3A_218 = tpu.memref_squeeze %dma_start3A_217 : memref<1x8x128xi32, #tpu.memory_space<vmem>> -> memref<8x128xi32, #tpu.memory_space<vmem>>
      %dma_start3A_219 = arith.constant 0 : i32
      %dma_start3A_220 = tpu.memref_slice %arg3[%arg1, %mul3A_213, %dma_start3A_219] : memref<16x160x128xi32, #tpu.memory_space<hbm>> -> memref<1x8x128xi32, #tpu.memory_space<hbm>>
      %dma_start3A_221 = tpu.memref_squeeze %dma_start3A_220 : memref<1x8x128xi32, #tpu.memory_space<hbm>> -> memref<8x128xi32, #tpu.memory_space<hbm>>
      %dma_start3A_222 = arith.constant 0 : i32
      %dma_start3A_223 = arith.constant 0 : i32
      %dma_start3A_224 = tpu.memref_slice %arg10[%dma_start3A_214, %dma_start3A_222, %dma_start3A_223] : memref<2x8x128xi32, #tpu.memory_space<vmem>> -> memref<1x8x128xi32, #tpu.memory_space<vmem>>
      %dma_start3A_225 = tpu.memref_squeeze %dma_start3A_224 : memref<1x8x128xi32, #tpu.memory_space<vmem>> -> memref<8x128xi32, #tpu.memory_space<vmem>>
      %dma_start3A_226 = arith.constant 0 : i32
      %dma_start3A_227 = tpu.memref_slice %arg3[%arg1, %mul3A_213, %dma_start3A_226] : memref<16x160x128xi32, #tpu.memory_space<hbm>> -> memref<1x8x128xi32, #tpu.memory_space<hbm>>
      %dma_start3A_228 = tpu.memref_squeeze %dma_start3A_227 : memref<1x8x128xi32, #tpu.memory_space<hbm>> -> memref<8x128xi32, #tpu.memory_space<hbm>>
      tpu.enqueue_dma source(%dma_start3A_228 : memref<8x128xi32, #tpu.memory_space<hbm>>) target(%dma_start3A_225 : memref<8x128xi32, #tpu.memory_space<vmem>>) target_semaphore(%arg23 : memref<!tpu.dma_semaphore, #tpu.memory_space<semaphore_mem>>)
      %dma_start3A_229 = arith.constant 0 : i32
      %dma_start3A_230 = arith.constant 0 : i32
      %dma_start3A_231 = arith.constant 0 : i32
      %dma_start3A_232 = arith.constant 0 : i32
      %dma_start3A_233 = arith.constant 0 : i32
      %dma_start3A_234 = tpu.memref_slice %arg11[%dma_start3A_231, %dma_start3A_232, %dma_start3A_233] : memref<2x128x64xf32, #tpu.memory_space<vmem>> -> memref<1x128x64xf32, #tpu.memory_space<vmem>>
      %dma_start3A_235 = tpu.memref_squeeze %dma_start3A_234 : memref<1x128x64xf32, #tpu.memory_space<vmem>> -> memref<128x64xf32, #tpu.memory_space<vmem>>
      %dma_start3A_236 = arith.constant 0 : i32
      %dma_start3A_237 = tpu.memref_slice %arg9[%dma_start3A_229, %dma_start3A_230, %dma_start3A_236] : memref<2x8x128xi32, #tpu.memory_space<vmem>> -> memref<1x1x128xi32, #tpu.memory_space<vmem>>
      %dma_start3A_238 = tpu.memref_squeeze %dma_start3A_237 : memref<1x1x128xi32, #tpu.memory_space<vmem>> -> memref<128xi32, #tpu.memory_space<vmem>>
      %dma_start3A_239 = arith.constant 0 : i32
      %dma_start3A_240 = arith.constant 0 : i32
      %dma_start3A_241 = tpu.memref_slice %arg6[%dma_start3A_239, %dma_start3A_240] : memref<10240x64xf32, #tpu.memory_space<vmem_shared>> -> memref<10240x64xf32, #tpu.memory_space<vmem_shared>>
      tpu.enqueue_indirect_dma source(%dma_start3A_241 : memref<10240x64xf32, #tpu.memory_space<vmem_shared>>) target(%dma_start3A_235 : memref<128x64xf32, #tpu.memory_space<vmem>>) offsets(%dma_start3A_238 : memref<128xi32, #tpu.memory_space<vmem>>) semaphore(%arg18 : memref<!tpu.dma_semaphore, #tpu.memory_space<semaphore_mem>>)
      %dma_wait3A_242 = arith.constant 0 : i32
      %dma_wait3A_243 = arith.constant 0 : i32
      %dma_wait3A_244 = arith.constant 0 : i32
      %dma_wait3A_245 = arith.constant 0 : i32
      %dma_wait3A_246 = arith.constant 0 : i32
      %dma_wait3A_247 = tpu.memref_slice %arg11[%dma_wait3A_244, %dma_wait3A_245, %dma_wait3A_246] : memref<2x128x64xf32, #tpu.memory_space<vmem>> -> memref<1x128x64xf32, #tpu.memory_space<vmem>>
      %dma_wait3A_248 = tpu.memref_squeeze %dma_wait3A_247 : memref<1x128x64xf32, #tpu.memory_space<vmem>> -> memref<128x64xf32, #tpu.memory_space<vmem>>
      %dma_wait3A_249 = arith.constant 0 : i32
      %dma_wait3A_250 = tpu.memref_slice %arg9[%dma_wait3A_242, %dma_wait3A_243, %dma_wait3A_249] : memref<2x8x128xi32, #tpu.memory_space<vmem>> -> memref<1x1x128xi32, #tpu.memory_space<vmem>>
      %dma_wait3A_251 = tpu.memref_squeeze %dma_wait3A_250 : memref<1x1x128xi32, #tpu.memory_space<vmem>> -> memref<128xi32, #tpu.memory_space<vmem>>
      %dma_wait3A_252 = arith.constant 0 : i32
      %dma_wait3A_253 = arith.constant 0 : i32
      %dma_wait3A_254 = tpu.memref_slice %arg6[%dma_wait3A_252, %dma_wait3A_253] : memref<10240x64xf32, #tpu.memory_space<vmem_shared>> -> memref<10240x64xf32, #tpu.memory_space<vmem_shared>>
      tpu.wait_indirect_dma semaphore(%arg18 : memref<!tpu.dma_semaphore, #tpu.memory_space<semaphore_mem>>) src(%dma_wait3A_254 : memref<10240x64xf32, #tpu.memory_space<vmem_shared>>) dst(%dma_wait3A_248 : memref<128x64xf32, #tpu.memory_space<vmem>>)
      %dma_start3A_255 = arith.constant 0 : i32
      %dma_start3A_256 = arith.constant 0 : i32
      %dma_start3A_257 = arith.constant 0 : i32
      %dma_start3A_258 = arith.constant 0 : i32
      %dma_start3A_259 = arith.constant 0 : i32
      %dma_start3A_260 = tpu.memref_slice %arg11[%dma_start3A_255, %dma_start3A_258, %dma_start3A_259] : memref<2x128x64xf32, #tpu.memory_space<vmem>> -> memref<1x128x64xf32, #tpu.memory_space<vmem>>
      %dma_start3A_261 = tpu.memref_squeeze %dma_start3A_260 : memref<1x128x64xf32, #tpu.memory_space<vmem>> -> memref<128x64xf32, #tpu.memory_space<vmem>>
      %dma_start3A_262 = arith.constant 0 : i32
      %dma_start3A_263 = tpu.memref_slice %arg10[%dma_start3A_256, %dma_start3A_257, %dma_start3A_262] : memref<2x8x128xi32, #tpu.memory_space<vmem>> -> memref<1x1x128xi32, #tpu.memory_space<vmem>>
      %dma_start3A_264 = tpu.memref_squeeze %dma_start3A_263 : memref<1x1x128xi32, #tpu.memory_space<vmem>> -> memref<128xi32, #tpu.memory_space<vmem>>
      %dma_start3A_265 = arith.constant 0 : i32
      %dma_start3A_266 = arith.constant 0 : i32
      %dma_start3A_267 = tpu.memref_slice %arg7[%dma_start3A_265, %dma_start3A_266] : memref<10240x64xf32, #tpu.memory_space<vmem_shared>> -> memref<10240x64xf32, #tpu.memory_space<vmem_shared>>
      tpu.enqueue_indirect_dma source(%dma_start3A_261 : memref<128x64xf32, #tpu.memory_space<vmem>>) target(%dma_start3A_267 : memref<10240x64xf32, #tpu.memory_space<vmem_shared>>) offsets(%dma_start3A_264 : memref<128xi32, #tpu.memory_space<vmem>>) semaphore(%arg20 : memref<!tpu.dma_semaphore, #tpu.memory_space<semaphore_mem>>) {add = true}
      %dma_start3A_268 = arith.constant 0 : i32
      %dma_start3A_269 = arith.constant 1 : i32
      %dma_start3A_270 = arith.constant 1 : i32
      %dma_start3A_271 = arith.constant 0 : i32
      %dma_start3A_272 = arith.constant 0 : i32
      %dma_start3A_273 = tpu.memref_slice %arg11[%dma_start3A_270, %dma_start3A_271, %dma_start3A_272] : memref<2x128x64xf32, #tpu.memory_space<vmem>> -> memref<1x128x64xf32, #tpu.memory_space<vmem>>
      %dma_start3A_274 = tpu.memref_squeeze %dma_start3A_273 : memref<1x128x64xf32, #tpu.memory_space<vmem>> -> memref<128x64xf32, #tpu.memory_space<vmem>>
      %dma_start3A_275 = arith.constant 0 : i32
      %dma_start3A_276 = tpu.memref_slice %arg9[%dma_start3A_268, %dma_start3A_269, %dma_start3A_275] : memref<2x8x128xi32, #tpu.memory_space<vmem>> -> memref<1x1x128xi32, #tpu.memory_space<vmem>>
      %dma_start3A_277 = tpu.memref_squeeze %dma_start3A_276 : memref<1x1x128xi32, #tpu.memory_space<vmem>> -> memref<128xi32, #tpu.memory_space<vmem>>
      %dma_start3A_278 = arith.constant 0 : i32
      %dma_start3A_279 = arith.constant 0 : i32
      %dma_start3A_280 = tpu.memref_slice %arg6[%dma_start3A_278, %dma_start3A_279] : memref<10240x64xf32, #tpu.memory_space<vmem_shared>> -> memref<10240x64xf32, #tpu.memory_space<vmem_shared>>
      tpu.enqueue_indirect_dma source(%dma_start3A_280 : memref<10240x64xf32, #tpu.memory_space<vmem_shared>>) target(%dma_start3A_274 : memref<128x64xf32, #tpu.memory_space<vmem>>) offsets(%dma_start3A_277 : memref<128xi32, #tpu.memory_space<vmem>>) semaphore(%arg19 : memref<!tpu.dma_semaphore, #tpu.memory_space<semaphore_mem>>)
      %dma_wait3A_281 = arith.constant 0 : i32
      %dma_wait3A_282 = arith.constant 1 : i32
      %dma_wait3A_283 = arith.constant 1 : i32
      %dma_wait3A_284 = arith.constant 0 : i32
      %dma_wait3A_285 = arith.constant 0 : i32
      %dma_wait3A_286 = tpu.memref_slice %arg11[%dma_wait3A_283, %dma_wait3A_284, %dma_wait3A_285] : memref<2x128x64xf32, #tpu.memory_space<vmem>> -> memref<1x128x64xf32, #tpu.memory_space<vmem>>
      %dma_wait3A_287 = tpu.memref_squeeze %dma_wait3A_286 : memref<1x128x64xf32, #tpu.memory_space<vmem>> -> memref<128x64xf32, #tpu.memory_space<vmem>>
      %dma_wait3A_288 = arith.constant 0 : i32
      %dma_wait3A_289 = tpu.memref_slice %arg9[%dma_wait3A_281, %dma_wait3A_282, %dma_wait3A_288] : memref<2x8x128xi32, #tpu.memory_space<vmem>> -> memref<1x1x128xi32, #tpu.memory_space<vmem>>
      %dma_wait3A_290 = tpu.memref_squeeze %dma_wait3A_289 : memref<1x1x128xi32, #tpu.memory_space<vmem>> -> memref<128xi32, #tpu.memory_space<vmem>>
      %dma_wait3A_291 = arith.constant 0 : i32
      %dma_wait3A_292 = arith.constant 0 : i32
      %dma_wait3A_293 = tpu.memref_slice %arg6[%dma_wait3A_291, %dma_wait3A_292] : memref<10240x64xf32, #tpu.memory_space<vmem_shared>> -> memref<10240x64xf32, #tpu.memory_space<vmem_shared>>
      tpu.wait_indirect_dma semaphore(%arg19 : memref<!tpu.dma_semaphore, #tpu.memory_space<semaphore_mem>>) src(%dma_wait3A_293 : memref<10240x64xf32, #tpu.memory_space<vmem_shared>>) dst(%dma_wait3A_287 : memref<128x64xf32, #tpu.memory_space<vmem>>)
      %dma_start3A_294 = arith.constant 1 : i32
      %dma_start3A_295 = arith.constant 0 : i32
      %dma_start3A_296 = arith.constant 1 : i32
      %dma_start3A_297 = arith.constant 0 : i32
      %dma_start3A_298 = arith.constant 0 : i32
      %dma_start3A_299 = tpu.memref_slice %arg11[%dma_start3A_294, %dma_start3A_297, %dma_start3A_298] : memref<2x128x64xf32, #tpu.memory_space<vmem>> -> memref<1x128x64xf32, #tpu.memory_space<vmem>>
      %dma_start3A_300 = tpu.memref_squeeze %dma_start3A_299 : memref<1x128x64xf32, #tpu.memory_space<vmem>> -> memref<128x64xf32, #tpu.memory_space<vmem>>
      %dma_start3A_301 = arith.constant 0 : i32
      %dma_start3A_302 = tpu.memref_slice %arg10[%dma_start3A_295, %dma_start3A_296, %dma_start3A_301] : memref<2x8x128xi32, #tpu.memory_space<vmem>> -> memref<1x1x128xi32, #tpu.memory_space<vmem>>
      %dma_start3A_303 = tpu.memref_squeeze %dma_start3A_302 : memref<1x1x128xi32, #tpu.memory_space<vmem>> -> memref<128xi32, #tpu.memory_space<vmem>>
      %dma_start3A_304 = arith.constant 0 : i32
      %dma_start3A_305 = arith.constant 0 : i32
      %dma_start3A_306 = tpu.memref_slice %arg7[%dma_start3A_304, %dma_start3A_305] : memref<10240x64xf32, #tpu.memory_space<vmem_shared>> -> memref<10240x64xf32, #tpu.memory_space<vmem_shared>>
      tpu.enqueue_indirect_dma source(%dma_start3A_300 : memref<128x64xf32, #tpu.memory_space<vmem>>) target(%dma_start3A_306 : memref<10240x64xf32, #tpu.memory_space<vmem_shared>>) offsets(%dma_start3A_303 : memref<128xi32, #tpu.memory_space<vmem>>) semaphore(%arg21 : memref<!tpu.dma_semaphore, #tpu.memory_space<semaphore_mem>>) {add = true}
      %dma_wait3A_307 = arith.constant 0 : i32
      %dma_wait3A_308 = arith.constant 0 : i32
      %dma_wait3A_309 = arith.constant 0 : i32
      %dma_wait3A_310 = arith.constant 0 : i32
      %dma_wait3A_311 = arith.constant 0 : i32
      %dma_wait3A_312 = tpu.memref_slice %arg11[%dma_wait3A_307, %dma_wait3A_310, %dma_wait3A_311] : memref<2x128x64xf32, #tpu.memory_space<vmem>> -> memref<1x128x64xf32, #tpu.memory_space<vmem>>
      %dma_wait3A_313 = tpu.memref_squeeze %dma_wait3A_312 : memref<1x128x64xf32, #tpu.memory_space<vmem>> -> memref<128x64xf32, #tpu.memory_space<vmem>>
      %dma_wait3A_314 = arith.constant 0 : i32
      %dma_wait3A_315 = tpu.memref_slice %arg10[%dma_wait3A_308, %dma_wait3A_309, %dma_wait3A_314] : memref<2x8x128xi32, #tpu.memory_space<vmem>> -> memref<1x1x128xi32, #tpu.memory_space<vmem>>
      %dma_wait3A_316 = tpu.memref_squeeze %dma_wait3A_315 : memref<1x1x128xi32, #tpu.memory_space<vmem>> -> memref<128xi32, #tpu.memory_space<vmem>>
      %dma_wait3A_317 = arith.constant 0 : i32
      %dma_wait3A_318 = arith.constant 0 : i32
      %dma_wait3A_319 = tpu.memref_slice %arg7[%dma_wait3A_317, %dma_wait3A_318] : memref<10240x64xf32, #tpu.memory_space<vmem_shared>> -> memref<10240x64xf32, #tpu.memory_space<vmem_shared>>
      tpu.wait_indirect_dma semaphore(%arg20 : memref<!tpu.dma_semaphore, #tpu.memory_space<semaphore_mem>>) src(%dma_wait3A_313 : memref<128x64xf32, #tpu.memory_space<vmem>>) dst(%dma_wait3A_319 : memref<10240x64xf32, #tpu.memory_space<vmem_shared>>)
      %dma_start3A_320 = arith.constant 0 : i32
      %dma_start3A_321 = arith.constant 2 : i32
      %dma_start3A_322 = arith.constant 0 : i32
      %dma_start3A_323 = arith.constant 0 : i32
      %dma_start3A_324 = arith.constant 0 : i32
      %dma_start3A_325 = tpu.memref_slice %arg11[%dma_start3A_322, %dma_start3A_323, %dma_start3A_324] : memref<2x128x64xf32, #tpu.memory_space<vmem>> -> memref<1x128x64xf32, #tpu.memory_space<vmem>>
      %dma_start3A_326 = tpu.memref_squeeze %dma_start3A_325 : memref<1x128x64xf32, #tpu.memory_space<vmem>> -> memref<128x64xf32, #tpu.memory_space<vmem>>
      %dma_start3A_327 = arith.constant 0 : i32
      %dma_start3A_328 = tpu.memref_slice %arg9[%dma_start3A_320, %dma_start3A_321, %dma_start3A_327] : memref<2x8x128xi32, #tpu.memory_space<vmem>> -> memref<1x1x128xi32, #tpu.memory_space<vmem>>
      %dma_start3A_329 = tpu.memref_squeeze %dma_start3A_328 : memref<1x1x128xi32, #tpu.memory_space<vmem>> -> memref<128xi32, #tpu.memory_space<vmem>>
      %dma_start3A_330 = arith.constant 0 : i32
      %dma_start3A_331 = arith.constant 0 : i32
      %dma_start3A_332 = tpu.memref_slice %arg6[%dma_start3A_330, %dma_start3A_331] : memref<10240x64xf32, #tpu.memory_space<vmem_shared>> -> memref<10240x64xf32, #tpu.memory_space<vmem_shared>>
      tpu.enqueue_indirect_dma source(%dma_start3A_332 : memref<10240x64xf32, #tpu.memory_space<vmem_shared>>) target(%dma_start3A_326 : memref<128x64xf32, #tpu.memory_space<vmem>>) offsets(%dma_start3A_329 : memref<128xi32, #tpu.memory_space<vmem>>) semaphore(%arg18 : memref<!tpu.dma_semaphore, #tpu.memory_space<semaphore_mem>>)
      %dma_wait3A_333 = arith.constant 0 : i32
      %dma_wait3A_334 = arith.constant 2 : i32
      %dma_wait3A_335 = arith.constant 0 : i32
      %dma_wait3A_336 = arith.constant 0 : i32
      %dma_wait3A_337 = arith.constant 0 : i32
      %dma_wait3A_338 = tpu.memref_slice %arg11[%dma_wait3A_335, %dma_wait3A_336, %dma_wait3A_337] : memref<2x128x64xf32, #tpu.memory_space<vmem>> -> memref<1x128x64xf32, #tpu.memory_space<vmem>>
      %dma_wait3A_339 = tpu.memref_squeeze %dma_wait3A_338 : memref<1x128x64xf32, #tpu.memory_space<vmem>> -> memref<128x64xf32, #tpu.memory_space<vmem>>
      %dma_wait3A_340 = arith.constant 0 : i32
      %dma_wait3A_341 = tpu.memref_slice %arg9[%dma_wait3A_333, %dma_wait3A_334, %dma_wait3A_340] : memref<2x8x128xi32, #tpu.memory_space<vmem>> -> memref<1x1x128xi32, #tpu.memory_space<vmem>>
      %dma_wait3A_342 = tpu.memref_squeeze %dma_wait3A_341 : memref<1x1x128xi32, #tpu.memory_space<vmem>> -> memref<128xi32, #tpu.memory_space<vmem>>
      %dma_wait3A_343 = arith.constant 0 : i32
      %dma_wait3A_344 = arith.constant 0 : i32
      %dma_wait3A_345 = tpu.memref_slice %arg6[%dma_wait3A_343, %dma_wait3A_344] : memref<10240x64xf32, #tpu.memory_space<vmem_shared>> -> memref<10240x64xf32, #tpu.memory_space<vmem_shared>>
      tpu.wait_indirect_dma semaphore(%arg18 : memref<!tpu.dma_semaphore, #tpu.memory_space<semaphore_mem>>) src(%dma_wait3A_345 : memref<10240x64xf32, #tpu.memory_space<vmem_shared>>) dst(%dma_wait3A_339 : memref<128x64xf32, #tpu.memory_space<vmem>>)
      %dma_start3A_346 = arith.constant 0 : i32
      %dma_start3A_347 = arith.constant 0 : i32
      %dma_start3A_348 = arith.constant 2 : i32
      %dma_start3A_349 = arith.constant 0 : i32
      %dma_start3A_350 = arith.constant 0 : i32
      %dma_start3A_351 = tpu.memref_slice %arg11[%dma_start3A_346, %dma_start3A_349, %dma_start3A_350] : memref<2x128x64xf32, #tpu.memory_space<vmem>> -> memref<1x128x64xf32, #tpu.memory_space<vmem>>
      %dma_start3A_352 = tpu.memref_squeeze %dma_start3A_351 : memref<1x128x64xf32, #tpu.memory_space<vmem>> -> memref<128x64xf32, #tpu.memory_space<vmem>>
      %dma_start3A_353 = arith.constant 0 : i32
      %dma_start3A_354 = tpu.memref_slice %arg10[%dma_start3A_347, %dma_start3A_348, %dma_start3A_353] : memref<2x8x128xi32, #tpu.memory_space<vmem>> -> memref<1x1x128xi32, #tpu.memory_space<vmem>>
      %dma_start3A_355 = tpu.memref_squeeze %dma_start3A_354 : memref<1x1x128xi32, #tpu.memory_space<vmem>> -> memref<128xi32, #tpu.memory_space<vmem>>
      %dma_start3A_356 = arith.constant 0 : i32
      %dma_start3A_357 = arith.constant 0 : i32
      %dma_start3A_358 = tpu.memref_slice %arg7[%dma_start3A_356, %dma_start3A_357] : memref<10240x64xf32, #tpu.memory_space<vmem_shared>> -> memref<10240x64xf32, #tpu.memory_space<vmem_shared>>
      tpu.enqueue_indirect_dma source(%dma_start3A_352 : memref<128x64xf32, #tpu.memory_space<vmem>>) target(%dma_start3A_358 : memref<10240x64xf32, #tpu.memory_space<vmem_shared>>) offsets(%dma_start3A_355 : memref<128xi32, #tpu.memory_space<vmem>>) semaphore(%arg20 : memref<!tpu.dma_semaphore, #tpu.memory_space<semaphore_mem>>) {add = true}
      %dma_wait3A_359 = arith.constant 1 : i32
      %dma_wait3A_360 = arith.constant 0 : i32
      %dma_wait3A_361 = arith.constant 1 : i32
      %dma_wait3A_362 = arith.constant 0 : i32
      %dma_wait3A_363 = arith.constant 0 : i32
      %dma_wait3A_364 = tpu.memref_slice %arg11[%dma_wait3A_359, %dma_wait3A_362, %dma_wait3A_363] : memref<2x128x64xf32, #tpu.memory_space<vmem>> -> memref<1x128x64xf32, #tpu.memory_space<vmem>>
      %dma_wait3A_365 = tpu.memref_squeeze %dma_wait3A_364 : memref<1x128x64xf32, #tpu.memory_space<vmem>> -> memref<128x64xf32, #tpu.memory_space<vmem>>
      %dma_wait3A_366 = arith.constant 0 : i32
      %dma_wait3A_367 = tpu.memref_slice %arg10[%dma_wait3A_360, %dma_wait3A_361, %dma_wait3A_366] : memref<2x8x128xi32, #tpu.memory_space<vmem>> -> memref<1x1x128xi32, #tpu.memory_space<vmem>>
      %dma_wait3A_368 = tpu.memref_squeeze %dma_wait3A_367 : memref<1x1x128xi32, #tpu.memory_space<vmem>> -> memref<128xi32, #tpu.memory_space<vmem>>
      %dma_wait3A_369 = arith.constant 0 : i32
      %dma_wait3A_370 = arith.constant 0 : i32
      %dma_wait3A_371 = tpu.memref_slice %arg7[%dma_wait3A_369, %dma_wait3A_370] : memref<10240x64xf32, #tpu.memory_space<vmem_shared>> -> memref<10240x64xf32, #tpu.memory_space<vmem_shared>>
      tpu.wait_indirect_dma semaphore(%arg21 : memref<!tpu.dma_semaphore, #tpu.memory_space<semaphore_mem>>) src(%dma_wait3A_365 : memref<128x64xf32, #tpu.memory_space<vmem>>) dst(%dma_wait3A_371 : memref<10240x64xf32, #tpu.memory_space<vmem_shared>>)
      %dma_start3A_372 = arith.constant 0 : i32
      %dma_start3A_373 = arith.constant 3 : i32
      %dma_start3A_374 = arith.constant 1 : i32
      %dma_start3A_375 = arith.constant 0 : i32
      %dma_start3A_376 = arith.constant 0 : i32
      %dma_start3A_377 = tpu.memref_slice %arg11[%dma_start3A_374, %dma_start3A_375, %dma_start3A_376] : memref<2x128x64xf32, #tpu.memory_space<vmem>> -> memref<1x128x64xf32, #tpu.memory_space<vmem>>
      %dma_start3A_378 = tpu.memref_squeeze %dma_start3A_377 : memref<1x128x64xf32, #tpu.memory_space<vmem>> -> memref<128x64xf32, #tpu.memory_space<vmem>>
      %dma_start3A_379 = arith.constant 0 : i32
      %dma_start3A_380 = tpu.memref_slice %arg9[%dma_start3A_372, %dma_start3A_373, %dma_start3A_379] : memref<2x8x128xi32, #tpu.memory_space<vmem>> -> memref<1x1x128xi32, #tpu.memory_space<vmem>>
      %dma_start3A_381 = tpu.memref_squeeze %dma_start3A_380 : memref<1x1x128xi32, #tpu.memory_space<vmem>> -> memref<128xi32, #tpu.memory_space<vmem>>
      %dma_start3A_382 = arith.constant 0 : i32
      %dma_start3A_383 = arith.constant 0 : i32
      %dma_start3A_384 = tpu.memref_slice %arg6[%dma_start3A_382, %dma_start3A_383] : memref<10240x64xf32, #tpu.memory_space<vmem_shared>> -> memref<10240x64xf32, #tpu.memory_space<vmem_shared>>
      tpu.enqueue_indirect_dma source(%dma_start3A_384 : memref<10240x64xf32, #tpu.memory_space<vmem_shared>>) target(%dma_start3A_378 : memref<128x64xf32, #tpu.memory_space<vmem>>) offsets(%dma_start3A_381 : memref<128xi32, #tpu.memory_space<vmem>>) semaphore(%arg19 : memref<!tpu.dma_semaphore, #tpu.memory_space<semaphore_mem>>)
      %dma_wait3A_385 = arith.constant 0 : i32
      %dma_wait3A_386 = arith.constant 3 : i32
      %dma_wait3A_387 = arith.constant 1 : i32
      %dma_wait3A_388 = arith.constant 0 : i32
      %dma_wait3A_389 = arith.constant 0 : i32
      %dma_wait3A_390 = tpu.memref_slice %arg11[%dma_wait3A_387, %dma_wait3A_388, %dma_wait3A_389] : memref<2x128x64xf32, #tpu.memory_space<vmem>> -> memref<1x128x64xf32, #tpu.memory_space<vmem>>
      %dma_wait3A_391 = tpu.memref_squeeze %dma_wait3A_390 : memref<1x128x64xf32, #tpu.memory_space<vmem>> -> memref<128x64xf32, #tpu.memory_space<vmem>>
      %dma_wait3A_392 = arith.constant 0 : i32
      %dma_wait3A_393 = tpu.memref_slice %arg9[%dma_wait3A_385, %dma_wait3A_386, %dma_wait3A_392] : memref<2x8x128xi32, #tpu.memory_space<vmem>> -> memref<1x1x128xi32, #tpu.memory_space<vmem>>
      %dma_wait3A_394 = tpu.memref_squeeze %dma_wait3A_393 : memref<1x1x128xi32, #tpu.memory_space<vmem>> -> memref<128xi32, #tpu.memory_space<vmem>>
      %dma_wait3A_395 = arith.constant 0 : i32
      %dma_wait3A_396 = arith.constant 0 : i32
      %dma_wait3A_397 = tpu.memref_slice %arg6[%dma_wait3A_395, %dma_wait3A_396] : memref<10240x64xf32, #tpu.memory_space<vmem_shared>> -> memref<10240x64xf32, #tpu.memory_space<vmem_shared>>
      tpu.wait_indirect_dma semaphore(%arg19 : memref<!tpu.dma_semaphore, #tpu.memory_space<semaphore_mem>>) src(%dma_wait3A_397 : memref<10240x64xf32, #tpu.memory_space<vmem_shared>>) dst(%dma_wait3A_391 : memref<128x64xf32, #tpu.memory_space<vmem>>)
      %dma_start3A_398 = arith.constant 1 : i32
      %dma_start3A_399 = arith.constant 0 : i32
      %dma_start3A_400 = arith.constant 3 : i32
      %dma_start3A_401 = arith.constant 0 : i32
      %dma_start3A_402 = arith.constant 0 : i32
      %dma_start3A_403 = tpu.memref_slice %arg11[%dma_start3A_398, %dma_start3A_401, %dma_start3A_402] : memref<2x128x64xf32, #tpu.memory_space<vmem>> -> memref<1x128x64xf32, #tpu.memory_space<vmem>>
      %dma_start3A_404 = tpu.memref_squeeze %dma_start3A_403 : memref<1x128x64xf32, #tpu.memory_space<vmem>> -> memref<128x64xf32, #tpu.memory_space<vmem>>
      %dma_start3A_405 = arith.constant 0 : i32
      %dma_start3A_406 = tpu.memref_slice %arg10[%dma_start3A_399, %dma_start3A_400, %dma_start3A_405] : memref<2x8x128xi32, #tpu.memory_space<vmem>> -> memref<1x1x128xi32, #tpu.memory_space<vmem>>
      %dma_start3A_407 = tpu.memref_squeeze %dma_start3A_406 : memref<1x1x128xi32, #tpu.memory_space<vmem>> -> memref<128xi32, #tpu.memory_space<vmem>>
      %dma_start3A_408 = arith.constant 0 : i32
      %dma_start3A_409 = arith.constant 0 : i32
      %dma_start3A_410 = tpu.memref_slice %arg7[%dma_start3A_408, %dma_start3A_409] : memref<10240x64xf32, #tpu.memory_space<vmem_shared>> -> memref<10240x64xf32, #tpu.memory_space<vmem_shared>>
      tpu.enqueue_indirect_dma source(%dma_start3A_404 : memref<128x64xf32, #tpu.memory_space<vmem>>) target(%dma_start3A_410 : memref<10240x64xf32, #tpu.memory_space<vmem_shared>>) offsets(%dma_start3A_407 : memref<128xi32, #tpu.memory_space<vmem>>) semaphore(%arg21 : memref<!tpu.dma_semaphore, #tpu.memory_space<semaphore_mem>>) {add = true}
      %dma_wait3A_411 = arith.constant 0 : i32
      %dma_wait3A_412 = arith.constant 0 : i32
      %dma_wait3A_413 = arith.constant 2 : i32
      %dma_wait3A_414 = arith.constant 0 : i32
      %dma_wait3A_415 = arith.constant 0 : i32
      %dma_wait3A_416 = tpu.memref_slice %arg11[%dma_wait3A_411, %dma_wait3A_414, %dma_wait3A_415] : memref<2x128x64xf32, #tpu.memory_space<vmem>> -> memref<1x128x64xf32, #tpu.memory_space<vmem>>
      %dma_wait3A_417 = tpu.memref_squeeze %dma_wait3A_416 : memref<1x128x64xf32, #tpu.memory_space<vmem>> -> memref<128x64xf32, #tpu.memory_space<vmem>>
      %dma_wait3A_418 = arith.constant 0 : i32
      %dma_wait3A_419 = tpu.memref_slice %arg10[%dma_wait3A_412, %dma_wait3A_413, %dma_wait3A_418] : memref<2x8x128xi32, #tpu.memory_space<vmem>> -> memref<1x1x128xi32, #tpu.memory_space<vmem>>
      %dma_wait3A_420 = tpu.memref_squeeze %dma_wait3A_419 : memref<1x1x128xi32, #tpu.memory_space<vmem>> -> memref<128xi32, #tpu.memory_space<vmem>>
      %dma_wait3A_421 = arith.constant 0 : i32
      %dma_wait3A_422 = arith.constant 0 : i32
      %dma_wait3A_423 = tpu.memref_slice %arg7[%dma_wait3A_421, %dma_wait3A_422] : memref<10240x64xf32, #tpu.memory_space<vmem_shared>> -> memref<10240x64xf32, #tpu.memory_space<vmem_shared>>
      tpu.wait_indirect_dma semaphore(%arg20 : memref<!tpu.dma_semaphore, #tpu.memory_space<semaphore_mem>>) src(%dma_wait3A_417 : memref<128x64xf32, #tpu.memory_space<vmem>>) dst(%dma_wait3A_423 : memref<10240x64xf32, #tpu.memory_space<vmem_shared>>)
      %dma_start3A_424 = arith.constant 0 : i32
      %dma_start3A_425 = arith.constant 4 : i32
      %dma_start3A_426 = arith.constant 0 : i32
      %dma_start3A_427 = arith.constant 0 : i32
      %dma_start3A_428 = arith.constant 0 : i32
      %dma_start3A_429 = tpu.memref_slice %arg11[%dma_start3A_426, %dma_start3A_427, %dma_start3A_428] : memref<2x128x64xf32, #tpu.memory_space<vmem>> -> memref<1x128x64xf32, #tpu.memory_space<vmem>>
      %dma_start3A_430 = tpu.memref_squeeze %dma_start3A_429 : memref<1x128x64xf32, #tpu.memory_space<vmem>> -> memref<128x64xf32, #tpu.memory_space<vmem>>
      %dma_start3A_431 = arith.constant 0 : i32
      %dma_start3A_432 = tpu.memref_slice %arg9[%dma_start3A_424, %dma_start3A_425, %dma_start3A_431] : memref<2x8x128xi32, #tpu.memory_space<vmem>> -> memref<1x1x128xi32, #tpu.memory_space<vmem>>
      %dma_start3A_433 = tpu.memref_squeeze %dma_start3A_432 : memref<1x1x128xi32, #tpu.memory_space<vmem>> -> memref<128xi32, #tpu.memory_space<vmem>>
      %dma_start3A_434 = arith.constant 0 : i32
      %dma_start3A_435 = arith.constant 0 : i32
      %dma_start3A_436 = tpu.memref_slice %arg6[%dma_start3A_434, %dma_start3A_435] : memref<10240x64xf32, #tpu.memory_space<vmem_shared>> -> memref<10240x64xf32, #tpu.memory_space<vmem_shared>>
      tpu.enqueue_indirect_dma source(%dma_start3A_436 : memref<10240x64xf32, #tpu.memory_space<vmem_shared>>) target(%dma_start3A_430 : memref<128x64xf32, #tpu.memory_space<vmem>>) offsets(%dma_start3A_433 : memref<128xi32, #tpu.memory_space<vmem>>) semaphore(%arg18 : memref<!tpu.dma_semaphore, #tpu.memory_space<semaphore_mem>>)
      %dma_wait3A_437 = arith.constant 0 : i32
      %dma_wait3A_438 = arith.constant 4 : i32
      %dma_wait3A_439 = arith.constant 0 : i32
      %dma_wait3A_440 = arith.constant 0 : i32
      %dma_wait3A_441 = arith.constant 0 : i32
      %dma_wait3A_442 = tpu.memref_slice %arg11[%dma_wait3A_439, %dma_wait3A_440, %dma_wait3A_441] : memref<2x128x64xf32, #tpu.memory_space<vmem>> -> memref<1x128x64xf32, #tpu.memory_space<vmem>>
      %dma_wait3A_443 = tpu.memref_squeeze %dma_wait3A_442 : memref<1x128x64xf32, #tpu.memory_space<vmem>> -> memref<128x64xf32, #tpu.memory_space<vmem>>
      %dma_wait3A_444 = arith.constant 0 : i32
      %dma_wait3A_445 = tpu.memref_slice %arg9[%dma_wait3A_437, %dma_wait3A_438, %dma_wait3A_444] : memref<2x8x128xi32, #tpu.memory_space<vmem>> -> memref<1x1x128xi32, #tpu.memory_space<vmem>>
      %dma_wait3A_446 = tpu.memref_squeeze %dma_wait3A_445 : memref<1x1x128xi32, #tpu.memory_space<vmem>> -> memref<128xi32, #tpu.memory_space<vmem>>
      %dma_wait3A_447 = arith.constant 0 : i32
      %dma_wait3A_448 = arith.constant 0 : i32
      %dma_wait3A_449 = tpu.memref_slice %arg6[%dma_wait3A_447, %dma_wait3A_448] : memref<10240x64xf32, #tpu.memory_space<vmem_shared>> -> memref<10240x64xf32, #tpu.memory_space<vmem_shared>>
      tpu.wait_indirect_dma semaphore(%arg18 : memref<!tpu.dma_semaphore, #tpu.memory_space<semaphore_mem>>) src(%dma_wait3A_449 : memref<10240x64xf32, #tpu.memory_space<vmem_shared>>) dst(%dma_wait3A_443 : memref<128x64xf32, #tpu.memory_space<vmem>>)
      %dma_start3A_450 = arith.constant 0 : i32
      %dma_start3A_451 = arith.constant 0 : i32
      %dma_start3A_452 = arith.constant 4 : i32
      %dma_start3A_453 = arith.constant 0 : i32
      %dma_start3A_454 = arith.constant 0 : i32
      %dma_start3A_455 = tpu.memref_slice %arg11[%dma_start3A_450, %dma_start3A_453, %dma_start3A_454] : memref<2x128x64xf32, #tpu.memory_space<vmem>> -> memref<1x128x64xf32, #tpu.memory_space<vmem>>
      %dma_start3A_456 = tpu.memref_squeeze %dma_start3A_455 : memref<1x128x64xf32, #tpu.memory_space<vmem>> -> memref<128x64xf32, #tpu.memory_space<vmem>>
      %dma_start3A_457 = arith.constant 0 : i32
      %dma_start3A_458 = tpu.memref_slice %arg10[%dma_start3A_451, %dma_start3A_452, %dma_start3A_457] : memref<2x8x128xi32, #tpu.memory_space<vmem>> -> memref<1x1x128xi32, #tpu.memory_space<vmem>>
      %dma_start3A_459 = tpu.memref_squeeze %dma_start3A_458 : memref<1x1x128xi32, #tpu.memory_space<vmem>> -> memref<128xi32, #tpu.memory_space<vmem>>
      %dma_start3A_460 = arith.constant 0 : i32
      %dma_start3A_461 = arith.constant 0 : i32
      %dma_start3A_462 = tpu.memref_slice %arg7[%dma_start3A_460, %dma_start3A_461] : memref<10240x64xf32, #tpu.memory_space<vmem_shared>> -> memref<10240x64xf32, #tpu.memory_space<vmem_shared>>
      tpu.enqueue_indirect_dma source(%dma_start3A_456 : memref<128x64xf32, #tpu.memory_space<vmem>>) target(%dma_start3A_462 : memref<10240x64xf32, #tpu.memory_space<vmem_shared>>) offsets(%dma_start3A_459 : memref<128xi32, #tpu.memory_space<vmem>>) semaphore(%arg20 : memref<!tpu.dma_semaphore, #tpu.memory_space<semaphore_mem>>) {add = true}
      %dma_wait3A_463 = arith.constant 1 : i32
      %dma_wait3A_464 = arith.constant 0 : i32
      %dma_wait3A_465 = arith.constant 3 : i32
      %dma_wait3A_466 = arith.constant 0 : i32
      %dma_wait3A_467 = arith.constant 0 : i32
      %dma_wait3A_468 = tpu.memref_slice %arg11[%dma_wait3A_463, %dma_wait3A_466, %dma_wait3A_467] : memref<2x128x64xf32, #tpu.memory_space<vmem>> -> memref<1x128x64xf32, #tpu.memory_space<vmem>>
      %dma_wait3A_469 = tpu.memref_squeeze %dma_wait3A_468 : memref<1x128x64xf32, #tpu.memory_space<vmem>> -> memref<128x64xf32, #tpu.memory_space<vmem>>
      %dma_wait3A_470 = arith.constant 0 : i32
      %dma_wait3A_471 = tpu.memref_slice %arg10[%dma_wait3A_464, %dma_wait3A_465, %dma_wait3A_470] : memref<2x8x128xi32, #tpu.memory_space<vmem>> -> memref<1x1x128xi32, #tpu.memory_space<vmem>>
      %dma_wait3A_472 = tpu.memref_squeeze %dma_wait3A_471 : memref<1x1x128xi32, #tpu.memory_space<vmem>> -> memref<128xi32, #tpu.memory_space<vmem>>
      %dma_wait3A_473 = arith.constant 0 : i32
      %dma_wait3A_474 = arith.constant 0 : i32
      %dma_wait3A_475 = tpu.memref_slice %arg7[%dma_wait3A_473, %dma_wait3A_474] : memref<10240x64xf32, #tpu.memory_space<vmem_shared>> -> memref<10240x64xf32, #tpu.memory_space<vmem_shared>>
      tpu.wait_indirect_dma semaphore(%arg21 : memref<!tpu.dma_semaphore, #tpu.memory_space<semaphore_mem>>) src(%dma_wait3A_469 : memref<128x64xf32, #tpu.memory_space<vmem>>) dst(%dma_wait3A_475 : memref<10240x64xf32, #tpu.memory_space<vmem_shared>>)
      %dma_start3A_476 = arith.constant 0 : i32
      %dma_start3A_477 = arith.constant 5 : i32
      %dma_start3A_478 = arith.constant 1 : i32
      %dma_start3A_479 = arith.constant 0 : i32
      %dma_start3A_480 = arith.constant 0 : i32
      %dma_start3A_481 = tpu.memref_slice %arg11[%dma_start3A_478, %dma_start3A_479, %dma_start3A_480] : memref<2x128x64xf32, #tpu.memory_space<vmem>> -> memref<1x128x64xf32, #tpu.memory_space<vmem>>
      %dma_start3A_482 = tpu.memref_squeeze %dma_start3A_481 : memref<1x128x64xf32, #tpu.memory_space<vmem>> -> memref<128x64xf32, #tpu.memory_space<vmem>>
      %dma_start3A_483 = arith.constant 0 : i32
      %dma_start3A_484 = tpu.memref_slice %arg9[%dma_start3A_476, %dma_start3A_477, %dma_start3A_483] : memref<2x8x128xi32, #tpu.memory_space<vmem>> -> memref<1x1x128xi32, #tpu.memory_space<vmem>>
      %dma_start3A_485 = tpu.memref_squeeze %dma_start3A_484 : memref<1x1x128xi32, #tpu.memory_space<vmem>> -> memref<128xi32, #tpu.memory_space<vmem>>
      %dma_start3A_486 = arith.constant 0 : i32
      %dma_start3A_487 = arith.constant 0 : i32
      %dma_start3A_488 = tpu.memref_slice %arg6[%dma_start3A_486, %dma_start3A_487] : memref<10240x64xf32, #tpu.memory_space<vmem_shared>> -> memref<10240x64xf32, #tpu.memory_space<vmem_shared>>
      tpu.enqueue_indirect_dma source(%dma_start3A_488 : memref<10240x64xf32, #tpu.memory_space<vmem_shared>>) target(%dma_start3A_482 : memref<128x64xf32, #tpu.memory_space<vmem>>) offsets(%dma_start3A_485 : memref<128xi32, #tpu.memory_space<vmem>>) semaphore(%arg19 : memref<!tpu.dma_semaphore, #tpu.memory_space<semaphore_mem>>)
      %dma_wait3A_489 = arith.constant 0 : i32
      %dma_wait3A_490 = arith.constant 5 : i32
      %dma_wait3A_491 = arith.constant 1 : i32
      %dma_wait3A_492 = arith.constant 0 : i32
      %dma_wait3A_493 = arith.constant 0 : i32
      %dma_wait3A_494 = tpu.memref_slice %arg11[%dma_wait3A_491, %dma_wait3A_492, %dma_wait3A_493] : memref<2x128x64xf32, #tpu.memory_space<vmem>> -> memref<1x128x64xf32, #tpu.memory_space<vmem>>
      %dma_wait3A_495 = tpu.memref_squeeze %dma_wait3A_494 : memref<1x128x64xf32, #tpu.memory_space<vmem>> -> memref<128x64xf32, #tpu.memory_space<vmem>>
      %dma_wait3A_496 = arith.constant 0 : i32
      %dma_wait3A_497 = tpu.memref_slice %arg9[%dma_wait3A_489, %dma_wait3A_490, %dma_wait3A_496] : memref<2x8x128xi32, #tpu.memory_space<vmem>> -> memref<1x1x128xi32, #tpu.memory_space<vmem>>
      %dma_wait3A_498 = tpu.memref_squeeze %dma_wait3A_497 : memref<1x1x128xi32, #tpu.memory_space<vmem>> -> memref<128xi32, #tpu.memory_space<vmem>>
      %dma_wait3A_499 = arith.constant 0 : i32
      %dma_wait3A_500 = arith.constant 0 : i32
      %dma_wait3A_501 = tpu.memref_slice %arg6[%dma_wait3A_499, %dma_wait3A_500] : memref<10240x64xf32, #tpu.memory_space<vmem_shared>> -> memref<10240x64xf32, #tpu.memory_space<vmem_shared>>
      tpu.wait_indirect_dma semaphore(%arg19 : memref<!tpu.dma_semaphore, #tpu.memory_space<semaphore_mem>>) src(%dma_wait3A_501 : memref<10240x64xf32, #tpu.memory_space<vmem_shared>>) dst(%dma_wait3A_495 : memref<128x64xf32, #tpu.memory_space<vmem>>)
      %dma_start3A_502 = arith.constant 1 : i32
      %dma_start3A_503 = arith.constant 0 : i32
      %dma_start3A_504 = arith.constant 5 : i32
      %dma_start3A_505 = arith.constant 0 : i32
      %dma_start3A_506 = arith.constant 0 : i32
      %dma_start3A_507 = tpu.memref_slice %arg11[%dma_start3A_502, %dma_start3A_505, %dma_start3A_506] : memref<2x128x64xf32, #tpu.memory_space<vmem>> -> memref<1x128x64xf32, #tpu.memory_space<vmem>>
      %dma_start3A_508 = tpu.memref_squeeze %dma_start3A_507 : memref<1x128x64xf32, #tpu.memory_space<vmem>> -> memref<128x64xf32, #tpu.memory_space<vmem>>
      %dma_start3A_509 = arith.constant 0 : i32
      %dma_start3A_510 = tpu.memref_slice %arg10[%dma_start3A_503, %dma_start3A_504, %dma_start3A_509] : memref<2x8x128xi32, #tpu.memory_space<vmem>> -> memref<1x1x128xi32, #tpu.memory_space<vmem>>
      %dma_start3A_511 = tpu.memref_squeeze %dma_start3A_510 : memref<1x1x128xi32, #tpu.memory_space<vmem>> -> memref<128xi32, #tpu.memory_space<vmem>>
      %dma_start3A_512 = arith.constant 0 : i32
      %dma_start3A_513 = arith.constant 0 : i32
      %dma_start3A_514 = tpu.memref_slice %arg7[%dma_start3A_512, %dma_start3A_513] : memref<10240x64xf32, #tpu.memory_space<vmem_shared>> -> memref<10240x64xf32, #tpu.memory_space<vmem_shared>>
      tpu.enqueue_indirect_dma source(%dma_start3A_508 : memref<128x64xf32, #tpu.memory_space<vmem>>) target(%dma_start3A_514 : memref<10240x64xf32, #tpu.memory_space<vmem_shared>>) offsets(%dma_start3A_511 : memref<128xi32, #tpu.memory_space<vmem>>) semaphore(%arg21 : memref<!tpu.dma_semaphore, #tpu.memory_space<semaphore_mem>>) {add = true}
      %dma_wait3A_515 = arith.constant 0 : i32
      %dma_wait3A_516 = arith.constant 0 : i32
      %dma_wait3A_517 = arith.constant 4 : i32
      %dma_wait3A_518 = arith.constant 0 : i32
      %dma_wait3A_519 = arith.constant 0 : i32
      %dma_wait3A_520 = tpu.memref_slice %arg11[%dma_wait3A_515, %dma_wait3A_518, %dma_wait3A_519] : memref<2x128x64xf32, #tpu.memory_space<vmem>> -> memref<1x128x64xf32, #tpu.memory_space<vmem>>
      %dma_wait3A_521 = tpu.memref_squeeze %dma_wait3A_520 : memref<1x128x64xf32, #tpu.memory_space<vmem>> -> memref<128x64xf32, #tpu.memory_space<vmem>>
      %dma_wait3A_522 = arith.constant 0 : i32
      %dma_wait3A_523 = tpu.memref_slice %arg10[%dma_wait3A_516, %dma_wait3A_517, %dma_wait3A_522] : memref<2x8x128xi32, #tpu.memory_space<vmem>> -> memref<1x1x128xi32, #tpu.memory_space<vmem>>
      %dma_wait3A_524 = tpu.memref_squeeze %dma_wait3A_523 : memref<1x1x128xi32, #tpu.memory_space<vmem>> -> memref<128xi32, #tpu.memory_space<vmem>>
      %dma_wait3A_525 = arith.constant 0 : i32
      %dma_wait3A_526 = arith.constant 0 : i32
      %dma_wait3A_527 = tpu.memref_slice %arg7[%dma_wait3A_525, %dma_wait3A_526] : memref<10240x64xf32, #tpu.memory_space<vmem_shared>> -> memref<10240x64xf32, #tpu.memory_space<vmem_shared>>
      tpu.wait_indirect_dma semaphore(%arg20 : memref<!tpu.dma_semaphore, #tpu.memory_space<semaphore_mem>>) src(%dma_wait3A_521 : memref<128x64xf32, #tpu.memory_space<vmem>>) dst(%dma_wait3A_527 : memref<10240x64xf32, #tpu.memory_space<vmem_shared>>)
      %dma_start3A_528 = arith.constant 0 : i32
      %dma_start3A_529 = arith.constant 6 : i32
      %dma_start3A_530 = arith.constant 0 : i32
      %dma_start3A_531 = arith.constant 0 : i32
      %dma_start3A_532 = arith.constant 0 : i32
      %dma_start3A_533 = tpu.memref_slice %arg11[%dma_start3A_530, %dma_start3A_531, %dma_start3A_532] : memref<2x128x64xf32, #tpu.memory_space<vmem>> -> memref<1x128x64xf32, #tpu.memory_space<vmem>>
      %dma_start3A_534 = tpu.memref_squeeze %dma_start3A_533 : memref<1x128x64xf32, #tpu.memory_space<vmem>> -> memref<128x64xf32, #tpu.memory_space<vmem>>
      %dma_start3A_535 = arith.constant 0 : i32
      %dma_start3A_536 = tpu.memref_slice %arg9[%dma_start3A_528, %dma_start3A_529, %dma_start3A_535] : memref<2x8x128xi32, #tpu.memory_space<vmem>> -> memref<1x1x128xi32, #tpu.memory_space<vmem>>
      %dma_start3A_537 = tpu.memref_squeeze %dma_start3A_536 : memref<1x1x128xi32, #tpu.memory_space<vmem>> -> memref<128xi32, #tpu.memory_space<vmem>>
      %dma_start3A_538 = arith.constant 0 : i32
      %dma_start3A_539 = arith.constant 0 : i32
      %dma_start3A_540 = tpu.memref_slice %arg6[%dma_start3A_538, %dma_start3A_539] : memref<10240x64xf32, #tpu.memory_space<vmem_shared>> -> memref<10240x64xf32, #tpu.memory_space<vmem_shared>>
      tpu.enqueue_indirect_dma source(%dma_start3A_540 : memref<10240x64xf32, #tpu.memory_space<vmem_shared>>) target(%dma_start3A_534 : memref<128x64xf32, #tpu.memory_space<vmem>>) offsets(%dma_start3A_537 : memref<128xi32, #tpu.memory_space<vmem>>) semaphore(%arg18 : memref<!tpu.dma_semaphore, #tpu.memory_space<semaphore_mem>>)
      %dma_wait3A_541 = arith.constant 0 : i32
      %dma_wait3A_542 = arith.constant 6 : i32
      %dma_wait3A_543 = arith.constant 0 : i32
      %dma_wait3A_544 = arith.constant 0 : i32
      %dma_wait3A_545 = arith.constant 0 : i32
      %dma_wait3A_546 = tpu.memref_slice %arg11[%dma_wait3A_543, %dma_wait3A_544, %dma_wait3A_545] : memref<2x128x64xf32, #tpu.memory_space<vmem>> -> memref<1x128x64xf32, #tpu.memory_space<vmem>>
      %dma_wait3A_547 = tpu.memref_squeeze %dma_wait3A_546 : memref<1x128x64xf32, #tpu.memory_space<vmem>> -> memref<128x64xf32, #tpu.memory_space<vmem>>
      %dma_wait3A_548 = arith.constant 0 : i32
      %dma_wait3A_549 = tpu.memref_slice %arg9[%dma_wait3A_541, %dma_wait3A_542, %dma_wait3A_548] : memref<2x8x128xi32, #tpu.memory_space<vmem>> -> memref<1x1x128xi32, #tpu.memory_space<vmem>>
      %dma_wait3A_550 = tpu.memref_squeeze %dma_wait3A_549 : memref<1x1x128xi32, #tpu.memory_space<vmem>> -> memref<128xi32, #tpu.memory_space<vmem>>
      %dma_wait3A_551 = arith.constant 0 : i32
      %dma_wait3A_552 = arith.constant 0 : i32
      %dma_wait3A_553 = tpu.memref_slice %arg6[%dma_wait3A_551, %dma_wait3A_552] : memref<10240x64xf32, #tpu.memory_space<vmem_shared>> -> memref<10240x64xf32, #tpu.memory_space<vmem_shared>>
      tpu.wait_indirect_dma semaphore(%arg18 : memref<!tpu.dma_semaphore, #tpu.memory_space<semaphore_mem>>) src(%dma_wait3A_553 : memref<10240x64xf32, #tpu.memory_space<vmem_shared>>) dst(%dma_wait3A_547 : memref<128x64xf32, #tpu.memory_space<vmem>>)
      %dma_start3A_554 = arith.constant 0 : i32
      %dma_start3A_555 = arith.constant 0 : i32
      %dma_start3A_556 = arith.constant 6 : i32
      %dma_start3A_557 = arith.constant 0 : i32
      %dma_start3A_558 = arith.constant 0 : i32
      %dma_start3A_559 = tpu.memref_slice %arg11[%dma_start3A_554, %dma_start3A_557, %dma_start3A_558] : memref<2x128x64xf32, #tpu.memory_space<vmem>> -> memref<1x128x64xf32, #tpu.memory_space<vmem>>
      %dma_start3A_560 = tpu.memref_squeeze %dma_start3A_559 : memref<1x128x64xf32, #tpu.memory_space<vmem>> -> memref<128x64xf32, #tpu.memory_space<vmem>>
      %dma_start3A_561 = arith.constant 0 : i32
      %dma_start3A_562 = tpu.memref_slice %arg10[%dma_start3A_555, %dma_start3A_556, %dma_start3A_561] : memref<2x8x128xi32, #tpu.memory_space<vmem>> -> memref<1x1x128xi32, #tpu.memory_space<vmem>>
      %dma_start3A_563 = tpu.memref_squeeze %dma_start3A_562 : memref<1x1x128xi32, #tpu.memory_space<vmem>> -> memref<128xi32, #tpu.memory_space<vmem>>
      %dma_start3A_564 = arith.constant 0 : i32
      %dma_start3A_565 = arith.constant 0 : i32
      %dma_start3A_566 = tpu.memref_slice %arg7[%dma_start3A_564, %dma_start3A_565] : memref<10240x64xf32, #tpu.memory_space<vmem_shared>> -> memref<10240x64xf32, #tpu.memory_space<vmem_shared>>
      tpu.enqueue_indirect_dma source(%dma_start3A_560 : memref<128x64xf32, #tpu.memory_space<vmem>>) target(%dma_start3A_566 : memref<10240x64xf32, #tpu.memory_space<vmem_shared>>) offsets(%dma_start3A_563 : memref<128xi32, #tpu.memory_space<vmem>>) semaphore(%arg20 : memref<!tpu.dma_semaphore, #tpu.memory_space<semaphore_mem>>) {add = true}
      %dma_wait3A_567 = arith.constant 1 : i32
      %dma_wait3A_568 = arith.constant 0 : i32
      %dma_wait3A_569 = arith.constant 5 : i32
      %dma_wait3A_570 = arith.constant 0 : i32
      %dma_wait3A_571 = arith.constant 0 : i32
      %dma_wait3A_572 = tpu.memref_slice %arg11[%dma_wait3A_567, %dma_wait3A_570, %dma_wait3A_571] : memref<2x128x64xf32, #tpu.memory_space<vmem>> -> memref<1x128x64xf32, #tpu.memory_space<vmem>>
      %dma_wait3A_573 = tpu.memref_squeeze %dma_wait3A_572 : memref<1x128x64xf32, #tpu.memory_space<vmem>> -> memref<128x64xf32, #tpu.memory_space<vmem>>
      %dma_wait3A_574 = arith.constant 0 : i32
      %dma_wait3A_575 = tpu.memref_slice %arg10[%dma_wait3A_568, %dma_wait3A_569, %dma_wait3A_574] : memref<2x8x128xi32, #tpu.memory_space<vmem>> -> memref<1x1x128xi32, #tpu.memory_space<vmem>>
      %dma_wait3A_576 = tpu.memref_squeeze %dma_wait3A_575 : memref<1x1x128xi32, #tpu.memory_space<vmem>> -> memref<128xi32, #tpu.memory_space<vmem>>
      %dma_wait3A_577 = arith.constant 0 : i32
      %dma_wait3A_578 = arith.constant 0 : i32
      %dma_wait3A_579 = tpu.memref_slice %arg7[%dma_wait3A_577, %dma_wait3A_578] : memref<10240x64xf32, #tpu.memory_space<vmem_shared>> -> memref<10240x64xf32, #tpu.memory_space<vmem_shared>>
      tpu.wait_indirect_dma semaphore(%arg21 : memref<!tpu.dma_semaphore, #tpu.memory_space<semaphore_mem>>) src(%dma_wait3A_573 : memref<128x64xf32, #tpu.memory_space<vmem>>) dst(%dma_wait3A_579 : memref<10240x64xf32, #tpu.memory_space<vmem_shared>>)
      %dma_start3A_580 = arith.constant 0 : i32
      %dma_start3A_581 = arith.constant 7 : i32
      %dma_start3A_582 = arith.constant 1 : i32
      %dma_start3A_583 = arith.constant 0 : i32
      %dma_start3A_584 = arith.constant 0 : i32
      %dma_start3A_585 = tpu.memref_slice %arg11[%dma_start3A_582, %dma_start3A_583, %dma_start3A_584] : memref<2x128x64xf32, #tpu.memory_space<vmem>> -> memref<1x128x64xf32, #tpu.memory_space<vmem>>
      %dma_start3A_586 = tpu.memref_squeeze %dma_start3A_585 : memref<1x128x64xf32, #tpu.memory_space<vmem>> -> memref<128x64xf32, #tpu.memory_space<vmem>>
      %dma_start3A_587 = arith.constant 0 : i32
      %dma_start3A_588 = tpu.memref_slice %arg9[%dma_start3A_580, %dma_start3A_581, %dma_start3A_587] : memref<2x8x128xi32, #tpu.memory_space<vmem>> -> memref<1x1x128xi32, #tpu.memory_space<vmem>>
      %dma_start3A_589 = tpu.memref_squeeze %dma_start3A_588 : memref<1x1x128xi32, #tpu.memory_space<vmem>> -> memref<128xi32, #tpu.memory_space<vmem>>
      %dma_start3A_590 = arith.constant 0 : i32
      %dma_start3A_591 = arith.constant 0 : i32
      %dma_start3A_592 = tpu.memref_slice %arg6[%dma_start3A_590, %dma_start3A_591] : memref<10240x64xf32, #tpu.memory_space<vmem_shared>> -> memref<10240x64xf32, #tpu.memory_space<vmem_shared>>
      tpu.enqueue_indirect_dma source(%dma_start3A_592 : memref<10240x64xf32, #tpu.memory_space<vmem_shared>>) target(%dma_start3A_586 : memref<128x64xf32, #tpu.memory_space<vmem>>) offsets(%dma_start3A_589 : memref<128xi32, #tpu.memory_space<vmem>>) semaphore(%arg19 : memref<!tpu.dma_semaphore, #tpu.memory_space<semaphore_mem>>)
      %dma_wait3A_593 = arith.constant 0 : i32
      %dma_wait3A_594 = arith.constant 7 : i32
      %dma_wait3A_595 = arith.constant 1 : i32
      %dma_wait3A_596 = arith.constant 0 : i32
      %dma_wait3A_597 = arith.constant 0 : i32
      %dma_wait3A_598 = tpu.memref_slice %arg11[%dma_wait3A_595, %dma_wait3A_596, %dma_wait3A_597] : memref<2x128x64xf32, #tpu.memory_space<vmem>> -> memref<1x128x64xf32, #tpu.memory_space<vmem>>
      %dma_wait3A_599 = tpu.memref_squeeze %dma_wait3A_598 : memref<1x128x64xf32, #tpu.memory_space<vmem>> -> memref<128x64xf32, #tpu.memory_space<vmem>>
      %dma_wait3A_600 = arith.constant 0 : i32
      %dma_wait3A_601 = tpu.memref_slice %arg9[%dma_wait3A_593, %dma_wait3A_594, %dma_wait3A_600] : memref<2x8x128xi32, #tpu.memory_space<vmem>> -> memref<1x1x128xi32, #tpu.memory_space<vmem>>
      %dma_wait3A_602 = tpu.memref_squeeze %dma_wait3A_601 : memref<1x1x128xi32, #tpu.memory_space<vmem>> -> memref<128xi32, #tpu.memory_space<vmem>>
      %dma_wait3A_603 = arith.constant 0 : i32
      %dma_wait3A_604 = arith.constant 0 : i32
      %dma_wait3A_605 = tpu.memref_slice %arg6[%dma_wait3A_603, %dma_wait3A_604] : memref<10240x64xf32, #tpu.memory_space<vmem_shared>> -> memref<10240x64xf32, #tpu.memory_space<vmem_shared>>
      tpu.wait_indirect_dma semaphore(%arg19 : memref<!tpu.dma_semaphore, #tpu.memory_space<semaphore_mem>>) src(%dma_wait3A_605 : memref<10240x64xf32, #tpu.memory_space<vmem_shared>>) dst(%dma_wait3A_599 : memref<128x64xf32, #tpu.memory_space<vmem>>)
      %dma_start3A_606 = arith.constant 1 : i32
      %dma_start3A_607 = arith.constant 0 : i32
      %dma_start3A_608 = arith.constant 7 : i32
      %dma_start3A_609 = arith.constant 0 : i32
      %dma_start3A_610 = arith.constant 0 : i32
      %dma_start3A_611 = tpu.memref_slice %arg11[%dma_start3A_606, %dma_start3A_609, %dma_start3A_610] : memref<2x128x64xf32, #tpu.memory_space<vmem>> -> memref<1x128x64xf32, #tpu.memory_space<vmem>>
      %dma_start3A_612 = tpu.memref_squeeze %dma_start3A_611 : memref<1x128x64xf32, #tpu.memory_space<vmem>> -> memref<128x64xf32, #tpu.memory_space<vmem>>
      %dma_start3A_613 = arith.constant 0 : i32
      %dma_start3A_614 = tpu.memref_slice %arg10[%dma_start3A_607, %dma_start3A_608, %dma_start3A_613] : memref<2x8x128xi32, #tpu.memory_space<vmem>> -> memref<1x1x128xi32, #tpu.memory_space<vmem>>
      %dma_start3A_615 = tpu.memref_squeeze %dma_start3A_614 : memref<1x1x128xi32, #tpu.memory_space<vmem>> -> memref<128xi32, #tpu.memory_space<vmem>>
      %dma_start3A_616 = arith.constant 0 : i32
      %dma_start3A_617 = arith.constant 0 : i32
      %dma_start3A_618 = tpu.memref_slice %arg7[%dma_start3A_616, %dma_start3A_617] : memref<10240x64xf32, #tpu.memory_space<vmem_shared>> -> memref<10240x64xf32, #tpu.memory_space<vmem_shared>>
      tpu.enqueue_indirect_dma source(%dma_start3A_612 : memref<128x64xf32, #tpu.memory_space<vmem>>) target(%dma_start3A_618 : memref<10240x64xf32, #tpu.memory_space<vmem_shared>>) offsets(%dma_start3A_615 : memref<128xi32, #tpu.memory_space<vmem>>) semaphore(%arg21 : memref<!tpu.dma_semaphore, #tpu.memory_space<semaphore_mem>>) {add = true}
      %dma_wait3A_619 = arith.constant 0 : i32
      %dma_wait3A_620 = arith.constant 0 : i32
      %dma_wait3A_621 = arith.constant 6 : i32
      %dma_wait3A_622 = arith.constant 0 : i32
      %dma_wait3A_623 = arith.constant 0 : i32
      %dma_wait3A_624 = tpu.memref_slice %arg11[%dma_wait3A_619, %dma_wait3A_622, %dma_wait3A_623] : memref<2x128x64xf32, #tpu.memory_space<vmem>> -> memref<1x128x64xf32, #tpu.memory_space<vmem>>
      %dma_wait3A_625 = tpu.memref_squeeze %dma_wait3A_624 : memref<1x128x64xf32, #tpu.memory_space<vmem>> -> memref<128x64xf32, #tpu.memory_space<vmem>>
      %dma_wait3A_626 = arith.constant 0 : i32
      %dma_wait3A_627 = tpu.memref_slice %arg10[%dma_wait3A_620, %dma_wait3A_621, %dma_wait3A_626] : memref<2x8x128xi32, #tpu.memory_space<vmem>> -> memref<1x1x128xi32, #tpu.memory_space<vmem>>
      %dma_wait3A_628 = tpu.memref_squeeze %dma_wait3A_627 : memref<1x1x128xi32, #tpu.memory_space<vmem>> -> memref<128xi32, #tpu.memory_space<vmem>>
      %dma_wait3A_629 = arith.constant 0 : i32
      %dma_wait3A_630 = arith.constant 0 : i32
      %dma_wait3A_631 = tpu.memref_slice %arg7[%dma_wait3A_629, %dma_wait3A_630] : memref<10240x64xf32, #tpu.memory_space<vmem_shared>> -> memref<10240x64xf32, #tpu.memory_space<vmem_shared>>
      tpu.wait_indirect_dma semaphore(%arg20 : memref<!tpu.dma_semaphore, #tpu.memory_space<semaphore_mem>>) src(%dma_wait3A_625 : memref<128x64xf32, #tpu.memory_space<vmem>>) dst(%dma_wait3A_631 : memref<10240x64xf32, #tpu.memory_space<vmem_shared>>)
      %dma_wait3A_632 = arith.constant 1 : i32
      %dma_wait3A_633 = arith.constant 0 : i32
      %dma_wait3A_634 = arith.constant 7 : i32
      %dma_wait3A_635 = arith.constant 0 : i32
      %dma_wait3A_636 = arith.constant 0 : i32
      %dma_wait3A_637 = tpu.memref_slice %arg11[%dma_wait3A_632, %dma_wait3A_635, %dma_wait3A_636] : memref<2x128x64xf32, #tpu.memory_space<vmem>> -> memref<1x128x64xf32, #tpu.memory_space<vmem>>
      %dma_wait3A_638 = tpu.memref_squeeze %dma_wait3A_637 : memref<1x128x64xf32, #tpu.memory_space<vmem>> -> memref<128x64xf32, #tpu.memory_space<vmem>>
      %dma_wait3A_639 = arith.constant 0 : i32
      %dma_wait3A_640 = tpu.memref_slice %arg10[%dma_wait3A_633, %dma_wait3A_634, %dma_wait3A_639] : memref<2x8x128xi32, #tpu.memory_space<vmem>> -> memref<1x1x128xi32, #tpu.memory_space<vmem>>
      %dma_wait3A_641 = tpu.memref_squeeze %dma_wait3A_640 : memref<1x1x128xi32, #tpu.memory_space<vmem>> -> memref<128xi32, #tpu.memory_space<vmem>>
      %dma_wait3A_642 = arith.constant 0 : i32
      %dma_wait3A_643 = arith.constant 0 : i32
      %dma_wait3A_644 = tpu.memref_slice %arg7[%dma_wait3A_642, %dma_wait3A_643] : memref<10240x64xf32, #tpu.memory_space<vmem_shared>> -> memref<10240x64xf32, #tpu.memory_space<vmem_shared>>
      tpu.wait_indirect_dma semaphore(%arg21 : memref<!tpu.dma_semaphore, #tpu.memory_space<semaphore_mem>>) src(%dma_wait3A_638 : memref<128x64xf32, #tpu.memory_space<vmem>>) dst(%dma_wait3A_644 : memref<10240x64xf32, #tpu.memory_space<vmem_shared>>)
      %dma_wait3A_645 = arith.constant 1 : i32
      %dma_wait3A_646 = arith.constant 0 : i32
      %dma_wait3A_647 = arith.constant 0 : i32
      %dma_wait3A_648 = tpu.memref_slice %arg9[%dma_wait3A_645, %dma_wait3A_646, %dma_wait3A_647] : memref<2x8x128xi32, #tpu.memory_space<vmem>> -> memref<1x8x128xi32, #tpu.memory_space<vmem>>
      %dma_wait3A_649 = tpu.memref_squeeze %dma_wait3A_648 : memref<1x8x128xi32, #tpu.memory_space<vmem>> -> memref<8x128xi32, #tpu.memory_space<vmem>>
      %dma_wait3A_650 = arith.constant 0 : i32
      %dma_wait3A_651 = arith.constant 0 : i32
      %dma_wait3A_652 = tpu.memref_slice %arg4[%arg1, %dma_wait3A_650, %dma_wait3A_651] : memref<16x160x128xi32, #tpu.memory_space<hbm>> -> memref<1x8x128xi32, #tpu.memory_space<hbm>>
      %dma_wait3A_653 = tpu.memref_squeeze %dma_wait3A_652 : memref<1x8x128xi32, #tpu.memory_space<hbm>> -> memref<8x128xi32, #tpu.memory_space<hbm>>
      %dma_wait3A_654 = arith.constant 0 : i32
      %dma_wait3A_655 = arith.constant 0 : i32
      %dma_wait3A_656 = tpu.memref_slice %arg9[%dma_wait3A_645, %dma_wait3A_654, %dma_wait3A_655] : memref<2x8x128xi32, #tpu.memory_space<vmem>> -> memref<1x8x128xi32, #tpu.memory_space<vmem>>
      %dma_wait3A_657 = tpu.memref_squeeze %dma_wait3A_656 : memref<1x8x128xi32, #tpu.memory_space<vmem>> -> memref<8x128xi32, #tpu.memory_space<vmem>>
      %dma_wait3A_658 = arith.constant 0 : i32
      %dma_wait3A_659 = arith.constant 0 : i32
      %dma_wait3A_660 = tpu.memref_slice %arg4[%arg1, %dma_wait3A_658, %dma_wait3A_659] : memref<16x160x128xi32, #tpu.memory_space<hbm>> -> memref<1x8x128xi32, #tpu.memory_space<hbm>>
      %dma_wait3A_661 = tpu.memref_squeeze %dma_wait3A_660 : memref<1x8x128xi32, #tpu.memory_space<hbm>> -> memref<8x128xi32, #tpu.memory_space<hbm>>
      tpu.wait_dma2 semaphore(%arg23 : memref<!tpu.dma_semaphore, #tpu.memory_space<semaphore_mem>>) src(%dma_wait3A_661 : memref<8x128xi32, #tpu.memory_space<hbm>>) dst(%dma_wait3A_657 : memref<8x128xi32, #tpu.memory_space<vmem>>)
      %dma_wait3A_662 = arith.constant 1 : i32
      %dma_wait3A_663 = arith.constant 0 : i32
      %dma_wait3A_664 = arith.constant 0 : i32
      %dma_wait3A_665 = tpu.memref_slice %arg10[%dma_wait3A_662, %dma_wait3A_663, %dma_wait3A_664] : memref<2x8x128xi32, #tpu.memory_space<vmem>> -> memref<1x8x128xi32, #tpu.memory_space<vmem>>
      %dma_wait3A_666 = tpu.memref_squeeze %dma_wait3A_665 : memref<1x8x128xi32, #tpu.memory_space<vmem>> -> memref<8x128xi32, #tpu.memory_space<vmem>>
      %dma_wait3A_667 = arith.constant 0 : i32
      %dma_wait3A_668 = arith.constant 0 : i32
      %dma_wait3A_669 = tpu.memref_slice %arg4[%arg1, %dma_wait3A_667, %dma_wait3A_668] : memref<16x160x128xi32, #tpu.memory_space<hbm>> -> memref<1x8x128xi32, #tpu.memory_space<hbm>>
      %dma_wait3A_670 = tpu.memref_squeeze %dma_wait3A_669 : memref<1x8x128xi32, #tpu.memory_space<hbm>> -> memref<8x128xi32, #tpu.memory_space<hbm>>
      %dma_wait3A_671 = arith.constant 0 : i32
      %dma_wait3A_672 = arith.constant 0 : i32
      %dma_wait3A_673 = tpu.memref_slice %arg10[%dma_wait3A_662, %dma_wait3A_671, %dma_wait3A_672] : memref<2x8x128xi32, #tpu.memory_space<vmem>> -> memref<1x8x128xi32, #tpu.memory_space<vmem>>
      %dma_wait3A_674 = tpu.memref_squeeze %dma_wait3A_673 : memref<1x8x128xi32, #tpu.memory_space<vmem>> -> memref<8x128xi32, #tpu.memory_space<vmem>>
      %dma_wait3A_675 = arith.constant 0 : i32
      %dma_wait3A_676 = arith.constant 0 : i32
      %dma_wait3A_677 = tpu.memref_slice %arg4[%arg1, %dma_wait3A_675, %dma_wait3A_676] : memref<16x160x128xi32, #tpu.memory_space<hbm>> -> memref<1x8x128xi32, #tpu.memory_space<hbm>>
      %dma_wait3A_678 = tpu.memref_squeeze %dma_wait3A_677 : memref<1x8x128xi32, #tpu.memory_space<hbm>> -> memref<8x128xi32, #tpu.memory_space<hbm>>
      tpu.wait_dma2 semaphore(%arg23 : memref<!tpu.dma_semaphore, #tpu.memory_space<semaphore_mem>>) src(%dma_wait3A_678 : memref<8x128xi32, #tpu.memory_space<hbm>>) dst(%dma_wait3A_674 : memref<8x128xi32, #tpu.memory_space<vmem>>)
      %add3A_679 = arith.constant 1 : i32
      %add3A_680 = arith.addi %scan3A_157, %add3A_679 : i32
      %lt3A = arith.constant 10 : i32
      %lt3A_681 = arith.cmpi slt, %add3A_680, %lt3A : i32
      %convert_element_type3A = arith.extui %lt3A_681 : i1 to i32
      %cond3A = arith.constant 0 : i32
      %cond3A_682 = arith.cmpi ne, %convert_element_type3A, %cond3A : i32
      scf.if %cond3A_682 {
        %add3A_1100 = arith.constant 2 : i32
        %add3A_1101 = arith.addi %mul3A_160, %add3A_1100 : i32
        %mul3A_1102 = arith.constant 8 : i32
        %mul3A_1103 = arith.muli %add3A_1101, %mul3A_1102 : i32
        %dma_start3A_1104 = arith.constant 0 : i32
        %dma_start3A_1105 = arith.constant 0 : i32
        %dma_start3A_1106 = arith.constant 0 : i32
        %dma_start3A_1107 = tpu.memref_slice %arg9[%dma_start3A_1104, %dma_start3A_1105, %dma_start3A_1106] : memref<2x8x128xi32, #tpu.memory_space<vmem>> -> memref<1x8x128xi32, #tpu.memory_space<vmem>>
        %dma_start3A_1108 = tpu.memref_squeeze %dma_start3A_1107 : memref<1x8x128xi32, #tpu.memory_space<vmem>> -> memref<8x128xi32, #tpu.memory_space<vmem>>
        %dma_start3A_1109 = arith.constant 0 : i32
        %dma_start3A_1110 = tpu.memref_slice %arg4[%arg1, %mul3A_1103, %dma_start3A_1109] : memref<16x160x128xi32, #tpu.memory_space<hbm>> -> memref<1x8x128xi32, #tpu.memory_space<hbm>>
        %dma_start3A_1111 = tpu.memref_squeeze %dma_start3A_1110 : memref<1x8x128xi32, #tpu.memory_space<hbm>> -> memref<8x128xi32, #tpu.memory_space<hbm>>
        %dma_start3A_1112 = arith.constant 0 : i32
        %dma_start3A_1113 = arith.constant 0 : i32
        %dma_start3A_1114 = tpu.memref_slice %arg9[%dma_start3A_1104, %dma_start3A_1112, %dma_start3A_1113] : memref<2x8x128xi32, #tpu.memory_space<vmem>> -> memref<1x8x128xi32, #tpu.memory_space<vmem>>
        %dma_start3A_1115 = tpu.memref_squeeze %dma_start3A_1114 : memref<1x8x128xi32, #tpu.memory_space<vmem>> -> memref<8x128xi32, #tpu.memory_space<vmem>>
        %dma_start3A_1116 = arith.constant 0 : i32
        %dma_start3A_1117 = tpu.memref_slice %arg4[%arg1, %mul3A_1103, %dma_start3A_1116] : memref<16x160x128xi32, #tpu.memory_space<hbm>> -> memref<1x8x128xi32, #tpu.memory_space<hbm>>
        %dma_start3A_1118 = tpu.memref_squeeze %dma_start3A_1117 : memref<1x8x128xi32, #tpu.memory_space<hbm>> -> memref<8x128xi32, #tpu.memory_space<hbm>>
        tpu.enqueue_dma source(%dma_start3A_1118 : memref<8x128xi32, #tpu.memory_space<hbm>>) target(%dma_start3A_1115 : memref<8x128xi32, #tpu.memory_space<vmem>>) target_semaphore(%arg23 : memref<!tpu.dma_semaphore, #tpu.memory_space<semaphore_mem>>)
        %mul3A_1119 = arith.constant 8 : i32
        %mul3A_1120 = arith.muli %add3A_1101, %mul3A_1119 : i32
        %dma_start3A_1121 = arith.constant 0 : i32
        %dma_start3A_1122 = arith.constant 0 : i32
        %dma_start3A_1123 = arith.constant 0 : i32
        %dma_start3A_1124 = tpu.memref_slice %arg10[%dma_start3A_1121, %dma_start3A_1122, %dma_start3A_1123] : memref<2x8x128xi32, #tpu.memory_space<vmem>> -> memref<1x8x128xi32, #tpu.memory_space<vmem>>
        %dma_start3A_1125 = tpu.memref_squeeze %dma_start3A_1124 : memref<1x8x128xi32, #tpu.memory_space<vmem>> -> memref<8x128xi32, #tpu.memory_space<vmem>>
        %dma_start3A_1126 = arith.constant 0 : i32
        %dma_start3A_1127 = tpu.memref_slice %arg3[%arg1, %mul3A_1120, %dma_start3A_1126] : memref<16x160x128xi32, #tpu.memory_space<hbm>> -> memref<1x8x128xi32, #tpu.memory_space<hbm>>
        %dma_start3A_1128 = tpu.memref_squeeze %dma_start3A_1127 : memref<1x8x128xi32, #tpu.memory_space<hbm>> -> memref<8x128xi32, #tpu.memory_space<hbm>>
        %dma_start3A_1129 = arith.constant 0 : i32
        %dma_start3A_1130 = arith.constant 0 : i32
        %dma_start3A_1131 = tpu.memref_slice %arg10[%dma_start3A_1121, %dma_start3A_1129, %dma_start3A_1130] : memref<2x8x128xi32, #tpu.memory_space<vmem>> -> memref<1x8x128xi32, #tpu.memory_space<vmem>>
        %dma_start3A_1132 = tpu.memref_squeeze %dma_start3A_1131 : memref<1x8x128xi32, #tpu.memory_space<vmem>> -> memref<8x128xi32, #tpu.memory_space<vmem>>
        %dma_start3A_1133 = arith.constant 0 : i32
        %dma_start3A_1134 = tpu.memref_slice %arg3[%arg1, %mul3A_1120, %dma_start3A_1133] : memref<16x160x128xi32, #tpu.memory_space<hbm>> -> memref<1x8x128xi32, #tpu.memory_space<hbm>>
        %dma_start3A_1135 = tpu.memref_squeeze %dma_start3A_1134 : memref<1x8x128xi32, #tpu.memory_space<hbm>> -> memref<8x128xi32, #tpu.memory_space<hbm>>
        tpu.enqueue_dma source(%dma_start3A_1135 : memref<8x128xi32, #tpu.memory_space<hbm>>) target(%dma_start3A_1132 : memref<8x128xi32, #tpu.memory_space<vmem>>) target_semaphore(%arg23 : memref<!tpu.dma_semaphore, #tpu.memory_space<semaphore_mem>>)
      } else {
      }
      %dma_start3A_683 = arith.constant 1 : i32
      %dma_start3A_684 = arith.constant 0 : i32
      %dma_start3A_685 = arith.constant 0 : i32
      %dma_start3A_686 = arith.constant 0 : i32
      %dma_start3A_687 = arith.constant 0 : i32
      %dma_start3A_688 = tpu.memref_slice %arg11[%dma_start3A_685, %dma_start3A_686, %dma_start3A_687] : memref<2x128x64xf32, #tpu.memory_space<vmem>> -> memref<1x128x64xf32, #tpu.memory_space<vmem>>
      %dma_start3A_689 = tpu.memref_squeeze %dma_start3A_688 : memref<1x128x64xf32, #tpu.memory_space<vmem>> -> memref<128x64xf32, #tpu.memory_space<vmem>>
      %dma_start3A_690 = arith.constant 0 : i32
      %dma_start3A_691 = tpu.memref_slice %arg9[%dma_start3A_683, %dma_start3A_684, %dma_start3A_690] : memref<2x8x128xi32, #tpu.memory_space<vmem>> -> memref<1x1x128xi32, #tpu.memory_space<vmem>>
      %dma_start3A_692 = tpu.memref_squeeze %dma_start3A_691 : memref<1x1x128xi32, #tpu.memory_space<vmem>> -> memref<128xi32, #tpu.memory_space<vmem>>
      %dma_start3A_693 = arith.constant 0 : i32
      %dma_start3A_694 = arith.constant 0 : i32
      %dma_start3A_695 = tpu.memref_slice %arg6[%dma_start3A_693, %dma_start3A_694] : memref<10240x64xf32, #tpu.memory_space<vmem_shared>> -> memref<10240x64xf32, #tpu.memory_space<vmem_shared>>
      tpu.enqueue_indirect_dma source(%dma_start3A_695 : memref<10240x64xf32, #tpu.memory_space<vmem_shared>>) target(%dma_start3A_689 : memref<128x64xf32, #tpu.memory_space<vmem>>) offsets(%dma_start3A_692 : memref<128xi32, #tpu.memory_space<vmem>>) semaphore(%arg18 : memref<!tpu.dma_semaphore, #tpu.memory_space<semaphore_mem>>)
      %dma_wait3A_696 = arith.constant 1 : i32
      %dma_wait3A_697 = arith.constant 0 : i32
      %dma_wait3A_698 = arith.constant 0 : i32
      %dma_wait3A_699 = arith.constant 0 : i32
      %dma_wait3A_700 = arith.constant 0 : i32
      %dma_wait3A_701 = tpu.memref_slice %arg11[%dma_wait3A_698, %dma_wait3A_699, %dma_wait3A_700] : memref<2x128x64xf32, #tpu.memory_space<vmem>> -> memref<1x128x64xf32, #tpu.memory_space<vmem>>
      %dma_wait3A_702 = tpu.memref_squeeze %dma_wait3A_701 : memref<1x128x64xf32, #tpu.memory_space<vmem>> -> memref<128x64xf32, #tpu.memory_space<vmem>>
      %dma_wait3A_703 = arith.constant 0 : i32
      %dma_wait3A_704 = tpu.memref_slice %arg9[%dma_wait3A_696, %dma_wait3A_697, %dma_wait3A_703] : memref<2x8x128xi32, #tpu.memory_space<vmem>> -> memref<1x1x128xi32, #tpu.memory_space<vmem>>
      %dma_wait3A_705 = tpu.memref_squeeze %dma_wait3A_704 : memref<1x1x128xi32, #tpu.memory_space<vmem>> -> memref<128xi32, #tpu.memory_space<vmem>>
      %dma_wait3A_706 = arith.constant 0 : i32
      %dma_wait3A_707 = arith.constant 0 : i32
      %dma_wait3A_708 = tpu.memref_slice %arg6[%dma_wait3A_706, %dma_wait3A_707] : memref<10240x64xf32, #tpu.memory_space<vmem_shared>> -> memref<10240x64xf32, #tpu.memory_space<vmem_shared>>
      tpu.wait_indirect_dma semaphore(%arg18 : memref<!tpu.dma_semaphore, #tpu.memory_space<semaphore_mem>>) src(%dma_wait3A_708 : memref<10240x64xf32, #tpu.memory_space<vmem_shared>>) dst(%dma_wait3A_702 : memref<128x64xf32, #tpu.memory_space<vmem>>)
      %dma_start3A_709 = arith.constant 0 : i32
      %dma_start3A_710 = arith.constant 1 : i32
      %dma_start3A_711 = arith.constant 0 : i32
      %dma_start3A_712 = arith.constant 0 : i32
      %dma_start3A_713 = arith.constant 0 : i32
      %dma_start3A_714 = tpu.memref_slice %arg11[%dma_start3A_709, %dma_start3A_712, %dma_start3A_713] : memref<2x128x64xf32, #tpu.memory_space<vmem>> -> memref<1x128x64xf32, #tpu.memory_space<vmem>>
      %dma_start3A_715 = tpu.memref_squeeze %dma_start3A_714 : memref<1x128x64xf32, #tpu.memory_space<vmem>> -> memref<128x64xf32, #tpu.memory_space<vmem>>
      %dma_start3A_716 = arith.constant 0 : i32
      %dma_start3A_717 = tpu.memref_slice %arg10[%dma_start3A_710, %dma_start3A_711, %dma_start3A_716] : memref<2x8x128xi32, #tpu.memory_space<vmem>> -> memref<1x1x128xi32, #tpu.memory_space<vmem>>
      %dma_start3A_718 = tpu.memref_squeeze %dma_start3A_717 : memref<1x1x128xi32, #tpu.memory_space<vmem>> -> memref<128xi32, #tpu.memory_space<vmem>>
      %dma_start3A_719 = arith.constant 0 : i32
      %dma_start3A_720 = arith.constant 0 : i32
      %dma_start3A_721 = tpu.memref_slice %arg7[%dma_start3A_719, %dma_start3A_720] : memref<10240x64xf32, #tpu.memory_space<vmem_shared>> -> memref<10240x64xf32, #tpu.memory_space<vmem_shared>>
      tpu.enqueue_indirect_dma source(%dma_start3A_715 : memref<128x64xf32, #tpu.memory_space<vmem>>) target(%dma_start3A_721 : memref<10240x64xf32, #tpu.memory_space<vmem_shared>>) offsets(%dma_start3A_718 : memref<128xi32, #tpu.memory_space<vmem>>) semaphore(%arg20 : memref<!tpu.dma_semaphore, #tpu.memory_space<semaphore_mem>>) {add = true}
      %dma_start3A_722 = arith.constant 1 : i32
      %dma_start3A_723 = arith.constant 1 : i32
      %dma_start3A_724 = arith.constant 1 : i32
      %dma_start3A_725 = arith.constant 0 : i32
      %dma_start3A_726 = arith.constant 0 : i32
      %dma_start3A_727 = tpu.memref_slice %arg11[%dma_start3A_724, %dma_start3A_725, %dma_start3A_726] : memref<2x128x64xf32, #tpu.memory_space<vmem>> -> memref<1x128x64xf32, #tpu.memory_space<vmem>>
      %dma_start3A_728 = tpu.memref_squeeze %dma_start3A_727 : memref<1x128x64xf32, #tpu.memory_space<vmem>> -> memref<128x64xf32, #tpu.memory_space<vmem>>
      %dma_start3A_729 = arith.constant 0 : i32
      %dma_start3A_730 = tpu.memref_slice %arg9[%dma_start3A_722, %dma_start3A_723, %dma_start3A_729] : memref<2x8x128xi32, #tpu.memory_space<vmem>> -> memref<1x1x128xi32, #tpu.memory_space<vmem>>
      %dma_start3A_731 = tpu.memref_squeeze %dma_start3A_730 : memref<1x1x128xi32, #tpu.memory_space<vmem>> -> memref<128xi32, #tpu.memory_space<vmem>>
      %dma_start3A_732 = arith.constant 0 : i32
      %dma_start3A_733 = arith.constant 0 : i32
      %dma_start3A_734 = tpu.memref_slice %arg6[%dma_start3A_732, %dma_start3A_733] : memref<10240x64xf32, #tpu.memory_space<vmem_shared>> -> memref<10240x64xf32, #tpu.memory_space<vmem_shared>>
      tpu.enqueue_indirect_dma source(%dma_start3A_734 : memref<10240x64xf32, #tpu.memory_space<vmem_shared>>) target(%dma_start3A_728 : memref<128x64xf32, #tpu.memory_space<vmem>>) offsets(%dma_start3A_731 : memref<128xi32, #tpu.memory_space<vmem>>) semaphore(%arg19 : memref<!tpu.dma_semaphore, #tpu.memory_space<semaphore_mem>>)
      %dma_wait3A_735 = arith.constant 1 : i32
      %dma_wait3A_736 = arith.constant 1 : i32
      %dma_wait3A_737 = arith.constant 1 : i32
      %dma_wait3A_738 = arith.constant 0 : i32
      %dma_wait3A_739 = arith.constant 0 : i32
      %dma_wait3A_740 = tpu.memref_slice %arg11[%dma_wait3A_737, %dma_wait3A_738, %dma_wait3A_739] : memref<2x128x64xf32, #tpu.memory_space<vmem>> -> memref<1x128x64xf32, #tpu.memory_space<vmem>>
      %dma_wait3A_741 = tpu.memref_squeeze %dma_wait3A_740 : memref<1x128x64xf32, #tpu.memory_space<vmem>> -> memref<128x64xf32, #tpu.memory_space<vmem>>
      %dma_wait3A_742 = arith.constant 0 : i32
      %dma_wait3A_743 = tpu.memref_slice %arg9[%dma_wait3A_735, %dma_wait3A_736, %dma_wait3A_742] : memref<2x8x128xi32, #tpu.memory_space<vmem>> -> memref<1x1x128xi32, #tpu.memory_space<vmem>>
      %dma_wait3A_744 = tpu.memref_squeeze %dma_wait3A_743 : memref<1x1x128xi32, #tpu.memory_space<vmem>> -> memref<128xi32, #tpu.memory_space<vmem>>
      %dma_wait3A_745 = arith.constant 0 : i32
      %dma_wait3A_746 = arith.constant 0 : i32
      %dma_wait3A_747 = tpu.memref_slice %arg6[%dma_wait3A_745, %dma_wait3A_746] : memref<10240x64xf32, #tpu.memory_space<vmem_shared>> -> memref<10240x64xf32, #tpu.memory_space<vmem_shared>>
      tpu.wait_indirect_dma semaphore(%arg19 : memref<!tpu.dma_semaphore, #tpu.memory_space<semaphore_mem>>) src(%dma_wait3A_747 : memref<10240x64xf32, #tpu.memory_space<vmem_shared>>) dst(%dma_wait3A_741 : memref<128x64xf32, #tpu.memory_space<vmem>>)
      %dma_start3A_748 = arith.constant 1 : i32
      %dma_start3A_749 = arith.constant 1 : i32
      %dma_start3A_750 = arith.constant 1 : i32
      %dma_start3A_751 = arith.constant 0 : i32
      %dma_start3A_752 = arith.constant 0 : i32
      %dma_start3A_753 = tpu.memref_slice %arg11[%dma_start3A_748, %dma_start3A_751, %dma_start3A_752] : memref<2x128x64xf32, #tpu.memory_space<vmem>> -> memref<1x128x64xf32, #tpu.memory_space<vmem>>
      %dma_start3A_754 = tpu.memref_squeeze %dma_start3A_753 : memref<1x128x64xf32, #tpu.memory_space<vmem>> -> memref<128x64xf32, #tpu.memory_space<vmem>>
      %dma_start3A_755 = arith.constant 0 : i32
      %dma_start3A_756 = tpu.memref_slice %arg10[%dma_start3A_749, %dma_start3A_750, %dma_start3A_755] : memref<2x8x128xi32, #tpu.memory_space<vmem>> -> memref<1x1x128xi32, #tpu.memory_space<vmem>>
      %dma_start3A_757 = tpu.memref_squeeze %dma_start3A_756 : memref<1x1x128xi32, #tpu.memory_space<vmem>> -> memref<128xi32, #tpu.memory_space<vmem>>
      %dma_start3A_758 = arith.constant 0 : i32
      %dma_start3A_759 = arith.constant 0 : i32
      %dma_start3A_760 = tpu.memref_slice %arg7[%dma_start3A_758, %dma_start3A_759] : memref<10240x64xf32, #tpu.memory_space<vmem_shared>> -> memref<10240x64xf32, #tpu.memory_space<vmem_shared>>
      tpu.enqueue_indirect_dma source(%dma_start3A_754 : memref<128x64xf32, #tpu.memory_space<vmem>>) target(%dma_start3A_760 : memref<10240x64xf32, #tpu.memory_space<vmem_shared>>) offsets(%dma_start3A_757 : memref<128xi32, #tpu.memory_space<vmem>>) semaphore(%arg21 : memref<!tpu.dma_semaphore, #tpu.memory_space<semaphore_mem>>) {add = true}
      %dma_wait3A_761 = arith.constant 0 : i32
      %dma_wait3A_762 = arith.constant 1 : i32
      %dma_wait3A_763 = arith.constant 0 : i32
      %dma_wait3A_764 = arith.constant 0 : i32
      %dma_wait3A_765 = arith.constant 0 : i32
      %dma_wait3A_766 = tpu.memref_slice %arg11[%dma_wait3A_761, %dma_wait3A_764, %dma_wait3A_765] : memref<2x128x64xf32, #tpu.memory_space<vmem>> -> memref<1x128x64xf32, #tpu.memory_space<vmem>>
      %dma_wait3A_767 = tpu.memref_squeeze %dma_wait3A_766 : memref<1x128x64xf32, #tpu.memory_space<vmem>> -> memref<128x64xf32, #tpu.memory_space<vmem>>
      %dma_wait3A_768 = arith.constant 0 : i32
      %dma_wait3A_769 = tpu.memref_slice %arg10[%dma_wait3A_762, %dma_wait3A_763, %dma_wait3A_768] : memref<2x8x128xi32, #tpu.memory_space<vmem>> -> memref<1x1x128xi32, #tpu.memory_space<vmem>>
      %dma_wait3A_770 = tpu.memref_squeeze %dma_wait3A_769 : memref<1x1x128xi32, #tpu.memory_space<vmem>> -> memref<128xi32, #tpu.memory_space<vmem>>
      %dma_wait3A_771 = arith.constant 0 : i32
      %dma_wait3A_772 = arith.constant 0 : i32
      %dma_wait3A_773 = tpu.memref_slice %arg7[%dma_wait3A_771, %dma_wait3A_772] : memref<10240x64xf32, #tpu.memory_space<vmem_shared>> -> memref<10240x64xf32, #tpu.memory_space<vmem_shared>>
      tpu.wait_indirect_dma semaphore(%arg20 : memref<!tpu.dma_semaphore, #tpu.memory_space<semaphore_mem>>) src(%dma_wait3A_767 : memref<128x64xf32, #tpu.memory_space<vmem>>) dst(%dma_wait3A_773 : memref<10240x64xf32, #tpu.memory_space<vmem_shared>>)
      %dma_start3A_774 = arith.constant 1 : i32
      %dma_start3A_775 = arith.constant 2 : i32
      %dma_start3A_776 = arith.constant 0 : i32
      %dma_start3A_777 = arith.constant 0 : i32
      %dma_start3A_778 = arith.constant 0 : i32
      %dma_start3A_779 = tpu.memref_slice %arg11[%dma_start3A_776, %dma_start3A_777, %dma_start3A_778] : memref<2x128x64xf32, #tpu.memory_space<vmem>> -> memref<1x128x64xf32, #tpu.memory_space<vmem>>
      %dma_start3A_780 = tpu.memref_squeeze %dma_start3A_779 : memref<1x128x64xf32, #tpu.memory_space<vmem>> -> memref<128x64xf32, #tpu.memory_space<vmem>>
      %dma_start3A_781 = arith.constant 0 : i32
      %dma_start3A_782 = tpu.memref_slice %arg9[%dma_start3A_774, %dma_start3A_775, %dma_start3A_781] : memref<2x8x128xi32, #tpu.memory_space<vmem>> -> memref<1x1x128xi32, #tpu.memory_space<vmem>>
      %dma_start3A_783 = tpu.memref_squeeze %dma_start3A_782 : memref<1x1x128xi32, #tpu.memory_space<vmem>> -> memref<128xi32, #tpu.memory_space<vmem>>
      %dma_start3A_784 = arith.constant 0 : i32
      %dma_start3A_785 = arith.constant 0 : i32
      %dma_start3A_786 = tpu.memref_slice %arg6[%dma_start3A_784, %dma_start3A_785] : memref<10240x64xf32, #tpu.memory_space<vmem_shared>> -> memref<10240x64xf32, #tpu.memory_space<vmem_shared>>
      tpu.enqueue_indirect_dma source(%dma_start3A_786 : memref<10240x64xf32, #tpu.memory_space<vmem_shared>>) target(%dma_start3A_780 : memref<128x64xf32, #tpu.memory_space<vmem>>) offsets(%dma_start3A_783 : memref<128xi32, #tpu.memory_space<vmem>>) semaphore(%arg18 : memref<!tpu.dma_semaphore, #tpu.memory_space<semaphore_mem>>)
      %dma_wait3A_787 = arith.constant 1 : i32
      %dma_wait3A_788 = arith.constant 2 : i32
      %dma_wait3A_789 = arith.constant 0 : i32
      %dma_wait3A_790 = arith.constant 0 : i32
      %dma_wait3A_791 = arith.constant 0 : i32
      %dma_wait3A_792 = tpu.memref_slice %arg11[%dma_wait3A_789, %dma_wait3A_790, %dma_wait3A_791] : memref<2x128x64xf32, #tpu.memory_space<vmem>> -> memref<1x128x64xf32, #tpu.memory_space<vmem>>
      %dma_wait3A_793 = tpu.memref_squeeze %dma_wait3A_792 : memref<1x128x64xf32, #tpu.memory_space<vmem>> -> memref<128x64xf32, #tpu.memory_space<vmem>>
      %dma_wait3A_794 = arith.constant 0 : i32
      %dma_wait3A_795 = tpu.memref_slice %arg9[%dma_wait3A_787, %dma_wait3A_788, %dma_wait3A_794] : memref<2x8x128xi32, #tpu.memory_space<vmem>> -> memref<1x1x128xi32, #tpu.memory_space<vmem>>
      %dma_wait3A_796 = tpu.memref_squeeze %dma_wait3A_795 : memref<1x1x128xi32, #tpu.memory_space<vmem>> -> memref<128xi32, #tpu.memory_space<vmem>>
      %dma_wait3A_797 = arith.constant 0 : i32
      %dma_wait3A_798 = arith.constant 0 : i32
      %dma_wait3A_799 = tpu.memref_slice %arg6[%dma_wait3A_797, %dma_wait3A_798] : memref<10240x64xf32, #tpu.memory_space<vmem_shared>> -> memref<10240x64xf32, #tpu.memory_space<vmem_shared>>
      tpu.wait_indirect_dma semaphore(%arg18 : memref<!tpu.dma_semaphore, #tpu.memory_space<semaphore_mem>>) src(%dma_wait3A_799 : memref<10240x64xf32, #tpu.memory_space<vmem_shared>>) dst(%dma_wait3A_793 : memref<128x64xf32, #tpu.memory_space<vmem>>)
      %dma_start3A_800 = arith.constant 0 : i32
      %dma_start3A_801 = arith.constant 1 : i32
      %dma_start3A_802 = arith.constant 2 : i32
      %dma_start3A_803 = arith.constant 0 : i32
      %dma_start3A_804 = arith.constant 0 : i32
      %dma_start3A_805 = tpu.memref_slice %arg11[%dma_start3A_800, %dma_start3A_803, %dma_start3A_804] : memref<2x128x64xf32, #tpu.memory_space<vmem>> -> memref<1x128x64xf32, #tpu.memory_space<vmem>>
      %dma_start3A_806 = tpu.memref_squeeze %dma_start3A_805 : memref<1x128x64xf32, #tpu.memory_space<vmem>> -> memref<128x64xf32, #tpu.memory_space<vmem>>
      %dma_start3A_807 = arith.constant 0 : i32
      %dma_start3A_808 = tpu.memref_slice %arg10[%dma_start3A_801, %dma_start3A_802, %dma_start3A_807] : memref<2x8x128xi32, #tpu.memory_space<vmem>> -> memref<1x1x128xi32, #tpu.memory_space<vmem>>
      %dma_start3A_809 = tpu.memref_squeeze %dma_start3A_808 : memref<1x1x128xi32, #tpu.memory_space<vmem>> -> memref<128xi32, #tpu.memory_space<vmem>>
      %dma_start3A_810 = arith.constant 0 : i32
      %dma_start3A_811 = arith.constant 0 : i32
      %dma_start3A_812 = tpu.memref_slice %arg7[%dma_start3A_810, %dma_start3A_811] : memref<10240x64xf32, #tpu.memory_space<vmem_shared>> -> memref<10240x64xf32, #tpu.memory_space<vmem_shared>>
      tpu.enqueue_indirect_dma source(%dma_start3A_806 : memref<128x64xf32, #tpu.memory_space<vmem>>) target(%dma_start3A_812 : memref<10240x64xf32, #tpu.memory_space<vmem_shared>>) offsets(%dma_start3A_809 : memref<128xi32, #tpu.memory_space<vmem>>) semaphore(%arg20 : memref<!tpu.dma_semaphore, #tpu.memory_space<semaphore_mem>>) {add = true}
      %dma_wait3A_813 = arith.constant 1 : i32
      %dma_wait3A_814 = arith.constant 1 : i32
      %dma_wait3A_815 = arith.constant 1 : i32
      %dma_wait3A_816 = arith.constant 0 : i32
      %dma_wait3A_817 = arith.constant 0 : i32
      %dma_wait3A_818 = tpu.memref_slice %arg11[%dma_wait3A_813, %dma_wait3A_816, %dma_wait3A_817] : memref<2x128x64xf32, #tpu.memory_space<vmem>> -> memref<1x128x64xf32, #tpu.memory_space<vmem>>
      %dma_wait3A_819 = tpu.memref_squeeze %dma_wait3A_818 : memref<1x128x64xf32, #tpu.memory_space<vmem>> -> memref<128x64xf32, #tpu.memory_space<vmem>>
      %dma_wait3A_820 = arith.constant 0 : i32
      %dma_wait3A_821 = tpu.memref_slice %arg10[%dma_wait3A_814, %dma_wait3A_815, %dma_wait3A_820] : memref<2x8x128xi32, #tpu.memory_space<vmem>> -> memref<1x1x128xi32, #tpu.memory_space<vmem>>
      %dma_wait3A_822 = tpu.memref_squeeze %dma_wait3A_821 : memref<1x1x128xi32, #tpu.memory_space<vmem>> -> memref<128xi32, #tpu.memory_space<vmem>>
      %dma_wait3A_823 = arith.constant 0 : i32
      %dma_wait3A_824 = arith.constant 0 : i32
      %dma_wait3A_825 = tpu.memref_slice %arg7[%dma_wait3A_823, %dma_wait3A_824] : memref<10240x64xf32, #tpu.memory_space<vmem_shared>> -> memref<10240x64xf32, #tpu.memory_space<vmem_shared>>
      tpu.wait_indirect_dma semaphore(%arg21 : memref<!tpu.dma_semaphore, #tpu.memory_space<semaphore_mem>>) src(%dma_wait3A_819 : memref<128x64xf32, #tpu.memory_space<vmem>>) dst(%dma_wait3A_825 : memref<10240x64xf32, #tpu.memory_space<vmem_shared>>)
      %dma_start3A_826 = arith.constant 1 : i32
      %dma_start3A_827 = arith.constant 3 : i32
      %dma_start3A_828 = arith.constant 1 : i32
      %dma_start3A_829 = arith.constant 0 : i32
      %dma_start3A_830 = arith.constant 0 : i32
      %dma_start3A_831 = tpu.memref_slice %arg11[%dma_start3A_828, %dma_start3A_829, %dma_start3A_830] : memref<2x128x64xf32, #tpu.memory_space<vmem>> -> memref<1x128x64xf32, #tpu.memory_space<vmem>>
      %dma_start3A_832 = tpu.memref_squeeze %dma_start3A_831 : memref<1x128x64xf32, #tpu.memory_space<vmem>> -> memref<128x64xf32, #tpu.memory_space<vmem>>
      %dma_start3A_833 = arith.constant 0 : i32
      %dma_start3A_834 = tpu.memref_slice %arg9[%dma_start3A_826, %dma_start3A_827, %dma_start3A_833] : memref<2x8x128xi32, #tpu.memory_space<vmem>> -> memref<1x1x128xi32, #tpu.memory_space<vmem>>
      %dma_start3A_835 = tpu.memref_squeeze %dma_start3A_834 : memref<1x1x128xi32, #tpu.memory_space<vmem>> -> memref<128xi32, #tpu.memory_space<vmem>>
      %dma_start3A_836 = arith.constant 0 : i32
      %dma_start3A_837 = arith.constant 0 : i32
      %dma_start3A_838 = tpu.memref_slice %arg6[%dma_start3A_836, %dma_start3A_837] : memref<10240x64xf32, #tpu.memory_space<vmem_shared>> -> memref<10240x64xf32, #tpu.memory_space<vmem_shared>>
      tpu.enqueue_indirect_dma source(%dma_start3A_838 : memref<10240x64xf32, #tpu.memory_space<vmem_shared>>) target(%dma_start3A_832 : memref<128x64xf32, #tpu.memory_space<vmem>>) offsets(%dma_start3A_835 : memref<128xi32, #tpu.memory_space<vmem>>) semaphore(%arg19 : memref<!tpu.dma_semaphore, #tpu.memory_space<semaphore_mem>>)
      %dma_wait3A_839 = arith.constant 1 : i32
      %dma_wait3A_840 = arith.constant 3 : i32
      %dma_wait3A_841 = arith.constant 1 : i32
      %dma_wait3A_842 = arith.constant 0 : i32
      %dma_wait3A_843 = arith.constant 0 : i32
      %dma_wait3A_844 = tpu.memref_slice %arg11[%dma_wait3A_841, %dma_wait3A_842, %dma_wait3A_843] : memref<2x128x64xf32, #tpu.memory_space<vmem>> -> memref<1x128x64xf32, #tpu.memory_space<vmem>>
      %dma_wait3A_845 = tpu.memref_squeeze %dma_wait3A_844 : memref<1x128x64xf32, #tpu.memory_space<vmem>> -> memref<128x64xf32, #tpu.memory_space<vmem>>
      %dma_wait3A_846 = arith.constant 0 : i32
      %dma_wait3A_847 = tpu.memref_slice %arg9[%dma_wait3A_839, %dma_wait3A_840, %dma_wait3A_846] : memref<2x8x128xi32, #tpu.memory_space<vmem>> -> memref<1x1x128xi32, #tpu.memory_space<vmem>>
      %dma_wait3A_848 = tpu.memref_squeeze %dma_wait3A_847 : memref<1x1x128xi32, #tpu.memory_space<vmem>> -> memref<128xi32, #tpu.memory_space<vmem>>
      %dma_wait3A_849 = arith.constant 0 : i32
      %dma_wait3A_850 = arith.constant 0 : i32
      %dma_wait3A_851 = tpu.memref_slice %arg6[%dma_wait3A_849, %dma_wait3A_850] : memref<10240x64xf32, #tpu.memory_space<vmem_shared>> -> memref<10240x64xf32, #tpu.memory_space<vmem_shared>>
      tpu.wait_indirect_dma semaphore(%arg19 : memref<!tpu.dma_semaphore, #tpu.memory_space<semaphore_mem>>) src(%dma_wait3A_851 : memref<10240x64xf32, #tpu.memory_space<vmem_shared>>) dst(%dma_wait3A_845 : memref<128x64xf32, #tpu.memory_space<vmem>>)
      %dma_start3A_852 = arith.constant 1 : i32
      %dma_start3A_853 = arith.constant 1 : i32
      %dma_start3A_854 = arith.constant 3 : i32
      %dma_start3A_855 = arith.constant 0 : i32
      %dma_start3A_856 = arith.constant 0 : i32
      %dma_start3A_857 = tpu.memref_slice %arg11[%dma_start3A_852, %dma_start3A_855, %dma_start3A_856] : memref<2x128x64xf32, #tpu.memory_space<vmem>> -> memref<1x128x64xf32, #tpu.memory_space<vmem>>
      %dma_start3A_858 = tpu.memref_squeeze %dma_start3A_857 : memref<1x128x64xf32, #tpu.memory_space<vmem>> -> memref<128x64xf32, #tpu.memory_space<vmem>>
      %dma_start3A_859 = arith.constant 0 : i32
      %dma_start3A_860 = tpu.memref_slice %arg10[%dma_start3A_853, %dma_start3A_854, %dma_start3A_859] : memref<2x8x128xi32, #tpu.memory_space<vmem>> -> memref<1x1x128xi32, #tpu.memory_space<vmem>>
      %dma_start3A_861 = tpu.memref_squeeze %dma_start3A_860 : memref<1x1x128xi32, #tpu.memory_space<vmem>> -> memref<128xi32, #tpu.memory_space<vmem>>
      %dma_start3A_862 = arith.constant 0 : i32
      %dma_start3A_863 = arith.constant 0 : i32
      %dma_start3A_864 = tpu.memref_slice %arg7[%dma_start3A_862, %dma_start3A_863] : memref<10240x64xf32, #tpu.memory_space<vmem_shared>> -> memref<10240x64xf32, #tpu.memory_space<vmem_shared>>
      tpu.enqueue_indirect_dma source(%dma_start3A_858 : memref<128x64xf32, #tpu.memory_space<vmem>>) target(%dma_start3A_864 : memref<10240x64xf32, #tpu.memory_space<vmem_shared>>) offsets(%dma_start3A_861 : memref<128xi32, #tpu.memory_space<vmem>>) semaphore(%arg21 : memref<!tpu.dma_semaphore, #tpu.memory_space<semaphore_mem>>) {add = true}
      %dma_wait3A_865 = arith.constant 0 : i32
      %dma_wait3A_866 = arith.constant 1 : i32
      %dma_wait3A_867 = arith.constant 2 : i32
      %dma_wait3A_868 = arith.constant 0 : i32
      %dma_wait3A_869 = arith.constant 0 : i32
      %dma_wait3A_870 = tpu.memref_slice %arg11[%dma_wait3A_865, %dma_wait3A_868, %dma_wait3A_869] : memref<2x128x64xf32, #tpu.memory_space<vmem>> -> memref<1x128x64xf32, #tpu.memory_space<vmem>>
      %dma_wait3A_871 = tpu.memref_squeeze %dma_wait3A_870 : memref<1x128x64xf32, #tpu.memory_space<vmem>> -> memref<128x64xf32, #tpu.memory_space<vmem>>
      %dma_wait3A_872 = arith.constant 0 : i32
      %dma_wait3A_873 = tpu.memref_slice %arg10[%dma_wait3A_866, %dma_wait3A_867, %dma_wait3A_872] : memref<2x8x128xi32, #tpu.memory_space<vmem>> -> memref<1x1x128xi32, #tpu.memory_space<vmem>>
      %dma_wait3A_874 = tpu.memref_squeeze %dma_wait3A_873 : memref<1x1x128xi32, #tpu.memory_space<vmem>> -> memref<128xi32, #tpu.memory_space<vmem>>
      %dma_wait3A_875 = arith.constant 0 : i32
      %dma_wait3A_876 = arith.constant 0 : i32
      %dma_wait3A_877 = tpu.memref_slice %arg7[%dma_wait3A_875, %dma_wait3A_876] : memref<10240x64xf32, #tpu.memory_space<vmem_shared>> -> memref<10240x64xf32, #tpu.memory_space<vmem_shared>>
      tpu.wait_indirect_dma semaphore(%arg20 : memref<!tpu.dma_semaphore, #tpu.memory_space<semaphore_mem>>) src(%dma_wait3A_871 : memref<128x64xf32, #tpu.memory_space<vmem>>) dst(%dma_wait3A_877 : memref<10240x64xf32, #tpu.memory_space<vmem_shared>>)
      %dma_start3A_878 = arith.constant 1 : i32
      %dma_start3A_879 = arith.constant 4 : i32
      %dma_start3A_880 = arith.constant 0 : i32
      %dma_start3A_881 = arith.constant 0 : i32
      %dma_start3A_882 = arith.constant 0 : i32
      %dma_start3A_883 = tpu.memref_slice %arg11[%dma_start3A_880, %dma_start3A_881, %dma_start3A_882] : memref<2x128x64xf32, #tpu.memory_space<vmem>> -> memref<1x128x64xf32, #tpu.memory_space<vmem>>
      %dma_start3A_884 = tpu.memref_squeeze %dma_start3A_883 : memref<1x128x64xf32, #tpu.memory_space<vmem>> -> memref<128x64xf32, #tpu.memory_space<vmem>>
      %dma_start3A_885 = arith.constant 0 : i32
      %dma_start3A_886 = tpu.memref_slice %arg9[%dma_start3A_878, %dma_start3A_879, %dma_start3A_885] : memref<2x8x128xi32, #tpu.memory_space<vmem>> -> memref<1x1x128xi32, #tpu.memory_space<vmem>>
      %dma_start3A_887 = tpu.memref_squeeze %dma_start3A_886 : memref<1x1x128xi32, #tpu.memory_space<vmem>> -> memref<128xi32, #tpu.memory_space<vmem>>
      %dma_start3A_888 = arith.constant 0 : i32
      %dma_start3A_889 = arith.constant 0 : i32
      %dma_start3A_890 = tpu.memref_slice %arg6[%dma_start3A_888, %dma_start3A_889] : memref<10240x64xf32, #tpu.memory_space<vmem_shared>> -> memref<10240x64xf32, #tpu.memory_space<vmem_shared>>
      tpu.enqueue_indirect_dma source(%dma_start3A_890 : memref<10240x64xf32, #tpu.memory_space<vmem_shared>>) target(%dma_start3A_884 : memref<128x64xf32, #tpu.memory_space<vmem>>) offsets(%dma_start3A_887 : memref<128xi32, #tpu.memory_space<vmem>>) semaphore(%arg18 : memref<!tpu.dma_semaphore, #tpu.memory_space<semaphore_mem>>)
      %dma_wait3A_891 = arith.constant 1 : i32
      %dma_wait3A_892 = arith.constant 4 : i32
      %dma_wait3A_893 = arith.constant 0 : i32
      %dma_wait3A_894 = arith.constant 0 : i32
      %dma_wait3A_895 = arith.constant 0 : i32
      %dma_wait3A_896 = tpu.memref_slice %arg11[%dma_wait3A_893, %dma_wait3A_894, %dma_wait3A_895] : memref<2x128x64xf32, #tpu.memory_space<vmem>> -> memref<1x128x64xf32, #tpu.memory_space<vmem>>
      %dma_wait3A_897 = tpu.memref_squeeze %dma_wait3A_896 : memref<1x128x64xf32, #tpu.memory_space<vmem>> -> memref<128x64xf32, #tpu.memory_space<vmem>>
      %dma_wait3A_898 = arith.constant 0 : i32
      %dma_wait3A_899 = tpu.memref_slice %arg9[%dma_wait3A_891, %dma_wait3A_892, %dma_wait3A_898] : memref<2x8x128xi32, #tpu.memory_space<vmem>> -> memref<1x1x128xi32, #tpu.memory_space<vmem>>
      %dma_wait3A_900 = tpu.memref_squeeze %dma_wait3A_899 : memref<1x1x128xi32, #tpu.memory_space<vmem>> -> memref<128xi32, #tpu.memory_space<vmem>>
      %dma_wait3A_901 = arith.constant 0 : i32
      %dma_wait3A_902 = arith.constant 0 : i32
      %dma_wait3A_903 = tpu.memref_slice %arg6[%dma_wait3A_901, %dma_wait3A_902] : memref<10240x64xf32, #tpu.memory_space<vmem_shared>> -> memref<10240x64xf32, #tpu.memory_space<vmem_shared>>
      tpu.wait_indirect_dma semaphore(%arg18 : memref<!tpu.dma_semaphore, #tpu.memory_space<semaphore_mem>>) src(%dma_wait3A_903 : memref<10240x64xf32, #tpu.memory_space<vmem_shared>>) dst(%dma_wait3A_897 : memref<128x64xf32, #tpu.memory_space<vmem>>)
      %dma_start3A_904 = arith.constant 0 : i32
      %dma_start3A_905 = arith.constant 1 : i32
      %dma_start3A_906 = arith.constant 4 : i32
      %dma_start3A_907 = arith.constant 0 : i32
      %dma_start3A_908 = arith.constant 0 : i32
      %dma_start3A_909 = tpu.memref_slice %arg11[%dma_start3A_904, %dma_start3A_907, %dma_start3A_908] : memref<2x128x64xf32, #tpu.memory_space<vmem>> -> memref<1x128x64xf32, #tpu.memory_space<vmem>>
      %dma_start3A_910 = tpu.memref_squeeze %dma_start3A_909 : memref<1x128x64xf32, #tpu.memory_space<vmem>> -> memref<128x64xf32, #tpu.memory_space<vmem>>
      %dma_start3A_911 = arith.constant 0 : i32
      %dma_start3A_912 = tpu.memref_slice %arg10[%dma_start3A_905, %dma_start3A_906, %dma_start3A_911] : memref<2x8x128xi32, #tpu.memory_space<vmem>> -> memref<1x1x128xi32, #tpu.memory_space<vmem>>
      %dma_start3A_913 = tpu.memref_squeeze %dma_start3A_912 : memref<1x1x128xi32, #tpu.memory_space<vmem>> -> memref<128xi32, #tpu.memory_space<vmem>>
      %dma_start3A_914 = arith.constant 0 : i32
      %dma_start3A_915 = arith.constant 0 : i32
      %dma_start3A_916 = tpu.memref_slice %arg7[%dma_start3A_914, %dma_start3A_915] : memref<10240x64xf32, #tpu.memory_space<vmem_shared>> -> memref<10240x64xf32, #tpu.memory_space<vmem_shared>>
      tpu.enqueue_indirect_dma source(%dma_start3A_910 : memref<128x64xf32, #tpu.memory_space<vmem>>) target(%dma_start3A_916 : memref<10240x64xf32, #tpu.memory_space<vmem_shared>>) offsets(%dma_start3A_913 : memref<128xi32, #tpu.memory_space<vmem>>) semaphore(%arg20 : memref<!tpu.dma_semaphore, #tpu.memory_space<semaphore_mem>>) {add = true}
      %dma_wait3A_917 = arith.constant 1 : i32
      %dma_wait3A_918 = arith.constant 1 : i32
      %dma_wait3A_919 = arith.constant 3 : i32
      %dma_wait3A_920 = arith.constant 0 : i32
      %dma_wait3A_921 = arith.constant 0 : i32
      %dma_wait3A_922 = tpu.memref_slice %arg11[%dma_wait3A_917, %dma_wait3A_920, %dma_wait3A_921] : memref<2x128x64xf32, #tpu.memory_space<vmem>> -> memref<1x128x64xf32, #tpu.memory_space<vmem>>
      %dma_wait3A_923 = tpu.memref_squeeze %dma_wait3A_922 : memref<1x128x64xf32, #tpu.memory_space<vmem>> -> memref<128x64xf32, #tpu.memory_space<vmem>>
      %dma_wait3A_924 = arith.constant 0 : i32
      %dma_wait3A_925 = tpu.memref_slice %arg10[%dma_wait3A_918, %dma_wait3A_919, %dma_wait3A_924] : memref<2x8x128xi32, #tpu.memory_space<vmem>> -> memref<1x1x128xi32, #tpu.memory_space<vmem>>
      %dma_wait3A_926 = tpu.memref_squeeze %dma_wait3A_925 : memref<1x1x128xi32, #tpu.memory_space<vmem>> -> memref<128xi32, #tpu.memory_space<vmem>>
      %dma_wait3A_927 = arith.constant 0 : i32
      %dma_wait3A_928 = arith.constant 0 : i32
      %dma_wait3A_929 = tpu.memref_slice %arg7[%dma_wait3A_927, %dma_wait3A_928] : memref<10240x64xf32, #tpu.memory_space<vmem_shared>> -> memref<10240x64xf32, #tpu.memory_space<vmem_shared>>
      tpu.wait_indirect_dma semaphore(%arg21 : memref<!tpu.dma_semaphore, #tpu.memory_space<semaphore_mem>>) src(%dma_wait3A_923 : memref<128x64xf32, #tpu.memory_space<vmem>>) dst(%dma_wait3A_929 : memref<10240x64xf32, #tpu.memory_space<vmem_shared>>)
      %dma_start3A_930 = arith.constant 1 : i32
      %dma_start3A_931 = arith.constant 5 : i32
      %dma_start3A_932 = arith.constant 1 : i32
      %dma_start3A_933 = arith.constant 0 : i32
      %dma_start3A_934 = arith.constant 0 : i32
      %dma_start3A_935 = tpu.memref_slice %arg11[%dma_start3A_932, %dma_start3A_933, %dma_start3A_934] : memref<2x128x64xf32, #tpu.memory_space<vmem>> -> memref<1x128x64xf32, #tpu.memory_space<vmem>>
      %dma_start3A_936 = tpu.memref_squeeze %dma_start3A_935 : memref<1x128x64xf32, #tpu.memory_space<vmem>> -> memref<128x64xf32, #tpu.memory_space<vmem>>
      %dma_start3A_937 = arith.constant 0 : i32
      %dma_start3A_938 = tpu.memref_slice %arg9[%dma_start3A_930, %dma_start3A_931, %dma_start3A_937] : memref<2x8x128xi32, #tpu.memory_space<vmem>> -> memref<1x1x128xi32, #tpu.memory_space<vmem>>
      %dma_start3A_939 = tpu.memref_squeeze %dma_start3A_938 : memref<1x1x128xi32, #tpu.memory_space<vmem>> -> memref<128xi32, #tpu.memory_space<vmem>>
      %dma_start3A_940 = arith.constant 0 : i32
      %dma_start3A_941 = arith.constant 0 : i32
      %dma_start3A_942 = tpu.memref_slice %arg6[%dma_start3A_940, %dma_start3A_941] : memref<10240x64xf32, #tpu.memory_space<vmem_shared>> -> memref<10240x64xf32, #tpu.memory_space<vmem_shared>>
      tpu.enqueue_indirect_dma source(%dma_start3A_942 : memref<10240x64xf32, #tpu.memory_space<vmem_shared>>) target(%dma_start3A_936 : memref<128x64xf32, #tpu.memory_space<vmem>>) offsets(%dma_start3A_939 : memref<128xi32, #tpu.memory_space<vmem>>) semaphore(%arg19 : memref<!tpu.dma_semaphore, #tpu.memory_space<semaphore_mem>>)
      %dma_wait3A_943 = arith.constant 1 : i32
      %dma_wait3A_944 = arith.constant 5 : i32
      %dma_wait3A_945 = arith.constant 1 : i32
      %dma_wait3A_946 = arith.constant 0 : i32
      %dma_wait3A_947 = arith.constant 0 : i32
      %dma_wait3A_948 = tpu.memref_slice %arg11[%dma_wait3A_945, %dma_wait3A_946, %dma_wait3A_947] : memref<2x128x64xf32, #tpu.memory_space<vmem>> -> memref<1x128x64xf32, #tpu.memory_space<vmem>>
      %dma_wait3A_949 = tpu.memref_squeeze %dma_wait3A_948 : memref<1x128x64xf32, #tpu.memory_space<vmem>> -> memref<128x64xf32, #tpu.memory_space<vmem>>
      %dma_wait3A_950 = arith.constant 0 : i32
      %dma_wait3A_951 = tpu.memref_slice %arg9[%dma_wait3A_943, %dma_wait3A_944, %dma_wait3A_950] : memref<2x8x128xi32, #tpu.memory_space<vmem>> -> memref<1x1x128xi32, #tpu.memory_space<vmem>>
      %dma_wait3A_952 = tpu.memref_squeeze %dma_wait3A_951 : memref<1x1x128xi32, #tpu.memory_space<vmem>> -> memref<128xi32, #tpu.memory_space<vmem>>
      %dma_wait3A_953 = arith.constant 0 : i32
      %dma_wait3A_954 = arith.constant 0 : i32
      %dma_wait3A_955 = tpu.memref_slice %arg6[%dma_wait3A_953, %dma_wait3A_954] : memref<10240x64xf32, #tpu.memory_space<vmem_shared>> -> memref<10240x64xf32, #tpu.memory_space<vmem_shared>>
      tpu.wait_indirect_dma semaphore(%arg19 : memref<!tpu.dma_semaphore, #tpu.memory_space<semaphore_mem>>) src(%dma_wait3A_955 : memref<10240x64xf32, #tpu.memory_space<vmem_shared>>) dst(%dma_wait3A_949 : memref<128x64xf32, #tpu.memory_space<vmem>>)
      %dma_start3A_956 = arith.constant 1 : i32
      %dma_start3A_957 = arith.constant 1 : i32
      %dma_start3A_958 = arith.constant 5 : i32
      %dma_start3A_959 = arith.constant 0 : i32
      %dma_start3A_960 = arith.constant 0 : i32
      %dma_start3A_961 = tpu.memref_slice %arg11[%dma_start3A_956, %dma_start3A_959, %dma_start3A_960] : memref<2x128x64xf32, #tpu.memory_space<vmem>> -> memref<1x128x64xf32, #tpu.memory_space<vmem>>
      %dma_start3A_962 = tpu.memref_squeeze %dma_start3A_961 : memref<1x128x64xf32, #tpu.memory_space<vmem>> -> memref<128x64xf32, #tpu.memory_space<vmem>>
      %dma_start3A_963 = arith.constant 0 : i32
      %dma_start3A_964 = tpu.memref_slice %arg10[%dma_start3A_957, %dma_start3A_958, %dma_start3A_963] : memref<2x8x128xi32, #tpu.memory_space<vmem>> -> memref<1x1x128xi32, #tpu.memory_space<vmem>>
      %dma_start3A_965 = tpu.memref_squeeze %dma_start3A_964 : memref<1x1x128xi32, #tpu.memory_space<vmem>> -> memref<128xi32, #tpu.memory_space<vmem>>
      %dma_start3A_966 = arith.constant 0 : i32
      %dma_start3A_967 = arith.constant 0 : i32
      %dma_start3A_968 = tpu.memref_slice %arg7[%dma_start3A_966, %dma_start3A_967] : memref<10240x64xf32, #tpu.memory_space<vmem_shared>> -> memref<10240x64xf32, #tpu.memory_space<vmem_shared>>
      tpu.enqueue_indirect_dma source(%dma_start3A_962 : memref<128x64xf32, #tpu.memory_space<vmem>>) target(%dma_start3A_968 : memref<10240x64xf32, #tpu.memory_space<vmem_shared>>) offsets(%dma_start3A_965 : memref<128xi32, #tpu.memory_space<vmem>>) semaphore(%arg21 : memref<!tpu.dma_semaphore, #tpu.memory_space<semaphore_mem>>) {add = true}
      %dma_wait3A_969 = arith.constant 0 : i32
      %dma_wait3A_970 = arith.constant 1 : i32
      %dma_wait3A_971 = arith.constant 4 : i32
      %dma_wait3A_972 = arith.constant 0 : i32
      %dma_wait3A_973 = arith.constant 0 : i32
      %dma_wait3A_974 = tpu.memref_slice %arg11[%dma_wait3A_969, %dma_wait3A_972, %dma_wait3A_973] : memref<2x128x64xf32, #tpu.memory_space<vmem>> -> memref<1x128x64xf32, #tpu.memory_space<vmem>>
      %dma_wait3A_975 = tpu.memref_squeeze %dma_wait3A_974 : memref<1x128x64xf32, #tpu.memory_space<vmem>> -> memref<128x64xf32, #tpu.memory_space<vmem>>
      %dma_wait3A_976 = arith.constant 0 : i32
      %dma_wait3A_977 = tpu.memref_slice %arg10[%dma_wait3A_970, %dma_wait3A_971, %dma_wait3A_976] : memref<2x8x128xi32, #tpu.memory_space<vmem>> -> memref<1x1x128xi32, #tpu.memory_space<vmem>>
      %dma_wait3A_978 = tpu.memref_squeeze %dma_wait3A_977 : memref<1x1x128xi32, #tpu.memory_space<vmem>> -> memref<128xi32, #tpu.memory_space<vmem>>
      %dma_wait3A_979 = arith.constant 0 : i32
      %dma_wait3A_980 = arith.constant 0 : i32
      %dma_wait3A_981 = tpu.memref_slice %arg7[%dma_wait3A_979, %dma_wait3A_980] : memref<10240x64xf32, #tpu.memory_space<vmem_shared>> -> memref<10240x64xf32, #tpu.memory_space<vmem_shared>>
      tpu.wait_indirect_dma semaphore(%arg20 : memref<!tpu.dma_semaphore, #tpu.memory_space<semaphore_mem>>) src(%dma_wait3A_975 : memref<128x64xf32, #tpu.memory_space<vmem>>) dst(%dma_wait3A_981 : memref<10240x64xf32, #tpu.memory_space<vmem_shared>>)
      %dma_start3A_982 = arith.constant 1 : i32
      %dma_start3A_983 = arith.constant 6 : i32
      %dma_start3A_984 = arith.constant 0 : i32
      %dma_start3A_985 = arith.constant 0 : i32
      %dma_start3A_986 = arith.constant 0 : i32
      %dma_start3A_987 = tpu.memref_slice %arg11[%dma_start3A_984, %dma_start3A_985, %dma_start3A_986] : memref<2x128x64xf32, #tpu.memory_space<vmem>> -> memref<1x128x64xf32, #tpu.memory_space<vmem>>
      %dma_start3A_988 = tpu.memref_squeeze %dma_start3A_987 : memref<1x128x64xf32, #tpu.memory_space<vmem>> -> memref<128x64xf32, #tpu.memory_space<vmem>>
      %dma_start3A_989 = arith.constant 0 : i32
      %dma_start3A_990 = tpu.memref_slice %arg9[%dma_start3A_982, %dma_start3A_983, %dma_start3A_989] : memref<2x8x128xi32, #tpu.memory_space<vmem>> -> memref<1x1x128xi32, #tpu.memory_space<vmem>>
      %dma_start3A_991 = tpu.memref_squeeze %dma_start3A_990 : memref<1x1x128xi32, #tpu.memory_space<vmem>> -> memref<128xi32, #tpu.memory_space<vmem>>
      %dma_start3A_992 = arith.constant 0 : i32
      %dma_start3A_993 = arith.constant 0 : i32
      %dma_start3A_994 = tpu.memref_slice %arg6[%dma_start3A_992, %dma_start3A_993] : memref<10240x64xf32, #tpu.memory_space<vmem_shared>> -> memref<10240x64xf32, #tpu.memory_space<vmem_shared>>
      tpu.enqueue_indirect_dma source(%dma_start3A_994 : memref<10240x64xf32, #tpu.memory_space<vmem_shared>>) target(%dma_start3A_988 : memref<128x64xf32, #tpu.memory_space<vmem>>) offsets(%dma_start3A_991 : memref<128xi32, #tpu.memory_space<vmem>>) semaphore(%arg18 : memref<!tpu.dma_semaphore, #tpu.memory_space<semaphore_mem>>)
      %dma_wait3A_995 = arith.constant 1 : i32
      %dma_wait3A_996 = arith.constant 6 : i32
      %dma_wait3A_997 = arith.constant 0 : i32
      %dma_wait3A_998 = arith.constant 0 : i32
      %dma_wait3A_999 = arith.constant 0 : i32
      %dma_wait3A_1000 = tpu.memref_slice %arg11[%dma_wait3A_997, %dma_wait3A_998, %dma_wait3A_999] : memref<2x128x64xf32, #tpu.memory_space<vmem>> -> memref<1x128x64xf32, #tpu.memory_space<vmem>>
      %dma_wait3A_1001 = tpu.memref_squeeze %dma_wait3A_1000 : memref<1x128x64xf32, #tpu.memory_space<vmem>> -> memref<128x64xf32, #tpu.memory_space<vmem>>
      %dma_wait3A_1002 = arith.constant 0 : i32
      %dma_wait3A_1003 = tpu.memref_slice %arg9[%dma_wait3A_995, %dma_wait3A_996, %dma_wait3A_1002] : memref<2x8x128xi32, #tpu.memory_space<vmem>> -> memref<1x1x128xi32, #tpu.memory_space<vmem>>
      %dma_wait3A_1004 = tpu.memref_squeeze %dma_wait3A_1003 : memref<1x1x128xi32, #tpu.memory_space<vmem>> -> memref<128xi32, #tpu.memory_space<vmem>>
      %dma_wait3A_1005 = arith.constant 0 : i32
      %dma_wait3A_1006 = arith.constant 0 : i32
      %dma_wait3A_1007 = tpu.memref_slice %arg6[%dma_wait3A_1005, %dma_wait3A_1006] : memref<10240x64xf32, #tpu.memory_space<vmem_shared>> -> memref<10240x64xf32, #tpu.memory_space<vmem_shared>>
      tpu.wait_indirect_dma semaphore(%arg18 : memref<!tpu.dma_semaphore, #tpu.memory_space<semaphore_mem>>) src(%dma_wait3A_1007 : memref<10240x64xf32, #tpu.memory_space<vmem_shared>>) dst(%dma_wait3A_1001 : memref<128x64xf32, #tpu.memory_space<vmem>>)
      %dma_start3A_1008 = arith.constant 0 : i32
      %dma_start3A_1009 = arith.constant 1 : i32
      %dma_start3A_1010 = arith.constant 6 : i32
      %dma_start3A_1011 = arith.constant 0 : i32
      %dma_start3A_1012 = arith.constant 0 : i32
      %dma_start3A_1013 = tpu.memref_slice %arg11[%dma_start3A_1008, %dma_start3A_1011, %dma_start3A_1012] : memref<2x128x64xf32, #tpu.memory_space<vmem>> -> memref<1x128x64xf32, #tpu.memory_space<vmem>>
      %dma_start3A_1014 = tpu.memref_squeeze %dma_start3A_1013 : memref<1x128x64xf32, #tpu.memory_space<vmem>> -> memref<128x64xf32, #tpu.memory_space<vmem>>
      %dma_start3A_1015 = arith.constant 0 : i32
      %dma_start3A_1016 = tpu.memref_slice %arg10[%dma_start3A_1009, %dma_start3A_1010, %dma_start3A_1015] : memref<2x8x128xi32, #tpu.memory_space<vmem>> -> memref<1x1x128xi32, #tpu.memory_space<vmem>>
      %dma_start3A_1017 = tpu.memref_squeeze %dma_start3A_1016 : memref<1x1x128xi32, #tpu.memory_space<vmem>> -> memref<128xi32, #tpu.memory_space<vmem>>
      %dma_start3A_1018 = arith.constant 0 : i32
      %dma_start3A_1019 = arith.constant 0 : i32
      %dma_start3A_1020 = tpu.memref_slice %arg7[%dma_start3A_1018, %dma_start3A_1019] : memref<10240x64xf32, #tpu.memory_space<vmem_shared>> -> memref<10240x64xf32, #tpu.memory_space<vmem_shared>>
      tpu.enqueue_indirect_dma source(%dma_start3A_1014 : memref<128x64xf32, #tpu.memory_space<vmem>>) target(%dma_start3A_1020 : memref<10240x64xf32, #tpu.memory_space<vmem_shared>>) offsets(%dma_start3A_1017 : memref<128xi32, #tpu.memory_space<vmem>>) semaphore(%arg20 : memref<!tpu.dma_semaphore, #tpu.memory_space<semaphore_mem>>) {add = true}
      %dma_wait3A_1021 = arith.constant 1 : i32
      %dma_wait3A_1022 = arith.constant 1 : i32
      %dma_wait3A_1023 = arith.constant 5 : i32
      %dma_wait3A_1024 = arith.constant 0 : i32
      %dma_wait3A_1025 = arith.constant 0 : i32
      %dma_wait3A_1026 = tpu.memref_slice %arg11[%dma_wait3A_1021, %dma_wait3A_1024, %dma_wait3A_1025] : memref<2x128x64xf32, #tpu.memory_space<vmem>> -> memref<1x128x64xf32, #tpu.memory_space<vmem>>
      %dma_wait3A_1027 = tpu.memref_squeeze %dma_wait3A_1026 : memref<1x128x64xf32, #tpu.memory_space<vmem>> -> memref<128x64xf32, #tpu.memory_space<vmem>>
      %dma_wait3A_1028 = arith.constant 0 : i32
      %dma_wait3A_1029 = tpu.memref_slice %arg10[%dma_wait3A_1022, %dma_wait3A_1023, %dma_wait3A_1028] : memref<2x8x128xi32, #tpu.memory_space<vmem>> -> memref<1x1x128xi32, #tpu.memory_space<vmem>>
      %dma_wait3A_1030 = tpu.memref_squeeze %dma_wait3A_1029 : memref<1x1x128xi32, #tpu.memory_space<vmem>> -> memref<128xi32, #tpu.memory_space<vmem>>
      %dma_wait3A_1031 = arith.constant 0 : i32
      %dma_wait3A_1032 = arith.constant 0 : i32
      %dma_wait3A_1033 = tpu.memref_slice %arg7[%dma_wait3A_1031, %dma_wait3A_1032] : memref<10240x64xf32, #tpu.memory_space<vmem_shared>> -> memref<10240x64xf32, #tpu.memory_space<vmem_shared>>
      tpu.wait_indirect_dma semaphore(%arg21 : memref<!tpu.dma_semaphore, #tpu.memory_space<semaphore_mem>>) src(%dma_wait3A_1027 : memref<128x64xf32, #tpu.memory_space<vmem>>) dst(%dma_wait3A_1033 : memref<10240x64xf32, #tpu.memory_space<vmem_shared>>)
      %dma_start3A_1034 = arith.constant 1 : i32
      %dma_start3A_1035 = arith.constant 7 : i32
      %dma_start3A_1036 = arith.constant 1 : i32
      %dma_start3A_1037 = arith.constant 0 : i32
      %dma_start3A_1038 = arith.constant 0 : i32
      %dma_start3A_1039 = tpu.memref_slice %arg11[%dma_start3A_1036, %dma_start3A_1037, %dma_start3A_1038] : memref<2x128x64xf32, #tpu.memory_space<vmem>> -> memref<1x128x64xf32, #tpu.memory_space<vmem>>
      %dma_start3A_1040 = tpu.memref_squeeze %dma_start3A_1039 : memref<1x128x64xf32, #tpu.memory_space<vmem>> -> memref<128x64xf32, #tpu.memory_space<vmem>>
      %dma_start3A_1041 = arith.constant 0 : i32
      %dma_start3A_1042 = tpu.memref_slice %arg9[%dma_start3A_1034, %dma_start3A_1035, %dma_start3A_1041] : memref<2x8x128xi32, #tpu.memory_space<vmem>> -> memref<1x1x128xi32, #tpu.memory_space<vmem>>
      %dma_start3A_1043 = tpu.memref_squeeze %dma_start3A_1042 : memref<1x1x128xi32, #tpu.memory_space<vmem>> -> memref<128xi32, #tpu.memory_space<vmem>>
      %dma_start3A_1044 = arith.constant 0 : i32
      %dma_start3A_1045 = arith.constant 0 : i32
      %dma_start3A_1046 = tpu.memref_slice %arg6[%dma_start3A_1044, %dma_start3A_1045] : memref<10240x64xf32, #tpu.memory_space<vmem_shared>> -> memref<10240x64xf32, #tpu.memory_space<vmem_shared>>
      tpu.enqueue_indirect_dma source(%dma_start3A_1046 : memref<10240x64xf32, #tpu.memory_space<vmem_shared>>) target(%dma_start3A_1040 : memref<128x64xf32, #tpu.memory_space<vmem>>) offsets(%dma_start3A_1043 : memref<128xi32, #tpu.memory_space<vmem>>) semaphore(%arg19 : memref<!tpu.dma_semaphore, #tpu.memory_space<semaphore_mem>>)
      %dma_wait3A_1047 = arith.constant 1 : i32
      %dma_wait3A_1048 = arith.constant 7 : i32
      %dma_wait3A_1049 = arith.constant 1 : i32
      %dma_wait3A_1050 = arith.constant 0 : i32
      %dma_wait3A_1051 = arith.constant 0 : i32
      %dma_wait3A_1052 = tpu.memref_slice %arg11[%dma_wait3A_1049, %dma_wait3A_1050, %dma_wait3A_1051] : memref<2x128x64xf32, #tpu.memory_space<vmem>> -> memref<1x128x64xf32, #tpu.memory_space<vmem>>
      %dma_wait3A_1053 = tpu.memref_squeeze %dma_wait3A_1052 : memref<1x128x64xf32, #tpu.memory_space<vmem>> -> memref<128x64xf32, #tpu.memory_space<vmem>>
      %dma_wait3A_1054 = arith.constant 0 : i32
      %dma_wait3A_1055 = tpu.memref_slice %arg9[%dma_wait3A_1047, %dma_wait3A_1048, %dma_wait3A_1054] : memref<2x8x128xi32, #tpu.memory_space<vmem>> -> memref<1x1x128xi32, #tpu.memory_space<vmem>>
      %dma_wait3A_1056 = tpu.memref_squeeze %dma_wait3A_1055 : memref<1x1x128xi32, #tpu.memory_space<vmem>> -> memref<128xi32, #tpu.memory_space<vmem>>
      %dma_wait3A_1057 = arith.constant 0 : i32
      %dma_wait3A_1058 = arith.constant 0 : i32
      %dma_wait3A_1059 = tpu.memref_slice %arg6[%dma_wait3A_1057, %dma_wait3A_1058] : memref<10240x64xf32, #tpu.memory_space<vmem_shared>> -> memref<10240x64xf32, #tpu.memory_space<vmem_shared>>
      tpu.wait_indirect_dma semaphore(%arg19 : memref<!tpu.dma_semaphore, #tpu.memory_space<semaphore_mem>>) src(%dma_wait3A_1059 : memref<10240x64xf32, #tpu.memory_space<vmem_shared>>) dst(%dma_wait3A_1053 : memref<128x64xf32, #tpu.memory_space<vmem>>)
      %dma_start3A_1060 = arith.constant 1 : i32
      %dma_start3A_1061 = arith.constant 1 : i32
      %dma_start3A_1062 = arith.constant 7 : i32
      %dma_start3A_1063 = arith.constant 0 : i32
      %dma_start3A_1064 = arith.constant 0 : i32
      %dma_start3A_1065 = tpu.memref_slice %arg11[%dma_start3A_1060, %dma_start3A_1063, %dma_start3A_1064] : memref<2x128x64xf32, #tpu.memory_space<vmem>> -> memref<1x128x64xf32, #tpu.memory_space<vmem>>
      %dma_start3A_1066 = tpu.memref_squeeze %dma_start3A_1065 : memref<1x128x64xf32, #tpu.memory_space<vmem>> -> memref<128x64xf32, #tpu.memory_space<vmem>>
      %dma_start3A_1067 = arith.constant 0 : i32
      %dma_start3A_1068 = tpu.memref_slice %arg10[%dma_start3A_1061, %dma_start3A_1062, %dma_start3A_1067] : memref<2x8x128xi32, #tpu.memory_space<vmem>> -> memref<1x1x128xi32, #tpu.memory_space<vmem>>
      %dma_start3A_1069 = tpu.memref_squeeze %dma_start3A_1068 : memref<1x1x128xi32, #tpu.memory_space<vmem>> -> memref<128xi32, #tpu.memory_space<vmem>>
      %dma_start3A_1070 = arith.constant 0 : i32
      %dma_start3A_1071 = arith.constant 0 : i32
      %dma_start3A_1072 = tpu.memref_slice %arg7[%dma_start3A_1070, %dma_start3A_1071] : memref<10240x64xf32, #tpu.memory_space<vmem_shared>> -> memref<10240x64xf32, #tpu.memory_space<vmem_shared>>
      tpu.enqueue_indirect_dma source(%dma_start3A_1066 : memref<128x64xf32, #tpu.memory_space<vmem>>) target(%dma_start3A_1072 : memref<10240x64xf32, #tpu.memory_space<vmem_shared>>) offsets(%dma_start3A_1069 : memref<128xi32, #tpu.memory_space<vmem>>) semaphore(%arg21 : memref<!tpu.dma_semaphore, #tpu.memory_space<semaphore_mem>>) {add = true}
      %dma_wait3A_1073 = arith.constant 0 : i32
      %dma_wait3A_1074 = arith.constant 1 : i32
      %dma_wait3A_1075 = arith.constant 6 : i32
      %dma_wait3A_1076 = arith.constant 0 : i32
      %dma_wait3A_1077 = arith.constant 0 : i32
      %dma_wait3A_1078 = tpu.memref_slice %arg11[%dma_wait3A_1073, %dma_wait3A_1076, %dma_wait3A_1077] : memref<2x128x64xf32, #tpu.memory_space<vmem>> -> memref<1x128x64xf32, #tpu.memory_space<vmem>>
      %dma_wait3A_1079 = tpu.memref_squeeze %dma_wait3A_1078 : memref<1x128x64xf32, #tpu.memory_space<vmem>> -> memref<128x64xf32, #tpu.memory_space<vmem>>
      %dma_wait3A_1080 = arith.constant 0 : i32
      %dma_wait3A_1081 = tpu.memref_slice %arg10[%dma_wait3A_1074, %dma_wait3A_1075, %dma_wait3A_1080] : memref<2x8x128xi32, #tpu.memory_space<vmem>> -> memref<1x1x128xi32, #tpu.memory_space<vmem>>
      %dma_wait3A_1082 = tpu.memref_squeeze %dma_wait3A_1081 : memref<1x1x128xi32, #tpu.memory_space<vmem>> -> memref<128xi32, #tpu.memory_space<vmem>>
      %dma_wait3A_1083 = arith.constant 0 : i32
      %dma_wait3A_1084 = arith.constant 0 : i32
      %dma_wait3A_1085 = tpu.memref_slice %arg7[%dma_wait3A_1083, %dma_wait3A_1084] : memref<10240x64xf32, #tpu.memory_space<vmem_shared>> -> memref<10240x64xf32, #tpu.memory_space<vmem_shared>>
      tpu.wait_indirect_dma semaphore(%arg20 : memref<!tpu.dma_semaphore, #tpu.memory_space<semaphore_mem>>) src(%dma_wait3A_1079 : memref<128x64xf32, #tpu.memory_space<vmem>>) dst(%dma_wait3A_1085 : memref<10240x64xf32, #tpu.memory_space<vmem_shared>>)
      %dma_wait3A_1086 = arith.constant 1 : i32
      %dma_wait3A_1087 = arith.constant 1 : i32
      %dma_wait3A_1088 = arith.constant 7 : i32
      %dma_wait3A_1089 = arith.constant 0 : i32
      %dma_wait3A_1090 = arith.constant 0 : i32
      %dma_wait3A_1091 = tpu.memref_slice %arg11[%dma_wait3A_1086, %dma_wait3A_1089, %dma_wait3A_1090] : memref<2x128x64xf32, #tpu.memory_space<vmem>> -> memref<1x128x64xf32, #tpu.memory_space<vmem>>
      %dma_wait3A_1092 = tpu.memref_squeeze %dma_wait3A_1091 : memref<1x128x64xf32, #tpu.memory_space<vmem>> -> memref<128x64xf32, #tpu.memory_space<vmem>>
      %dma_wait3A_1093 = arith.constant 0 : i32
      %dma_wait3A_1094 = tpu.memref_slice %arg10[%dma_wait3A_1087, %dma_wait3A_1088, %dma_wait3A_1093] : memref<2x8x128xi32, #tpu.memory_space<vmem>> -> memref<1x1x128xi32, #tpu.memory_space<vmem>>
      %dma_wait3A_1095 = tpu.memref_squeeze %dma_wait3A_1094 : memref<1x1x128xi32, #tpu.memory_space<vmem>> -> memref<128xi32, #tpu.memory_space<vmem>>
      %dma_wait3A_1096 = arith.constant 0 : i32
      %dma_wait3A_1097 = arith.constant 0 : i32
      %dma_wait3A_1098 = tpu.memref_slice %arg7[%dma_wait3A_1096, %dma_wait3A_1097] : memref<10240x64xf32, #tpu.memory_space<vmem_shared>> -> memref<10240x64xf32, #tpu.memory_space<vmem_shared>>
      tpu.wait_indirect_dma semaphore(%arg21 : memref<!tpu.dma_semaphore, #tpu.memory_space<semaphore_mem>>) src(%dma_wait3A_1092 : memref<128x64xf32, #tpu.memory_space<vmem>>) dst(%dma_wait3A_1098 : memref<10240x64xf32, #tpu.memory_space<vmem_shared>>)
      %scan3A_1099 = arith.constant 0 : i32
      scf.yield %scan3A_1099 : i32
    }
    %scan3A_148 = arith.constant 10 : i32
    %barrier3A_149 = arith.constant 0 : index
    tpu.barrier barrier_id(%barrier3A_149)
    %scan3A_150 = arith.constant 0 : i32
    %scan3A_151 = arith.constant 0 : i32
    %scan3A_152 = arith.constant 5 : i32
    %scan3A_153 = arith.addi %scan3A_151, %scan3A_152 : i32
    %scan3A_154 = arith.constant 1 : i32
    %scan3A_155 = scf.for %scan3A_157 = %scan3A_151 to %scan3A_153 step %scan3A_154 iter_args(%scan3A_158 = %scan3A_150) -> (i32)  : i32 {
      %mul3A_159 = arith.constant 640 : i32
      %mul3A_160 = arith.muli %arg1, %mul3A_159 : i32
      %mul3A_161 = arith.constant 128 : i32
      %mul3A_162 = arith.muli %scan3A_157, %mul3A_161 : i32
      %add3A = arith.addi %mul3A_160, %mul3A_162 : i32
      "tpu.region"() ({
        %run_scoped3A = tpu.sem_alloc : memref<!tpu.dma_semaphore, #tpu.memory_space<semaphore_mem>>
        %dma_start3A_173 = arith.constant 0 : i32
        %dma_start3A_174 = tpu.memref_slice %arg7[%add3A, %dma_start3A_173] : memref<10240x64xf32, #tpu.memory_space<vmem_shared>> -> memref<128x64xf32, #tpu.memory_space<vmem_shared>>
        %dma_start3A_175 = arith.constant 0 : i32
        %dma_start3A_176 = tpu.memref_slice %arg7[%add3A, %dma_start3A_175] : memref<10240x64xf32, #tpu.memory_space<vmem_shared>> -> memref<128x64xf32, #tpu.memory_space<vmem_shared>>
        tpu.enqueue_dma source(%dma_start3A_176 : memref<128x64xf32, #tpu.memory_space<vmem_shared>>) target(%arg12 : memref<128x64xf32, #tpu.memory_space<vmem>>) target_semaphore(%run_scoped3A : memref<!tpu.dma_semaphore, #tpu.memory_space<semaphore_mem>>)
        %dma_wait3A = arith.constant 0 : i32
        %dma_wait3A_177 = tpu.memref_slice %arg7[%add3A, %dma_wait3A] : memref<10240x64xf32, #tpu.memory_space<vmem_shared>> -> memref<128x64xf32, #tpu.memory_space<vmem_shared>>
        %dma_wait3A_178 = arith.constant 0 : i32
        %dma_wait3A_179 = tpu.memref_slice %arg7[%add3A, %dma_wait3A_178] : memref<10240x64xf32, #tpu.memory_space<vmem_shared>> -> memref<128x64xf32, #tpu.memory_space<vmem_shared>>
        tpu.wait_dma2 semaphore(%run_scoped3A : memref<!tpu.dma_semaphore, #tpu.memory_space<semaphore_mem>>) src(%dma_wait3A_179 : memref<128x64xf32, #tpu.memory_space<vmem_shared>>) dst(%arg12 : memref<128x64xf32, #tpu.memory_space<vmem>>)
        tpu.yield
      }) : () -> ()
      %mul3A_163 = arith.constant 128 : i32
      %mul3A_164 = arith.muli %scan3A_157, %mul3A_163 : i32
      %scan3A_165 = arith.constant 0 : i32
      %scan3A_166 = arith.constant 0 : i32
      %scan3A_167 = arith.constant 128 : i32
      %scan3A_168 = arith.addi %scan3A_166, %scan3A_167 : i32
      %scan3A_169 = arith.constant 1 : i32
      %scan3A_170 = scf.for %scan3A_173 = %scan3A_166 to %scan3A_168 step %scan3A_169 iter_args(%scan3A_174 = %scan3A_165) -> (i32)  : i32 {
        %add3A_175 = arith.addi %mul3A_164, %scan3A_173 : i32
        %get3A = arith.index_cast %add3A_175 : i32 to index
        %get3A_176 = tpu.vector_load %arg14[%get3A] {strides = array<i32>} : memref<656xf32, #tpu.memory_space<vmem>>, vector<16xf32>,
        %slice3A = vector.extract_strided_slice %get3A_176 {offsets = [0], sizes = [1], strides = [1]} : vector<16xf32> to vector<1xf32>
        %squeeze3A = vector.extract %slice3A[0] : f32 from vector<1xf32>
        %broadcast_in_dim3A_177 = vector.broadcast %squeeze3A : f32 to vector<16xf32>
        %get3A_178 = arith.index_cast %scan3A_173 : i32 to index
        %get3A_179 = arith.constant 0 : index
        %get3A_180 = tpu.vector_load %arg12[%get3A_178, %get3A_179] {strides = array<i32>} : memref<128x64xf32, #tpu.memory_space<vmem>>, vector<16xf32>,
        %mul3A_181 = arith.mulf %get3A_180, %broadcast_in_dim3A_177 : vector<16xf32>
        %swap3A = arith.index_cast %scan3A_173 : i32 to index
        %swap3A_182 = arith.constant 0 : index
        %swap3A_183 = tpu.vector_load %arg12[%swap3A, %swap3A_182] {strides = array<i32>} : memref<128x64xf32, #tpu.memory_space<vmem>>, vector<16xf32>,
        tpu.vector_store %arg12[%swap3A, %swap3A_182], %mul3A_181 {strides = array<i32>} : memref<128x64xf32, #tpu.memory_space<vmem>>, vector<16xf32>,
        %get3A_184 = arith.index_cast %scan3A_173 : i32 to index
        %get3A_185 = arith.constant 16 : index
        %get3A_186 = tpu.vector_load %arg12[%get3A_184, %get3A_185] {strides = array<i32>} : memref<128x64xf32, #tpu.memory_space<vmem>>, vector<16xf32>,
        %mul3A_187 = arith.mulf %get3A_186, %broadcast_in_dim3A_177 : vector<16xf32>
        %swap3A_188 = arith.index_cast %scan3A_173 : i32 to index
        %swap3A_189 = arith.constant 16 : index
        %swap3A_190 = tpu.vector_load %arg12[%swap3A_188, %swap3A_189] {strides = array<i32>} : memref<128x64xf32, #tpu.memory_space<vmem>>, vector<16xf32>,
        tpu.vector_store %arg12[%swap3A_188, %swap3A_189], %mul3A_187 {strides = array<i32>} : memref<128x64xf32, #tpu.memory_space<vmem>>, vector<16xf32>,
        %get3A_191 = arith.index_cast %scan3A_173 : i32 to index
        %get3A_192 = arith.constant 32 : index
        %get3A_193 = tpu.vector_load %arg12[%get3A_191, %get3A_192] {strides = array<i32>} : memref<128x64xf32, #tpu.memory_space<vmem>>, vector<16xf32>,
        %mul3A_194 = arith.mulf %get3A_193, %broadcast_in_dim3A_177 : vector<16xf32>
        %swap3A_195 = arith.index_cast %scan3A_173 : i32 to index
        %swap3A_196 = arith.constant 32 : index
        %swap3A_197 = tpu.vector_load %arg12[%swap3A_195, %swap3A_196] {strides = array<i32>} : memref<128x64xf32, #tpu.memory_space<vmem>>, vector<16xf32>,
        tpu.vector_store %arg12[%swap3A_195, %swap3A_196], %mul3A_194 {strides = array<i32>} : memref<128x64xf32, #tpu.memory_space<vmem>>, vector<16xf32>,
        %get3A_198 = arith.index_cast %scan3A_173 : i32 to index
        %get3A_199 = arith.constant 48 : index
        %get3A_200 = tpu.vector_load %arg12[%get3A_198, %get3A_199] {strides = array<i32>} : memref<128x64xf32, #tpu.memory_space<vmem>>, vector<16xf32>,
        %mul3A_201 = arith.mulf %get3A_200, %broadcast_in_dim3A_177 : vector<16xf32>
        %swap3A_202 = arith.index_cast %scan3A_173 : i32 to index
        %swap3A_203 = arith.constant 48 : index
        %swap3A_204 = tpu.vector_load %arg12[%swap3A_202, %swap3A_203] {strides = array<i32>} : memref<128x64xf32, #tpu.memory_space<vmem>>, vector<16xf32>,
        tpu.vector_store %arg12[%swap3A_202, %swap3A_203], %mul3A_201 {strides = array<i32>} : memref<128x64xf32, #tpu.memory_space<vmem>>, vector<16xf32>,
        %scan3A_205 = arith.constant 0 : i32
        scf.yield %scan3A_205 : i32
      }
      %scan3A_171 = arith.constant 128 : i32
      "tpu.region"() ({
        %run_scoped3A = tpu.sem_alloc : memref<!tpu.dma_semaphore, #tpu.memory_space<semaphore_mem>>
        %dma_start3A_173 = arith.constant 0 : i32
        %dma_start3A_174 = tpu.memref_slice %arg5[%arg0, %add3A, %dma_start3A_173] : memref<2x10240x64xf32, #tpu.memory_space<hbm>> -> memref<1x128x64xf32, #tpu.memory_space<hbm>>
        %dma_start3A_175 = tpu.memref_squeeze %dma_start3A_174 : memref<1x128x64xf32, #tpu.memory_space<hbm>> -> memref<128x64xf32, #tpu.memory_space<hbm>>
        %dma_start3A_176 = arith.constant 0 : i32
        %dma_start3A_177 = tpu.memref_slice %arg5[%arg0, %add3A, %dma_start3A_176] : memref<2x10240x64xf32, #tpu.memory_space<hbm>> -> memref<1x128x64xf32, #tpu.memory_space<hbm>>
        %dma_start3A_178 = tpu.memref_squeeze %dma_start3A_177 : memref<1x128x64xf32, #tpu.memory_space<hbm>> -> memref<128x64xf32, #tpu.memory_space<hbm>>
        tpu.enqueue_dma source(%arg12 : memref<128x64xf32, #tpu.memory_space<vmem>>) target(%dma_start3A_178 : memref<128x64xf32, #tpu.memory_space<hbm>>) target_semaphore(%run_scoped3A : memref<!tpu.dma_semaphore, #tpu.memory_space<semaphore_mem>>)
        %dma_wait3A = arith.constant 0 : i32
        %dma_wait3A_179 = tpu.memref_slice %arg5[%arg0, %add3A, %dma_wait3A] : memref<2x10240x64xf32, #tpu.memory_space<hbm>> -> memref<1x128x64xf32, #tpu.memory_space<hbm>>
        %dma_wait3A_180 = tpu.memref_squeeze %dma_wait3A_179 : memref<1x128x64xf32, #tpu.memory_space<hbm>> -> memref<128x64xf32, #tpu.memory_space<hbm>>
        %dma_wait3A_181 = arith.constant 0 : i32
        %dma_wait3A_182 = tpu.memref_slice %arg5[%arg0, %add3A, %dma_wait3A_181] : memref<2x10240x64xf32, #tpu.memory_space<hbm>> -> memref<1x128x64xf32, #tpu.memory_space<hbm>>
        %dma_wait3A_183 = tpu.memref_squeeze %dma_wait3A_182 : memref<1x128x64xf32, #tpu.memory_space<hbm>> -> memref<128x64xf32, #tpu.memory_space<hbm>>
        tpu.wait_dma2 semaphore(%run_scoped3A : memref<!tpu.dma_semaphore, #tpu.memory_space<semaphore_mem>>) src(%arg12 : memref<128x64xf32, #tpu.memory_space<vmem>>) dst(%dma_wait3A_183 : memref<128x64xf32, #tpu.memory_space<hbm>>)
        tpu.yield
      }) : () -> ()
      %scan3A_172 = arith.constant 0 : i32
      scf.yield %scan3A_172 : i32
    }
    %scan3A_156 = arith.constant 5 : i32
    return
  }
}

module attributes {stable_mosaic.version = 14 : i64} {
  func.func @_mm_body(%arg0: i32, %arg1: memref<1000x64xf32, #tpu.memory_space<vmem>>, %arg2: memref<1000x64xf32, #tpu.memory_space<vmem>>, %arg3: memref<64x128xf32, #tpu.memory_space<vmem>>, %arg4: memref<64x128xf32, #tpu.memory_space<vmem>>, %arg5: memref<1x128xf32, #tpu.memory_space<vmem>>, %arg6: memref<1000x128xf32, #tpu.memory_space<vmem>>) attributes {dimension_semantics = [#tpu.dimension_semantics<arbitrary>], iteration_bounds = array<i64: 10>, scalar_prefetch = 0 : i64, scratch_operands = 0 : i64, tpu.core_type = #tpu.core_type<tc>, window_params = [{transform_indices = @transform_0, window_bounds = array<i64: 1000, 64>}, {transform_indices = @transform_1, window_bounds = array<i64: 1000, 64>}, {pipeline_mode = #tpu.pipeline_mode<synchronous>, transform_indices = @transform_2, window_bounds = array<i64: 64, 128>}, {pipeline_mode = #tpu.pipeline_mode<synchronous>, transform_indices = @transform_3, window_bounds = array<i64: 64, 128>}, {pipeline_mode = #tpu.pipeline_mode<synchronous>, transform_indices = @transform_4, window_bounds = array<i64: 1, 128>}, {transform_indices = @transform_5, window_bounds = array<i64: 1000, 128>}]} {
    %get3A = arith.constant 0 : index
    %get3A_0 = arith.constant 0 : index
    %get3A_1 = vector.load %arg1[%get3A, %get3A_0] : memref<1000x64xf32, #tpu.memory_space<vmem>>, vector<1000x64xf32>
    %get3A_2 = arith.constant 0 : index
    %get3A_3 = arith.constant 0 : index
    %get3A_4 = vector.load %arg3[%get3A_2, %get3A_3] : memref<64x128xf32, #tpu.memory_space<vmem>>, vector<64x128xf32>
    %dot_general3A = arith.constant dense<0.000000e+00> : vector<1000x128xf32>
    %dot_general3A_5 = tpu.matmul %get3A_1, %get3A_4, %dot_general3A {dimension_numbers = #tpu.dot_dimension_numbers<[1], [0], [0], [1], [0, 0, 1, 1], [], []>, transpose_lhs_hint = false} : vector<1000x64xf32>, vector<64x128xf32>, vector<1000x128xf32> -> vector<1000x128xf32>
    %get3A_6 = arith.constant 0 : index
    %get3A_7 = arith.constant 0 : index
    %get3A_8 = vector.load %arg2[%get3A_6, %get3A_7] : memref<1000x64xf32, #tpu.memory_space<vmem>>, vector<1000x64xf32>
    %get3A_9 = arith.constant 0 : index
    %get3A_10 = arith.constant 0 : index
    %get3A_11 = vector.load %arg4[%get3A_9, %get3A_10] : memref<64x128xf32, #tpu.memory_space<vmem>>, vector<64x128xf32>
    %dot_general3A_12 = arith.constant dense<0.000000e+00> : vector<1000x128xf32>
    %dot_general3A_13 = tpu.matmul %get3A_8, %get3A_11, %dot_general3A_12 {dimension_numbers = #tpu.dot_dimension_numbers<[1], [0], [0], [1], [0, 0, 1, 1], [], []>, transpose_lhs_hint = false} : vector<1000x64xf32>, vector<64x128xf32>, vector<1000x128xf32> -> vector<1000x128xf32>
    %add3A = arith.addf %dot_general3A_5, %dot_general3A_13 : vector<1000x128xf32>
    %get3A_14 = arith.constant 0 : index
    %get3A_15 = arith.constant 0 : index
    %get3A_16 = vector.load %arg5[%get3A_14, %get3A_15] : memref<1x128xf32, #tpu.memory_space<vmem>>, vector<1x128xf32>
    %add3A_17 = vector.broadcast %get3A_16 : vector<1x128xf32> to vector<1000x128xf32>
    %add3A_18 = arith.addf %add3A, %add3A_17 : vector<1000x128xf32>
    %swap3A = arith.constant 0 : index
    %swap3A_19 = arith.constant 0 : index
    %swap3A_20 = vector.load %arg6[%swap3A, %swap3A_19] : memref<1000x128xf32, #tpu.memory_space<vmem>>, vector<1000x128xf32>
    tpu.vector_store %arg6[%swap3A, %swap3A_19], %add3A_18 {strides = array<i32>} : memref<1000x128xf32, #tpu.memory_space<vmem>>, vector<1000x128xf32>,
    return
  }
  func.func @transform_0(%arg0: i32) -> (i32, i32) {
    %c0_i32 = arith.constant 0 : i32
    %c0_i32_0 = arith.constant 0 : i32
    return %arg0, %c0_i32 : i32, i32
  }
  func.func @transform_1(%arg0: i32) -> (i32, i32) {
    %c0_i32 = arith.constant 0 : i32
    %c0_i32_0 = arith.constant 0 : i32
    return %arg0, %c0_i32 : i32, i32
  }
  func.func @transform_2(%arg0: i32) -> (i32, i32) {
    %c0_i32 = arith.constant 0 : i32
    %c0_i32_0 = arith.constant 0 : i32
    %c0_i32_1 = arith.constant 0 : i32
    return %c0_i32, %c0_i32_0 : i32, i32
  }
  func.func @transform_3(%arg0: i32) -> (i32, i32) {
    %c0_i32 = arith.constant 0 : i32
    %c0_i32_0 = arith.constant 0 : i32
    %c0_i32_1 = arith.constant 0 : i32
    return %c0_i32, %c0_i32_0 : i32, i32
  }
  func.func @transform_4(%arg0: i32) -> (i32, i32) {
    %c0_i32 = arith.constant 0 : i32
    %c0_i32_0 = arith.constant 0 : i32
    %c0_i32_1 = arith.constant 0 : i32
    return %c0_i32, %c0_i32_0 : i32, i32
  }
  func.func @transform_5(%arg0: i32) -> (i32, i32) {
    %c0_i32 = arith.constant 0 : i32
    %c0_i32_0 = arith.constant 0 : i32
    return %arg0, %c0_i32 : i32, i32
  }
}

</mosaic_0001>

<sc_bundles>
// kernel: kernel.4.cloned.1.call-start
scs
__scs_entry_jumppad:
0x0: {  	(pc) =	sbr.rel $0x88, $3  }
0x1: {  	(tag) =	ssettag $0x0;
	lr =	simm.s32 $0x1  }
0x2: {  	[smem:$0x3F9D] =	sst lr;
	_ =	strace $0xD0000000  }
0x3: {  	_ = 	snop  }
0x4: {  	_ = 	snop  }
0x5: {  	_ = 	snop  }
0x6: {  	_ = 	snop  }
0x7: {  	_ = 	snop  }
__scs_overlays_trampoline_lowered:
0x8: {  	[smem:$0x3FAC] =	sst s0  }
0x9: {  	[smem:$0x3FAD] =	sst s1  }
0xa: {  	[smem:$0x3FAE] =	sst s2  }
0xb: {  	[smem:$0x3FAF] =	sst s3  }
0xc: {  	[smem:$0x3FB0] =	sst s4  }
0xd: {  	[smem:$0x3FB1] =	sst s5  }
0xe: {  	[smem:$0x3FB2] =	sst s6  }
0xf: {  	[smem:$0x3FB3] =	sst s7  }
0x10: {  	[smem:$0x3FB4] =	sst s8  }
0x11: {  	[smem:$0x3FB5] =	sst s9;
	s0 =	simm.s32 @!p0 $0x0  }
0x12: {  	s1 =	sld [smem:$0x3F9B];
	s0 =	simm.s32 @p0 $0x1  }
0x13: {  	[smem:$0x3FB6] =	sst s0;
	s0 =	simm.s32 @!p1 $0x0  }
0x14: {  	s2 =	sld [smem:$0x3F9A];
	s0 =	simm.s32 @p1 $0x1  }
0x15: {  	[smem:$0x3FB7] =	sst s0;
	s0 =	simm.s32 @!p2 $0x0  }
0x16: {  	s3 =	sld [smem:$0x3FDB];
	s0 =	simm.s32 @p2 $0x1  }
0x17: {  	s4 =	simm.s32 $0x1BF5;
	[smem:$0x3FB9] =	sst s0  }
0x18: {  	s0 =	sld [smem:$0x3F9C];
	_ =	swait.ge [sflag:s4], $0x0  }
0x19: {  	s7 =	sld [smem:$0x3F9D]  }
0x1a: {  	s8 =	sadd.s32 $0xFFFFE003, lr  }
0x1b: {  	s9 =	sadd.s32 $0xFFFFFEF7, lr;
	s5 =	simm.s32 $0xFFFFFFFF;
	p2 =	slt.u32 s8, $0xFFFFF086  }
0x1c: {  	p1 =	slt.u32 s9, $0xF7A;
	s5 =	simm.s32 @!p2 $0x0  }
0x1d: {  	s5 =	simm.s32 @p1 $0x1;
	p0 =	seq.s32 s7, s2  }
0x1e: {  	s7 =	smul.u32 @!p0 $0xF7A, s2;
	p2 =	seq.s32 @!p0 s5, $0x0  }
0x1f: {  	s9 =	smul.u32 $0xF7A, s1;
	s8 =	simm.s32 @!p0 $0x1BF5;
	p2 =	por !p2, p0  }
0x20: {  	[sflag:s8] =	ssyncset.s32 @!p0 $0xFFFFF086;
	s6 =	sadd.s32 @!p0 s3, s7;
	s7 =	simm.s32 @!p0 $0x108  }
0x21: {  	s3 =	sadd.s32 s3, s9;
	s6 =	sadd.s32 @!p0 $0x88, s6;
	s7 =	simm.s32 @p2 $0x1082  }
0x22: {  	[simem:s7], [sflag:s8] =	dma.local @!p0 [hbm:s6], $0xF7A  }
0x23: {  	s9 =	sor.u32 $0xD0000000, s2;
	s6 =	simm.s32 $0x108;
	_ =	swait.ge @!p0 [sflag:s8], $0x0  }
0x24: {  	s3 =	sadd.s32 $0x88, s3;
	s6 =	simm.s32 @!p1 $0x1082;
	[sflag:s4] =	ssyncset.s32 $0xFFFFF086  }
0x25: {  	[simem:s6], [sflag:s4] =	dma.local [hbm:s3], $0xF7A  }
0x26: {  	[smem:$0x3F9D] =	sst s1;
	(tag) =	ssettag s2;
	_ =	strace s9  }
0x27: {  	s1 =	sld [smem:$0x3FAD]  }
0x28: {  	s2 =	sld [smem:$0x3FAE]  }
0x29: {  	s4 =	sld [smem:$0x3FB0]  }
0x2a: {  	p0 =	seq.s32 s5, $0x0;
	s5 =	sld [smem:$0x3FB1]  }
0x2b: {  	s6 =	sld [smem:$0x3FB2]  }
0x2c: {  	s7 =	sld [smem:$0x3FB3]  }
0x2d: {  	s3 =	simm.s32 $0x108;
	s8 =	sld [smem:$0x3FB4]  }
0x2e: {  	s3 =	simm.s32 @!p0 $0x1082;
	s9 =	sld [smem:$0x3FB5]  }
0x2f: {  	lr =	sadd.s32 s0, s3;
	s0 =	sld [smem:$0x3FAC]  }
0x30: {  	s3 =	sld [smem:$0x3FAF]  }
0x31: {  	[smem:$0x3FB8] =	sst s10  }
0x32: {  	s10 =	sld [smem:$0x3FB6];
	_ =	sdelay $0x3  }
0x33: {  	p0 =	seq.s32 s10, $0x1;
	s10 =	sld [smem:$0x3FB8];
	_ =	sdelay $0x3  }
0x34: {  	[smem:$0x3FB8] =	sst s10  }
0x35: {  	s10 =	sld [smem:$0x3FB7];
	_ =	sdelay $0x3  }
0x36: {  	p1 =	seq.s32 s10, $0x1;
	s10 =	sld [smem:$0x3FB8];
	_ =	sdelay $0x3  }
0x37: {  	[smem:$0x3FB8] =	sst s10  }
0x38: {  	s10 =	sld [smem:$0x3FB9]  }
0x39: {  	_ = 	snop;
	(pc) =	sbr.ind lr, $3  }
0x3a: {  	_ = 	snop  }
0x3b: {  	_ = 	snop  }
0x3c: {  	p2 =	seq.s32 s10, $0x1;
	s10 =	sld [smem:$0x3FB8]  }
0x3d: {  	_ =	shalt  }
0x3e: {  	_ =	shalt  }
0x3f: {  	_ =	shalt  }
0x40: {  	_ =	shalt  }
0x41: {  	_ =	shalt  }
0x42: {  	_ =	shalt  }
0x43: {  	_ =	shalt  }
0x44: {  	_ =	shalt  }
0x45: {  	_ =	shalt  }
0x46: {  	_ =	shalt  }
0x47: {  	_ =	shalt  }
0x48: {  	_ =	shalt  }
0x49: {  	_ =	shalt  }
0x4a: {  	_ =	shalt  }
0x4b: {  	_ =	shalt  }
0x4c: {  	_ =	shalt  }
0x4d: {  	_ =	shalt  }
0x4e: {  	_ =	shalt  }
0x4f: {  	_ =	shalt  }
0x50: {  	_ =	shalt  }
0x51: {  	_ =	shalt  }
0x52: {  	_ =	shalt  }
0x53: {  	_ =	shalt  }
0x54: {  	_ =	shalt  }
0x55: {  	_ =	shalt  }
0x56: {  	_ =	shalt  }
0x57: {  	_ =	shalt  }
0x58: {  	_ =	shalt  }
0x59: {  	_ =	shalt  }
0x5a: {  	_ =	shalt  }
0x5b: {  	_ =	shalt  }
0x5c: {  	_ =	shalt  }
0x5d: {  	_ =	shalt  }
0x5e: {  	_ =	shalt  }
0x5f: {  	_ =	shalt  }
0x60: {  	_ =	shalt  }
0x61: {  	_ =	shalt  }
0x62: {  	_ =	shalt  }
0x63: {  	_ =	shalt  }
0x64: {  	_ =	shalt  }
0x65: {  	_ =	shalt  }
0x66: {  	_ =	shalt  }
0x67: {  	_ =	shalt  }
0x68: {  	_ =	shalt  }
0x69: {  	_ =	shalt  }
0x6a: {  	_ =	shalt  }
0x6b: {  	_ =	shalt  }
0x6c: {  	_ =	shalt  }
0x6d: {  	_ =	shalt  }
0x6e: {  	_ =	shalt  }
0x6f: {  	_ =	shalt  }
0x70: {  	_ =	shalt  }
0x71: {  	_ =	shalt  }
0x72: {  	_ =	shalt  }
0x73: {  	_ =	shalt  }
0x74: {  	_ =	shalt  }
0x75: {  	_ =	shalt  }
0x76: {  	_ =	shalt  }
0x77: {  	_ =	shalt  }
0x78: {  	_ =	shalt  }
0x79: {  	_ =	shalt  }
0x7a: {  	_ =	shalt  }
0x7b: {  	_ =	shalt  }
0x7c: {  	_ =	shalt  }
0x7d: {  	_ =	shalt  }
0x7e: {  	_ =	shalt  }
0x7f: {  	_ =	shalt  }
0x80: {  	_ =	shalt  }
0x81: {  	_ =	shalt  }
0x82: {  	_ =	shalt  }
0x83: {  	_ =	shalt  }
0x84: {  	_ =	shalt  }
0x85: {  	_ =	shalt  }
0x86: {  	_ =	shalt  }
0x87: {  	_ =	shalt  }
.Lfunc_end0:
.L_simem_size_0:
called_computation_lowered:
.L_overlay_start_0:
0x88: {  	s2 =	sld [smem:$0x3FD9]  }
0x89: {  	s3 =	sld [smem:$0x3FFE];
	_ =	sdelay $0x1  }
0x8a: {  	s1 =	srdreg.scid  }
0x8b: {  	s0 =	sand.u32 $0x1, s1  }
0x8c: {  	s17 =	sshll.u32 s0, $0xA;
	s2 =	sadd.s32 s3, s2  }
0x8d: {  	s2 =	sadd.s32 s2, s17  }
0x8e: {  	[smem:$0x3FC4] =	sst s2  }
0x8f: {  	_ = 	snop  }
0x90: {  	s2 =	sld [smem:$0x3FD0];
	(tm) =	ssettm $0x1  }
0x91: {  	s18 =	sld [smem:$0x3FFB];
	_ =	sdelay $0x3  }
0x92: {  	_ =	strace s18  }
0x93: {  	s3 =	sld [smem:$0x3FFC];
	_ =	sdelay $0x3  }
0x94: {  	_ =	strace s3  }
0x95: {  	s3 =	sld [smem:$0x3FFD];
	_ =	sdelay $0x3  }
0x96: {  	_ =	strace s3  }
0x97: {  	_ =	strace $0x8FFFFFFF  }
0x98: {  	s19 =	sld [smem:$0x3FDB];
	_ =	sdelay $0x1  }
0x99: {  	s4 =	simm.s32 $_scs_section_size  }
0x9a: {  	s5 =	simm.s32 $_size__tile_overlayer_lowered;
	s6 =	simm.s32 $_tile_overlayer_lowered  }
0x9b: {  	s22 =	simm.s32 $0x1BFF;
	s21 =	sshll.u32 s6, $0x1;
	s3 =	sadd.s32 s4, s19  }
0x9c: {  	s7 =	simm.s32 $0x0;
	s20 =	sshll.u32 s5, $0x1;
	s5 =	sadd.s32 s21, s3  }
0x9d: {  	[timem:s7], [sflag:s22] =	dma.local [hbm:s5], s20  }
0x9e: {  	_ =	swait.ge [sflag:s22], s20  }
0x9f: {  	s4 =	ssub.s32 $0x0, s20;
	[sflag:s22] =	ssyncset.done $0x0  }
0xa0: {  	[sflag:s22] =	ssyncadd.s32 s4;
	_ =	sdelay $0x1  }
0xa1: {  	s23 =	simm.s32 $0x1B8B  }
0xa2: {  	_ =	swait.ge [sflag:s23], $0x1  }
0xa3: {  	[sflag:s23] =	ssyncset.done $0x0  }
0xa4: {  	s25 =	simm.s32 $0x1B8E;
	s24 =	sld [smem:$0x3FFE];
	[sflag:s23] =	ssyncadd.s32 $0xFFFFFFFF  }
0xa5: {  	s26 =	simm.s32 $execute0_lowered;
	[smem:$0x3FD2] =	sst s25  }
0xa6: {  	s5 =	sshll.u32 s26, $0x1;
	_ =	strace $0x80000046;
	[dreg:$0x1] =	wrdreg $0xFFFFFFFF  }
0xa7: {  	s28 =	simm.s32 $_size_execute0_lowered;
	s3 =	sadd.s32 s3, s5;
	[dreg:$0x0] =	wrdreg $0x0  }
0xa8: {  	s5 =	sshll.u32 s28, $0x1;
	[dreg:$0x2] =	wrdreg s3  }
0xa9: {  	[dreg:$0x3] =	wrdreg s5  }
0xaa: {  	[dreg:$0x4] =	wrdreg $0xC0  }
0xab: {  	_ =	task [dreg:s7], $0x5FFFF  }
0xac: {  	[dreg:$0x1] =	wrdreg $0xFFFFFFFF  }
0xad: {  	[dreg:$0x0] =	wrdreg $0x60  }
0xae: {  	[dreg:$0x2] =	wrdreg s24  }
0xaf: {  	[dreg:$0x3] =	wrdreg s2  }
0xb0: {  	[dreg:$0x4] =	wrdreg $0x140000  }
0xb1: {  	[dreg:$0x5] =	wrdreg $0x0  }
0xb2: {  	[dreg:$0x6] =	wrdreg $0xA0000  }
0xb3: {  	[dreg:$0x7] =	wrdreg $0x9  }
0xb4: {  	_ =	task.clear_ibuf [dreg:s7], $0x8FFFF;
	_ =	strace $0x90000046  }
0xb5: {  	s29 =	simm.s32 $0x9;
	_ =	strace $0x80000048  }
0xb6: {  	_ =	swait.ge [sflag:s29], $0x1  }
0xb7: {  	[sflag:s29] =	ssyncadd.s32 $0xFFFFFFFF  }
0xb8: {  	_ =	strace $0x90000048  }
0xb9: {  	_ =	sfence  }
0xba: {  	s30 =	sld [smem:$0x0];
	_ =	sdelay $0x2  }
0xbb: {  	s31 =	sshll.u32 s1, $0xD;
	s1 =	sshrl.u32 s1, $0x2  }
0xbc: {  	s3 =	sand.u32 $0x4000, s31;
	s1 =	sadd.s32 s1, s30  }
0xbd: {  	s0 =	sor.u32 s3, s0;
	s1 =	sshll.u32 s1, $0x11  }
0xbe: {  	s0 =	sor.u32 s1, s0  }
0xbf: {  	s0 =	sadd.s32 $0x8F2B, s0  }
0xc0: {  	[sflag:s0] =	ssyncadd.remote.s32 $0x1  }
0xc1: {  	_ =	sfence.sel $0xFFFF  }
0xc2: {  	[dreg:$0x0] =	wrdreg $0xFFFFFFFF;
	(pc) =	sbr.abs _section_cstart, $3  }
0xc3: {  	[dreg:$0x1] =	wrdreg $0xFFFFFFFF  }
0xc4: {  	_ =	task.clear_ibuf [dreg:s7], $0x2FFFF;
	_ =	strace $0x9FFFFFFF  }
0xc5: {  	(tm) =	ssettm $0x7FFFFFFF  }
tec
execute0_lowered:
.L_overlay_start_1:
0x0: {  	(tag) =	ssettag $0x1  }
0x1: {  	s0 =	rddreg [dreg:$0x0]  }
0x2: {  	s5 =	rddreg [dreg:$0x1]  }
0x3: {  	s1 =	rddreg [dreg:$0x2]  }
0x4: {  	s2 =	rddreg [dreg:$0x3]  }
0x5: {  	s3 =	rddreg [dreg:$0x4];
	s4 =	simm.s32 $0x0  }
0x6: {  	s6 =	srdreg.scid;
	s10 =	stileid.u32;
	s30 =	simm.s32 $0x7  }
0x7: {  	s19 =	simm.s32 $0x6;
	s16 =	simm.s32 $0x14400;
	s13 =	simm.s32 $0x14480  }
0x8: {  	s12 =	simm.s32 $0x14580;
	s31 =	simm.s32 $0x5;
	s28 =	simm.s32 $0x14780  }
0x9: {  	s29 =	simm.s32 $0x14880;
	s17 =	simm.s32 $0x17280;
	s18 =	simm.s32 $0x3  }
0xa: {  	[smem:$0x7FF] =	sst s4;
	s7 =	sadd.s32 $0x400, s0;
	s9 =	smul.u32 $0x5000, s10  }
0xb: {  	s6 =	sand.u32 $0x1, s6;
	s20 =	sadd.s32 $0x28400, s0;
	s11 =	smul.u32 $0x280, s10  }
0xc: {  	s0 =	sadd.s32 $0x32400, s0;
	s23 =	smul.u32 $0xA00, s10;
	s10 =	simm.s32 $0x14600  }
0xd: {  	s4 =	simm.s32 $0x14800;
	_ =	strace $0x80000047;
	[dreg:$0x6] =	wrdreg s7  }
0xe: {  	s8 =	ssub.s32 $0x2, s6;
	[dreg:$0x7] =	wrdreg s0;
	s6 =	smul.u32 $0xA0000, s6  }
0xf: {  	s7 =	simm.s32 $0x14700;
	s21 =	sshrl.u32 s8, $0x1;
	s22 =	sshrl.u32 s9, $0x3  }
0x10: {  	[dreg:$0x8] =	wrdreg s11;
	s24 =	sadd.s32 s11, s1;
	s14 =	sadd.s32 s23, s20  }
0x11: {  	s15 =	sadd.s32 s23, s5;
	s9 =	simm.s32 $0x14500;
	s11 =	simm.s32 $0x2  }
0x12: {  	s23 =	simm.s32 $0x4;
	s0 =	ssub.s32 s8, s21;
	[dreg:$0xb] =	wrdreg s6  }
0x13: {  	s25 =	sadd.s32 s20, s22;
	s26 =	sadd.s32 s5, s22;
	[dreg:$0x9] =	wrdreg s24  }
0x14: {  	s21 =	simm.s32 $0x80;
	s22 =	simm.s32 $0x1BA20;
	[dreg:$0xe] =	wrdreg s15  }
0x15: {  	s5 =	simm.s32 $0x14380;
	s8 =	simm.s32 $0x15280;
	[dreg:$0xa] =	wrdreg s25  }
0x16: {  	s6 =	simm.s32 $0x1;
	[dreg:$0xc] =	wrdreg s26;
	s0 =	smax.u32 s0, $0x1  }
0x17: {  	v0 =	vimm.f32 $1.000000000e+00;
	v1 =	vlaneseq.u32;
	s20 =	simm.s32 $0x0;
	s25 =	simm.s32 $0x14300;
	[dreg:$0xd] =	wrdreg s0  }
.LBB2_1:
0x18: {  	[tilespmem:$0x1BA20] =	vst v0  }
0x19: {  	[tilespmem:$0x1BA30] =	vst v0  }
0x1a: {  	[tilespmem:$0x1BA40] =	vst v0  }
0x1b: {  	[tilespmem:$0x1BA50] =	vst v0  }
0x1c: {  	[tilespmem:$0x1BA60] =	vst v0  }
0x1d: {  	[tilespmem:$0x1BA70] =	vst v0  }
0x1e: {  	[tilespmem:$0x1BA80] =	vst v0  }
0x1f: {  	[tilespmem:$0x1BA90] =	vst v0  }
0x20: {  	[tilespmem:$0x1B280] =	vst v0  }
0x21: {  	[tilespmem:$0x1B290] =	vst v0  }
0x22: {  	[tilespmem:$0x1B2A0] =	vst v0  }
0x23: {  	[tilespmem:$0x1B2B0] =	vst v0  }
0x24: {  	[tilespmem:$0x1B2C0] =	vst v0  }
0x25: {  	[tilespmem:$0x1B2D0] =	vst v0  }
0x26: {  	[tilespmem:$0x1B2E0] =	vst v0  }
0x27: {  	[tilespmem:$0x1B2F0] =	vst v0  }
0x28: {  	[tilespmem:$0x1B300] =	vst v0  }
0x29: {  	[tilespmem:$0x1B310] =	vst v0  }
0x2a: {  	[tilespmem:$0x1B320] =	vst v0  }
0x2b: {  	[tilespmem:$0x1B330] =	vst v0  }
0x2c: {  	[tilespmem:$0x1B340] =	vst v0  }
0x2d: {  	[tilespmem:$0x1B350] =	vst v0  }
0x2e: {  	[tilespmem:$0x1B360] =	vst v0  }
0x2f: {  	[tilespmem:$0x1B370] =	vst v0  }
0x30: {  	[tilespmem:$0x1B380] =	vst v0  }
0x31: {  	[tilespmem:$0x1B390] =	vst v0  }
0x32: {  	[tilespmem:$0x1B3A0] =	vst v0  }
0x33: {  	[tilespmem:$0x1B3B0] =	vst v0  }
0x34: {  	[tilespmem:$0x1B3C0] =	vst v0  }
0x35: {  	[tilespmem:$0x1B3D0] =	vst v0  }
0x36: {  	[tilespmem:$0x1B3E0] =	vst v0  }
0x37: {  	[tilespmem:$0x1B3F0] =	vst v0  }
0x38: {  	[tilespmem:$0x1B400] =	vst v0  }
0x39: {  	[tilespmem:$0x1B410] =	vst v0  }
0x3a: {  	[tilespmem:$0x1B420] =	vst v0  }
0x3b: {  	[tilespmem:$0x1B430] =	vst v0  }
0x3c: {  	[tilespmem:$0x1B440] =	vst v0  }
0x3d: {  	[tilespmem:$0x1B450] =	vst v0  }
0x3e: {  	[tilespmem:$0x1B460] =	vst v0  }
0x3f: {  	[tilespmem:$0x1B470] =	vst v0  }
0x40: {  	[tilespmem:$0x1B480] =	vst v0  }
0x41: {  	[tilespmem:$0x1B490] =	vst v0  }
0x42: {  	[tilespmem:$0x1B4A0] =	vst v0  }
0x43: {  	[tilespmem:$0x1B4B0] =	vst v0  }
0x44: {  	[tilespmem:$0x1B4C0] =	vst v0  }
0x45: {  	[tilespmem:$0x1B4D0] =	vst v0  }
0x46: {  	[tilespmem:$0x1B4E0] =	vst v0  }
0x47: {  	[dreg:$0xf] =	wrdreg s20;
	[tilespmem:$0x1B4F0] =	vst v0;
	s0 =	simm.s32 $0x1B280  }
0x48: {  	[spmem:s24] =	stream.linear.scatter [tilespmem:s0], [sflag:$0x7], $0x280, $0x38;
	[tilespmem:$0x1BB20] =	vst v63  }
0x49: {  	_ =	swait.ge [sflag:s30], $0x280  }
0x4a: {  	[sflag:s30] =	ssyncset.done $0x0  }
0x4b: {  	[sflag:s30] =	ssyncadd.s32 $0xFFFFFD80  }
0x4c: {  	[bflag:$0x0] =	sbarrier.arrive $0xFFFF  }
0x4d: {  	s26 =	simm.s32 $0x14280;
	s15 =	simm.s32 $0x0;
	s24 =	rddreg [dreg:$0xa]  }
0x4e: {  	[tilespmem:s26], [sflag:$0x6] =	stream.linear.gather [hbm4b:s24+s15], $0x400, $0x38;
	[tilespmem:$0x1BB20] =	vst v63  }
0x4f: {  	_ =	swait.ge [sflag:s19], $0x400  }
0x50: {  	s26 =	sadd.s32 $0xFFFFF600, s14;
	[sflag:s19] =	ssyncset.done $0x0  }
0x51: {  	s20 =	simm.s32 $0x14680;
	s24 =	sadd.s32 $0xA80, s26;
	[sflag:s19] =	ssyncadd.s32 $0xFFFFFC00  }
0x52: {  	[tilespmem:s20], [sflag:$0x6] =	stream.linear.gather [hbm4b:s24+s15], $0x400, $0x38;
	[tilespmem:$0x1BB20] =	vst v63  }
0x53: {  	s0 =	simm.s32 $0x14280  }
0x54: {  	[spmem:s1] =	stream.indirect.scatter.add.f32 [tilespmem:s22], [sflag:$0x5], $0x1, s0, s21, $0xb8;
	[tilespmem:$0x1BB20] =	vst v63  }
0x55: {  	_ = 	snop  }
0x56: {  	[spmem:s1] =	stream.indirect.scatter.add.f32 [tilespmem:s22], [sflag:$0x5], $0x1, s25, s21, $0xb8;
	[tilespmem:$0x1BB20] =	vst v63  }
0x57: {  	_ = 	snop  }
0x58: {  	[spmem:s1] =	stream.indirect.scatter.add.f32 [tilespmem:s22], [sflag:$0x5], $0x1, s5, s21, $0xb8;
	[tilespmem:$0x1BB20] =	vst v63  }
0x59: {  	_ = 	snop  }
0x5a: {  	[spmem:s1] =	stream.indirect.scatter.add.f32 [tilespmem:s22], [sflag:$0x5], $0x1, s16, s21, $0xb8;
	[tilespmem:$0x1BB20] =	vst v63  }
0x5b: {  	_ = 	snop  }
0x5c: {  	[spmem:s1] =	stream.indirect.scatter.add.f32 [tilespmem:s22], [sflag:$0x5], $0x1, s13, s21, $0xb8;
	[tilespmem:$0x1BB20] =	vst v63  }
0x5d: {  	_ = 	snop  }
0x5e: {  	[spmem:s1] =	stream.indirect.scatter.add.f32 [tilespmem:s22], [sflag:$0x5], $0x1, s9, s21, $0xb8;
	[tilespmem:$0x1BB20] =	vst v63  }
0x5f: {  	_ = 	snop  }
0x60: {  	[spmem:s1] =	stream.indirect.scatter.add.f32 [tilespmem:s22], [sflag:$0x5], $0x1, s12, s21, $0xb8;
	[tilespmem:$0x1BB20] =	vst v63  }
0x61: {  	_ = 	snop  }
0x62: {  	[spmem:s1] =	stream.indirect.scatter.add.f32 [tilespmem:s22], [sflag:$0x5], $0x1, s10, s21, $0xb8;
	[tilespmem:$0x1BB20] =	vst v63  }
0x63: {  	_ =	swait.ge [sflag:s31], $0x80  }
0x64: {  	[sflag:s31] =	ssyncset.done $0x0  }
0x65: {  	[sflag:s31] =	ssyncadd.s32 $0xFFFFFF80  }
0x66: {  	_ =	swait.ge [sflag:s31], $0x80  }
0x67: {  	[sflag:s31] =	ssyncset.done $0x0  }
0x68: {  	[sflag:s31] =	ssyncadd.s32 $0xFFFFFF80  }
0x69: {  	_ =	swait.ge [sflag:s31], $0x80  }
0x6a: {  	[sflag:s31] =	ssyncset.done $0x0  }
0x6b: {  	[sflag:s31] =	ssyncadd.s32 $0xFFFFFF80  }
0x6c: {  	_ =	swait.ge [sflag:s31], $0x80  }
0x6d: {  	[sflag:s31] =	ssyncset.done $0x0  }
0x6e: {  	[sflag:s31] =	ssyncadd.s32 $0xFFFFFF80  }
0x6f: {  	_ =	swait.ge [sflag:s31], $0x80  }
0x70: {  	[sflag:s31] =	ssyncset.done $0x0  }
0x71: {  	[sflag:s31] =	ssyncadd.s32 $0xFFFFFF80  }
0x72: {  	_ =	swait.ge [sflag:s31], $0x80  }
0x73: {  	[sflag:s31] =	ssyncset.done $0x0  }
0x74: {  	[sflag:s31] =	ssyncadd.s32 $0xFFFFFF80  }
0x75: {  	_ =	swait.ge [sflag:s31], $0x80  }
0x76: {  	[sflag:s31] =	ssyncset.done $0x0  }
0x77: {  	[sflag:s31] =	ssyncadd.s32 $0xFFFFFF80  }
0x78: {  	_ =	swait.ge [sflag:s31], $0x80  }
0x79: {  	[sflag:s31] =	ssyncset.done $0x0  }
0x7a: {  	[sflag:s31] =	ssyncadd.s32 $0xFFFFFF80  }
0x7b: {  	p0 =	por $0x0, $0x0;
	_ =	swait.ge [sflag:s19], $0x400  }
0x7c: {  	s26 =	simm.s32 @!p0 $0x0;
	s24 =	sadd.s32 @!p0 $0xFFFFF600, s14;
	[sflag:s19] =	ssyncset.done $0x0  }
0x7d: {  	s24 =	sadd.s32 @!p0 $0xB00, s24;
	s25 =	simm.s32 @!p0 $0x14280;
	[sflag:s19] =	ssyncadd.s32 $0xFFFFFC00  }
0x7e: {  	[tilespmem:s25], [sflag:$0x6] =	stream.linear.gather @!p0 [hbm4b:s24+s26], $0x400, $0x38;
	[tilespmem:$0x1BB20] =	vst v63  }
0x7f: {  	_ = 	snop  }
0x80: {  	[spmem:s1] =	stream.indirect.scatter.add.f32 [tilespmem:s22], [sflag:$0x5], $0x1, s20, s21, $0xb8;
	[tilespmem:$0x1BB20] =	vst v63  }
0x81: {  	_ = 	snop  }
0x82: {  	[spmem:s1] =	stream.indirect.scatter.add.f32 [tilespmem:s22], [sflag:$0x5], $0x1, s7, s21, $0xb8;
	[tilespmem:$0x1BB20] =	vst v63  }
0x83: {  	_ = 	snop  }
0x84: {  	[spmem:s1] =	stream.indirect.scatter.add.f32 [tilespmem:s22], [sflag:$0x5], $0x1, s28, s21, $0xb8;
	[tilespmem:$0x1BB20] =	vst v63  }
0x85: {  	_ = 	snop  }
0x86: {  	[spmem:s1] =	stream.indirect.scatter.add.f32 [tilespmem:s22], [sflag:$0x5], $0x1, s4, s21, $0xb8;
	[tilespmem:$0x1BB20] =	vst v63  }
0x87: {  	_ = 	snop  }
0x88: {  	[spmem:s1] =	stream.indirect.scatter.add.f32 [tilespmem:s22], [sflag:$0x5], $0x1, s29, s21, $0xb8;
	[tilespmem:$0x1BB20] =	vst v63  }
0x89: {  	s15 =	simm.s32 $0x14900  }
0x8a: {  	[spmem:s1] =	stream.indirect.scatter.add.f32 [tilespmem:s22], [sflag:$0x5], $0x1, s15, s21, $0xb8;
	[tilespmem:$0x1BB20] =	vst v63  }
0x8b: {  	s30 =	simm.s32 $0x14980  }
0x8c: {  	[spmem:s1] =	stream.indirect.scatter.add.f32 [tilespmem:s22], [sflag:$0x5], $0x1, s30, s21, $0xb8;
	[tilespmem:$0x1BB20] =	vst v63  }
0x8d: {  	s5 =	simm.s32 $0x14A00  }
0x8e: {  	[spmem:s1] =	stream.indirect.scatter.add.f32 [tilespmem:s22], [sflag:$0x5], $0x1, s5, s21, $0xb8;
	[tilespmem:$0x1BB20] =	vst v63  }
0x8f: {  	_ =	swait.ge [sflag:s31], $0x80  }
0x90: {  	[sflag:s31] =	ssyncset.done $0x0  }
0x91: {  	[sflag:s31] =	ssyncadd.s32 $0xFFFFFF80  }
0x92: {  	_ =	swait.ge [sflag:s31], $0x80  }
0x93: {  	[sflag:s31] =	ssyncset.done $0x0  }
0x94: {  	[sflag:s31] =	ssyncadd.s32 $0xFFFFFF80  }
0x95: {  	_ =	swait.ge [sflag:s31], $0x80  }
0x96: {  	[sflag:s31] =	ssyncset.done $0x0  }
0x97: {  	[sflag:s31] =	ssyncadd.s32 $0xFFFFFF80  }
0x98: {  	_ =	swait.ge [sflag:s31], $0x80  }
0x99: {  	[sflag:s31] =	ssyncset.done $0x0  }
0x9a: {  	[sflag:s31] =	ssyncadd.s32 $0xFFFFFF80  }
0x9b: {  	_ =	swait.ge [sflag:s31], $0x80  }
0x9c: {  	[sflag:s31] =	ssyncset.done $0x0  }
0x9d: {  	[sflag:s31] =	ssyncadd.s32 $0xFFFFFF80  }
0x9e: {  	_ =	swait.ge [sflag:s31], $0x80  }
0x9f: {  	[sflag:s31] =	ssyncset.done $0x0  }
0xa0: {  	[sflag:s31] =	ssyncadd.s32 $0xFFFFFF80  }
0xa1: {  	s0 =	simm.s32 $0x14880;
	s16 =	simm.s32 $0x14400;
	_ =	swait.ge [sflag:s31], $0x80  }
0xa2: {  	s13 =	simm.s32 $0x14480;
	s9 =	simm.s32 $0x14500;
	[sflag:s31] =	ssyncset.done $0x0  }
0xa3: {  	s12 =	simm.s32 $0x14580;
	s10 =	simm.s32 $0x14600;
	[sflag:s31] =	ssyncadd.s32 $0xFFFFFF80  }
0xa4: {  	s24 =	simm.s32 $0xFFFFF700;
	s7 =	simm.s32 $0x14700;
	_ =	swait.ge [sflag:s31], $0x80  }
0xa5: {  	s4 =	simm.s32 $0x14800;
	s29 =	simm.s32 $0x14780;
	[sflag:s31] =	ssyncset.done $0x0  }
.LBB2_2:
0xa6: {  	[sflag:s31] =	ssyncadd.s32 $0xFFFFFF80;
	s25 =	smov.u32 s24;
	s24 =	sadd.s32 $0x100, s24  }
0xa7: {  	_ =	swait.ge [sflag:s19], $0x400;
	p0 =	sne.s32 s24, $0x0  }
0xa8: {  	s26 =	sadd.s32 s25, s14;
	[sflag:s19] =	ssyncset.done $0x0  }
0xa9: {  	s28 =	simm.s32 $0x0;
	s26 =	sadd.s32 $0xA80, s26;
	[sflag:s19] =	ssyncadd.s32 $0xFFFFFC00  }
0xaa: {  	[tilespmem:s20], [sflag:$0x6] =	stream.linear.gather [hbm4b:s26+s28], $0x400, $0x38;
	[tilespmem:$0x1BB20] =	vst v63  }
0xab: {  	s26 =	simm.s32 $0x14280  }
0xac: {  	[spmem:s1] =	stream.indirect.scatter.add.f32 [tilespmem:s22], [sflag:$0x5], $0x1, s26, s21, $0xb8;
	[tilespmem:$0x1BB20] =	vst v63  }
0xad: {  	s26 =	simm.s32 $0x14300  }
0xae: {  	[spmem:s1] =	stream.indirect.scatter.add.f32 [tilespmem:s22], [sflag:$0x5], $0x1, s26, s21, $0xb8;
	[tilespmem:$0x1BB20] =	vst v63  }
0xaf: {  	s26 =	simm.s32 $0x14380  }
0xb0: {  	[spmem:s1] =	stream.indirect.scatter.add.f32 [tilespmem:s22], [sflag:$0x5], $0x1, s26, s21, $0xb8;
	[tilespmem:$0x1BB20] =	vst v63  }
0xb1: {  	_ = 	snop  }
0xb2: {  	[spmem:s1] =	stream.indirect.scatter.add.f32 [tilespmem:s22], [sflag:$0x5], $0x1, s16, s21, $0xb8;
	[tilespmem:$0x1BB20] =	vst v63  }
0xb3: {  	_ = 	snop  }
0xb4: {  	[spmem:s1] =	stream.indirect.scatter.add.f32 [tilespmem:s22], [sflag:$0x5], $0x1, s13, s21, $0xb8;
	[tilespmem:$0x1BB20] =	vst v63  }
0xb5: {  	_ = 	snop  }
0xb6: {  	[spmem:s1] =	stream.indirect.scatter.add.f32 [tilespmem:s22], [sflag:$0x5], $0x1, s9, s21, $0xb8;
	[tilespmem:$0x1BB20] =	vst v63  }
0xb7: {  	_ = 	snop  }
0xb8: {  	[spmem:s1] =	stream.indirect.scatter.add.f32 [tilespmem:s22], [sflag:$0x5], $0x1, s12, s21, $0xb8;
	[tilespmem:$0x1BB20] =	vst v63  }
0xb9: {  	_ = 	snop  }
0xba: {  	[spmem:s1] =	stream.indirect.scatter.add.f32 [tilespmem:s22], [sflag:$0x5], $0x1, s10, s21, $0xb8;
	[tilespmem:$0x1BB20] =	vst v63  }
0xbb: {  	_ =	swait.ge [sflag:s31], $0x80  }
0xbc: {  	[sflag:s31] =	ssyncset.done $0x0  }
0xbd: {  	[sflag:s31] =	ssyncadd.s32 $0xFFFFFF80  }
0xbe: {  	_ =	swait.ge [sflag:s31], $0x80  }
0xbf: {  	[sflag:s31] =	ssyncset.done $0x0  }
0xc0: {  	[sflag:s31] =	ssyncadd.s32 $0xFFFFFF80  }
0xc1: {  	_ =	swait.ge [sflag:s31], $0x80  }
0xc2: {  	[sflag:s31] =	ssyncset.done $0x0  }
0xc3: {  	[sflag:s31] =	ssyncadd.s32 $0xFFFFFF80  }
0xc4: {  	_ =	swait.ge [sflag:s31], $0x80  }
0xc5: {  	[sflag:s31] =	ssyncset.done $0x0  }
0xc6: {  	[sflag:s31] =	ssyncadd.s32 $0xFFFFFF80  }
0xc7: {  	_ =	swait.ge [sflag:s31], $0x80  }
0xc8: {  	[sflag:s31] =	ssyncset.done $0x0  }
0xc9: {  	[sflag:s31] =	ssyncadd.s32 $0xFFFFFF80  }
0xca: {  	_ =	swait.ge [sflag:s31], $0x80  }
0xcb: {  	[sflag:s31] =	ssyncset.done $0x0  }
0xcc: {  	[sflag:s31] =	ssyncadd.s32 $0xFFFFFF80  }
0xcd: {  	_ =	swait.ge [sflag:s31], $0x80  }
0xce: {  	[sflag:s31] =	ssyncset.done $0x0  }
0xcf: {  	[sflag:s31] =	ssyncadd.s32 $0xFFFFFF80  }
0xd0: {  	_ =	swait.ge [sflag:s31], $0x80  }
0xd1: {  	[sflag:s31] =	ssyncset.done $0x0  }
0xd2: {  	[sflag:s31] =	ssyncadd.s32 $0xFFFFFF80  }
0xd3: {  	p1 =	seq.s32 s25, $0xFFFFFF00;
	_ =	swait.ge [sflag:s19], $0x400  }
0xd4: {  	s25 =	sadd.s32 @!p1 s25, s14;
	s26 =	simm.s32 @!p1 $0x14280;
	[sflag:s19] =	ssyncset.done $0x0  }
0xd5: {  	s25 =	sadd.s32 @!p1 $0xB00, s25;
	s28 =	simm.s32 @!p1 $0x0;
	[sflag:s19] =	ssyncadd.s32 $0xFFFFFC00  }
0xd6: {  	[tilespmem:s26], [sflag:$0x6] =	stream.linear.gather @!p1 [hbm4b:s25+s28], $0x400, $0x38;
	[tilespmem:$0x1BB20] =	vst v63  }
0xd7: {  	_ = 	snop  }
0xd8: {  	[spmem:s1] =	stream.indirect.scatter.add.f32 [tilespmem:s22], [sflag:$0x5], $0x1, s20, s21, $0xb8;
	[tilespmem:$0x1BB20] =	vst v63  }
0xd9: {  	_ = 	snop  }
0xda: {  	[spmem:s1] =	stream.indirect.scatter.add.f32 [tilespmem:s22], [sflag:$0x5], $0x1, s7, s21, $0xb8;
	[tilespmem:$0x1BB20] =	vst v63  }
0xdb: {  	_ = 	snop  }
0xdc: {  	[spmem:s1] =	stream.indirect.scatter.add.f32 [tilespmem:s22], [sflag:$0x5], $0x1, s29, s21, $0xb8;
	[tilespmem:$0x1BB20] =	vst v63  }
0xdd: {  	_ = 	snop  }
0xde: {  	[spmem:s1] =	stream.indirect.scatter.add.f32 [tilespmem:s22], [sflag:$0x5], $0x1, s4, s21, $0xb8;
	[tilespmem:$0x1BB20] =	vst v63  }
0xdf: {  	_ = 	snop  }
0xe0: {  	[spmem:s1] =	stream.indirect.scatter.add.f32 [tilespmem:s22], [sflag:$0x5], $0x1, s0, s21, $0xb8;
	[tilespmem:$0x1BB20] =	vst v63  }
0xe1: {  	_ = 	snop  }
0xe2: {  	[spmem:s1] =	stream.indirect.scatter.add.f32 [tilespmem:s22], [sflag:$0x5], $0x1, s15, s21, $0xb8;
	[tilespmem:$0x1BB20] =	vst v63  }
0xe3: {  	_ = 	snop  }
0xe4: {  	[spmem:s1] =	stream.indirect.scatter.add.f32 [tilespmem:s22], [sflag:$0x5], $0x1, s30, s21, $0xb8;
	[tilespmem:$0x1BB20] =	vst v63  }
0xe5: {  	_ = 	snop  }
0xe6: {  	[spmem:s1] =	stream.indirect.scatter.add.f32 [tilespmem:s22], [sflag:$0x5], $0x1, s5, s21, $0xb8;
	[tilespmem:$0x1BB20] =	vst v63  }
0xe7: {  	_ =	swait.ge [sflag:s31], $0x80  }
0xe8: {  	[sflag:s31] =	ssyncset.done $0x0  }
0xe9: {  	[sflag:s31] =	ssyncadd.s32 $0xFFFFFF80  }
0xea: {  	_ =	swait.ge [sflag:s31], $0x80  }
0xeb: {  	[sflag:s31] =	ssyncset.done $0x0  }
0xec: {  	[sflag:s31] =	ssyncadd.s32 $0xFFFFFF80  }
0xed: {  	_ =	swait.ge [sflag:s31], $0x80  }
0xee: {  	[sflag:s31] =	ssyncset.done $0x0  }
0xef: {  	[sflag:s31] =	ssyncadd.s32 $0xFFFFFF80  }
0xf0: {  	_ =	swait.ge [sflag:s31], $0x80  }
0xf1: {  	[sflag:s31] =	ssyncset.done $0x0  }
0xf2: {  	[sflag:s31] =	ssyncadd.s32 $0xFFFFFF80  }
0xf3: {  	_ =	swait.ge [sflag:s31], $0x80  }
0xf4: {  	[sflag:s31] =	ssyncset.done $0x0  }
0xf5: {  	[sflag:s31] =	ssyncadd.s32 $0xFFFFFF80  }
0xf6: {  	_ =	swait.ge [sflag:s31], $0x80  }
0xf7: {  	[sflag:s31] =	ssyncset.done $0x0  }
0xf8: {  	[sflag:s31] =	ssyncadd.s32 $0xFFFFFF80  }
.Ltmp0:
0xf9: {  	_ =	swait.ge [sflag:s31], $0x80;
	(pc) =	sbr.rel @p0 .LBB2_2-.Ltmp0, $4  }
0xfa: {  	[sflag:s31] =	ssyncset.done $0x0  }
0xfb: {  	[sflag:s31] =	ssyncadd.s32 $0xFFFFFF80  }
0xfc: {  	_ =	swait.ge [sflag:s31], $0x80  }
0xfd: {  	[sflag:s31] =	ssyncset.done $0x0  }
0xfe: {  	[sflag:s31] =	ssyncadd.s32 $0xFFFFFF80  }
0xff: {  	[bflag:$0x0] =	sbarrier.arrive $0xFFFF  }
0x100: {  	s0 =	simm.s32 $0x1B280;
	s30 =	simm.s32 $0x7;
	s4 =	rddreg [dreg:$0x9]  }
0x101: {  	[tilespmem:s0], [sflag:$0x7] =	stream.linear.gather [spmem:s4], $0x280, $0x38;
	[tilespmem:$0x1BB20] =	vst v63  }
0x102: {  	_ =	swait.ge [sflag:s30], $0x280  }
0x103: {  	[sflag:s30] =	ssyncset.done $0x0  }
0x104: {  	s24 =	simm.s32 $0x0;
	[sflag:s30] =	ssyncadd.s32 $0xFFFFFD80  }
0x105: {  	v3 =	vld [tilespmem:s24+$0x1B280];
	_ =	sdelay $0x4  }
0x106: {  	v2 =	vmul.f32 $2.500000000e-01, v3  }
0x107: {  	vm0 =	vge.f32 v3, $4.000000000e+00  }
0x108: {  	v2 =	vsel vm0, v2, v3  }
0x109: {  	v4 =	vmul.f32 $2.500000000e-01, v2  }
0x10a: {  	vm1 =	vge.f32 v2, $4.000000000e+00  }
0x10b: {  	v2 =	vsel vm1, v4, v2  }
0x10c: {  	v4 =	vsel vm0, $0x3F000000, v0;
	v5 =	vmul.f32 $2.500000000e-01, v2  }
0x10d: {  	v6 =	vmul.f32 $5.000000000e-01, v4;
	vm0 =	vge.f32 v2, $4.000000000e+00  }
0x10e: {  	v2 =	vsel vm0, v5, v2  }
0x10f: {  	v4 =	vsel vm1, v6, v4;
	v5 =	vmul.f32 $2.500000000e-01, v2  }
0x110: {  	v6 =	vmul.f32 $5.000000000e-01, v4;
	vm1 =	vge.f32 v2, $4.000000000e+00  }
0x111: {  	v2 =	vsel vm1, v5, v2  }
0x112: {  	v4 =	vsel vm0, v6, v4;
	v5 =	vmul.f32 $2.500000000e-01, v2  }
0x113: {  	v6 =	vmul.f32 $5.000000000e-01, v4;
	vm0 =	vge.f32 v2, $4.000000000e+00  }
0x114: {  	v2 =	vsel vm0, v5, v2  }
0x115: {  	v4 =	vsel vm1, v6, v4;
	v5 =	vmul.f32 $2.500000000e-01, v2  }
0x116: {  	v6 =	vmul.f32 $5.000000000e-01, v4;
	vm1 =	vge.f32 v2, $4.000000000e+00  }
0x117: {  	v2 =	vsel vm1, v5, v2  }
0x118: {  	s25 =	simm.s32 $0x10;
	v4 =	vsel vm0, v6, v4;
	v5 =	vmul.f32 $2.500000000e-01, v2  }
0x119: {  	v6 =	vld [tilespmem:s25+$0x1B280];
	v7 =	vmul.f32 $5.000000000e-01, v4;
	vm0 =	vge.f32 v2, $4.000000000e+00  }
0x11a: {  	v2 =	vsel vm0, v5, v2  }
0x11b: {  	v4 =	vsel vm1, v7, v4;
	v5 =	vmul.f32 $2.500000000e-01, v2  }
0x11c: {  	v7 =	vmul.f32 $5.000000000e-01, v4;
	vm1 =	vge.f32 v2, $4.000000000e+00  }
0x11d: {  	v2 =	vsel vm1, v5, v2  }
0x11e: {  	v5 =	vmul.f32 $2.500000000e-01, v6;
	v4 =	vsel vm0, v7, v4;
	v7 =	vmul.f32 $2.500000000e-01, v2  }
0x11f: {  	vm0 =	vge.f32 v6, $4.000000000e+00;
	v8 =	vmul.f32 $5.000000000e-01, v4;
	vm2 =	vge.f32 v2, $4.000000000e+00  }
0x120: {  	v9 =	vsel vm0, $0x3F000000, v0;
	v5 =	vsel vm0, v5, v6;
	v2 =	vsel vm2, v7, v2  }
0x121: {  	v7 =	vmul.f32 $2.500000000e-01, v5;
	v4 =	vsel vm1, v8, v4;
	v8 =	vmul.f32 $2.500000000e-01, v2  }
0x122: {  	vm0 =	vge.f32 v5, $4.000000000e+00;
	v10 =	vmul.f32 $5.000000000e-01, v4;
	vm1 =	vge.f32 v2, $4.000000000e+00  }
0x123: {  	v11 =	vmul.f32 $5.000000000e-01, v9;
	v5 =	vsel vm0, v7, v5;
	v2 =	vsel vm1, v8, v2  }
0x124: {  	v7 =	vmul.f32 $2.500000000e-01, v5;
	v4 =	vsel vm2, v10, v4;
	v2 =	vmul.f32 $-1.666666720e-01, v2  }
0x125: {  	vm2 =	vge.f32 v5, $4.000000000e+00;
	v8 =	vmul.f32 $5.000000000e-01, v4  }
0x126: {  	v5 =	vsel vm2, v7, v5;
	v7 =	vsel vm0, v11, v9;
	v9 =	vadd.f32 $1.103199960e+00, v2  }
0x127: {  	s26 =	simm.s32 $0x20;
	v10 =	vmul.f32 $2.500000000e-01, v5;
	v11 =	vmul.f32 $5.000000000e-01, v7;
	v4 =	vsel vm1, v8, v4  }
0x128: {  	vm0 =	vge.f32 v5, $4.000000000e+00;
	v2 =	vld [tilespmem:s26+$0x1B280];
	v8 =	vmul.f32 $5.000000000e-01, v3;
	v3 =	vmul.f32 v9, v4  }
0x129: {  	v4 =	vsel vm0, v10, v5  }
0x12a: {  	v7 =	vsel vm2, v11, v7;
	v5 =	vmul.f32 $2.500000000e-01, v4;
	v9 =	vmul.f32 v3, v8  }
0x12b: {  	v10 =	vmul.f32 $5.000000000e-01, v7;
	vm1 =	vge.f32 v4, $4.000000000e+00  }
0x12c: {  	v4 =	vsel vm1, v5, v4;
	v5 =	vmul.f32 v9, v3  }
0x12d: {  	vm2 =	vge.f32 v2, $4.000000000e+00;
	v7 =	vsel vm0, v10, v7;
	v9 =	vmul.f32 $2.500000000e-01, v4  }
0x12e: {  	v10 =	vmul.f32 $5.000000000e-01, v7;
	vm0 =	vge.f32 v4, $4.000000000e+00;
	v5 =	vsub.f32 $1.500000000e+00, v5  }
0x12f: {  	v11 =	vmul.f32 $2.500000000e-01, v2;
	v4 =	vsel vm0, v9, v4;
	v9 =	vsel vm2, $0x3F000000, v0  }
0x130: {  	v7 =	vsel vm1, v10, v7;
	v12 =	vmul.f32 $2.500000000e-01, v4;
	v3 =	vmul.f32 v5, v3  }
0x131: {  	v10 =	vmul.f32 $5.000000000e-01, v7;
	vm1 =	vge.f32 v4, $4.000000000e+00;
	v5 =	vsel vm2, v11, v2  }
0x132: {  	vm2 =	vge.f32 v5, $4.000000000e+00;
	v4 =	vsel vm1, v12, v4;
	v11 =	vmul.f32 v3, v8  }
0x133: {  	v55 =	vmul.f32 $2.500000000e-01, v5;
	v7 =	vsel vm0, v10, v7;
	v10 =	vmul.f32 $2.500000000e-01, v4  }
0x134: {  	v13 =	vmul.f32 $5.000000000e-01, v7;
	vm0 =	vge.f32 v4, $4.000000000e+00;
	v11 =	vmul.f32 v11, v3  }
0x135: {  	v14 =	vmul.f32 $5.000000000e-01, v9;
	v5 =	vsel vm2, v55, v5;
	v4 =	vsel vm0, v10, v4  }
0x136: {  	v7 =	vsel vm1, v13, v7;
	v10 =	vmul.f32 $2.500000000e-01, v4;
	v11 =	vsub.f32 $1.500000000e+00, v11  }
0x137: {  	v12 =	vmul.f32 $2.500000000e-01, v5;
	v13 =	vmul.f32 $5.000000000e-01, v7;
	vm1 =	vge.f32 v4, $4.000000000e+00  }
0x138: {  	vm3 =	vge.f32 v5, $4.000000000e+00;
	v4 =	vsel vm1, v10, v4;
	v10 =	vmul.f32 v11, v3  }
0x139: {  	v3 =	vsel vm3, v12, v5;
	v5 =	vsel vm0, v13, v7;
	v7 =	vmul.f32 $2.500000000e-01, v4  }
0x13a: {  	vm0 =	vge.f32 v4, $4.000000000e+00;
	v11 =	vmul.f32 $5.000000000e-01, v5;
	v56 =	vmul.f32 v10, v8  }
0x13b: {  	v9 =	vsel vm2, v14, v9;
	v57 =	vmul.f32 $2.500000000e-01, v3;
	v4 =	vsel vm0, v7, v4  }
0x13c: {  	v5 =	vsel vm1, v11, v5;
	v7 =	vmul.f32 $-1.666666720e-01, v4;
	v11 =	vmul.f32 v56, v10  }
0x13d: {  	s28 =	simm.s32 $0x30;
	v58 =	vmul.f32 $5.000000000e-01, v9;
	vm1 =	vge.f32 v3, $4.000000000e+00;
	v59 =	vmul.f32 $5.000000000e-01, v5  }
0x13e: {  	v4 =	vld [tilespmem:s28+$0x1B280];
	v13 =	vsel vm1, v57, v3;
	v7 =	vadd.f32 $1.103199960e+00, v7;
	v11 =	vsub.f32 $1.500000000e+00, v11  }
0x13f: {  	v3 =	vmul.f32 $5.000000000e-01, v6;
	v15 =	vmul.f32 $2.500000000e-01, v13;
	v5 =	vsel vm0, v59, v5  }
0x140: {  	v6 =	vsel vm3, v58, v9;
	v5 =	vmul.f32 v7, v5;
	v60 =	vmul.f32 v11, v10  }
0x141: {  	vm2 =	vge.f32 v13, $4.000000000e+00;
	v7 =	vmul.f32 $5.000000000e-01, v6  }
0x142: {  	v9 =	vsel vm2, v15, v13;
	v10 =	vmul.f32 v5, v3;
	v8 =	vmul.f32 v60, v8  }
0x143: {  	vm3 =	vge.f32 v4, $4.000000000e+00;
	v11 =	vmul.f32 $2.500000000e-01, v9  }
0x144: {  	v6 =	vsel vm1, v7, v6;
	v7 =	vmul.f32 v10, v5;
	v10 =	vmul.f32 v8, v60  }
0x145: {  	v61 =	vmul.f32 $2.500000000e-01, v4;
	vm0 =	vge.f32 v9, $4.000000000e+00;
	v62 =	vmul.f32 $5.000000000e-01, v6  }
0x146: {  	v8 =	vsel vm0, v11, v9;
	v63 =	vsub.f32 $1.500000000e+00, v7;
	v16 =	vsub.f32 $1.500000000e+00, v10  }
0x147: {  	v9 =	vsel vm3, v61, v4;
	v7 =	vsel vm3, $0x3F000000, v0;
	v11 =	vmul.f32 $2.500000000e-01, v8  }
0x148: {  	s29 =	simm.s32 $0x100;
	s0 =	rddreg [dreg:$0x6];
	v10 =	vsel vm2, v62, v6;
	v5 =	vmul.f32 v63, v5;
	v6 =	vmul.f32 v16, v60  }
.LBB2_4:
0x149: {  	p0 =	sne.s32 s29, $0x9C0;
	vm1 =	vge.f32 v9, $4.000000000e+00;
	v12 =	vmul.f32 $5.000000000e-01, v10;
	vm2 =	vge.f32 v8, $4.000000000e+00  }
0x14a: {  	v8 =	vsel vm2, v11, v8;
	v11 =	vmul.f32 v5, v3;
	[tilespmem:s24+$0x1B500] =	vst v6;
	v6 =	vmul.f32 v6, v6  }
0x14b: {  	v13 =	vmul.f32 $2.500000000e-01, v9;
	v10 =	vsel vm0, v12, v10;
	v12 =	vmul.f32 $2.500000000e-01, v8  }
0x14c: {  	vm3 =	vge.f32 v8, $4.000000000e+00;
	v14 =	vmul.f32 $5.000000000e-01, v10;
	v11 =	vmul.f32 v11, v5;
	[tilespmem:s24+$0x1B790] =	vst v6;
	s24 =	smov.u32 s25;
	s25 =	smov.u32 s26;
	s26 =	smov.u32 s28  }
0x14d: {  	v9 =	vsel vm1, v13, v9;
	v6 =	vmul.f32 $5.000000000e-01, v7;
	v8 =	vsel vm3, v12, v8  }
0x14e: {  	v10 =	vsel vm2, v14, v10;
	v12 =	vmul.f32 $2.500000000e-01, v8;
	v11 =	vsub.f32 $1.500000000e+00, v11  }
0x14f: {  	v13 =	vmul.f32 $2.500000000e-01, v9;
	vm2 =	vge.f32 v8, $4.000000000e+00;
	v14 =	vmul.f32 $5.000000000e-01, v10  }
0x150: {  	vm0 =	vge.f32 v9, $4.000000000e+00;
	v8 =	vsel vm2, v12, v8;
	v5 =	vmul.f32 v11, v5  }
0x151: {  	v9 =	vsel vm0, v13, v9;
	v10 =	vsel vm3, v14, v10;
	v11 =	vmul.f32 $2.500000000e-01, v8  }
0x152: {  	vm3 =	vge.f32 v8, $4.000000000e+00;
	v12 =	vmul.f32 $5.000000000e-01, v10;
	v13 =	vmul.f32 v5, v3  }
0x153: {  	v6 =	vsel vm1, v6, v7;
	v7 =	vmul.f32 $2.500000000e-01, v9;
	v8 =	vsel vm3, v11, v8  }
0x154: {  	v10 =	vsel vm2, v12, v10;
	v8 =	vmul.f32 $-1.666666720e-01, v8;
	v11 =	vmul.f32 v13, v5  }
0x155: {  	s28 =	sshra.s32 s29, $0x2;
	vm1 =	vge.f32 v9, $4.000000000e+00;
	v12 =	vmul.f32 $5.000000000e-01, v6;
	v13 =	vmul.f32 $5.000000000e-01, v10  }
0x156: {  	v7 =	vsel vm1, v7, v9;
	v14 =	vld [tilespmem:s28+$0x1B280];
	v8 =	vadd.f32 $1.103199960e+00, v8;
	v9 =	vsub.f32 $1.500000000e+00, v11  }
0x157: {  	v11 =	vmul.f32 $2.500000000e-01, v7;
	v10 =	vsel vm3, v13, v10;
	v13 =	vmul.f32 $5.000000000e-01, v2;
	v2 =	vmovc v4  }
0x158: {  	v6 =	vsel vm0, v12, v6;
	v12 =	vmul.f32 v8, v10;
	v15 =	vmul.f32 v9, v5  }
0x159: {  	vm2 =	vge.f32 v7, $4.000000000e+00;
	v5 =	vmul.f32 $5.000000000e-01, v6  }
0x15a: {  	v7 =	vsel vm2, v11, v7;
	v8 =	vmul.f32 v12, v13;
	v9 =	vmul.f32 v15, v3;
	v3 =	vmovc v13  }
0x15b: {  	v10 =	vmul.f32 $2.500000000e-01, v7;
	vm3 =	vge.f32 v14, $4.000000000e+00;
	v4 =	vmov v14  }
.Ltmp1:
0x15c: {  	v5 =	vsel vm1, v5, v6;
	v6 =	vmul.f32 v8, v12;
	v9 =	vmul.f32 v9, v15;
	(pc) =	sbr.rel @p0 .LBB2_4-.Ltmp1, $4  }
0x15d: {  	vm0 =	vge.f32 v7, $4.000000000e+00;
	v13 =	vmul.f32 $5.000000000e-01, v5;
	v11 =	vmul.f32 $2.500000000e-01, v4  }
0x15e: {  	v8 =	vsel vm0, v10, v7;
	v6 =	vsub.f32 $1.500000000e+00, v6;
	v14 =	vsub.f32 $1.500000000e+00, v9  }
0x15f: {  	v7 =	vsel vm3, $0x3F000000, v0;
	v9 =	vsel vm3, v11, v4;
	v11 =	vmul.f32 $2.500000000e-01, v8  }
0x160: {  	s29 =	sadd.s32 $0x40, s29;
	v10 =	vsel vm2, v13, v5;
	v5 =	vmul.f32 v6, v12;
	v6 =	vmul.f32 v14, v15  }
0x161: {  	v12 =	vmul.f32 $2.500000000e-01, v9  }
0x162: {  	vm1 =	vge.f32 v9, $4.000000000e+00  }
0x163: {  	v9 =	vsel vm1, v12, v9  }
0x164: {  	v12 =	vmul.f32 $2.500000000e-01, v9  }
0x165: {  	v13 =	vmul.f32 $5.000000000e-01, v7;
	vm2 =	vge.f32 v9, $4.000000000e+00  }
0x166: {  	v9 =	vsel vm2, v12, v9  }
0x167: {  	v7 =	vsel vm1, v13, v7;
	v12 =	vmul.f32 $2.500000000e-01, v9  }
0x168: {  	v13 =	vmul.f32 $5.000000000e-01, v7;
	vm6 =	vge.f32 v9, $4.000000000e+00  }
0x169: {  	v9 =	vsel vm6, v12, v9  }
0x16a: {  	v14 =	vmul.f32 $5.000000000e-01, v10;
	v7 =	vsel vm2, v13, v7;
	v12 =	vmul.f32 $2.500000000e-01, v9  }
0x16b: {  	vm3 =	vge.f32 v8, $4.000000000e+00;
	v25 =	vmul.f32 $5.000000000e-01, v7;
	vm7 =	vge.f32 v9, $4.000000000e+00  }
0x16c: {  	v8 =	vsel vm3, v11, v8;
	v9 =	vsel vm7, v12, v9  }
0x16d: {  	v10 =	vsel vm0, v14, v10;
	v7 =	vsel vm6, v25, v7;
	v28 =	vmul.f32 $2.500000000e-01, v9  }
0x16e: {  	v26 =	vmul.f32 $2.500000000e-01, v8;
	v11 =	vmul.f32 $5.000000000e-01, v7;
	vm9 =	vge.f32 v9, $4.000000000e+00  }
0x16f: {  	vm8 =	vge.f32 v8, $4.000000000e+00;
	v27 =	vmul.f32 $5.000000000e-01, v10;
	v9 =	vsel vm9, v28, v9  }
0x170: {  	v8 =	vsel vm8, v26, v8;
	v7 =	vsel vm7, v11, v7;
	v29 =	vmul.f32 $2.500000000e-01, v9  }
0x171: {  	v10 =	vsel vm3, v27, v10;
	v31 =	vmul.f32 $5.000000000e-01, v7;
	vm10 =	vge.f32 v9, $4.000000000e+00  }
0x172: {  	v30 =	vmul.f32 $2.500000000e-01, v8;
	vm11 =	vge.f32 v8, $4.000000000e+00;
	v9 =	vsel vm10, v29, v9  }
0x173: {  	v32 =	vmul.f32 $5.000000000e-01, v10;
	v7 =	vsel vm9, v31, v7;
	v33 =	vmul.f32 $2.500000000e-01, v9  }
0x174: {  	v8 =	vsel vm11, v30, v8;
	v34 =	vmul.f32 $5.000000000e-01, v7;
	vm12 =	vge.f32 v9, $4.000000000e+00  }
0x175: {  	v10 =	vsel vm8, v32, v10;
	v35 =	vmul.f32 $2.500000000e-01, v8;
	v9 =	vsel vm12, v33, v9  }
0x176: {  	vm13 =	vge.f32 v8, $4.000000000e+00;
	v7 =	vsel vm10, v34, v7;
	v11 =	vmul.f32 $2.500000000e-01, v9  }
0x177: {  	v14 =	vmul.f32 $5.000000000e-01, v10;
	v12 =	vmul.f32 $5.000000000e-01, v7;
	vm14 =	vge.f32 v9, $4.000000000e+00  }
0x178: {  	v8 =	vsel vm13, v35, v8;
	v9 =	vsel vm14, v11, v9  }
0x179: {  	v10 =	vsel vm11, v14, v10;
	v7 =	vsel vm12, v12, v7;
	v37 =	vmul.f32 $2.500000000e-01, v9  }
0x17a: {  	v8 =	vmul.f32 $-1.666666720e-01, v8;
	v38 =	vmul.f32 $5.000000000e-01, v7;
	vm15 =	vge.f32 v9, $4.000000000e+00  }
0x17b: {  	v36 =	vmul.f32 $5.000000000e-01, v10;
	v9 =	vsel vm15, v37, v9  }
0x17c: {  	v8 =	vadd.f32 $1.103199960e+00, v8;
	v7 =	vsel vm14, v38, v7;
	v9 =	vmul.f32 $-1.666666720e-01, v9  }
0x17d: {  	v10 =	vsel vm13, v36, v10;
	v39 =	vmul.f32 $5.000000000e-01, v7  }
0x17e: {  	v2 =	vmul.f32 $5.000000000e-01, v2;
	v8 =	vmul.f32 v8, v10;
	v9 =	vadd.f32 $1.103199960e+00, v9  }
0x17f: {  	v4 =	vmul.f32 $5.000000000e-01, v4;
	v7 =	vsel vm15, v39, v7  }
0x180: {  	v40 =	vmul.f32 v8, v2;
	v7 =	vmul.f32 v9, v7;
	_ =	sdelay $0x1  }
0x181: {  	v41 =	vmul.f32 v40, v8;
	v42 =	vmul.f32 v7, v4;
	_ =	sdelay $0x1  }
0x182: {  	v9 =	vsub.f32 $1.500000000e+00, v41;
	v10 =	vmul.f32 v42, v7  }
0x183: {  	v43 =	vmul.f32 v5, v3  }
0x184: {  	v8 =	vmul.f32 v9, v8;
	v44 =	vsub.f32 $1.500000000e+00, v10  }
0x185: {  	v45 =	vmul.f32 v43, v5  }
0x186: {  	v46 =	vmul.f32 v8, v2;
	v7 =	vmul.f32 v44, v7  }
0x187: {  	v47 =	vsub.f32 $1.500000000e+00, v45  }
0x188: {  	v48 =	vmul.f32 v46, v8;
	v49 =	vmul.f32 v7, v4  }
0x189: {  	v50 =	vmul.f32 v47, v5  }
0x18a: {  	v51 =	vsub.f32 $1.500000000e+00, v48;
	v52 =	vmul.f32 v49, v7  }
0x18b: {  	v53 =	vmul.f32 v50, v3  }
0x18c: {  	v8 =	vmul.f32 v51, v8;
	v54 =	vsub.f32 $1.500000000e+00, v52  }
0x18d: {  	v55 =	vmul.f32 v53, v50  }
0x18e: {  	v56 =	vmul.f32 v8, v2;
	v7 =	vmul.f32 v54, v7  }
0x18f: {  	v57 =	vsub.f32 $1.500000000e+00, v55  }
0x190: {  	v58 =	vmul.f32 v56, v8;
	v59 =	vmul.f32 v7, v4  }
0x191: {  	v5 =	vmul.f32 v57, v50  }
0x192: {  	v60 =	vsub.f32 $1.500000000e+00, v58;
	v61 =	vmul.f32 v59, v7  }
0x193: {  	v3 =	vmul.f32 v5, v3  }
0x194: {  	v8 =	vmul.f32 v60, v8;
	v62 =	vsub.f32 $1.500000000e+00, v61  }
0x195: {  	v3 =	vmul.f32 v3, v5  }
0x196: {  	v2 =	vmul.f32 v8, v2;
	v7 =	vmul.f32 v62, v7;
	_ =	sdelay $0x1  }
0x197: {  	v3 =	vsub.f32 $1.500000000e+00, v3;
	v2 =	vmul.f32 v2, v8;
	v4 =	vmul.f32 v7, v4  }
0x198: {  	v63 =	vmul.f32 v6, v6  }
0x199: {  	v3 =	vmul.f32 v3, v5;
	v2 =	vsub.f32 $1.500000000e+00, v2;
	v4 =	vmul.f32 v4, v7  }
0x19a: {  	[tilespmem:s24+$0x1B500] =	vst v6  }
0x19b: {  	[tilespmem:s24+$0x1B790] =	vst v63;
	v5 =	vmul.f32 v3, v3;
	v2 =	vmul.f32 v2, v8;
	v4 =	vsub.f32 $1.500000000e+00, v4  }
0x19c: {  	[tilespmem:s25+$0x1B500] =	vst v3  }
0x19d: {  	[tilespmem:s25+$0x1B790] =	vst v5;
	v3 =	vmul.f32 v2, v2;
	v4 =	vmul.f32 v4, v7  }
0x19e: {  	[tilespmem:s26+$0x1B500] =	vst v2  }
0x19f: {  	s20 =	simm.s32 $0x14680;
	s5 =	simm.s32 $0x19280;
	s7 =	simm.s32 $0x1BAA0;
	[tilespmem:s26+$0x1B790] =	vst v3;
	v2 =	vmul.f32 v4, v4  }
0x1a0: {  	s9 =	simm.s32 $0x14E80;
	s10 =	simm.s32 $0x14A80;
	s12 =	simm.s32 $0x14B00;
	[tilespmem:s28+$0x1B500] =	vst v4  }
0x1a1: {  	s13 =	simm.s32 $0x14B80;
	s24 =	simm.s32 $0x1B500;
	s25 =	simm.s32 $0x0;
	[tilespmem:s28+$0x1B790] =	vst v2  }
.LBB2_6:
0x1a2: {  	s15 =	sshll.u32 s25, $0x7;
	s26 =	rddreg [dreg:$0x8]  }
0x1a3: {  	s16 =	smov.u32 s25;
	s25 =	sadd.s32 s26, s15  }
0x1a4: {  	s28 =	rddreg [dreg:$0xb];
	s26 =	sshll.u32 s25, $0x6  }
0x1a5: {  	s26 =	sadd.s32 s28, s26  }
0x1a6: {  	s26 =	sshrl.u32 s26, $0x3  }
0x1a7: {  	s28 =	simm.s32 $0x0;
	s26 =	sadd.s32 s0, s26  }
0x1a8: {  	[tilespmem:s5], [sflag:$0x7] =	stream.linear.gather [hbm4b:s26+s28], $0x2000, $0x38;
	[tilespmem:$0x1BB20] =	vst v63  }
0x1a9: {  	_ =	swait.ge [sflag:s30], $0x2000  }
0x1aa: {  	[sflag:s30] =	ssyncset.done $0x0  }
0x1ab: {  	s26 =	simm.s32 $0x192A0;
	[sflag:s30] =	ssyncadd.s32 $0xFFFFE000  }
0x1ac: {  	v2 =	vld [tilespmem:s26+$0xFFFFFFF0]  }
0x1ad: {  	s28 =	sadd.s32 $0x0, s24;
	v4 =	vld [tilespmem:s26+$0x10]  }
0x1ae: {  	v6 =	vld.msk [tilespmem:s28+$0x0 ss:$0x0], $0xffff  }
0x1af: {  	v3 =	vld [tilespmem:s26+$0xFFFFFFE0]  }
0x1b0: {  	v7 =	vld [tilespmem:s26+$0x0];
	_ =	sdelay $0x3  }
0x1b1: {  	v3 =	vmul.f32 v6, v3;
	v5 =	vmul.f32 v4, v6  }
0x1b2: {  	s29 =	simm.s32 $0x192A0;
	s28 =	simm.s32 $0x4;
	v4 =	vmul.f32 v2, v6;
	v2 =	vmul.f32 v7, v6  }
.LBB2_7:
0x1b3: {  	p0 =	seq.s32 s28, $0x1FC  }
0x1b4: {  	[tilespmem:s26+$0x10] =	vst v5;
	s29 =	sadd.s32 $0x40, s29;
	s30 =	smov.u32 s28;
	s28 =	sadd.s32 $0x4, s28  }
0x1b5: {  	[tilespmem:s26+$0xFFFFFFE0] =	vst v3  }
0x1b6: {  	s30 =	sshra.s32 s30, $0x2;
	v6 =	vld [tilespmem:s29+$0xFFFFFFF0];
	[tilespmem:s26+$0xFFFFFFF0] =	vst v4  }
0x1b7: {  	s30 =	sadd.s32 s30, s24;
	v4 =	vld [tilespmem:s29+$0x10];
	[tilespmem:s26+$0x0] =	vst v2;
	s26 =	smov.u32 s29  }
0x1b8: {  	v2 =	vld.msk [tilespmem:s30+$0x0 ss:$0x0], $0xffff  }
0x1b9: {  	v3 =	vld [tilespmem:s29+$0xFFFFFFE0]  }
0x1ba: {  	v7 =	vld [tilespmem:s29+$0x0]  }
.Ltmp2:
0x1bb: {  	(pc) =	sbr.rel @!p0 .LBB2_7-.Ltmp2, $3  }
0x1bc: {  	_ =	sdelay $0x1  }
0x1bd: {  	v5 =	vmul.f32 v4, v2;
	v3 =	vmul.f32 v2, v3  }
0x1be: {  	v4 =	vmul.f32 v6, v2;
	v2 =	vmul.f32 v7, v2  }
0x1bf: {  	_ = 	snop  }
0x1c0: {  	[tilespmem:s26+$0x0] =	vst v2;
	v2 =	vmov s25  }
0x1c1: {  	[tilespmem:s26+$0xFFFFFFE0] =	vst v3;
	v3 =	vor.u32 $0x10, v2;
	v55 =	vor.u32 $0x20, v2  }
0x1c2: {  	v6 =	vor.u32 $0x30, v2;
	v58 =	vor.u32 $0x40, v2;
	v60 =	vor.u32 $0x50, v2  }
0x1c3: {  	[tilespmem:s26+$0x10] =	vst v5;
	v62 =	vor.u32 $0x60, v2;
	v2 =	vor.u32 $0x70, v2;
	v3 =	vbroadcast v3, $0x0  }
0x1c4: {  	v56 =	vor.u32 s25, v1;
	[tilespmem:s26+$0xFFFFFFF0] =	vst v4;
	v2 =	vbroadcast v2, $0x0  }
0x1c5: {  	[tilespmem:$0x1BAA0] =	vst v56;
	v4 =	vbroadcast v55, $0x0;
	v3 =	vor.u32 v1, v3  }
0x1c6: {  	v57 =	vbroadcast v6, $0x0;
	v2 =	vor.u32 v1, v2;
	[tilespmem:$0x1BAB0] =	vst v3  }
0x1c7: {  	v59 =	vbroadcast v58, $0x0;
	v3 =	vor.u32 v1, v4;
	[tilespmem:$0x1BB10] =	vst v2  }
0x1c8: {  	v61 =	vbroadcast v60, $0x0;
	[tilespmem:$0x1BAC0] =	vst v3;
	v3 =	vor.u32 v1, v57  }
0x1c9: {  	v63 =	vbroadcast v62, $0x0;
	[tilespmem:$0x1BAD0] =	vst v3;
	v3 =	vor.u32 v1, v59  }
0x1ca: {  	[tilespmem:$0x1BAE0] =	vst v3;
	v3 =	vor.u32 v1, v61  }
0x1cb: {  	[tilespmem:$0x1BAF0] =	vst v3;
	v3 =	vor.u32 v1, v63  }
0x1cc: {  	s30 =	simm.s32 $0x7;
	[tilespmem:$0x1BB00] =	vst v3  }
0x1cd: {  	[spmem:s2] =	stream.indirect.scatter [tilespmem:s5], [sflag:$0x7], $0x40, s7, s21, $0xb8;
	[tilespmem:$0x1BB20] =	vst v63  }
0x1ce: {  	s25 =	sadd.s32 $0x1, s16;
	_ =	swait.ge [sflag:s30], $0x2000  }
0x1cf: {  	p0 =	seq.s32 s25, $0x5;
	[sflag:s30] =	ssyncset.done $0x0  }
.Ltmp3:
0x1d0: {  	[sflag:s30] =	ssyncadd.s32 $0xFFFFE000;
	(pc) =	sbr.rel @!p0 .LBB2_6-.Ltmp3, $4  }
0x1d1: {  	[spmem:s3] =	stream.indirect.scatter [tilespmem:s5], [sflag:$0x7], $0x40, s7, s21, $0xb8;
	[tilespmem:$0x1BB20] =	vst v63  }
0x1d2: {  	_ =	swait.ge [sflag:s30], $0x2000  }
0x1d3: {  	s4 =	simm.s32 $0x14800;
	s28 =	simm.s32 $0x14880;
	[sflag:s30] =	ssyncset.done $0x0  }
0x1d4: {  	s15 =	simm.s32 $0x14900;
	s24 =	sadd.s32 $0x80, s24;
	[sflag:s30] =	ssyncadd.s32 $0xFFFFE000  }
0x1d5: {  	[bflag:$0x0] =	sbarrier.arrive $0xFFFF  }
0x1d6: {  	s24 =	simm.s32 $0x0;
	s25 =	simm.s32 $0x14280;
	s0 =	rddreg [dreg:$0xa]  }
0x1d7: {  	[tilespmem:s25], [sflag:$0x6] =	stream.linear.gather [hbm4b:s0+s24], $0x400, $0x38;
	[tilespmem:$0x1BB20] =	vst v63  }
0x1d8: {  	s25 =	rddreg [dreg:$0xc]  }
0x1d9: {  	[tilespmem:s10], [sflag:$0x6] =	stream.linear.gather [hbm4b:s25+s24], $0x400, $0x38;
	[tilespmem:$0x1BB20] =	vst v63  }
0x1da: {  	_ =	swait.ge [sflag:s19], $0x400  }
0x1db: {  	[sflag:s19] =	ssyncset.done $0x0  }
0x1dc: {  	[sflag:s19] =	ssyncadd.s32 $0xFFFFFC00  }
0x1dd: {  	s29 =	sadd.s32 $0x0, s14;
	_ =	swait.ge [sflag:s19], $0x400  }
0x1de: {  	s24 =	sadd.s32 $0x80, s29;
	[sflag:s19] =	ssyncset.done $0x0;
	s29 =	rddreg [dreg:$0xe]  }
0x1df: {  	s30 =	simm.s32 $0x0;
	[sflag:s19] =	ssyncadd.s32 $0xFFFFFC00;
	s5 =	sadd.s32 $0x0, s29  }
0x1e0: {  	[tilespmem:s20], [sflag:$0x6] =	stream.linear.gather [hbm4b:s24+s30], $0x400, $0x38;
	[tilespmem:$0x1BB20] =	vst v63  }
0x1e1: {  	s7 =	sadd.s32 $0x80, s5  }
0x1e2: {  	[tilespmem:s9], [sflag:$0x6] =	stream.linear.gather [hbm4b:s7+s30], $0x400, $0x38;
	[tilespmem:$0x1BB20] =	vst v63  }
0x1e3: {  	s26 =	simm.s32 $0x14280  }
0x1e4: {  	[tilespmem:s8], [sflag:$0x1] =	stream.indirect.gather [spmem:s2], $0x40, s26, s21, $0xb8;
	[tilespmem:$0x1BB20] =	vst v63  }
0x1e5: {  	_ =	swait.ge [sflag:s6], $0x2000  }
0x1e6: {  	[sflag:s6] =	ssyncset.done $0x0  }
0x1e7: {  	[sflag:s6] =	ssyncadd.s32 $0xFFFFE000  }
0x1e8: {  	[spmem:s3] =	stream.indirect.scatter.add.f32 [tilespmem:s8], [sflag:$0x3], $0x40, s10, s21, $0xb8;
	[tilespmem:$0x1BB20] =	vst v63  }
0x1e9: {  	s16 =	simm.s32 $0x14300  }
0x1ea: {  	[tilespmem:s17], [sflag:$0x2] =	stream.indirect.gather [spmem:s2], $0x40, s16, s21, $0xb8;
	[tilespmem:$0x1BB20] =	vst v63  }
0x1eb: {  	_ =	swait.ge [sflag:s11], $0x2000  }
0x1ec: {  	[sflag:s11] =	ssyncset.done $0x0  }
0x1ed: {  	[sflag:s11] =	ssyncadd.s32 $0xFFFFE000  }
0x1ee: {  	[spmem:s3] =	stream.indirect.scatter.add.f32 [tilespmem:s17], [sflag:$0x4], $0x40, s12, s21, $0xb8;
	[tilespmem:$0x1BB20] =	vst v63  }
0x1ef: {  	_ =	swait.ge [sflag:s18], $0x2000  }
0x1f0: {  	[sflag:s18] =	ssyncset.done $0x0  }
0x1f1: {  	s24 =	simm.s32 $0x14380;
	[sflag:s18] =	ssyncadd.s32 $0xFFFFE000  }
0x1f2: {  	[tilespmem:s8], [sflag:$0x1] =	stream.indirect.gather [spmem:s2], $0x40, s24, s21, $0xb8;
	[tilespmem:$0x1BB20] =	vst v63  }
0x1f3: {  	_ =	swait.ge [sflag:s6], $0x2000  }
0x1f4: {  	[sflag:s6] =	ssyncset.done $0x0  }
0x1f5: {  	[sflag:s6] =	ssyncadd.s32 $0xFFFFE000  }
0x1f6: {  	[spmem:s3] =	stream.indirect.scatter.add.f32 [tilespmem:s8], [sflag:$0x3], $0x40, s13, s21, $0xb8;
	[tilespmem:$0x1BB20] =	vst v63  }
0x1f7: {  	_ =	swait.ge [sflag:s23], $0x2000  }
0x1f8: {  	[sflag:s23] =	ssyncset.done $0x0  }
0x1f9: {  	s25 =	simm.s32 $0x14400;
	[sflag:s23] =	ssyncadd.s32 $0xFFFFE000  }
0x1fa: {  	[tilespmem:s17], [sflag:$0x2] =	stream.indirect.gather [spmem:s2], $0x40, s25, s21, $0xb8;
	[tilespmem:$0x1BB20] =	vst v63  }
0x1fb: {  	_ =	swait.ge [sflag:s11], $0x2000  }
0x1fc: {  	[sflag:s11] =	ssyncset.done $0x0  }
0x1fd: {  	s26 =	simm.s32 $0x14C00;
	[sflag:s11] =	ssyncadd.s32 $0xFFFFE000  }
0x1fe: {  	[spmem:s3] =	stream.indirect.scatter.add.f32 [tilespmem:s17], [sflag:$0x4], $0x40, s26, s21, $0xb8;
	[tilespmem:$0x1BB20] =	vst v63  }
0x1ff: {  	_ =	swait.ge [sflag:s18], $0x2000  }
0x200: {  	[sflag:s18] =	ssyncset.done $0x0  }
0x201: {  	s5 =	simm.s32 $0x14480;
	[sflag:s18] =	ssyncadd.s32 $0xFFFFE000  }
0x202: {  	[tilespmem:s8], [sflag:$0x1] =	stream.indirect.gather [spmem:s2], $0x40, s5, s21, $0xb8;
	[tilespmem:$0x1BB20] =	vst v63  }
0x203: {  	_ =	swait.ge [sflag:s6], $0x2000  }
0x204: {  	[sflag:s6] =	ssyncset.done $0x0  }
0x205: {  	s7 =	simm.s32 $0x14C80;
	[sflag:s6] =	ssyncadd.s32 $0xFFFFE000  }
0x206: {  	[spmem:s3] =	stream.indirect.scatter.add.f32 [tilespmem:s8], [sflag:$0x3], $0x40, s7, s21, $0xb8;
	[tilespmem:$0x1BB20] =	vst v63  }
0x207: {  	_ =	swait.ge [sflag:s23], $0x2000  }
0x208: {  	[sflag:s23] =	ssyncset.done $0x0  }
0x209: {  	s9 =	simm.s32 $0x14500;
	[sflag:s23] =	ssyncadd.s32 $0xFFFFE000  }
0x20a: {  	[tilespmem:s17], [sflag:$0x2] =	stream.indirect.gather [spmem:s2], $0x40, s9, s21, $0xb8;
	[tilespmem:$0x1BB20] =	vst v63  }
0x20b: {  	_ =	swait.ge [sflag:s11], $0x2000  }
0x20c: {  	[sflag:s11] =	ssyncset.done $0x0  }
0x20d: {  	s10 =	simm.s32 $0x14D00;
	[sflag:s11] =	ssyncadd.s32 $0xFFFFE000  }
0x20e: {  	[spmem:s3] =	stream.indirect.scatter.add.f32 [tilespmem:s17], [sflag:$0x4], $0x40, s10, s21, $0xb8;
	[tilespmem:$0x1BB20] =	vst v63  }
0x20f: {  	_ =	swait.ge [sflag:s18], $0x2000  }
0x210: {  	[sflag:s18] =	ssyncset.done $0x0  }
0x211: {  	s12 =	simm.s32 $0x14580;
	[sflag:s18] =	ssyncadd.s32 $0xFFFFE000  }
0x212: {  	[tilespmem:s8], [sflag:$0x1] =	stream.indirect.gather [spmem:s2], $0x40, s12, s21, $0xb8;
	[tilespmem:$0x1BB20] =	vst v63  }
0x213: {  	_ =	swait.ge [sflag:s6], $0x2000  }
0x214: {  	[sflag:s6] =	ssyncset.done $0x0  }
0x215: {  	s13 =	simm.s32 $0x14D80;
	[sflag:s6] =	ssyncadd.s32 $0xFFFFE000  }
0x216: {  	[spmem:s3] =	stream.indirect.scatter.add.f32 [tilespmem:s8], [sflag:$0x3], $0x40, s13, s21, $0xb8;
	[tilespmem:$0x1BB20] =	vst v63  }
0x217: {  	_ =	swait.ge [sflag:s23], $0x2000  }
0x218: {  	[sflag:s23] =	ssyncset.done $0x0  }
0x219: {  	s16 =	simm.s32 $0x14600;
	[sflag:s23] =	ssyncadd.s32 $0xFFFFE000  }
0x21a: {  	[tilespmem:s17], [sflag:$0x2] =	stream.indirect.gather [spmem:s2], $0x40, s16, s21, $0xb8;
	[tilespmem:$0x1BB20] =	vst v63  }
0x21b: {  	_ =	swait.ge [sflag:s11], $0x2000  }
0x21c: {  	[sflag:s11] =	ssyncset.done $0x0  }
0x21d: {  	s24 =	simm.s32 $0x14E00;
	[sflag:s11] =	ssyncadd.s32 $0xFFFFE000  }
0x21e: {  	[spmem:s3] =	stream.indirect.scatter.add.f32 [tilespmem:s17], [sflag:$0x4], $0x40, s24, s21, $0xb8;
	[tilespmem:$0x1BB20] =	vst v63  }
0x21f: {  	_ =	swait.ge [sflag:s18], $0x2000  }
0x220: {  	[sflag:s18] =	ssyncset.done $0x0  }
0x221: {  	[sflag:s18] =	ssyncadd.s32 $0xFFFFE000  }
0x222: {  	_ =	swait.ge [sflag:s23], $0x2000  }
0x223: {  	[sflag:s23] =	ssyncset.done $0x0  }
0x224: {  	[sflag:s23] =	ssyncadd.s32 $0xFFFFE000  }
0x225: {  	_ =	swait.ge [sflag:s19], $0x400  }
0x226: {  	[sflag:s19] =	ssyncset.done $0x0  }
0x227: {  	[sflag:s19] =	ssyncadd.s32 $0xFFFFFC00  }
0x228: {  	p0 =	por $0x0, $0x0;
	_ =	swait.ge [sflag:s19], $0x400  }
0x229: {  	s25 =	simm.s32 @!p0 $0x0;
	s24 =	sadd.s32 @!p0 $0x0, s14;
	[sflag:s19] =	ssyncset.done $0x0  }
0x22a: {  	s26 =	simm.s32 @!p0 $0x14280;
	s24 =	sadd.s32 @!p0 $0x100, s24;
	[sflag:s19] =	ssyncadd.s32 $0xFFFFFC00  }
0x22b: {  	[tilespmem:s26], [sflag:$0x6] =	stream.linear.gather @!p0 [hbm4b:s24+s25], $0x400, $0x38;
	[tilespmem:$0x1BB20] =	vst v63  }
0x22c: {  	s24 =	sadd.s32 @!p0 $0x0, s29  }
0x22d: {  	s26 =	simm.s32 @!p0 $0x14A80;
	s24 =	sadd.s32 @!p0 $0x100, s24  }
0x22e: {  	[tilespmem:s26], [sflag:$0x6] =	stream.linear.gather @!p0 [hbm4b:s24+s25], $0x400, $0x38;
	[tilespmem:$0x1BB20] =	vst v63  }
0x22f: {  	_ = 	snop  }
0x230: {  	[tilespmem:s8], [sflag:$0x1] =	stream.indirect.gather [spmem:s2], $0x40, s20, s21, $0xb8;
	[tilespmem:$0x1BB20] =	vst v63  }
0x231: {  	_ =	swait.ge [sflag:s6], $0x2000  }
0x232: {  	[sflag:s6] =	ssyncset.done $0x0  }
0x233: {  	s5 =	simm.s32 $0x14E80;
	[sflag:s6] =	ssyncadd.s32 $0xFFFFE000  }
0x234: {  	[spmem:s3] =	stream.indirect.scatter.add.f32 [tilespmem:s8], [sflag:$0x3], $0x40, s5, s21, $0xb8;
	[tilespmem:$0x1BB20] =	vst v63  }
0x235: {  	s25 =	simm.s32 $0x14700  }
0x236: {  	[tilespmem:s17], [sflag:$0x2] =	stream.indirect.gather [spmem:s2], $0x40, s25, s21, $0xb8;
	[tilespmem:$0x1BB20] =	vst v63  }
0x237: {  	_ =	swait.ge [sflag:s11], $0x2000  }
0x238: {  	[sflag:s11] =	ssyncset.done $0x0  }
0x239: {  	s26 =	simm.s32 $0x14F00;
	[sflag:s11] =	ssyncadd.s32 $0xFFFFE000  }
0x23a: {  	[spmem:s3] =	stream.indirect.scatter.add.f32 [tilespmem:s17], [sflag:$0x4], $0x40, s26, s21, $0xb8;
	[tilespmem:$0x1BB20] =	vst v63  }
0x23b: {  	_ =	swait.ge [sflag:s18], $0x2000  }
0x23c: {  	[sflag:s18] =	ssyncset.done $0x0  }
0x23d: {  	s0 =	simm.s32 $0x14780;
	[sflag:s18] =	ssyncadd.s32 $0xFFFFE000  }
0x23e: {  	[tilespmem:s8], [sflag:$0x1] =	stream.indirect.gather [spmem:s2], $0x40, s0, s21, $0xb8;
	[tilespmem:$0x1BB20] =	vst v63  }
0x23f: {  	_ =	swait.ge [sflag:s6], $0x2000  }
0x240: {  	[sflag:s6] =	ssyncset.done $0x0  }
0x241: {  	s16 =	simm.s32 $0x14F80;
	[sflag:s6] =	ssyncadd.s32 $0xFFFFE000  }
0x242: {  	[spmem:s3] =	stream.indirect.scatter.add.f32 [tilespmem:s8], [sflag:$0x3], $0x40, s16, s21, $0xb8;
	[tilespmem:$0x1BB20] =	vst v63  }
0x243: {  	_ =	swait.ge [sflag:s23], $0x2000  }
0x244: {  	[sflag:s23] =	ssyncset.done $0x0  }
0x245: {  	[sflag:s23] =	ssyncadd.s32 $0xFFFFE000  }
0x246: {  	[tilespmem:s17], [sflag:$0x2] =	stream.indirect.gather [spmem:s2], $0x40, s4, s21, $0xb8;
	[tilespmem:$0x1BB20] =	vst v63  }
0x247: {  	_ =	swait.ge [sflag:s11], $0x2000  }
0x248: {  	[sflag:s11] =	ssyncset.done $0x0  }
0x249: {  	s13 =	simm.s32 $0x15000;
	[sflag:s11] =	ssyncadd.s32 $0xFFFFE000  }
0x24a: {  	[spmem:s3] =	stream.indirect.scatter.add.f32 [tilespmem:s17], [sflag:$0x4], $0x40, s13, s21, $0xb8;
	[tilespmem:$0x1BB20] =	vst v63  }
0x24b: {  	_ =	swait.ge [sflag:s18], $0x2000  }
0x24c: {  	[sflag:s18] =	ssyncset.done $0x0  }
0x24d: {  	[sflag:s18] =	ssyncadd.s32 $0xFFFFE000  }
0x24e: {  	[tilespmem:s8], [sflag:$0x1] =	stream.indirect.gather [spmem:s2], $0x40, s28, s21, $0xb8;
	[tilespmem:$0x1BB20] =	vst v63  }
0x24f: {  	_ =	swait.ge [sflag:s6], $0x2000  }
0x250: {  	[sflag:s6] =	ssyncset.done $0x0  }
0x251: {  	s10 =	simm.s32 $0x15080;
	[sflag:s6] =	ssyncadd.s32 $0xFFFFE000  }
0x252: {  	[spmem:s3] =	stream.indirect.scatter.add.f32 [tilespmem:s8], [sflag:$0x3], $0x40, s10, s21, $0xb8;
	[tilespmem:$0x1BB20] =	vst v63  }
0x253: {  	_ =	swait.ge [sflag:s23], $0x2000  }
0x254: {  	[sflag:s23] =	ssyncset.done $0x0  }
0x255: {  	[sflag:s23] =	ssyncadd.s32 $0xFFFFE000  }
0x256: {  	[tilespmem:s17], [sflag:$0x2] =	stream.indirect.gather [spmem:s2], $0x40, s15, s21, $0xb8;
	[tilespmem:$0x1BB20] =	vst v63  }
0x257: {  	_ =	swait.ge [sflag:s11], $0x2000  }
0x258: {  	[sflag:s11] =	ssyncset.done $0x0  }
0x259: {  	s12 =	simm.s32 $0x15100;
	[sflag:s11] =	ssyncadd.s32 $0xFFFFE000  }
0x25a: {  	[spmem:s3] =	stream.indirect.scatter.add.f32 [tilespmem:s17], [sflag:$0x4], $0x40, s12, s21, $0xb8;
	[tilespmem:$0x1BB20] =	vst v63  }
0x25b: {  	_ =	swait.ge [sflag:s18], $0x2000  }
0x25c: {  	[sflag:s18] =	ssyncset.done $0x0  }
0x25d: {  	s28 =	simm.s32 $0x14980;
	[sflag:s18] =	ssyncadd.s32 $0xFFFFE000  }
0x25e: {  	[tilespmem:s8], [sflag:$0x1] =	stream.indirect.gather [spmem:s2], $0x40, s28, s21, $0xb8;
	[tilespmem:$0x1BB20] =	vst v63  }
0x25f: {  	_ =	swait.ge [sflag:s6], $0x2000  }
0x260: {  	[sflag:s6] =	ssyncset.done $0x0  }
0x261: {  	s7 =	simm.s32 $0x15180;
	[sflag:s6] =	ssyncadd.s32 $0xFFFFE000  }
0x262: {  	[spmem:s3] =	stream.indirect.scatter.add.f32 [tilespmem:s8], [sflag:$0x3], $0x40, s7, s21, $0xb8;
	[tilespmem:$0x1BB20] =	vst v63  }
0x263: {  	_ =	swait.ge [sflag:s23], $0x2000  }
0x264: {  	[sflag:s23] =	ssyncset.done $0x0  }
0x265: {  	s15 =	smov.u32 s29;
	s29 =	simm.s32 $0x14A00;
	[sflag:s23] =	ssyncadd.s32 $0xFFFFE000  }
0x266: {  	[tilespmem:s17], [sflag:$0x2] =	stream.indirect.gather [spmem:s2], $0x40, s29, s21, $0xb8;
	[tilespmem:$0x1BB20] =	vst v63  }
0x267: {  	_ =	swait.ge [sflag:s11], $0x2000  }
0x268: {  	[sflag:s11] =	ssyncset.done $0x0  }
0x269: {  	s9 =	simm.s32 $0x15200;
	[sflag:s11] =	ssyncadd.s32 $0xFFFFE000  }
0x26a: {  	[spmem:s3] =	stream.indirect.scatter.add.f32 [tilespmem:s17], [sflag:$0x4], $0x40, s9, s21, $0xb8;
	[tilespmem:$0x1BB20] =	vst v63  }
0x26b: {  	_ =	swait.ge [sflag:s18], $0x2000  }
0x26c: {  	[sflag:s18] =	ssyncset.done $0x0  }
0x26d: {  	[sflag:s18] =	ssyncadd.s32 $0xFFFFE000  }
0x26e: {  	s24 =	simm.s32 $0x100;
	_ =	swait.ge [sflag:s23], $0x2000  }
.LBB2_10:
0x26f: {  	[sflag:s23] =	ssyncset.done $0x0;
	s25 =	smov.u32 s24;
	s24 =	sadd.s32 $0x100, s24  }
0x270: {  	p0 =	sne.s32 s24, $0xA00;
	[sflag:s23] =	ssyncadd.s32 $0xFFFFE000  }
0x271: {  	_ =	swait.ge [sflag:s19], $0x400  }
0x272: {  	[sflag:s19] =	ssyncset.done $0x0  }
0x273: {  	[sflag:s19] =	ssyncadd.s32 $0xFFFFFC00  }
0x274: {  	_ =	swait.ge [sflag:s19], $0x400  }
0x275: {  	s26 =	sadd.s32 s25, s14;
	[sflag:s19] =	ssyncset.done $0x0  }
0x276: {  	s28 =	sadd.s32 s25, s15;
	s26 =	sadd.s32 $0x80, s26;
	[sflag:s19] =	ssyncadd.s32 $0xFFFFFC00  }
0x277: {  	[tilespmem:s20], [sflag:$0x6] =	stream.linear.gather [hbm4b:s26+s30], $0x400, $0x38;
	[tilespmem:$0x1BB20] =	vst v63  }
0x278: {  	s26 =	sadd.s32 $0x80, s28  }
0x279: {  	[tilespmem:s5], [sflag:$0x6] =	stream.linear.gather [hbm4b:s26+s30], $0x400, $0x38;
	[tilespmem:$0x1BB20] =	vst v63  }
0x27a: {  	s4 =	simm.s32 $0x14280  }
0x27b: {  	[tilespmem:s8], [sflag:$0x1] =	stream.indirect.gather [spmem:s2], $0x40, s4, s21, $0xb8;
	[tilespmem:$0x1BB20] =	vst v63  }
0x27c: {  	_ =	swait.ge [sflag:s6], $0x2000  }
0x27d: {  	[sflag:s6] =	ssyncset.done $0x0  }
0x27e: {  	s4 =	simm.s32 $0x14A80;
	[sflag:s6] =	ssyncadd.s32 $0xFFFFE000  }
0x27f: {  	[spmem:s3] =	stream.indirect.scatter.add.f32 [tilespmem:s8], [sflag:$0x3], $0x40, s4, s21, $0xb8;
	[tilespmem:$0x1BB20] =	vst v63  }
0x280: {  	s4 =	simm.s32 $0x14300  }
0x281: {  	[tilespmem:s17], [sflag:$0x2] =	stream.indirect.gather [spmem:s2], $0x40, s4, s21, $0xb8;
	[tilespmem:$0x1BB20] =	vst v63  }
0x282: {  	_ =	swait.ge [sflag:s11], $0x2000  }
0x283: {  	[sflag:s11] =	ssyncset.done $0x0  }
0x284: {  	s4 =	simm.s32 $0x14B00;
	[sflag:s11] =	ssyncadd.s32 $0xFFFFE000  }
0x285: {  	[spmem:s3] =	stream.indirect.scatter.add.f32 [tilespmem:s17], [sflag:$0x4], $0x40, s4, s21, $0xb8;
	[tilespmem:$0x1BB20] =	vst v63  }
0x286: {  	_ =	swait.ge [sflag:s18], $0x2000  }
0x287: {  	[sflag:s18] =	ssyncset.done $0x0  }
0x288: {  	s4 =	simm.s32 $0x14380;
	[sflag:s18] =	ssyncadd.s32 $0xFFFFE000  }
0x289: {  	[tilespmem:s8], [sflag:$0x1] =	stream.indirect.gather [spmem:s2], $0x40, s4, s21, $0xb8;
	[tilespmem:$0x1BB20] =	vst v63  }
0x28a: {  	_ =	swait.ge [sflag:s6], $0x2000  }
0x28b: {  	[sflag:s6] =	ssyncset.done $0x0  }
0x28c: {  	s4 =	simm.s32 $0x14B80;
	[sflag:s6] =	ssyncadd.s32 $0xFFFFE000  }
0x28d: {  	[spmem:s3] =	stream.indirect.scatter.add.f32 [tilespmem:s8], [sflag:$0x3], $0x40, s4, s21, $0xb8;
	[tilespmem:$0x1BB20] =	vst v63  }
0x28e: {  	_ =	swait.ge [sflag:s23], $0x2000  }
0x28f: {  	[sflag:s23] =	ssyncset.done $0x0  }
0x290: {  	s4 =	simm.s32 $0x14400;
	[sflag:s23] =	ssyncadd.s32 $0xFFFFE000  }
0x291: {  	[tilespmem:s17], [sflag:$0x2] =	stream.indirect.gather [spmem:s2], $0x40, s4, s21, $0xb8;
	[tilespmem:$0x1BB20] =	vst v63  }
0x292: {  	_ =	swait.ge [sflag:s11], $0x2000  }
0x293: {  	[sflag:s11] =	ssyncset.done $0x0  }
0x294: {  	s4 =	simm.s32 $0x14C00;
	[sflag:s11] =	ssyncadd.s32 $0xFFFFE000  }
0x295: {  	[spmem:s3] =	stream.indirect.scatter.add.f32 [tilespmem:s17], [sflag:$0x4], $0x40, s4, s21, $0xb8;
	[tilespmem:$0x1BB20] =	vst v63  }
0x296: {  	_ =	swait.ge [sflag:s18], $0x2000  }
0x297: {  	[sflag:s18] =	ssyncset.done $0x0  }
0x298: {  	s4 =	simm.s32 $0x14480;
	[sflag:s18] =	ssyncadd.s32 $0xFFFFE000  }
0x299: {  	[tilespmem:s8], [sflag:$0x1] =	stream.indirect.gather [spmem:s2], $0x40, s4, s21, $0xb8;
	[tilespmem:$0x1BB20] =	vst v63  }
0x29a: {  	_ =	swait.ge [sflag:s6], $0x2000  }
0x29b: {  	[sflag:s6] =	ssyncset.done $0x0  }
0x29c: {  	s4 =	simm.s32 $0x14C80;
	[sflag:s6] =	ssyncadd.s32 $0xFFFFE000  }
0x29d: {  	[spmem:s3] =	stream.indirect.scatter.add.f32 [tilespmem:s8], [sflag:$0x3], $0x40, s4, s21, $0xb8;
	[tilespmem:$0x1BB20] =	vst v63  }
0x29e: {  	_ =	swait.ge [sflag:s23], $0x2000  }
0x29f: {  	[sflag:s23] =	ssyncset.done $0x0  }
0x2a0: {  	s4 =	simm.s32 $0x14500;
	[sflag:s23] =	ssyncadd.s32 $0xFFFFE000  }
0x2a1: {  	[tilespmem:s17], [sflag:$0x2] =	stream.indirect.gather [spmem:s2], $0x40, s4, s21, $0xb8;
	[tilespmem:$0x1BB20] =	vst v63  }
0x2a2: {  	_ =	swait.ge [sflag:s11], $0x2000  }
0x2a3: {  	[sflag:s11] =	ssyncset.done $0x0  }
0x2a4: {  	s4 =	simm.s32 $0x14D00;
	[sflag:s11] =	ssyncadd.s32 $0xFFFFE000  }
0x2a5: {  	[spmem:s3] =	stream.indirect.scatter.add.f32 [tilespmem:s17], [sflag:$0x4], $0x40, s4, s21, $0xb8;
	[tilespmem:$0x1BB20] =	vst v63  }
0x2a6: {  	_ =	swait.ge [sflag:s18], $0x2000  }
0x2a7: {  	[sflag:s18] =	ssyncset.done $0x0  }
0x2a8: {  	s4 =	simm.s32 $0x14580;
	[sflag:s18] =	ssyncadd.s32 $0xFFFFE000  }
0x2a9: {  	[tilespmem:s8], [sflag:$0x1] =	stream.indirect.gather [spmem:s2], $0x40, s4, s21, $0xb8;
	[tilespmem:$0x1BB20] =	vst v63  }
0x2aa: {  	_ =	swait.ge [sflag:s6], $0x2000  }
0x2ab: {  	[sflag:s6] =	ssyncset.done $0x0  }
0x2ac: {  	s4 =	simm.s32 $0x14D80;
	[sflag:s6] =	ssyncadd.s32 $0xFFFFE000  }
0x2ad: {  	[spmem:s3] =	stream.indirect.scatter.add.f32 [tilespmem:s8], [sflag:$0x3], $0x40, s4, s21, $0xb8;
	[tilespmem:$0x1BB20] =	vst v63  }
0x2ae: {  	_ =	swait.ge [sflag:s23], $0x2000  }
0x2af: {  	[sflag:s23] =	ssyncset.done $0x0  }
0x2b0: {  	s4 =	simm.s32 $0x14600;
	[sflag:s23] =	ssyncadd.s32 $0xFFFFE000  }
0x2b1: {  	[tilespmem:s17], [sflag:$0x2] =	stream.indirect.gather [spmem:s2], $0x40, s4, s21, $0xb8;
	[tilespmem:$0x1BB20] =	vst v63  }
0x2b2: {  	_ =	swait.ge [sflag:s11], $0x2000  }
0x2b3: {  	[sflag:s11] =	ssyncset.done $0x0  }
0x2b4: {  	s4 =	simm.s32 $0x14E00;
	[sflag:s11] =	ssyncadd.s32 $0xFFFFE000  }
0x2b5: {  	[spmem:s3] =	stream.indirect.scatter.add.f32 [tilespmem:s17], [sflag:$0x4], $0x40, s4, s21, $0xb8;
	[tilespmem:$0x1BB20] =	vst v63  }
0x2b6: {  	_ =	swait.ge [sflag:s18], $0x2000  }
0x2b7: {  	[sflag:s18] =	ssyncset.done $0x0  }
0x2b8: {  	[sflag:s18] =	ssyncadd.s32 $0xFFFFE000  }
0x2b9: {  	_ =	swait.ge [sflag:s23], $0x2000  }
0x2ba: {  	[sflag:s23] =	ssyncset.done $0x0  }
0x2bb: {  	[sflag:s23] =	ssyncadd.s32 $0xFFFFE000  }
0x2bc: {  	_ =	swait.ge [sflag:s19], $0x400  }
0x2bd: {  	[sflag:s19] =	ssyncset.done $0x0  }
0x2be: {  	[sflag:s19] =	ssyncadd.s32 $0xFFFFFC00  }
0x2bf: {  	p1 =	seq.s32 s25, $0x900;
	_ =	swait.ge [sflag:s19], $0x400  }
0x2c0: {  	s28 =	simm.s32 @!p1 $0x0;
	s26 =	sadd.s32 @!p1 s25, s14;
	[sflag:s19] =	ssyncset.done $0x0  }
0x2c1: {  	s29 =	simm.s32 @!p1 $0x14280;
	s26 =	sadd.s32 @!p1 $0x100, s26;
	[sflag:s19] =	ssyncadd.s32 $0xFFFFFC00  }
0x2c2: {  	[tilespmem:s29], [sflag:$0x6] =	stream.linear.gather @!p1 [hbm4b:s26+s28], $0x400, $0x38;
	[tilespmem:$0x1BB20] =	vst v63  }
0x2c3: {  	s4 =	simm.s32 $0x14800;
	s29 =	simm.s32 $0x14880  }
0x2c4: {  	s25 =	sadd.s32 @!p1 s25, s15;
	s26 =	simm.s32 @!p1 $0x14A80  }
0x2c5: {  	s25 =	sadd.s32 @!p1 $0x100, s25  }
0x2c6: {  	[tilespmem:s26], [sflag:$0x6] =	stream.linear.gather @!p1 [hbm4b:s25+s28], $0x400, $0x38;
	[tilespmem:$0x1BB20] =	vst v63  }
0x2c7: {  	_ = 	snop  }
0x2c8: {  	[tilespmem:s8], [sflag:$0x1] =	stream.indirect.gather [spmem:s2], $0x40, s20, s21, $0xb8;
	[tilespmem:$0x1BB20] =	vst v63  }
0x2c9: {  	_ =	swait.ge [sflag:s6], $0x2000  }
0x2ca: {  	[sflag:s6] =	ssyncset.done $0x0  }
0x2cb: {  	[sflag:s6] =	ssyncadd.s32 $0xFFFFE000  }
0x2cc: {  	[spmem:s3] =	stream.indirect.scatter.add.f32 [tilespmem:s8], [sflag:$0x3], $0x40, s5, s21, $0xb8;
	[tilespmem:$0x1BB20] =	vst v63  }
0x2cd: {  	s25 =	simm.s32 $0x14700  }
0x2ce: {  	[tilespmem:s17], [sflag:$0x2] =	stream.indirect.gather [spmem:s2], $0x40, s25, s21, $0xb8;
	[tilespmem:$0x1BB20] =	vst v63  }
0x2cf: {  	_ =	swait.ge [sflag:s11], $0x2000  }
0x2d0: {  	[sflag:s11] =	ssyncset.done $0x0  }
0x2d1: {  	s25 =	simm.s32 $0x14F00;
	[sflag:s11] =	ssyncadd.s32 $0xFFFFE000  }
0x2d2: {  	[spmem:s3] =	stream.indirect.scatter.add.f32 [tilespmem:s17], [sflag:$0x4], $0x40, s25, s21, $0xb8;
	[tilespmem:$0x1BB20] =	vst v63  }
0x2d3: {  	_ =	swait.ge [sflag:s18], $0x2000  }
0x2d4: {  	[sflag:s18] =	ssyncset.done $0x0  }
0x2d5: {  	[sflag:s18] =	ssyncadd.s32 $0xFFFFE000  }
0x2d6: {  	[tilespmem:s8], [sflag:$0x1] =	stream.indirect.gather [spmem:s2], $0x40, s0, s21, $0xb8;
	[tilespmem:$0x1BB20] =	vst v63  }
0x2d7: {  	_ =	swait.ge [sflag:s6], $0x2000  }
0x2d8: {  	[sflag:s6] =	ssyncset.done $0x0  }
0x2d9: {  	[sflag:s6] =	ssyncadd.s32 $0xFFFFE000  }
0x2da: {  	[spmem:s3] =	stream.indirect.scatter.add.f32 [tilespmem:s8], [sflag:$0x3], $0x40, s16, s21, $0xb8;
	[tilespmem:$0x1BB20] =	vst v63  }
0x2db: {  	_ =	swait.ge [sflag:s23], $0x2000  }
0x2dc: {  	[sflag:s23] =	ssyncset.done $0x0  }
0x2dd: {  	[sflag:s23] =	ssyncadd.s32 $0xFFFFE000  }
0x2de: {  	[tilespmem:s17], [sflag:$0x2] =	stream.indirect.gather [spmem:s2], $0x40, s4, s21, $0xb8;
	[tilespmem:$0x1BB20] =	vst v63  }
0x2df: {  	_ =	swait.ge [sflag:s11], $0x2000  }
0x2e0: {  	[sflag:s11] =	ssyncset.done $0x0  }
0x2e1: {  	[sflag:s11] =	ssyncadd.s32 $0xFFFFE000  }
0x2e2: {  	[spmem:s3] =	stream.indirect.scatter.add.f32 [tilespmem:s17], [sflag:$0x4], $0x40, s13, s21, $0xb8;
	[tilespmem:$0x1BB20] =	vst v63  }
0x2e3: {  	_ =	swait.ge [sflag:s18], $0x2000  }
0x2e4: {  	s26 =	simm.s32 $0x14A00;
	[sflag:s18] =	ssyncset.done $0x0  }
0x2e5: {  	s25 =	simm.s32 $0x14980;
	s4 =	simm.s32 $0x14900;
	[sflag:s18] =	ssyncadd.s32 $0xFFFFE000  }
0x2e6: {  	[tilespmem:s8], [sflag:$0x1] =	stream.indirect.gather [spmem:s2], $0x40, s29, s21, $0xb8;
	[tilespmem:$0x1BB20] =	vst v63  }
0x2e7: {  	_ =	swait.ge [sflag:s6], $0x2000  }
0x2e8: {  	[sflag:s6] =	ssyncset.done $0x0  }
0x2e9: {  	[sflag:s6] =	ssyncadd.s32 $0xFFFFE000  }
0x2ea: {  	[spmem:s3] =	stream.indirect.scatter.add.f32 [tilespmem:s8], [sflag:$0x3], $0x40, s10, s21, $0xb8;
	[tilespmem:$0x1BB20] =	vst v63  }
0x2eb: {  	_ =	swait.ge [sflag:s23], $0x2000  }
0x2ec: {  	[sflag:s23] =	ssyncset.done $0x0  }
0x2ed: {  	[sflag:s23] =	ssyncadd.s32 $0xFFFFE000  }
0x2ee: {  	[tilespmem:s17], [sflag:$0x2] =	stream.indirect.gather [spmem:s2], $0x40, s4, s21, $0xb8;
	[tilespmem:$0x1BB20] =	vst v63  }
0x2ef: {  	_ =	swait.ge [sflag:s11], $0x2000  }
0x2f0: {  	[sflag:s11] =	ssyncset.done $0x0  }
0x2f1: {  	[sflag:s11] =	ssyncadd.s32 $0xFFFFE000  }
0x2f2: {  	[spmem:s3] =	stream.indirect.scatter.add.f32 [tilespmem:s17], [sflag:$0x4], $0x40, s12, s21, $0xb8;
	[tilespmem:$0x1BB20] =	vst v63  }
0x2f3: {  	_ =	swait.ge [sflag:s18], $0x2000  }
0x2f4: {  	[sflag:s18] =	ssyncset.done $0x0  }
0x2f5: {  	[sflag:s18] =	ssyncadd.s32 $0xFFFFE000  }
0x2f6: {  	[tilespmem:s8], [sflag:$0x1] =	stream.indirect.gather [spmem:s2], $0x40, s25, s21, $0xb8;
	[tilespmem:$0x1BB20] =	vst v63  }
0x2f7: {  	_ =	swait.ge [sflag:s6], $0x2000  }
0x2f8: {  	[sflag:s6] =	ssyncset.done $0x0  }
0x2f9: {  	[sflag:s6] =	ssyncadd.s32 $0xFFFFE000  }
0x2fa: {  	[spmem:s3] =	stream.indirect.scatter.add.f32 [tilespmem:s8], [sflag:$0x3], $0x40, s7, s21, $0xb8;
	[tilespmem:$0x1BB20] =	vst v63  }
0x2fb: {  	_ =	swait.ge [sflag:s23], $0x2000  }
0x2fc: {  	[sflag:s23] =	ssyncset.done $0x0  }
0x2fd: {  	[sflag:s23] =	ssyncadd.s32 $0xFFFFE000  }
0x2fe: {  	[tilespmem:s17], [sflag:$0x2] =	stream.indirect.gather [spmem:s2], $0x40, s26, s21, $0xb8;
	[tilespmem:$0x1BB20] =	vst v63  }
0x2ff: {  	_ =	swait.ge [sflag:s11], $0x2000  }
0x300: {  	[sflag:s11] =	ssyncset.done $0x0  }
0x301: {  	[sflag:s11] =	ssyncadd.s32 $0xFFFFE000  }
0x302: {  	[spmem:s3] =	stream.indirect.scatter.add.f32 [tilespmem:s17], [sflag:$0x4], $0x40, s9, s21, $0xb8;
	[tilespmem:$0x1BB20] =	vst v63  }
.Ltmp4:
0x303: {  	_ = 	snop;
	(pc) =	sbr.rel @p0 .LBB2_10-.Ltmp4, $4  }
0x304: {  	_ =	swait.ge [sflag:s18], $0x2000  }
0x305: {  	[sflag:s18] =	ssyncset.done $0x0  }
0x306: {  	[sflag:s18] =	ssyncadd.s32 $0xFFFFE000  }
0x307: {  	_ =	swait.ge [sflag:s23], $0x2000  }
0x308: {  	[sflag:s23] =	ssyncset.done $0x0;
	s24 =	simm.s32 $0x0  }
0x309: {  	s25 =	simm.s32 $0x1B790;
	s4 =	simm.s32 $0x0;
	s5 =	simm.s32 $0x19280  }
0x30a: {  	s7 =	simm.s32 $0x1BAA0;
	s9 =	simm.s32 $0x14E80;
	s10 =	simm.s32 $0x14A80  }
0x30b: {  	s12 =	simm.s32 $0x14B00;
	s13 =	simm.s32 $0x14B80;
	[sflag:s23] =	ssyncadd.s32 $0xFFFFE000  }
0x30c: {  	s16 =	simm.s32 $0x14C00;
	s29 =	simm.s32 $0x7;
	[bflag:$0x0] =	sbarrier.arrive $0xFFFF  }
.LBB2_12:
0x30d: {  	s26 =	sshll.u32 s24, $0x7;
	s0 =	rddreg [dreg:$0x8]  }
0x30e: {  	s26 =	sadd.s32 s0, s26  }
0x30f: {  	s28 =	sshll.u32 s26, $0x6  }
0x310: {  	s28 =	sand.u32 $0x3FFFFFC0, s28  }
0x311: {  	s28 =	sadd.s32 s28, s3  }
0x312: {  	[tilespmem:s5], [sflag:$0x7] =	stream.linear.gather [spmem:s28], $0x2000, $0x38;
	[tilespmem:$0x1BB20] =	vst v63  }
0x313: {  	_ =	swait.ge [sflag:s29], $0x2000  }
0x314: {  	[sflag:s29] =	ssyncset.done $0x0  }
0x315: {  	s28 =	simm.s32 $0x192A0;
	[sflag:s29] =	ssyncadd.s32 $0xFFFFE000  }
0x316: {  	v2 =	vld [tilespmem:s28+$0xFFFFFFF0]  }
0x317: {  	s29 =	sadd.s32 $0x0, s25;
	v4 =	vld [tilespmem:s28+$0x10]  }
0x318: {  	v6 =	vld.msk [tilespmem:s29+$0x0 ss:$0x0], $0xffff  }
0x319: {  	v3 =	vld [tilespmem:s28+$0xFFFFFFE0]  }
0x31a: {  	v7 =	vld [tilespmem:s28+$0x0];
	_ =	sdelay $0x3  }
0x31b: {  	v3 =	vmul.f32 v6, v3;
	v5 =	vmul.f32 v4, v6  }
0x31c: {  	s30 =	simm.s32 $0x192A0;
	s29 =	simm.s32 $0x4;
	v4 =	vmul.f32 v2, v6;
	v2 =	vmul.f32 v7, v6  }
.LBB2_13:
0x31d: {  	p0 =	seq.s32 s29, $0x1FC  }
0x31e: {  	[tilespmem:s28+$0x10] =	vst v5;
	s30 =	sadd.s32 $0x40, s30;
	s0 =	smov.u32 s29;
	s29 =	sadd.s32 $0x4, s29  }
0x31f: {  	[tilespmem:s28+$0xFFFFFFE0] =	vst v3  }
0x320: {  	s0 =	sshra.s32 s0, $0x2;
	v6 =	vld [tilespmem:s30+$0xFFFFFFF0];
	[tilespmem:s28+$0xFFFFFFF0] =	vst v4  }
0x321: {  	s0 =	sadd.s32 s0, s25;
	v4 =	vld [tilespmem:s30+$0x10];
	[tilespmem:s28+$0x0] =	vst v2;
	s28 =	smov.u32 s30  }
0x322: {  	v2 =	vld.msk [tilespmem:s0+$0x0 ss:$0x0], $0xffff  }
0x323: {  	v3 =	vld [tilespmem:s30+$0xFFFFFFE0]  }
0x324: {  	v7 =	vld [tilespmem:s30+$0x0]  }
.Ltmp5:
0x325: {  	(pc) =	sbr.rel @!p0 .LBB2_13-.Ltmp5, $3  }
0x326: {  	_ =	sdelay $0x1  }
0x327: {  	v5 =	vmul.f32 v4, v2;
	v3 =	vmul.f32 v2, v3  }
0x328: {  	v4 =	vmul.f32 v6, v2;
	v2 =	vmul.f32 v7, v2  }
0x329: {  	_ = 	snop  }
0x32a: {  	[tilespmem:s28+$0x0] =	vst v2;
	v2 =	vmov s26  }
0x32b: {  	[tilespmem:s28+$0xFFFFFFE0] =	vst v3;
	v3 =	vor.u32 $0x10, v2;
	v55 =	vor.u32 $0x20, v2  }
0x32c: {  	v6 =	vor.u32 $0x30, v2;
	v58 =	vor.u32 $0x40, v2;
	v60 =	vor.u32 $0x50, v2  }
0x32d: {  	[tilespmem:s28+$0x10] =	vst v5;
	v62 =	vor.u32 $0x60, v2;
	v2 =	vor.u32 $0x70, v2;
	v3 =	vbroadcast v3, $0x0  }
0x32e: {  	v56 =	vor.u32 s26, v1;
	[tilespmem:s28+$0xFFFFFFF0] =	vst v4;
	v2 =	vbroadcast v2, $0x0  }
0x32f: {  	[tilespmem:$0x1BAA0] =	vst v56;
	v4 =	vbroadcast v55, $0x0;
	v3 =	vor.u32 v1, v3  }
0x330: {  	v57 =	vbroadcast v6, $0x0;
	v2 =	vor.u32 v1, v2;
	[tilespmem:$0x1BAB0] =	vst v3  }
0x331: {  	v59 =	vbroadcast v58, $0x0;
	v3 =	vor.u32 v1, v4;
	[tilespmem:$0x1BB10] =	vst v2  }
0x332: {  	v61 =	vbroadcast v60, $0x0;
	[tilespmem:$0x1BAC0] =	vst v3;
	v3 =	vor.u32 v1, v57  }
0x333: {  	v63 =	vbroadcast v62, $0x0;
	[tilespmem:$0x1BAD0] =	vst v3;
	v3 =	vor.u32 v1, v59  }
0x334: {  	[tilespmem:$0x1BAE0] =	vst v3;
	v3 =	vor.u32 v1, v61  }
0x335: {  	[tilespmem:$0x1BAF0] =	vst v3;
	v3 =	vor.u32 v1, v63  }
0x336: {  	s29 =	simm.s32 $0x7;
	[tilespmem:$0x1BB00] =	vst v3  }
0x337: {  	[spmem:s2] =	stream.indirect.scatter [tilespmem:s5], [sflag:$0x7], $0x40, s7, s21, $0xb8;
	[tilespmem:$0x1BB20] =	vst v63  }
0x338: {  	s24 =	sadd.s32 $0x1, s24;
	_ =	swait.ge [sflag:s29], $0x2000  }
0x339: {  	p0 =	seq.s32 s24, $0x5;
	[sflag:s29] =	ssyncset.done $0x0  }
.Ltmp6:
0x33a: {  	[sflag:s29] =	ssyncadd.s32 $0xFFFFE000;
	(pc) =	sbr.rel @!p0 .LBB2_12-.Ltmp6, $4  }
0x33b: {  	[spmem:s3] =	stream.indirect.scatter [tilespmem:s5], [sflag:$0x7], $0x40, s7, s21, $0xb8;
	[tilespmem:$0x1BB20] =	vst v63  }
0x33c: {  	_ =	swait.ge [sflag:s29], $0x2000  }
0x33d: {  	[sflag:s29] =	ssyncset.done $0x0  }
0x33e: {  	s25 =	sadd.s32 $0x80, s25;
	[sflag:s29] =	ssyncadd.s32 $0xFFFFE000  }
0x33f: {  	[bflag:$0x0] =	sbarrier.arrive $0xFFFF  }
0x340: {  	s0 =	simm.s32 $0x0;
	s5 =	simm.s32 $0x14280;
	s24 =	rddreg [dreg:$0xa]  }
0x341: {  	[tilespmem:s5], [sflag:$0x6] =	stream.linear.gather [hbm4b:s24+s0], $0x400, $0x38;
	[tilespmem:$0x1BB20] =	vst v63  }
0x342: {  	s7 =	rddreg [dreg:$0xc]  }
0x343: {  	[tilespmem:s10], [sflag:$0x6] =	stream.linear.gather [hbm4b:s7+s0], $0x400, $0x38;
	[tilespmem:$0x1BB20] =	vst v63  }
0x344: {  	_ =	swait.ge [sflag:s19], $0x400  }
0x345: {  	[sflag:s19] =	ssyncset.done $0x0  }
0x346: {  	[sflag:s19] =	ssyncadd.s32 $0xFFFFFC00  }
0x347: {  	_ =	swait.ge [sflag:s19], $0x400  }
0x348: {  	s25 =	sadd.s32 $0x0, s14;
	[sflag:s19] =	ssyncset.done $0x0  }
0x349: {  	s26 =	sadd.s32 $0x0, s15;
	s0 =	sadd.s32 $0x80, s25;
	[sflag:s19] =	ssyncadd.s32 $0xFFFFFC00  }
0x34a: {  	[tilespmem:s20], [sflag:$0x6] =	stream.linear.gather [hbm4b:s0+s4], $0x400, $0x38;
	[tilespmem:$0x1BB20] =	vst v63  }
0x34b: {  	s28 =	sadd.s32 $0x80, s26  }
0x34c: {  	[tilespmem:s9], [sflag:$0x6] =	stream.linear.gather [hbm4b:s28+s4], $0x400, $0x38;
	[tilespmem:$0x1BB20] =	vst v63  }
0x34d: {  	_ = 	snop  }
0x34e: {  	[tilespmem:s8], [sflag:$0x1] =	stream.indirect.gather [spmem:s2], $0x40, s5, s21, $0xb8;
	[tilespmem:$0x1BB20] =	vst v63  }
0x34f: {  	_ =	swait.ge [sflag:s6], $0x2000  }
0x350: {  	[sflag:s6] =	ssyncset.done $0x0  }
0x351: {  	[sflag:s6] =	ssyncadd.s32 $0xFFFFE000  }
0x352: {  	[spmem:s3] =	stream.indirect.scatter.add.f32 [tilespmem:s8], [sflag:$0x3], $0x40, s10, s21, $0xb8;
	[tilespmem:$0x1BB20] =	vst v63  }
0x353: {  	s7 =	simm.s32 $0x14300  }
0x354: {  	[tilespmem:s17], [sflag:$0x2] =	stream.indirect.gather [spmem:s2], $0x40, s7, s21, $0xb8;
	[tilespmem:$0x1BB20] =	vst v63  }
0x355: {  	_ =	swait.ge [sflag:s11], $0x2000  }
0x356: {  	[sflag:s11] =	ssyncset.done $0x0  }
0x357: {  	[sflag:s11] =	ssyncadd.s32 $0xFFFFE000  }
0x358: {  	[spmem:s3] =	stream.indirect.scatter.add.f32 [tilespmem:s17], [sflag:$0x4], $0x40, s12, s21, $0xb8;
	[tilespmem:$0x1BB20] =	vst v63  }
0x359: {  	_ =	swait.ge [sflag:s18], $0x2000  }
0x35a: {  	[sflag:s18] =	ssyncset.done $0x0  }
0x35b: {  	s10 =	simm.s32 $0x14380;
	[sflag:s18] =	ssyncadd.s32 $0xFFFFE000  }
0x35c: {  	[tilespmem:s8], [sflag:$0x1] =	stream.indirect.gather [spmem:s2], $0x40, s10, s21, $0xb8;
	[tilespmem:$0x1BB20] =	vst v63  }
0x35d: {  	_ =	swait.ge [sflag:s6], $0x2000  }
0x35e: {  	[sflag:s6] =	ssyncset.done $0x0  }
0x35f: {  	[sflag:s6] =	ssyncadd.s32 $0xFFFFE000  }
0x360: {  	[spmem:s3] =	stream.indirect.scatter.add.f32 [tilespmem:s8], [sflag:$0x3], $0x40, s13, s21, $0xb8;
	[tilespmem:$0x1BB20] =	vst v63  }
0x361: {  	_ =	swait.ge [sflag:s23], $0x2000  }
0x362: {  	[sflag:s23] =	ssyncset.done $0x0  }
0x363: {  	s12 =	simm.s32 $0x14400;
	[sflag:s23] =	ssyncadd.s32 $0xFFFFE000  }
0x364: {  	[tilespmem:s17], [sflag:$0x2] =	stream.indirect.gather [spmem:s2], $0x40, s12, s21, $0xb8;
	[tilespmem:$0x1BB20] =	vst v63  }
0x365: {  	_ =	swait.ge [sflag:s11], $0x2000  }
0x366: {  	[sflag:s11] =	ssyncset.done $0x0  }
0x367: {  	[sflag:s11] =	ssyncadd.s32 $0xFFFFE000  }
0x368: {  	[spmem:s3] =	stream.indirect.scatter.add.f32 [tilespmem:s17], [sflag:$0x4], $0x40, s16, s21, $0xb8;
	[tilespmem:$0x1BB20] =	vst v63  }
0x369: {  	_ =	swait.ge [sflag:s18], $0x2000  }
0x36a: {  	[sflag:s18] =	ssyncset.done $0x0  }
0x36b: {  	s13 =	simm.s32 $0x14480;
	[sflag:s18] =	ssyncadd.s32 $0xFFFFE000  }
0x36c: {  	[tilespmem:s8], [sflag:$0x1] =	stream.indirect.gather [spmem:s2], $0x40, s13, s21, $0xb8;
	[tilespmem:$0x1BB20] =	vst v63  }
0x36d: {  	_ =	swait.ge [sflag:s6], $0x2000  }
0x36e: {  	[sflag:s6] =	ssyncset.done $0x0  }
0x36f: {  	s16 =	simm.s32 $0x14C80;
	[sflag:s6] =	ssyncadd.s32 $0xFFFFE000  }
0x370: {  	[spmem:s3] =	stream.indirect.scatter.add.f32 [tilespmem:s8], [sflag:$0x3], $0x40, s16, s21, $0xb8;
	[tilespmem:$0x1BB20] =	vst v63  }
0x371: {  	_ =	swait.ge [sflag:s23], $0x2000  }
0x372: {  	[sflag:s23] =	ssyncset.done $0x0  }
0x373: {  	s24 =	simm.s32 $0x14500;
	[sflag:s23] =	ssyncadd.s32 $0xFFFFE000  }
0x374: {  	[tilespmem:s17], [sflag:$0x2] =	stream.indirect.gather [spmem:s2], $0x40, s24, s21, $0xb8;
	[tilespmem:$0x1BB20] =	vst v63  }
0x375: {  	_ =	swait.ge [sflag:s11], $0x2000  }
0x376: {  	[sflag:s11] =	ssyncset.done $0x0  }
0x377: {  	s25 =	simm.s32 $0x14D00;
	[sflag:s11] =	ssyncadd.s32 $0xFFFFE000  }
0x378: {  	[spmem:s3] =	stream.indirect.scatter.add.f32 [tilespmem:s17], [sflag:$0x4], $0x40, s25, s21, $0xb8;
	[tilespmem:$0x1BB20] =	vst v63  }
0x379: {  	_ =	swait.ge [sflag:s18], $0x2000  }
0x37a: {  	[sflag:s18] =	ssyncset.done $0x0  }
0x37b: {  	s26 =	simm.s32 $0x14580;
	[sflag:s18] =	ssyncadd.s32 $0xFFFFE000  }
0x37c: {  	[tilespmem:s8], [sflag:$0x1] =	stream.indirect.gather [spmem:s2], $0x40, s26, s21, $0xb8;
	[tilespmem:$0x1BB20] =	vst v63  }
0x37d: {  	_ =	swait.ge [sflag:s6], $0x2000  }
0x37e: {  	[sflag:s6] =	ssyncset.done $0x0  }
0x37f: {  	s28 =	simm.s32 $0x14D80;
	[sflag:s6] =	ssyncadd.s32 $0xFFFFE000  }
0x380: {  	[spmem:s3] =	stream.indirect.scatter.add.f32 [tilespmem:s8], [sflag:$0x3], $0x40, s28, s21, $0xb8;
	[tilespmem:$0x1BB20] =	vst v63  }
0x381: {  	_ =	swait.ge [sflag:s23], $0x2000  }
0x382: {  	[sflag:s23] =	ssyncset.done $0x0  }
0x383: {  	s5 =	simm.s32 $0x14600;
	[sflag:s23] =	ssyncadd.s32 $0xFFFFE000  }
0x384: {  	[tilespmem:s17], [sflag:$0x2] =	stream.indirect.gather [spmem:s2], $0x40, s5, s21, $0xb8;
	[tilespmem:$0x1BB20] =	vst v63  }
0x385: {  	_ =	swait.ge [sflag:s11], $0x2000  }
0x386: {  	[sflag:s11] =	ssyncset.done $0x0  }
0x387: {  	s7 =	simm.s32 $0x14E00;
	[sflag:s11] =	ssyncadd.s32 $0xFFFFE000  }
0x388: {  	[spmem:s3] =	stream.indirect.scatter.add.f32 [tilespmem:s17], [sflag:$0x4], $0x40, s7, s21, $0xb8;
	[tilespmem:$0x1BB20] =	vst v63  }
0x389: {  	_ =	swait.ge [sflag:s18], $0x2000  }
0x38a: {  	[sflag:s18] =	ssyncset.done $0x0  }
0x38b: {  	[sflag:s18] =	ssyncadd.s32 $0xFFFFE000  }
0x38c: {  	_ =	swait.ge [sflag:s23], $0x2000  }
0x38d: {  	[sflag:s23] =	ssyncset.done $0x0  }
0x38e: {  	[sflag:s23] =	ssyncadd.s32 $0xFFFFE000  }
0x38f: {  	_ =	swait.ge [sflag:s19], $0x400  }
0x390: {  	[sflag:s19] =	ssyncset.done $0x0  }
0x391: {  	p0 =	por $0x0, $0x0;
	[sflag:s19] =	ssyncadd.s32 $0xFFFFFC00  }
0x392: {  	s0 =	sadd.s32 @!p0 $0x0, s14;
	_ =	swait.ge [sflag:s19], $0x400  }
0x393: {  	s0 =	sadd.s32 @!p0 $0x100, s0;
	[sflag:s19] =	ssyncset.done $0x0  }
0x394: {  	s24 =	simm.s32 @!p0 $0x0;
	s25 =	simm.s32 @!p0 $0x14280;
	[sflag:s19] =	ssyncadd.s32 $0xFFFFFC00  }
0x395: {  	[tilespmem:s25], [sflag:$0x6] =	stream.linear.gather @!p0 [hbm4b:s0+s24], $0x400, $0x38;
	[tilespmem:$0x1BB20] =	vst v63  }
0x396: {  	s0 =	sadd.s32 @!p0 $0x0, s15  }
0x397: {  	s25 =	simm.s32 @!p0 $0x14A80;
	s0 =	sadd.s32 @!p0 $0x100, s0  }
0x398: {  	[tilespmem:s25], [sflag:$0x6] =	stream.linear.gather @!p0 [hbm4b:s0+s24], $0x400, $0x38;
	[tilespmem:$0x1BB20] =	vst v63  }
0x399: {  	_ = 	snop  }
0x39a: {  	[tilespmem:s8], [sflag:$0x1] =	stream.indirect.gather [spmem:s2], $0x40, s20, s21, $0xb8;
	[tilespmem:$0x1BB20] =	vst v63  }
0x39b: {  	_ =	swait.ge [sflag:s6], $0x2000  }
0x39c: {  	[sflag:s6] =	ssyncset.done $0x0  }
0x39d: {  	[sflag:s6] =	ssyncadd.s32 $0xFFFFE000  }
0x39e: {  	[spmem:s3] =	stream.indirect.scatter.add.f32 [tilespmem:s8], [sflag:$0x3], $0x40, s9, s21, $0xb8;
	[tilespmem:$0x1BB20] =	vst v63  }
0x39f: {  	s9 =	simm.s32 $0x14700  }
0x3a0: {  	[tilespmem:s17], [sflag:$0x2] =	stream.indirect.gather [spmem:s2], $0x40, s9, s21, $0xb8;
	[tilespmem:$0x1BB20] =	vst v63  }
0x3a1: {  	_ =	swait.ge [sflag:s11], $0x2000  }
0x3a2: {  	[sflag:s11] =	ssyncset.done $0x0  }
0x3a3: {  	s10 =	simm.s32 $0x14F00;
	[sflag:s11] =	ssyncadd.s32 $0xFFFFE000  }
0x3a4: {  	[spmem:s3] =	stream.indirect.scatter.add.f32 [tilespmem:s17], [sflag:$0x4], $0x40, s10, s21, $0xb8;
	[tilespmem:$0x1BB20] =	vst v63  }
0x3a5: {  	_ =	swait.ge [sflag:s18], $0x2000  }
0x3a6: {  	[sflag:s18] =	ssyncset.done $0x0  }
0x3a7: {  	s12 =	simm.s32 $0x14780;
	[sflag:s18] =	ssyncadd.s32 $0xFFFFE000  }
0x3a8: {  	[tilespmem:s8], [sflag:$0x1] =	stream.indirect.gather [spmem:s2], $0x40, s12, s21, $0xb8;
	[tilespmem:$0x1BB20] =	vst v63  }
0x3a9: {  	_ =	swait.ge [sflag:s6], $0x2000  }
0x3aa: {  	[sflag:s6] =	ssyncset.done $0x0  }
0x3ab: {  	s13 =	simm.s32 $0x14F80;
	[sflag:s6] =	ssyncadd.s32 $0xFFFFE000  }
0x3ac: {  	[spmem:s3] =	stream.indirect.scatter.add.f32 [tilespmem:s8], [sflag:$0x3], $0x40, s13, s21, $0xb8;
	[tilespmem:$0x1BB20] =	vst v63  }
0x3ad: {  	_ =	swait.ge [sflag:s23], $0x2000  }
0x3ae: {  	[sflag:s23] =	ssyncset.done $0x0  }
0x3af: {  	s30 =	simm.s32 $0x14800;
	[sflag:s23] =	ssyncadd.s32 $0xFFFFE000  }
0x3b0: {  	[tilespmem:s17], [sflag:$0x2] =	stream.indirect.gather [spmem:s2], $0x40, s30, s21, $0xb8;
	[tilespmem:$0x1BB20] =	vst v63  }
0x3b1: {  	_ =	swait.ge [sflag:s11], $0x2000  }
0x3b2: {  	[sflag:s11] =	ssyncset.done $0x0  }
0x3b3: {  	s16 =	simm.s32 $0x15000;
	[sflag:s11] =	ssyncadd.s32 $0xFFFFE000  }
0x3b4: {  	[spmem:s3] =	stream.indirect.scatter.add.f32 [tilespmem:s17], [sflag:$0x4], $0x40, s16, s21, $0xb8;
	[tilespmem:$0x1BB20] =	vst v63  }
0x3b5: {  	_ =	swait.ge [sflag:s18], $0x2000  }
0x3b6: {  	[sflag:s18] =	ssyncset.done $0x0  }
0x3b7: {  	s5 =	simm.s32 $0x14880;
	[sflag:s18] =	ssyncadd.s32 $0xFFFFE000  }
0x3b8: {  	[tilespmem:s8], [sflag:$0x1] =	stream.indirect.gather [spmem:s2], $0x40, s5, s21, $0xb8;
	[tilespmem:$0x1BB20] =	vst v63  }
0x3b9: {  	_ =	swait.ge [sflag:s6], $0x2000  }
0x3ba: {  	[sflag:s6] =	ssyncset.done $0x0  }
0x3bb: {  	s24 =	simm.s32 $0x15080;
	[sflag:s6] =	ssyncadd.s32 $0xFFFFE000  }
0x3bc: {  	[spmem:s3] =	stream.indirect.scatter.add.f32 [tilespmem:s8], [sflag:$0x3], $0x40, s24, s21, $0xb8;
	[tilespmem:$0x1BB20] =	vst v63  }
0x3bd: {  	_ =	swait.ge [sflag:s23], $0x2000  }
0x3be: {  	[sflag:s23] =	ssyncset.done $0x0  }
0x3bf: {  	s16 =	simm.s32 $0x14900;
	[sflag:s23] =	ssyncadd.s32 $0xFFFFE000  }
0x3c0: {  	[tilespmem:s17], [sflag:$0x2] =	stream.indirect.gather [spmem:s2], $0x40, s16, s21, $0xb8;
	[tilespmem:$0x1BB20] =	vst v63  }
0x3c1: {  	_ =	swait.ge [sflag:s11], $0x2000  }
0x3c2: {  	[sflag:s11] =	ssyncset.done $0x0  }
0x3c3: {  	s25 =	simm.s32 $0x15100;
	[sflag:s11] =	ssyncadd.s32 $0xFFFFE000  }
0x3c4: {  	[spmem:s3] =	stream.indirect.scatter.add.f32 [tilespmem:s17], [sflag:$0x4], $0x40, s25, s21, $0xb8;
	[tilespmem:$0x1BB20] =	vst v63  }
0x3c5: {  	_ =	swait.ge [sflag:s18], $0x2000  }
0x3c6: {  	[sflag:s18] =	ssyncset.done $0x0  }
0x3c7: {  	s13 =	simm.s32 $0x14980;
	[sflag:s18] =	ssyncadd.s32 $0xFFFFE000  }
0x3c8: {  	[tilespmem:s8], [sflag:$0x1] =	stream.indirect.gather [spmem:s2], $0x40, s13, s21, $0xb8;
	[tilespmem:$0x1BB20] =	vst v63  }
0x3c9: {  	_ =	swait.ge [sflag:s6], $0x2000  }
0x3ca: {  	[sflag:s6] =	ssyncset.done $0x0  }
0x3cb: {  	s26 =	simm.s32 $0x15180;
	[sflag:s6] =	ssyncadd.s32 $0xFFFFE000  }
0x3cc: {  	[spmem:s3] =	stream.indirect.scatter.add.f32 [tilespmem:s8], [sflag:$0x3], $0x40, s26, s21, $0xb8;
	[tilespmem:$0x1BB20] =	vst v63  }
0x3cd: {  	_ =	swait.ge [sflag:s23], $0x2000  }
0x3ce: {  	[sflag:s23] =	ssyncset.done $0x0  }
0x3cf: {  	s9 =	simm.s32 $0x14A00;
	[sflag:s23] =	ssyncadd.s32 $0xFFFFE000  }
0x3d0: {  	[tilespmem:s17], [sflag:$0x2] =	stream.indirect.gather [spmem:s2], $0x40, s9, s21, $0xb8;
	[tilespmem:$0x1BB20] =	vst v63  }
0x3d1: {  	_ =	swait.ge [sflag:s11], $0x2000  }
0x3d2: {  	[sflag:s11] =	ssyncset.done $0x0  }
0x3d3: {  	s28 =	simm.s32 $0x15200;
	[sflag:s11] =	ssyncadd.s32 $0xFFFFE000  }
0x3d4: {  	[spmem:s3] =	stream.indirect.scatter.add.f32 [tilespmem:s17], [sflag:$0x4], $0x40, s28, s21, $0xb8;
	[tilespmem:$0x1BB20] =	vst v63  }
0x3d5: {  	_ =	swait.ge [sflag:s18], $0x2000  }
0x3d6: {  	s29 =	simm.s32 $0x14C00;
	[sflag:s18] =	ssyncset.done $0x0  }
0x3d7: {  	s7 =	simm.s32 $0x14B80;
	s10 =	simm.s32 $0x14B00;
	[sflag:s18] =	ssyncadd.s32 $0xFFFFE000  }
0x3d8: {  	s12 =	simm.s32 $0x14E80;
	s24 =	simm.s32 $0x100;
	_ =	swait.ge [sflag:s23], $0x2000  }
.LBB2_16:
0x3d9: {  	[sflag:s23] =	ssyncset.done $0x0;
	s25 =	smov.u32 s24;
	s24 =	sadd.s32 $0x100, s24  }
0x3da: {  	p0 =	sne.s32 s24, $0xA00;
	[sflag:s23] =	ssyncadd.s32 $0xFFFFE000  }
0x3db: {  	_ =	swait.ge [sflag:s19], $0x400  }
0x3dc: {  	[sflag:s19] =	ssyncset.done $0x0  }
0x3dd: {  	[sflag:s19] =	ssyncadd.s32 $0xFFFFFC00  }
0x3de: {  	_ =	swait.ge [sflag:s19], $0x400  }
0x3df: {  	s0 =	sadd.s32 s25, s14;
	[sflag:s19] =	ssyncset.done $0x0  }
0x3e0: {  	s26 =	sadd.s32 s25, s15;
	s0 =	sadd.s32 $0x80, s0;
	[sflag:s19] =	ssyncadd.s32 $0xFFFFFC00  }
0x3e1: {  	[tilespmem:s20], [sflag:$0x6] =	stream.linear.gather [hbm4b:s0+s4], $0x400, $0x38;
	[tilespmem:$0x1BB20] =	vst v63  }
0x3e2: {  	s0 =	sadd.s32 $0x80, s26  }
0x3e3: {  	[tilespmem:s12], [sflag:$0x6] =	stream.linear.gather [hbm4b:s0+s4], $0x400, $0x38;
	[tilespmem:$0x1BB20] =	vst v63  }
0x3e4: {  	s0 =	simm.s32 $0x14280  }
0x3e5: {  	[tilespmem:s8], [sflag:$0x1] =	stream.indirect.gather [spmem:s2], $0x40, s0, s21, $0xb8;
	[tilespmem:$0x1BB20] =	vst v63  }
0x3e6: {  	_ =	swait.ge [sflag:s6], $0x2000  }
0x3e7: {  	[sflag:s6] =	ssyncset.done $0x0  }
0x3e8: {  	s0 =	simm.s32 $0x14A80;
	[sflag:s6] =	ssyncadd.s32 $0xFFFFE000  }
0x3e9: {  	[spmem:s3] =	stream.indirect.scatter.add.f32 [tilespmem:s8], [sflag:$0x3], $0x40, s0, s21, $0xb8;
	[tilespmem:$0x1BB20] =	vst v63  }
0x3ea: {  	s0 =	simm.s32 $0x14300  }
0x3eb: {  	[tilespmem:s17], [sflag:$0x2] =	stream.indirect.gather [spmem:s2], $0x40, s0, s21, $0xb8;
	[tilespmem:$0x1BB20] =	vst v63  }
0x3ec: {  	_ =	swait.ge [sflag:s11], $0x2000  }
0x3ed: {  	[sflag:s11] =	ssyncset.done $0x0  }
0x3ee: {  	[sflag:s11] =	ssyncadd.s32 $0xFFFFE000  }
0x3ef: {  	[spmem:s3] =	stream.indirect.scatter.add.f32 [tilespmem:s17], [sflag:$0x4], $0x40, s10, s21, $0xb8;
	[tilespmem:$0x1BB20] =	vst v63  }
0x3f0: {  	_ =	swait.ge [sflag:s18], $0x2000  }
0x3f1: {  	[sflag:s18] =	ssyncset.done $0x0  }
0x3f2: {  	s0 =	simm.s32 $0x14380;
	[sflag:s18] =	ssyncadd.s32 $0xFFFFE000  }
0x3f3: {  	[tilespmem:s8], [sflag:$0x1] =	stream.indirect.gather [spmem:s2], $0x40, s0, s21, $0xb8;
	[tilespmem:$0x1BB20] =	vst v63  }
0x3f4: {  	_ =	swait.ge [sflag:s6], $0x2000  }
0x3f5: {  	[sflag:s6] =	ssyncset.done $0x0  }
0x3f6: {  	[sflag:s6] =	ssyncadd.s32 $0xFFFFE000  }
0x3f7: {  	[spmem:s3] =	stream.indirect.scatter.add.f32 [tilespmem:s8], [sflag:$0x3], $0x40, s7, s21, $0xb8;
	[tilespmem:$0x1BB20] =	vst v63  }
0x3f8: {  	_ =	swait.ge [sflag:s23], $0x2000  }
0x3f9: {  	[sflag:s23] =	ssyncset.done $0x0  }
0x3fa: {  	s0 =	simm.s32 $0x14400;
	[sflag:s23] =	ssyncadd.s32 $0xFFFFE000  }
0x3fb: {  	[tilespmem:s17], [sflag:$0x2] =	stream.indirect.gather [spmem:s2], $0x40, s0, s21, $0xb8;
	[tilespmem:$0x1BB20] =	vst v63  }
0x3fc: {  	_ =	swait.ge [sflag:s11], $0x2000  }
0x3fd: {  	[sflag:s11] =	ssyncset.done $0x0  }
0x3fe: {  	[sflag:s11] =	ssyncadd.s32 $0xFFFFE000  }
0x3ff: {  	[spmem:s3] =	stream.indirect.scatter.add.f32 [tilespmem:s17], [sflag:$0x4], $0x40, s29, s21, $0xb8;
	[tilespmem:$0x1BB20] =	vst v63  }
0x400: {  	_ =	swait.ge [sflag:s18], $0x2000  }
0x401: {  	[sflag:s18] =	ssyncset.done $0x0  }
0x402: {  	s0 =	simm.s32 $0x14480;
	[sflag:s18] =	ssyncadd.s32 $0xFFFFE000  }
0x403: {  	[tilespmem:s8], [sflag:$0x1] =	stream.indirect.gather [spmem:s2], $0x40, s0, s21, $0xb8;
	[tilespmem:$0x1BB20] =	vst v63  }
0x404: {  	_ =	swait.ge [sflag:s6], $0x2000  }
0x405: {  	[sflag:s6] =	ssyncset.done $0x0  }
0x406: {  	s0 =	simm.s32 $0x14C80;
	[sflag:s6] =	ssyncadd.s32 $0xFFFFE000  }
0x407: {  	[spmem:s3] =	stream.indirect.scatter.add.f32 [tilespmem:s8], [sflag:$0x3], $0x40, s0, s21, $0xb8;
	[tilespmem:$0x1BB20] =	vst v63  }
0x408: {  	_ =	swait.ge [sflag:s23], $0x2000  }
0x409: {  	[sflag:s23] =	ssyncset.done $0x0  }
0x40a: {  	s0 =	simm.s32 $0x14500;
	[sflag:s23] =	ssyncadd.s32 $0xFFFFE000  }
0x40b: {  	[tilespmem:s17], [sflag:$0x2] =	stream.indirect.gather [spmem:s2], $0x40, s0, s21, $0xb8;
	[tilespmem:$0x1BB20] =	vst v63  }
0x40c: {  	_ =	swait.ge [sflag:s11], $0x2000  }
0x40d: {  	[sflag:s11] =	ssyncset.done $0x0  }
0x40e: {  	s0 =	simm.s32 $0x14D00;
	[sflag:s11] =	ssyncadd.s32 $0xFFFFE000  }
0x40f: {  	[spmem:s3] =	stream.indirect.scatter.add.f32 [tilespmem:s17], [sflag:$0x4], $0x40, s0, s21, $0xb8;
	[tilespmem:$0x1BB20] =	vst v63  }
0x410: {  	_ =	swait.ge [sflag:s18], $0x2000  }
0x411: {  	[sflag:s18] =	ssyncset.done $0x0  }
0x412: {  	s0 =	simm.s32 $0x14580;
	[sflag:s18] =	ssyncadd.s32 $0xFFFFE000  }
0x413: {  	[tilespmem:s8], [sflag:$0x1] =	stream.indirect.gather [spmem:s2], $0x40, s0, s21, $0xb8;
	[tilespmem:$0x1BB20] =	vst v63  }
0x414: {  	_ =	swait.ge [sflag:s6], $0x2000  }
0x415: {  	[sflag:s6] =	ssyncset.done $0x0  }
0x416: {  	s0 =	simm.s32 $0x14D80;
	[sflag:s6] =	ssyncadd.s32 $0xFFFFE000  }
0x417: {  	[spmem:s3] =	stream.indirect.scatter.add.f32 [tilespmem:s8], [sflag:$0x3], $0x40, s0, s21, $0xb8;
	[tilespmem:$0x1BB20] =	vst v63  }
0x418: {  	_ =	swait.ge [sflag:s23], $0x2000  }
0x419: {  	[sflag:s23] =	ssyncset.done $0x0  }
0x41a: {  	s0 =	simm.s32 $0x14600;
	[sflag:s23] =	ssyncadd.s32 $0xFFFFE000  }
0x41b: {  	[tilespmem:s17], [sflag:$0x2] =	stream.indirect.gather [spmem:s2], $0x40, s0, s21, $0xb8;
	[tilespmem:$0x1BB20] =	vst v63  }
0x41c: {  	_ =	swait.ge [sflag:s11], $0x2000  }
0x41d: {  	[sflag:s11] =	ssyncset.done $0x0  }
0x41e: {  	s0 =	simm.s32 $0x14E00;
	[sflag:s11] =	ssyncadd.s32 $0xFFFFE000  }
0x41f: {  	[spmem:s3] =	stream.indirect.scatter.add.f32 [tilespmem:s17], [sflag:$0x4], $0x40, s0, s21, $0xb8;
	[tilespmem:$0x1BB20] =	vst v63  }
0x420: {  	_ =	swait.ge [sflag:s18], $0x2000  }
0x421: {  	[sflag:s18] =	ssyncset.done $0x0  }
0x422: {  	[sflag:s18] =	ssyncadd.s32 $0xFFFFE000  }
0x423: {  	_ =	swait.ge [sflag:s23], $0x2000  }
0x424: {  	[sflag:s23] =	ssyncset.done $0x0  }
0x425: {  	[sflag:s23] =	ssyncadd.s32 $0xFFFFE000  }
0x426: {  	_ =	swait.ge [sflag:s19], $0x400  }
0x427: {  	[sflag:s19] =	ssyncset.done $0x0  }
0x428: {  	[sflag:s19] =	ssyncadd.s32 $0xFFFFFC00  }
0x429: {  	p1 =	seq.s32 s25, $0x900;
	_ =	swait.ge [sflag:s19], $0x400  }
0x42a: {  	s26 =	simm.s32 @!p1 $0x0;
	s0 =	sadd.s32 @!p1 s25, s14;
	[sflag:s19] =	ssyncset.done $0x0  }
0x42b: {  	s28 =	simm.s32 @!p1 $0x14280;
	s0 =	sadd.s32 @!p1 $0x100, s0;
	[sflag:s19] =	ssyncadd.s32 $0xFFFFFC00  }
0x42c: {  	[tilespmem:s28], [sflag:$0x6] =	stream.linear.gather @!p1 [hbm4b:s0+s26], $0x400, $0x38;
	[tilespmem:$0x1BB20] =	vst v63  }
0x42d: {  	s0 =	sadd.s32 @!p1 s25, s15;
	s25 =	simm.s32 @!p1 $0x14A80  }
0x42e: {  	s0 =	sadd.s32 @!p1 $0x100, s0  }
0x42f: {  	[tilespmem:s25], [sflag:$0x6] =	stream.linear.gather @!p1 [hbm4b:s0+s26], $0x400, $0x38;
	[tilespmem:$0x1BB20] =	vst v63  }
0x430: {  	s0 =	simm.s32 $0x14F00;
	_ =	sdelay $0x1  }
0x431: {  	[tilespmem:s8], [sflag:$0x1] =	stream.indirect.gather [spmem:s2], $0x40, s20, s21, $0xb8;
	[tilespmem:$0x1BB20] =	vst v63  }
0x432: {  	_ =	swait.ge [sflag:s6], $0x2000  }
0x433: {  	[sflag:s6] =	ssyncset.done $0x0  }
0x434: {  	[sflag:s6] =	ssyncadd.s32 $0xFFFFE000  }
0x435: {  	[spmem:s3] =	stream.indirect.scatter.add.f32 [tilespmem:s8], [sflag:$0x3], $0x40, s12, s21, $0xb8;
	[tilespmem:$0x1BB20] =	vst v63  }
0x436: {  	s25 =	simm.s32 $0x14700  }
0x437: {  	[tilespmem:s17], [sflag:$0x2] =	stream.indirect.gather [spmem:s2], $0x40, s25, s21, $0xb8;
	[tilespmem:$0x1BB20] =	vst v63  }
0x438: {  	_ =	swait.ge [sflag:s11], $0x2000  }
0x439: {  	[sflag:s11] =	ssyncset.done $0x0  }
0x43a: {  	[sflag:s11] =	ssyncadd.s32 $0xFFFFE000  }
0x43b: {  	[spmem:s3] =	stream.indirect.scatter.add.f32 [tilespmem:s17], [sflag:$0x4], $0x40, s0, s21, $0xb8;
	[tilespmem:$0x1BB20] =	vst v63  }
0x43c: {  	s0 =	simm.s32 $0x14F80  }
0x43d: {  	_ =	swait.ge [sflag:s18], $0x2000  }
0x43e: {  	[sflag:s18] =	ssyncset.done $0x0  }
0x43f: {  	s25 =	simm.s32 $0x14780;
	[sflag:s18] =	ssyncadd.s32 $0xFFFFE000  }
0x440: {  	[tilespmem:s8], [sflag:$0x1] =	stream.indirect.gather [spmem:s2], $0x40, s25, s21, $0xb8;
	[tilespmem:$0x1BB20] =	vst v63  }
0x441: {  	_ =	swait.ge [sflag:s6], $0x2000  }
0x442: {  	[sflag:s6] =	ssyncset.done $0x0  }
0x443: {  	[sflag:s6] =	ssyncadd.s32 $0xFFFFE000  }
0x444: {  	[spmem:s3] =	stream.indirect.scatter.add.f32 [tilespmem:s8], [sflag:$0x3], $0x40, s0, s21, $0xb8;
	[tilespmem:$0x1BB20] =	vst v63  }
0x445: {  	s0 =	simm.s32 $0x15000  }
0x446: {  	_ =	swait.ge [sflag:s23], $0x2000  }
0x447: {  	[sflag:s23] =	ssyncset.done $0x0  }
0x448: {  	[sflag:s23] =	ssyncadd.s32 $0xFFFFE000  }
0x449: {  	[tilespmem:s17], [sflag:$0x2] =	stream.indirect.gather [spmem:s2], $0x40, s30, s21, $0xb8;
	[tilespmem:$0x1BB20] =	vst v63  }
0x44a: {  	_ =	swait.ge [sflag:s11], $0x2000  }
0x44b: {  	[sflag:s11] =	ssyncset.done $0x0  }
0x44c: {  	[sflag:s11] =	ssyncadd.s32 $0xFFFFE000  }
0x44d: {  	[spmem:s3] =	stream.indirect.scatter.add.f32 [tilespmem:s17], [sflag:$0x4], $0x40, s0, s21, $0xb8;
	[tilespmem:$0x1BB20] =	vst v63  }
0x44e: {  	s0 =	simm.s32 $0x15080  }
0x44f: {  	_ =	swait.ge [sflag:s18], $0x2000  }
0x450: {  	[sflag:s18] =	ssyncset.done $0x0  }
0x451: {  	[sflag:s18] =	ssyncadd.s32 $0xFFFFE000  }
0x452: {  	[tilespmem:s8], [sflag:$0x1] =	stream.indirect.gather [spmem:s2], $0x40, s5, s21, $0xb8;
	[tilespmem:$0x1BB20] =	vst v63  }
0x453: {  	_ =	swait.ge [sflag:s6], $0x2000  }
0x454: {  	[sflag:s6] =	ssyncset.done $0x0  }
0x455: {  	[sflag:s6] =	ssyncadd.s32 $0xFFFFE000  }
0x456: {  	[spmem:s3] =	stream.indirect.scatter.add.f32 [tilespmem:s8], [sflag:$0x3], $0x40, s0, s21, $0xb8;
	[tilespmem:$0x1BB20] =	vst v63  }
0x457: {  	s0 =	simm.s32 $0x15100  }
0x458: {  	_ =	swait.ge [sflag:s23], $0x2000  }
0x459: {  	[sflag:s23] =	ssyncset.done $0x0  }
0x45a: {  	[sflag:s23] =	ssyncadd.s32 $0xFFFFE000  }
0x45b: {  	[tilespmem:s17], [sflag:$0x2] =	stream.indirect.gather [spmem:s2], $0x40, s16, s21, $0xb8;
	[tilespmem:$0x1BB20] =	vst v63  }
0x45c: {  	_ =	swait.ge [sflag:s11], $0x2000  }
0x45d: {  	[sflag:s11] =	ssyncset.done $0x0  }
0x45e: {  	[sflag:s11] =	ssyncadd.s32 $0xFFFFE000  }
0x45f: {  	[spmem:s3] =	stream.indirect.scatter.add.f32 [tilespmem:s17], [sflag:$0x4], $0x40, s0, s21, $0xb8;
	[tilespmem:$0x1BB20] =	vst v63  }
0x460: {  	s0 =	simm.s32 $0x15180  }
0x461: {  	_ =	swait.ge [sflag:s18], $0x2000  }
0x462: {  	[sflag:s18] =	ssyncset.done $0x0  }
0x463: {  	[sflag:s18] =	ssyncadd.s32 $0xFFFFE000  }
0x464: {  	[tilespmem:s8], [sflag:$0x1] =	stream.indirect.gather [spmem:s2], $0x40, s13, s21, $0xb8;
	[tilespmem:$0x1BB20] =	vst v63  }
0x465: {  	_ =	swait.ge [sflag:s6], $0x2000  }
0x466: {  	[sflag:s6] =	ssyncset.done $0x0  }
0x467: {  	[sflag:s6] =	ssyncadd.s32 $0xFFFFE000  }
0x468: {  	[spmem:s3] =	stream.indirect.scatter.add.f32 [tilespmem:s8], [sflag:$0x3], $0x40, s0, s21, $0xb8;
	[tilespmem:$0x1BB20] =	vst v63  }
0x469: {  	s0 =	simm.s32 $0x15200  }
0x46a: {  	_ =	swait.ge [sflag:s23], $0x2000  }
0x46b: {  	[sflag:s23] =	ssyncset.done $0x0  }
0x46c: {  	[sflag:s23] =	ssyncadd.s32 $0xFFFFE000  }
0x46d: {  	[tilespmem:s17], [sflag:$0x2] =	stream.indirect.gather [spmem:s2], $0x40, s9, s21, $0xb8;
	[tilespmem:$0x1BB20] =	vst v63  }
0x46e: {  	_ =	swait.ge [sflag:s11], $0x2000  }
0x46f: {  	[sflag:s11] =	ssyncset.done $0x0  }
0x470: {  	[sflag:s11] =	ssyncadd.s32 $0xFFFFE000  }
0x471: {  	[spmem:s3] =	stream.indirect.scatter.add.f32 [tilespmem:s17], [sflag:$0x4], $0x40, s0, s21, $0xb8;
	[tilespmem:$0x1BB20] =	vst v63  }
.Ltmp7:
0x472: {  	_ = 	snop;
	(pc) =	sbr.rel @p0 .LBB2_16-.Ltmp7, $4  }
0x473: {  	_ =	swait.ge [sflag:s18], $0x2000  }
0x474: {  	[sflag:s18] =	ssyncset.done $0x0  }
0x475: {  	[sflag:s18] =	ssyncadd.s32 $0xFFFFE000  }
0x476: {  	_ =	swait.ge [sflag:s23], $0x2000  }
0x477: {  	[sflag:s23] =	ssyncset.done $0x0  }
0x478: {  	[sflag:s23] =	ssyncadd.s32 $0xFFFFE000  }
0x479: {  	s24 =	simm.s32 $0x0;
	s25 =	simm.s32 $0x1B500;
	[bflag:$0x0] =	sbarrier.arrive $0xFFFF  }
0x47a: {  	s5 =	simm.s32 $0x19280;
	s30 =	simm.s32 $0x7;
	s20 =	rddreg [dreg:$0xf]  }
.LBB2_18:
0x47b: {  	s0 =	sshll.u32 s24, $0x7;
	s26 =	rddreg [dreg:$0x8]  }
0x47c: {  	s0 =	sadd.s32 s26, s0  }
0x47d: {  	s26 =	sshll.u32 s0, $0x6  }
0x47e: {  	s0 =	sadd.s32 s26, s3  }
0x47f: {  	[tilespmem:s5], [sflag:$0x7] =	stream.linear.gather [spmem:s0], $0x2000, $0x38;
	[tilespmem:$0x1BB20] =	vst v63  }
0x480: {  	_ =	swait.ge [sflag:s30], $0x2000  }
0x481: {  	[sflag:s30] =	ssyncset.done $0x0  }
0x482: {  	s28 =	simm.s32 $0x192A0;
	[sflag:s30] =	ssyncadd.s32 $0xFFFFE000  }
0x483: {  	v2 =	vld [tilespmem:s28+$0xFFFFFFF0]  }
0x484: {  	s16 =	sadd.s32 $0x0, s25;
	v4 =	vld [tilespmem:s28+$0x10]  }
0x485: {  	v6 =	vld.msk [tilespmem:s16+$0x0 ss:$0x0], $0xffff  }
0x486: {  	v3 =	vld [tilespmem:s28+$0xFFFFFFE0]  }
0x487: {  	v7 =	vld [tilespmem:s28+$0x0];
	_ =	sdelay $0x3  }
0x488: {  	v3 =	vmul.f32 v6, v3;
	v5 =	vmul.f32 v4, v6  }
0x489: {  	s29 =	simm.s32 $0x4;
	s30 =	simm.s32 $0x192A0;
	v4 =	vmul.f32 v2, v6;
	v2 =	vmul.f32 v7, v6  }
.LBB2_19:
0x48a: {  	p0 =	sne.s32 s29, $0x1FC  }
0x48b: {  	[tilespmem:s28+$0x10] =	vst v5;
	s30 =	sadd.s32 $0x40, s30;
	s0 =	smov.u32 s29;
	s29 =	sadd.s32 $0x4, s29  }
0x48c: {  	[tilespmem:s28+$0xFFFFFFE0] =	vst v3  }
0x48d: {  	s0 =	sshra.s32 s0, $0x2;
	v6 =	vld [tilespmem:s30+$0xFFFFFFF0];
	[tilespmem:s28+$0xFFFFFFF0] =	vst v4  }
0x48e: {  	s0 =	sadd.s32 s0, s25;
	v4 =	vld [tilespmem:s30+$0x10];
	[tilespmem:s28+$0x0] =	vst v2;
	s28 =	smov.u32 s30  }
0x48f: {  	v2 =	vld.msk [tilespmem:s0+$0x0 ss:$0x0], $0xffff  }
0x490: {  	v3 =	vld [tilespmem:s30+$0xFFFFFFE0]  }
0x491: {  	v7 =	vld [tilespmem:s30+$0x0]  }
.Ltmp8:
0x492: {  	(pc) =	sbr.rel @p0 .LBB2_19-.Ltmp8, $3  }
0x493: {  	_ =	sdelay $0x1  }
0x494: {  	v5 =	vmul.f32 v4, v2;
	v3 =	vmul.f32 v2, v3  }
0x495: {  	v4 =	vmul.f32 v6, v2;
	v2 =	vmul.f32 v7, v2  }
0x496: {  	[tilespmem:s28+$0x10] =	vst v5;
	s0 =	rddreg [dreg:$0xb]  }
0x497: {  	[tilespmem:s28+$0xFFFFFFE0] =	vst v3;
	s24 =	sadd.s32 $0x1, s24;
	s0 =	sadd.s32 s0, s26  }
0x498: {  	s29 =	rddreg [dreg:$0x7];
	[tilespmem:s28+$0xFFFFFFF0] =	vst v4;
	p0 =	sne.s32 s24, $0x5;
	s0 =	sshrl.u32 s0, $0x3  }
.Ltmp9:
0x499: {  	s30 =	simm.s32 $0x7;
	[tilespmem:s28+$0x0] =	vst v2;
	s0 =	sadd.s32 s29, s0;
	(pc) =	sbr.rel @p0 .LBB2_18-.Ltmp9, $4  }
0x49a: {  	[hbm4b:s0+s4] =	stream.linear.scatter [tilespmem:s5], [sflag:$0x7], $0x2000, $0x38;
	[tilespmem:$0x1BB20] =	vst v63  }
0x49b: {  	_ =	swait.ge [sflag:s30], $0x2000  }
0x49c: {  	[sflag:s30] =	ssyncset.done $0x0  }
0x49d: {  	s25 =	sadd.s32 $0x80, s25;
	[sflag:s30] =	ssyncadd.s32 $0xFFFFE000  }
0x49e: {  	s20 =	sadd.s32 $0x1, s20;
	s0 =	rddreg [dreg:$0xd]  }
0x49f: {  	p0 =	sne.s32 s20, s0  }
.Ltmp10:
0x4a0: {  	_ = 	snop;
	(pc) =	sbr.rel @p0 .LBB2_1-.Ltmp10, $4  }
0x4a1: {  	s24 =	rddreg [dreg:$0x9];
	s25 =	simm.s32 $0x14300;
	s5 =	simm.s32 $0x14380  }
0x4a2: {  	s16 =	simm.s32 $0x14400;
	s13 =	simm.s32 $0x14480;
	s9 =	simm.s32 $0x14500  }
0x4a3: {  	s12 =	simm.s32 $0x14580;
	s10 =	simm.s32 $0x14600;
	s7 =	simm.s32 $0x14700  }
0x4a4: {  	s28 =	simm.s32 $0x14780;
	s4 =	simm.s32 $0x14800;
	s29 =	simm.s32 $0x14880  }
0x4a5: {  	_ =	sfence.sel $0x180000  }
0x4a6: {  	[bflag:$0x0] =	sbarrier.arrive $0xFFFF  }
0x4a7: {  	_ =	strace $0x90000047  }
0x4a8: {  	s0 =	stileid.u32;
	[bflag:$0x2] =	sbarrier.arrive $0xFFFF  }
0x4a9: {  	p0 =	sne.s32 s0, $0x0;
	s0 =	rddreg [dreg:$0x5]  }
0x4aa: {  	s0 =	sadd.s32 @!p0 $0x100000, s0  }
0x4ab: {  	[sflag:s0] =	ssyncadd.tile.s32 @!p0 $0x1;
	_ =	shalt  }
.Lfunc_end2:
_tile_overlayer_lowered:
.L_overlay_start_2:
0x4ac: {  	(tag) =	ssettag $0x2  }
0x4ad: {  	s0 =	rddreg [dreg:$0x0];
	s2 =	stileid.u32  }
0x4ae: {  	s1 =	rddreg [dreg:$0x1];
	p0 =	sne.s32 s2, $0x0  }
0x4af: {  	s3 =	rddreg [dreg:$0x2];
	[bflag:$0x3] =	sbarrier.arrive $0xFFFF;
	s2 =	simm.s32 @!p0 $0x1C07  }
0x4b0: {  	[timem:s3], [sflag:s2] =	dma.local @!p0 [hbm:s0], s1  }
0x4b1: {  	s0 =	simm.s32 @!p0 $0x7  }
0x4b2: {  	_ =	swait.ge @!p0 [sflag:s0], s1  }
0x4b3: {  	s1 =	ssub.s32 @!p0 $0x0, s1;
	[sflag:s0] =	ssyncset.done @!p0 $0x0  }
0x4b4: {  	[sflag:s0] =	ssyncadd.s32 @!p0 s1  }
0x4b5: {  	[bflag:$0x3] =	sbarrier.arrive $0xFFFF  }
0x4b6: {  	_ =	shalt  }

</sc_bundles>
